<compile_context>
chip_gen: v7x
topology: tpu7x:2x2x1
jax: 0.10.2.dev20260603
libtpu: 0.0.44.dev20260713+nightly
codegen_flags: <defaults>
</compile_context>

<pallas_src>
import functools

import numpy as np

import jax
import jax.numpy as jnp
from jax import lax
from jax.experimental import pallas as pl
from jax.experimental.pallas import tpu as pltpu
from jax.experimental.pallas import tpu_sc as plsc

NN = 10
S = NN + 1
NC, NS = 2, 16
NW = NC * NS
LANES = 16

PASS_ROWS = 5120
NPASS = 2


def _build_gather_sum(rows, d, ch, co, cip):
    dw = d // 2
    mesh = plsc.VectorSubcoreMesh(
        core_axis_name="c", subcore_axis_name="s", num_cores=NC,
        num_subcores=NS)
    rw = rows // NW
    nseg = 2
    cseg = ch // nseg
    sr = rw // nseg
    stg = PASS_ROWS // NS

    @functools.partial(
        pl.kernel,
        out_type=jax.ShapeDtypeStruct((rows, d), jnp.float32),
        mesh=mesh,
        scratch_types=[
            pltpu.VMEM((ch, cip), jnp.int32),
            pltpu.VMEM((2, cip), jnp.int32),
            pltpu.VMEM((2, cip, dw), jnp.int32),
            pltpu.VMEM((sr, d), jnp.float32),
            pltpu.VMEM_SHARED((PASS_ROWS, dw), jnp.int32),
            pltpu.SemaphoreType.DMA,
        ],
        compiler_params=pltpu.CompilerParams(needs_layout_passes=False),
    )
    def gather_sum(table, g3, out, idx_v, lidx_v, rows_v, acc_v, spm, sem):
        sid = lax.axis_index("s")
        w = sid * NC + lax.axis_index("c")
        pltpu.sync_copy(g3.at[w], idx_v)

        def remap_fire(c, h):
            bsl = c & 1
            for k in range(cip // LANES):
                seg = pl.ds(k * LANES, LANES)
                v = idx_v[c, seg] - h * PASS_ROWS
                ok = (v >= 0) & (v < PASS_ROWS)
                lidx_v[bsl, seg] = jnp.where(ok, v, 0)
            pltpu.async_copy(
                spm.at[lidx_v.at[bsl]], rows_v.at[bsl], sem)

        def segment(sg, carry0):
            def zero(i, carry):
                for g in range(d // LANES):
                    acc_v[i, pl.ds(g * LANES, LANES)] = jnp.zeros(
                        (LANES,), jnp.float32)
                return carry

            lax.fori_loop(0, sr, zero, 0, unroll=False)

            def passes(h, carry):
                pltpu.sync_copy(
                    table.at[pl.ds(h * PASS_ROWS + sid * stg, stg)],
                    spm.at[pl.ds(sid * stg, stg)])
                plsc.subcore_barrier()
                remap_fire(sg * cseg, h)

                def chunk(cl, carry2):
                    c = sg * cseg + cl
                    bsl = c & 1
                    pltpu.make_async_copy(
                        table.at[pl.ds(0, cip)], rows_v.at[bsl],
                        sem).wait()

                    @pl.when(cl + 1 < cseg)
                    def _():
                        remap_fire(c + 1, h)

                    def seg_loop(g, carry3):
                        src = pl.ds(g * LANES, LANES)
                        dst_a = pl.ds(g * 2 * LANES, LANES)
                        dst_b = pl.ds(g * 2 * LANES + LANES, LANES)
                        for o in range(co):
                            b0 = o * S
                            a, bb = plsc.unpack(
                                plsc.bitcast(
                                    rows_v[bsl, b0, src], jnp.bfloat16),
                                format=plsc.PackFormat.INTERLEAVED,
                                preferred_element_type=jnp.float32)
                            for r in range(1, S):
                                ar, br = plsc.unpack(
                                    plsc.bitcast(
                                        rows_v[bsl, b0 + r, src],
                                        jnp.bfloat16),
                                    format=plsc.PackFormat.INTERLEAVED,
                                    preferred_element_type=jnp.float32)
                                a = a + ar
                                bb = bb + br
                            oi = cl * co + o
                            acc_v[oi, dst_a] = acc_v[oi, dst_a] + a
                            acc_v[oi, dst_b] = acc_v[oi, dst_b] + bb
                        return carry3

                    lax.fori_loop(0, dw // LANES, seg_loop, 0,
                                  unroll=False)
                    return carry2

                lax.fori_loop(0, cseg, chunk, 0, unroll=False)
                plsc.subcore_barrier()
                return carry

            lax.fori_loop(0, NPASS, passes, 0, unroll=False)
            pltpu.sync_copy(
                acc_v, out.at[pl.ds(w * rw + sg * sr, sr)])
            return carry0

        lax.fori_loop(0, nseg, segment, 0, unroll=False)

    return gather_sum


def _unpack_perm(d):
    perm = []
    for base in range(0, d, 32):
        perm.extend(base + 2 * j for j in range(16))
        perm.extend(base + 2 * j + 1 for j in range(16))
    return np.asarray(perm, dtype=np.int32)


def _dense_body(s, blk, sums_ref, sc0_ref, sc1_ref, w1_ref, w2_ref, out_ref):
    w1 = w1_ref[...]
    acc = jnp.zeros((blk, out_ref.shape[1]), jnp.float32)
    for j in range(s):
        m = sums_ref[j] * sc0_ref[j]
        h = jnp.maximum(jnp.dot(m, w1, preferred_element_type=jnp.float32), 0.0)
        nrm = jnp.sqrt(jnp.sum(h * h, axis=1, keepdims=True))
        acc = acc + h / jnp.maximum(nrm, 1e-12)
    mean1 = acc * sc1_ref[...]
    h2 = jnp.maximum(
        jnp.dot(mean1, w2_ref[...], preferred_element_type=jnp.float32), 0.0)
    n2 = jnp.sqrt(jnp.sum(h2 * h2, axis=1, keepdims=True))
    out_ref[...] = h2 / jnp.maximum(n2, 1e-12)


def kernel(feats, adj0, adj1, samples, W1, W2):
    n, d = feats.shape
    e = adj0.shape[0]
    b = samples.shape[0]
    rows = b * S
    z = n

    starts = jnp.concatenate(
        [jnp.zeros((1,), adj1.dtype), jnp.cumsum(adj1)[:-1]])
    ar = jnp.arange(NN, dtype=adj1.dtype)
    size1 = adj1[samples]
    k1 = jnp.minimum(size1, NN)
    idx1 = jnp.clip(starts[samples][:, None] + ar[None, :], 0, e - 1)
    neigh1 = adj0[idx1]
    valid1 = ar[None, :] < k1[:, None]
    slots = jnp.where(valid1, neigh1, z)
    node_t = jnp.concatenate([slots.T, samples[None, :]], axis=0)
    flat = node_t.reshape(-1)
    is_z = flat == z
    fc = jnp.clip(flat, 0, n - 1)
    size2 = jnp.where(is_z, 0, adj1[fc])
    k2 = jnp.minimum(size2, NN)
    st2 = jnp.where(is_z, 0, starts[fc])
    idx2 = jnp.clip(st2[:, None] + ar[None, :], 0, e - 1)
    neigh2 = adj0[idx2]
    valid2 = ar[None, :] < k2[:, None]
    g_n = jnp.where(valid2, neigh2, z)
    gidx = jnp.concatenate(
        [g_n, jnp.where(is_z, z, flat)[:, None]], axis=1)
    scale0 = 1.0 / (k2.astype(jnp.float32) + 1.0)
    scale1 = 1.0 / (k1.astype(jnp.float32) + 1.0)

    qn = -(-n // NPASS)
    pieces = []
    for q in range(NPASS):
        seg = feats[q * qn:min((q + 1) * qn, n)].astype(jnp.bfloat16)
        pieces.append(jnp.zeros((8, d), jnp.bfloat16))
        pieces.append(seg)
        pieces.append(
            jnp.zeros((PASS_ROWS - 8 - seg.shape[0], d), jnp.bfloat16))
    table = jax.lax.bitcast_convert_type(
        jnp.concatenate(pieces, axis=0).reshape(-1, d // 2, 2), jnp.int32)
    gmap = jnp.where(
        gidx == z, 0,
        gidx + 8 + (gidx // qn) * (PASS_ROWS - qn))
    rw = rows // NW
    co = S
    cip = 128
    ch = rw // co
    g3 = jnp.pad(
        gmap.reshape(rows // co, co * S),
        ((0, 0), (0, cip - co * S))).reshape(NW, ch, cip)
    sums = _build_gather_sum(rows, d, ch, co, cip)(table, g3)

    w1p = jnp.take(W1, jnp.asarray(_unpack_perm(d)), axis=0)
    blk = 128
    grid = (b // blk,)
    body = functools.partial(_dense_body, S, blk)
    out = pl.pallas_call(
        body,
        grid=grid,
        in_specs=[
            pl.BlockSpec((S, blk, d), lambda i: (0, i, 0)),
            pl.BlockSpec((S, blk, 1), lambda i: (0, i, 0)),
            pl.BlockSpec((blk, 1), lambda i: (i, 0)),
            pl.BlockSpec((d, W1.shape[1]), lambda i: (0, 0)),
            pl.BlockSpec((W1.shape[1], W2.shape[1]), lambda i: (0, 0)),
        ],
        out_specs=pl.BlockSpec((blk, W2.shape[1]), lambda i: (i, 0)),
        out_shape=jax.ShapeDtypeStruct((b, W2.shape[1]), jnp.float32),
    )(sums.reshape(S, b, d), scale0.reshape(S, b, 1), scale1.reshape(b, 1),
      w1p, W2)
    return out

# --- scband reference (transcript-rebuilt; emitter-appended) ---
"""Pipeline reference for scband-graph-sagemodel-19155554140772 (READ-ONLY COPY).

The authoritative reference and input builder live on the scoring server;
editing this copy changes nothing except your own understanding.
"""

import jax, jax.numpy as jnp
import numpy as np

NNEIGHBOR = 10


def _l2norm(x):
    n = jnp.linalg.norm(x, axis=-1, keepdims=True)
    return x / jnp.maximum(n, 1e-12)


def _sage_mean(node_ids, feats, adj0, starts, degs, nn_):
    # mean over (up to nn_ neighbors from CSR slice) + self, matching
    # torch.mean(emb_features[neighbor], dim=0) with self appended.
    size = degs[node_ids]
    k = jnp.minimum(size, nn_)
    idx = starts[node_ids][:, None] + jnp.arange(nn_, dtype=starts.dtype)[None, :]
    idx = jnp.clip(idx, 0, adj0.shape[0] - 1)
    neigh = adj0[idx]  # [M, nn_]
    mask = (jnp.arange(nn_)[None, :] < k[:, None]).astype(feats.dtype)
    nf = jnp.take(feats, neigh, axis=0) * mask[..., None]
    s = nf.sum(axis=1) + jnp.take(feats, node_ids, axis=0)
    return s / (k[:, None].astype(feats.dtype) + 1.0)


def setup_inputs(seed: int = 0) -> dict:
    key = jax.random.key(seed)
    k1, k2, k3, k4, k5, k6 = jax.random.split(key, 6)
    N, E, D, H, O, B = 10000, 160000, 256, 256, 256, 1024
    feats = jax.random.normal(k1, (N, D), dtype=jnp.float32)
    adj0 = jax.random.randint(k2, (E,), 0, N, dtype=jnp.int32)
    adj1 = jax.random.randint(k3, (N,), 0, 16, dtype=jnp.int32)
    samples = jax.random.randint(k4, (B,), 0, N, dtype=jnp.int32)
    W1 = jax.random.normal(k5, (D, H), dtype=jnp.float32) * (1.0 / np.sqrt(D))
    W2 = jax.random.normal(k6, (H, O), dtype=jnp.float32) * (1.0 / np.sqrt(H))
    return {"feats": feats, "adj0": adj0, "adj1": adj1, "samples": samples,
            "W1": W1, "W2": W2}


def reference(feats, adj0, adj1, samples, W1, W2):
    nn_ = NNEIGHBOR
    starts = jnp.concatenate([jnp.zeros((1,), adj1.dtype), jnp.cumsum(adj1)[:-1]])
    B = samples.shape[0]
    # level-1 neighborhood of each seed node (first-k deterministic sampling),
    # plus the node itself (original appends `sample` to its neighbor list)
    size1 = adj1[samples]
    k1 = jnp.minimum(size1, nn_)
    idx1 = starts[samples][:, None] + jnp.arange(nn_, dtype=starts.dtype)[None, :]
    idx1 = jnp.clip(idx1, 0, adj0.shape[0] - 1)
    neigh1 = adj0[idx1]                                      # [B, nn]
    nodes1 = jnp.concatenate([neigh1, samples[:, None]], axis=1)  # [B, nn+1]
    mask1 = jnp.concatenate([(jnp.arange(nn_)[None, :] < k1[:, None]),
                             jnp.ones((B, 1), bool)], axis=1)     # [B, nn+1]
    # layer 1: mean over level-2 neighborhoods of every level-1 node, then linear+relu+l2norm
    flat = nodes1.reshape(-1)
    means0 = _sage_mean(flat, feats, adj0, starts, adj1, nn_)
    h1 = _l2norm(jax.nn.relu(means0 @ W1)).reshape(B, nn_ + 1, -1)
    # layer 2: mean over valid level-1 slots (incl. self), then linear+relu+l2norm
    m = mask1.astype(h1.dtype)[..., None]
    mean1 = (h1 * m).sum(axis=1) / (k1[:, None].astype(h1.dtype) + 1.0)
    h2 = _l2norm(jax.nn.relu(mean1 @ W2))
    return h2

if __name__ == "__main__":
    import jax
    _d = setup_inputs()
    print(jax.jit(kernel)(*tuple(_d.values())))

</pallas_src>

<mosaic_0001>
#map = affine_map<(d0, d1) -> (0, 0)>
#map1 = affine_map<(d0, d1) -> (0, 0, 0)>
module attributes {stable_mosaic.version = 14 : i64} {
  func.func @gather_sum(%arg0: i32, %arg1: i32, %arg2: memref<10240x128xi32, #tpu.memory_space<hbm>>, %arg3: memref<32x32x128xi32, #tpu.memory_space<hbm>>, %arg4: memref<11264x256xf32, #tpu.memory_space<hbm>>, %arg5: memref<32x128xi32, #tpu.memory_space<vmem>>, %arg6: memref<2x128xi32, #tpu.memory_space<vmem>>, %arg7: memref<2x128x128xi32, #tpu.memory_space<vmem>>, %arg8: memref<176x256xf32, #tpu.memory_space<vmem>>, %arg9: memref<5120x128xi32, #tpu.memory_space<vmem_shared>>, %arg10: memref<!tpu.dma_semaphore, #tpu.memory_space<semaphore_mem>>) attributes {dimension_semantics = [#tpu.dimension_semantics<core_parallel>, #tpu.dimension_semantics<subcore_parallel>], iteration_bounds = array<i64: 2, 16>, scalar_prefetch = 0 : i64, scratch_operands = 6 : i64, tpu.core_type = #tpu.core_type<sc_vector_subcore>, window_params = [{transform_indices = #map}, {transform_indices = #map1}, {transform_indices = #map}]} {
    %mul3A = arith.constant 2 : i32
    %mul3A_0 = arith.muli %arg1, %mul3A : i32
    %add3A = arith.addi %mul3A_0, %arg0 : i32
    "tpu.region"() ({
      %run_scoped3A = tpu.sem_alloc : memref<!tpu.dma_semaphore, #tpu.memory_space<semaphore_mem>>
      %dma_start3A = arith.constant 0 : i32
      %dma_start3A_6 = arith.constant 0 : i32
      %dma_start3A_7 = tpu.memref_slice %arg3[%add3A, %dma_start3A, %dma_start3A_6] : memref<32x32x128xi32, #tpu.memory_space<hbm>> -> memref<1x32x128xi32, #tpu.memory_space<hbm>>
      %dma_start3A_8 = tpu.memref_squeeze %dma_start3A_7 : memref<1x32x128xi32, #tpu.memory_space<hbm>> -> memref<32x128xi32, #tpu.memory_space<hbm>>
      %dma_start3A_9 = arith.constant 0 : i32
      %dma_start3A_10 = arith.constant 0 : i32
      %dma_start3A_11 = tpu.memref_slice %arg3[%add3A, %dma_start3A_9, %dma_start3A_10] : memref<32x32x128xi32, #tpu.memory_space<hbm>> -> memref<1x32x128xi32, #tpu.memory_space<hbm>>
      %dma_start3A_12 = tpu.memref_squeeze %dma_start3A_11 : memref<1x32x128xi32, #tpu.memory_space<hbm>> -> memref<32x128xi32, #tpu.memory_space<hbm>>
      tpu.enqueue_dma source(%dma_start3A_12 : memref<32x128xi32, #tpu.memory_space<hbm>>) target(%arg5 : memref<32x128xi32, #tpu.memory_space<vmem>>) target_semaphore(%run_scoped3A : memref<!tpu.dma_semaphore, #tpu.memory_space<semaphore_mem>>)
      %dma_wait3A = arith.constant 0 : i32
      %dma_wait3A_13 = arith.constant 0 : i32
      %dma_wait3A_14 = tpu.memref_slice %arg3[%add3A, %dma_wait3A, %dma_wait3A_13] : memref<32x32x128xi32, #tpu.memory_space<hbm>> -> memref<1x32x128xi32, #tpu.memory_space<hbm>>
      %dma_wait3A_15 = tpu.memref_squeeze %dma_wait3A_14 : memref<1x32x128xi32, #tpu.memory_space<hbm>> -> memref<32x128xi32, #tpu.memory_space<hbm>>
      %dma_wait3A_16 = arith.constant 0 : i32
      %dma_wait3A_17 = arith.constant 0 : i32
      %dma_wait3A_18 = tpu.memref_slice %arg3[%add3A, %dma_wait3A_16, %dma_wait3A_17] : memref<32x32x128xi32, #tpu.memory_space<hbm>> -> memref<1x32x128xi32, #tpu.memory_space<hbm>>
      %dma_wait3A_19 = tpu.memref_squeeze %dma_wait3A_18 : memref<1x32x128xi32, #tpu.memory_space<hbm>> -> memref<32x128xi32, #tpu.memory_space<hbm>>
      tpu.wait_dma2 semaphore(%run_scoped3A : memref<!tpu.dma_semaphore, #tpu.memory_space<semaphore_mem>>) src(%dma_wait3A_19 : memref<32x128xi32, #tpu.memory_space<hbm>>) dst(%arg5 : memref<32x128xi32, #tpu.memory_space<vmem>>)
      tpu.yield
    }) : () -> ()
    %scan3A = arith.constant 0 : i32
    %scan3A_1 = arith.constant 0 : i32
    %scan3A_2 = arith.constant 2 : i32
    %scan3A_3 = arith.addi %scan3A_1, %scan3A_2 : i32
    %scan3A_4 = arith.constant 1 : i32
    scf.for %scan3A_6 = %scan3A_1 to %scan3A_3 step %scan3A_4  : i32 {
      %scan3A_7 = arith.constant 0 : i32
      %scan3A_8 = arith.constant 0 : i32
      %scan3A_9 = arith.constant 176 : i32
      %scan3A_10 = arith.addi %scan3A_8, %scan3A_9 : i32
      %scan3A_11 = arith.constant 1 : i32
      scf.for %scan3A_24 = %scan3A_8 to %scan3A_10 step %scan3A_11  : i32 {
        %broadcast_in_dim3A = arith.constant 0.000000e+00 : f32
        %broadcast_in_dim3A_25 = vector.broadcast %broadcast_in_dim3A : f32 to vector<16xf32>
        %swap3A = arith.index_cast %scan3A_24 : i32 to index
        %swap3A_26 = arith.constant 0 : index
        %swap3A_27 = tpu.vector_load %arg8[%swap3A, %swap3A_26] {strides = array<i32>} : memref<176x256xf32, #tpu.memory_space<vmem>>, vector<16xf32>,
        tpu.vector_store %arg8[%swap3A, %swap3A_26], %broadcast_in_dim3A_25 {strides = array<i32>} : memref<176x256xf32, #tpu.memory_space<vmem>>, vector<16xf32>,
        %broadcast_in_dim3A_28 = arith.constant 0.000000e+00 : f32
        %broadcast_in_dim3A_29 = vector.broadcast %broadcast_in_dim3A_28 : f32 to vector<16xf32>
        %swap3A_30 = arith.index_cast %scan3A_24 : i32 to index
        %swap3A_31 = arith.constant 16 : index
        %swap3A_32 = tpu.vector_load %arg8[%swap3A_30, %swap3A_31] {strides = array<i32>} : memref<176x256xf32, #tpu.memory_space<vmem>>, vector<16xf32>,
        tpu.vector_store %arg8[%swap3A_30, %swap3A_31], %broadcast_in_dim3A_29 {strides = array<i32>} : memref<176x256xf32, #tpu.memory_space<vmem>>, vector<16xf32>,
        %broadcast_in_dim3A_33 = arith.constant 0.000000e+00 : f32
        %broadcast_in_dim3A_34 = vector.broadcast %broadcast_in_dim3A_33 : f32 to vector<16xf32>
        %swap3A_35 = arith.index_cast %scan3A_24 : i32 to index
        %swap3A_36 = arith.constant 32 : index
        %swap3A_37 = tpu.vector_load %arg8[%swap3A_35, %swap3A_36] {strides = array<i32>} : memref<176x256xf32, #tpu.memory_space<vmem>>, vector<16xf32>,
        tpu.vector_store %arg8[%swap3A_35, %swap3A_36], %broadcast_in_dim3A_34 {strides = array<i32>} : memref<176x256xf32, #tpu.memory_space<vmem>>, vector<16xf32>,
        %broadcast_in_dim3A_38 = arith.constant 0.000000e+00 : f32
        %broadcast_in_dim3A_39 = vector.broadcast %broadcast_in_dim3A_38 : f32 to vector<16xf32>
        %swap3A_40 = arith.index_cast %scan3A_24 : i32 to index
        %swap3A_41 = arith.constant 48 : index
        %swap3A_42 = tpu.vector_load %arg8[%swap3A_40, %swap3A_41] {strides = array<i32>} : memref<176x256xf32, #tpu.memory_space<vmem>>, vector<16xf32>,
        tpu.vector_store %arg8[%swap3A_40, %swap3A_41], %broadcast_in_dim3A_39 {strides = array<i32>} : memref<176x256xf32, #tpu.memory_space<vmem>>, vector<16xf32>,
        %broadcast_in_dim3A_43 = arith.constant 0.000000e+00 : f32
        %broadcast_in_dim3A_44 = vector.broadcast %broadcast_in_dim3A_43 : f32 to vector<16xf32>
        %swap3A_45 = arith.index_cast %scan3A_24 : i32 to index
        %swap3A_46 = arith.constant 64 : index
        %swap3A_47 = tpu.vector_load %arg8[%swap3A_45, %swap3A_46] {strides = array<i32>} : memref<176x256xf32, #tpu.memory_space<vmem>>, vector<16xf32>,
        tpu.vector_store %arg8[%swap3A_45, %swap3A_46], %broadcast_in_dim3A_44 {strides = array<i32>} : memref<176x256xf32, #tpu.memory_space<vmem>>, vector<16xf32>,
        %broadcast_in_dim3A_48 = arith.constant 0.000000e+00 : f32
        %broadcast_in_dim3A_49 = vector.broadcast %broadcast_in_dim3A_48 : f32 to vector<16xf32>
        %swap3A_50 = arith.index_cast %scan3A_24 : i32 to index
        %swap3A_51 = arith.constant 80 : index
        %swap3A_52 = tpu.vector_load %arg8[%swap3A_50, %swap3A_51] {strides = array<i32>} : memref<176x256xf32, #tpu.memory_space<vmem>>, vector<16xf32>,
        tpu.vector_store %arg8[%swap3A_50, %swap3A_51], %broadcast_in_dim3A_49 {strides = array<i32>} : memref<176x256xf32, #tpu.memory_space<vmem>>, vector<16xf32>,
        %broadcast_in_dim3A_53 = arith.constant 0.000000e+00 : f32
        %broadcast_in_dim3A_54 = vector.broadcast %broadcast_in_dim3A_53 : f32 to vector<16xf32>
        %swap3A_55 = arith.index_cast %scan3A_24 : i32 to index
        %swap3A_56 = arith.constant 96 : index
        %swap3A_57 = tpu.vector_load %arg8[%swap3A_55, %swap3A_56] {strides = array<i32>} : memref<176x256xf32, #tpu.memory_space<vmem>>, vector<16xf32>,
        tpu.vector_store %arg8[%swap3A_55, %swap3A_56], %broadcast_in_dim3A_54 {strides = array<i32>} : memref<176x256xf32, #tpu.memory_space<vmem>>, vector<16xf32>,
        %broadcast_in_dim3A_58 = arith.constant 0.000000e+00 : f32
        %broadcast_in_dim3A_59 = vector.broadcast %broadcast_in_dim3A_58 : f32 to vector<16xf32>
        %swap3A_60 = arith.index_cast %scan3A_24 : i32 to index
        %swap3A_61 = arith.constant 112 : index
        %swap3A_62 = tpu.vector_load %arg8[%swap3A_60, %swap3A_61] {strides = array<i32>} : memref<176x256xf32, #tpu.memory_space<vmem>>, vector<16xf32>,
        tpu.vector_store %arg8[%swap3A_60, %swap3A_61], %broadcast_in_dim3A_59 {strides = array<i32>} : memref<176x256xf32, #tpu.memory_space<vmem>>, vector<16xf32>,
        %broadcast_in_dim3A_63 = arith.constant 0.000000e+00 : f32
        %broadcast_in_dim3A_64 = vector.broadcast %broadcast_in_dim3A_63 : f32 to vector<16xf32>
        %swap3A_65 = arith.index_cast %scan3A_24 : i32 to index
        %swap3A_66 = arith.constant 128 : index
        %swap3A_67 = tpu.vector_load %arg8[%swap3A_65, %swap3A_66] {strides = array<i32>} : memref<176x256xf32, #tpu.memory_space<vmem>>, vector<16xf32>,
        tpu.vector_store %arg8[%swap3A_65, %swap3A_66], %broadcast_in_dim3A_64 {strides = array<i32>} : memref<176x256xf32, #tpu.memory_space<vmem>>, vector<16xf32>,
        %broadcast_in_dim3A_68 = arith.constant 0.000000e+00 : f32
        %broadcast_in_dim3A_69 = vector.broadcast %broadcast_in_dim3A_68 : f32 to vector<16xf32>
        %swap3A_70 = arith.index_cast %scan3A_24 : i32 to index
        %swap3A_71 = arith.constant 144 : index
        %swap3A_72 = tpu.vector_load %arg8[%swap3A_70, %swap3A_71] {strides = array<i32>} : memref<176x256xf32, #tpu.memory_space<vmem>>, vector<16xf32>,
        tpu.vector_store %arg8[%swap3A_70, %swap3A_71], %broadcast_in_dim3A_69 {strides = array<i32>} : memref<176x256xf32, #tpu.memory_space<vmem>>, vector<16xf32>,
        %broadcast_in_dim3A_73 = arith.constant 0.000000e+00 : f32
        %broadcast_in_dim3A_74 = vector.broadcast %broadcast_in_dim3A_73 : f32 to vector<16xf32>
        %swap3A_75 = arith.index_cast %scan3A_24 : i32 to index
        %swap3A_76 = arith.constant 160 : index
        %swap3A_77 = tpu.vector_load %arg8[%swap3A_75, %swap3A_76] {strides = array<i32>} : memref<176x256xf32, #tpu.memory_space<vmem>>, vector<16xf32>,
        tpu.vector_store %arg8[%swap3A_75, %swap3A_76], %broadcast_in_dim3A_74 {strides = array<i32>} : memref<176x256xf32, #tpu.memory_space<vmem>>, vector<16xf32>,
        %broadcast_in_dim3A_78 = arith.constant 0.000000e+00 : f32
        %broadcast_in_dim3A_79 = vector.broadcast %broadcast_in_dim3A_78 : f32 to vector<16xf32>
        %swap3A_80 = arith.index_cast %scan3A_24 : i32 to index
        %swap3A_81 = arith.constant 176 : index
        %swap3A_82 = tpu.vector_load %arg8[%swap3A_80, %swap3A_81] {strides = array<i32>} : memref<176x256xf32, #tpu.memory_space<vmem>>, vector<16xf32>,
        tpu.vector_store %arg8[%swap3A_80, %swap3A_81], %broadcast_in_dim3A_79 {strides = array<i32>} : memref<176x256xf32, #tpu.memory_space<vmem>>, vector<16xf32>,
        %broadcast_in_dim3A_83 = arith.constant 0.000000e+00 : f32
        %broadcast_in_dim3A_84 = vector.broadcast %broadcast_in_dim3A_83 : f32 to vector<16xf32>
        %swap3A_85 = arith.index_cast %scan3A_24 : i32 to index
        %swap3A_86 = arith.constant 192 : index
        %swap3A_87 = tpu.vector_load %arg8[%swap3A_85, %swap3A_86] {strides = array<i32>} : memref<176x256xf32, #tpu.memory_space<vmem>>, vector<16xf32>,
        tpu.vector_store %arg8[%swap3A_85, %swap3A_86], %broadcast_in_dim3A_84 {strides = array<i32>} : memref<176x256xf32, #tpu.memory_space<vmem>>, vector<16xf32>,
        %broadcast_in_dim3A_88 = arith.constant 0.000000e+00 : f32
        %broadcast_in_dim3A_89 = vector.broadcast %broadcast_in_dim3A_88 : f32 to vector<16xf32>
        %swap3A_90 = arith.index_cast %scan3A_24 : i32 to index
        %swap3A_91 = arith.constant 208 : index
        %swap3A_92 = tpu.vector_load %arg8[%swap3A_90, %swap3A_91] {strides = array<i32>} : memref<176x256xf32, #tpu.memory_space<vmem>>, vector<16xf32>,
        tpu.vector_store %arg8[%swap3A_90, %swap3A_91], %broadcast_in_dim3A_89 {strides = array<i32>} : memref<176x256xf32, #tpu.memory_space<vmem>>, vector<16xf32>,
        %broadcast_in_dim3A_93 = arith.constant 0.000000e+00 : f32
        %broadcast_in_dim3A_94 = vector.broadcast %broadcast_in_dim3A_93 : f32 to vector<16xf32>
        %swap3A_95 = arith.index_cast %scan3A_24 : i32 to index
        %swap3A_96 = arith.constant 224 : index
        %swap3A_97 = tpu.vector_load %arg8[%swap3A_95, %swap3A_96] {strides = array<i32>} : memref<176x256xf32, #tpu.memory_space<vmem>>, vector<16xf32>,
        tpu.vector_store %arg8[%swap3A_95, %swap3A_96], %broadcast_in_dim3A_94 {strides = array<i32>} : memref<176x256xf32, #tpu.memory_space<vmem>>, vector<16xf32>,
        %broadcast_in_dim3A_98 = arith.constant 0.000000e+00 : f32
        %broadcast_in_dim3A_99 = vector.broadcast %broadcast_in_dim3A_98 : f32 to vector<16xf32>
        %swap3A_100 = arith.index_cast %scan3A_24 : i32 to index
        %swap3A_101 = arith.constant 240 : index
        %swap3A_102 = tpu.vector_load %arg8[%swap3A_100, %swap3A_101] {strides = array<i32>} : memref<176x256xf32, #tpu.memory_space<vmem>>, vector<16xf32>,
        tpu.vector_store %arg8[%swap3A_100, %swap3A_101], %broadcast_in_dim3A_99 {strides = array<i32>} : memref<176x256xf32, #tpu.memory_space<vmem>>, vector<16xf32>,
      }
      %scan3A_12 = arith.constant 176 : i32
      %scan3A_13 = arith.constant 0 : i32
      %scan3A_14 = arith.constant 0 : i32
      %scan3A_15 = arith.constant 2 : i32
      %scan3A_16 = arith.addi %scan3A_14, %scan3A_15 : i32
      %scan3A_17 = arith.constant 1 : i32
      scf.for %scan3A_24 = %scan3A_14 to %scan3A_16 step %scan3A_17  : i32 {
        %mul3A_25 = arith.constant 5120 : i32
        %mul3A_26 = arith.muli %scan3A_24, %mul3A_25 : i32
        %mul3A_27 = arith.constant 320 : i32
        %mul3A_28 = arith.muli %arg1, %mul3A_27 : i32
        %add3A_29 = arith.addi %mul3A_26, %mul3A_28 : i32
        %mul3A_30 = arith.constant 320 : i32
        %mul3A_31 = arith.muli %arg1, %mul3A_30 : i32
        "tpu.region"() ({
          %run_scoped3A = tpu.sem_alloc : memref<!tpu.dma_semaphore, #tpu.memory_space<semaphore_mem>>
          %dma_start3A_203 = arith.constant 0 : i32
          %dma_start3A_204 = tpu.memref_slice %arg9[%mul3A_31, %dma_start3A_203] : memref<5120x128xi32, #tpu.memory_space<vmem_shared>> -> memref<320x128xi32, #tpu.memory_space<vmem_shared>>
          %dma_start3A_205 = arith.constant 0 : i32
          %dma_start3A_206 = tpu.memref_slice %arg2[%add3A_29, %dma_start3A_205] : memref<10240x128xi32, #tpu.memory_space<hbm>> -> memref<320x128xi32, #tpu.memory_space<hbm>>
          tpu.enqueue_dma source(%dma_start3A_206 : memref<320x128xi32, #tpu.memory_space<hbm>>) target(%dma_start3A_204 : memref<320x128xi32, #tpu.memory_space<vmem_shared>>) target_semaphore(%run_scoped3A : memref<!tpu.dma_semaphore, #tpu.memory_space<semaphore_mem>>)
          %dma_wait3A = arith.constant 0 : i32
          %dma_wait3A_207 = tpu.memref_slice %arg9[%mul3A_31, %dma_wait3A] : memref<5120x128xi32, #tpu.memory_space<vmem_shared>> -> memref<320x128xi32, #tpu.memory_space<vmem_shared>>
          %dma_wait3A_208 = arith.constant 0 : i32
          %dma_wait3A_209 = tpu.memref_slice %arg2[%add3A_29, %dma_wait3A_208] : memref<10240x128xi32, #tpu.memory_space<hbm>> -> memref<320x128xi32, #tpu.memory_space<hbm>>
          tpu.wait_dma2 semaphore(%run_scoped3A : memref<!tpu.dma_semaphore, #tpu.memory_space<semaphore_mem>>) src(%dma_wait3A_209 : memref<320x128xi32, #tpu.memory_space<hbm>>) dst(%dma_wait3A_207 : memref<320x128xi32, #tpu.memory_space<vmem_shared>>)
          tpu.yield
        }) : () -> ()
        %barrier3A = arith.constant 0 : index
        tpu.barrier barrier_id(%barrier3A)
        %mul3A_32 = arith.constant 16 : i32
        %mul3A_33 = arith.muli %scan3A_6, %mul3A_32 : i32
        %and3A = arith.constant 1 : i32
        %and3A_34 = arith.andi %mul3A_33, %and3A : i32
        %get3A = arith.index_cast %mul3A_33 : i32 to index
        %get3A_35 = arith.constant 0 : index
        %get3A_36 = tpu.vector_load %arg5[%get3A, %get3A_35] {strides = array<i32>} : memref<32x128xi32, #tpu.memory_space<vmem>>, vector<16xi32>,
        %mul3A_37 = arith.constant 5120 : i32
        %mul3A_38 = arith.muli %scan3A_24, %mul3A_37 : i32
        %sub3A = vector.broadcast %mul3A_38 : i32 to vector<16xi32>
        %sub3A_39 = arith.subi %get3A_36, %sub3A : vector<16xi32>
        %ge3A = arith.constant 0 : i32
        %ge3A_40 = vector.broadcast %ge3A : i32 to vector<16xi32>
        %ge3A_41 = arith.cmpi sge, %sub3A_39, %ge3A_40 : vector<16xi32>
        %lt3A = arith.constant 5120 : i32
        %lt3A_42 = vector.broadcast %lt3A : i32 to vector<16xi32>
        %lt3A_43 = arith.cmpi slt, %sub3A_39, %lt3A_42 : vector<16xi32>
        %and3A_44 = arith.andi %ge3A_41, %lt3A_43 : vector<16xi1>
        %jit3A = arith.constant 0 : i32
        %broadcast_in_dim3A = vector.broadcast %jit3A : i32 to vector<16xi32>
        %select_n3A = arith.select %and3A_44, %sub3A_39, %broadcast_in_dim3A : vector<16xi1>, vector<16xi32>
        %swap3A = arith.index_cast %and3A_34 : i32 to index
        %swap3A_45 = arith.constant 0 : index
        %swap3A_46 = tpu.vector_load %arg6[%swap3A, %swap3A_45] {strides = array<i32>} : memref<2x128xi32, #tpu.memory_space<vmem>>, vector<16xi32>,
        tpu.vector_store %arg6[%swap3A, %swap3A_45], %select_n3A {strides = array<i32>} : memref<2x128xi32, #tpu.memory_space<vmem>>, vector<16xi32>,
        %get3A_47 = arith.index_cast %mul3A_33 : i32 to index
        %get3A_48 = arith.constant 16 : index
        %get3A_49 = tpu.vector_load %arg5[%get3A_47, %get3A_48] {strides = array<i32>} : memref<32x128xi32, #tpu.memory_space<vmem>>, vector<16xi32>,
        %mul3A_50 = arith.constant 5120 : i32
        %mul3A_51 = arith.muli %scan3A_24, %mul3A_50 : i32
        %sub3A_52 = vector.broadcast %mul3A_51 : i32 to vector<16xi32>
        %sub3A_53 = arith.subi %get3A_49, %sub3A_52 : vector<16xi32>
        %ge3A_54 = arith.constant 0 : i32
        %ge3A_55 = vector.broadcast %ge3A_54 : i32 to vector<16xi32>
        %ge3A_56 = arith.cmpi sge, %sub3A_53, %ge3A_55 : vector<16xi32>
        %lt3A_57 = arith.constant 5120 : i32
        %lt3A_58 = vector.broadcast %lt3A_57 : i32 to vector<16xi32>
        %lt3A_59 = arith.cmpi slt, %sub3A_53, %lt3A_58 : vector<16xi32>
        %and3A_60 = arith.andi %ge3A_56, %lt3A_59 : vector<16xi1>
        %jit3A_61 = arith.constant 0 : i32
        %broadcast_in_dim3A_62 = vector.broadcast %jit3A_61 : i32 to vector<16xi32>
        %select_n3A_63 = arith.select %and3A_60, %sub3A_53, %broadcast_in_dim3A_62 : vector<16xi1>, vector<16xi32>
        %swap3A_64 = arith.index_cast %and3A_34 : i32 to index
        %swap3A_65 = arith.constant 16 : index
        %swap3A_66 = tpu.vector_load %arg6[%swap3A_64, %swap3A_65] {strides = array<i32>} : memref<2x128xi32, #tpu.memory_space<vmem>>, vector<16xi32>,
        tpu.vector_store %arg6[%swap3A_64, %swap3A_65], %select_n3A_63 {strides = array<i32>} : memref<2x128xi32, #tpu.memory_space<vmem>>, vector<16xi32>,
        %get3A_67 = arith.index_cast %mul3A_33 : i32 to index
        %get3A_68 = arith.constant 32 : index
        %get3A_69 = tpu.vector_load %arg5[%get3A_67, %get3A_68] {strides = array<i32>} : memref<32x128xi32, #tpu.memory_space<vmem>>, vector<16xi32>,
        %mul3A_70 = arith.constant 5120 : i32
        %mul3A_71 = arith.muli %scan3A_24, %mul3A_70 : i32
        %sub3A_72 = vector.broadcast %mul3A_71 : i32 to vector<16xi32>
        %sub3A_73 = arith.subi %get3A_69, %sub3A_72 : vector<16xi32>
        %ge3A_74 = arith.constant 0 : i32
        %ge3A_75 = vector.broadcast %ge3A_74 : i32 to vector<16xi32>
        %ge3A_76 = arith.cmpi sge, %sub3A_73, %ge3A_75 : vector<16xi32>
        %lt3A_77 = arith.constant 5120 : i32
        %lt3A_78 = vector.broadcast %lt3A_77 : i32 to vector<16xi32>
        %lt3A_79 = arith.cmpi slt, %sub3A_73, %lt3A_78 : vector<16xi32>
        %and3A_80 = arith.andi %ge3A_76, %lt3A_79 : vector<16xi1>
        %jit3A_81 = arith.constant 0 : i32
        %broadcast_in_dim3A_82 = vector.broadcast %jit3A_81 : i32 to vector<16xi32>
        %select_n3A_83 = arith.select %and3A_80, %sub3A_73, %broadcast_in_dim3A_82 : vector<16xi1>, vector<16xi32>
        %swap3A_84 = arith.index_cast %and3A_34 : i32 to index
        %swap3A_85 = arith.constant 32 : index
        %swap3A_86 = tpu.vector_load %arg6[%swap3A_84, %swap3A_85] {strides = array<i32>} : memref<2x128xi32, #tpu.memory_space<vmem>>, vector<16xi32>,
        tpu.vector_store %arg6[%swap3A_84, %swap3A_85], %select_n3A_83 {strides = array<i32>} : memref<2x128xi32, #tpu.memory_space<vmem>>, vector<16xi32>,
        %get3A_87 = arith.index_cast %mul3A_33 : i32 to index
        %get3A_88 = arith.constant 48 : index
        %get3A_89 = tpu.vector_load %arg5[%get3A_87, %get3A_88] {strides = array<i32>} : memref<32x128xi32, #tpu.memory_space<vmem>>, vector<16xi32>,
        %mul3A_90 = arith.constant 5120 : i32
        %mul3A_91 = arith.muli %scan3A_24, %mul3A_90 : i32
        %sub3A_92 = vector.broadcast %mul3A_91 : i32 to vector<16xi32>
        %sub3A_93 = arith.subi %get3A_89, %sub3A_92 : vector<16xi32>
        %ge3A_94 = arith.constant 0 : i32
        %ge3A_95 = vector.broadcast %ge3A_94 : i32 to vector<16xi32>
        %ge3A_96 = arith.cmpi sge, %sub3A_93, %ge3A_95 : vector<16xi32>
        %lt3A_97 = arith.constant 5120 : i32
        %lt3A_98 = vector.broadcast %lt3A_97 : i32 to vector<16xi32>
        %lt3A_99 = arith.cmpi slt, %sub3A_93, %lt3A_98 : vector<16xi32>
        %and3A_100 = arith.andi %ge3A_96, %lt3A_99 : vector<16xi1>
        %jit3A_101 = arith.constant 0 : i32
        %broadcast_in_dim3A_102 = vector.broadcast %jit3A_101 : i32 to vector<16xi32>
        %select_n3A_103 = arith.select %and3A_100, %sub3A_93, %broadcast_in_dim3A_102 : vector<16xi1>, vector<16xi32>
        %swap3A_104 = arith.index_cast %and3A_34 : i32 to index
        %swap3A_105 = arith.constant 48 : index
        %swap3A_106 = tpu.vector_load %arg6[%swap3A_104, %swap3A_105] {strides = array<i32>} : memref<2x128xi32, #tpu.memory_space<vmem>>, vector<16xi32>,
        tpu.vector_store %arg6[%swap3A_104, %swap3A_105], %select_n3A_103 {strides = array<i32>} : memref<2x128xi32, #tpu.memory_space<vmem>>, vector<16xi32>,
        %get3A_107 = arith.index_cast %mul3A_33 : i32 to index
        %get3A_108 = arith.constant 64 : index
        %get3A_109 = tpu.vector_load %arg5[%get3A_107, %get3A_108] {strides = array<i32>} : memref<32x128xi32, #tpu.memory_space<vmem>>, vector<16xi32>,
        %mul3A_110 = arith.constant 5120 : i32
        %mul3A_111 = arith.muli %scan3A_24, %mul3A_110 : i32
        %sub3A_112 = vector.broadcast %mul3A_111 : i32 to vector<16xi32>
        %sub3A_113 = arith.subi %get3A_109, %sub3A_112 : vector<16xi32>
        %ge3A_114 = arith.constant 0 : i32
        %ge3A_115 = vector.broadcast %ge3A_114 : i32 to vector<16xi32>
        %ge3A_116 = arith.cmpi sge, %sub3A_113, %ge3A_115 : vector<16xi32>
        %lt3A_117 = arith.constant 5120 : i32
        %lt3A_118 = vector.broadcast %lt3A_117 : i32 to vector<16xi32>
        %lt3A_119 = arith.cmpi slt, %sub3A_113, %lt3A_118 : vector<16xi32>
        %and3A_120 = arith.andi %ge3A_116, %lt3A_119 : vector<16xi1>
        %jit3A_121 = arith.constant 0 : i32
        %broadcast_in_dim3A_122 = vector.broadcast %jit3A_121 : i32 to vector<16xi32>
        %select_n3A_123 = arith.select %and3A_120, %sub3A_113, %broadcast_in_dim3A_122 : vector<16xi1>, vector<16xi32>
        %swap3A_124 = arith.index_cast %and3A_34 : i32 to index
        %swap3A_125 = arith.constant 64 : index
        %swap3A_126 = tpu.vector_load %arg6[%swap3A_124, %swap3A_125] {strides = array<i32>} : memref<2x128xi32, #tpu.memory_space<vmem>>, vector<16xi32>,
        tpu.vector_store %arg6[%swap3A_124, %swap3A_125], %select_n3A_123 {strides = array<i32>} : memref<2x128xi32, #tpu.memory_space<vmem>>, vector<16xi32>,
        %get3A_127 = arith.index_cast %mul3A_33 : i32 to index
        %get3A_128 = arith.constant 80 : index
        %get3A_129 = tpu.vector_load %arg5[%get3A_127, %get3A_128] {strides = array<i32>} : memref<32x128xi32, #tpu.memory_space<vmem>>, vector<16xi32>,
        %mul3A_130 = arith.constant 5120 : i32
        %mul3A_131 = arith.muli %scan3A_24, %mul3A_130 : i32
        %sub3A_132 = vector.broadcast %mul3A_131 : i32 to vector<16xi32>
        %sub3A_133 = arith.subi %get3A_129, %sub3A_132 : vector<16xi32>
        %ge3A_134 = arith.constant 0 : i32
        %ge3A_135 = vector.broadcast %ge3A_134 : i32 to vector<16xi32>
        %ge3A_136 = arith.cmpi sge, %sub3A_133, %ge3A_135 : vector<16xi32>
        %lt3A_137 = arith.constant 5120 : i32
        %lt3A_138 = vector.broadcast %lt3A_137 : i32 to vector<16xi32>
        %lt3A_139 = arith.cmpi slt, %sub3A_133, %lt3A_138 : vector<16xi32>
        %and3A_140 = arith.andi %ge3A_136, %lt3A_139 : vector<16xi1>
        %jit3A_141 = arith.constant 0 : i32
        %broadcast_in_dim3A_142 = vector.broadcast %jit3A_141 : i32 to vector<16xi32>
        %select_n3A_143 = arith.select %and3A_140, %sub3A_133, %broadcast_in_dim3A_142 : vector<16xi1>, vector<16xi32>
        %swap3A_144 = arith.index_cast %and3A_34 : i32 to index
        %swap3A_145 = arith.constant 80 : index
        %swap3A_146 = tpu.vector_load %arg6[%swap3A_144, %swap3A_145] {strides = array<i32>} : memref<2x128xi32, #tpu.memory_space<vmem>>, vector<16xi32>,
        tpu.vector_store %arg6[%swap3A_144, %swap3A_145], %select_n3A_143 {strides = array<i32>} : memref<2x128xi32, #tpu.memory_space<vmem>>, vector<16xi32>,
        %get3A_147 = arith.index_cast %mul3A_33 : i32 to index
        %get3A_148 = arith.constant 96 : index
        %get3A_149 = tpu.vector_load %arg5[%get3A_147, %get3A_148] {strides = array<i32>} : memref<32x128xi32, #tpu.memory_space<vmem>>, vector<16xi32>,
        %mul3A_150 = arith.constant 5120 : i32
        %mul3A_151 = arith.muli %scan3A_24, %mul3A_150 : i32
        %sub3A_152 = vector.broadcast %mul3A_151 : i32 to vector<16xi32>
        %sub3A_153 = arith.subi %get3A_149, %sub3A_152 : vector<16xi32>
        %ge3A_154 = arith.constant 0 : i32
        %ge3A_155 = vector.broadcast %ge3A_154 : i32 to vector<16xi32>
        %ge3A_156 = arith.cmpi sge, %sub3A_153, %ge3A_155 : vector<16xi32>
        %lt3A_157 = arith.constant 5120 : i32
        %lt3A_158 = vector.broadcast %lt3A_157 : i32 to vector<16xi32>
        %lt3A_159 = arith.cmpi slt, %sub3A_153, %lt3A_158 : vector<16xi32>
        %and3A_160 = arith.andi %ge3A_156, %lt3A_159 : vector<16xi1>
        %jit3A_161 = arith.constant 0 : i32
        %broadcast_in_dim3A_162 = vector.broadcast %jit3A_161 : i32 to vector<16xi32>
        %select_n3A_163 = arith.select %and3A_160, %sub3A_153, %broadcast_in_dim3A_162 : vector<16xi1>, vector<16xi32>
        %swap3A_164 = arith.index_cast %and3A_34 : i32 to index
        %swap3A_165 = arith.constant 96 : index
        %swap3A_166 = tpu.vector_load %arg6[%swap3A_164, %swap3A_165] {strides = array<i32>} : memref<2x128xi32, #tpu.memory_space<vmem>>, vector<16xi32>,
        tpu.vector_store %arg6[%swap3A_164, %swap3A_165], %select_n3A_163 {strides = array<i32>} : memref<2x128xi32, #tpu.memory_space<vmem>>, vector<16xi32>,
        %get3A_167 = arith.index_cast %mul3A_33 : i32 to index
        %get3A_168 = arith.constant 112 : index
        %get3A_169 = tpu.vector_load %arg5[%get3A_167, %get3A_168] {strides = array<i32>} : memref<32x128xi32, #tpu.memory_space<vmem>>, vector<16xi32>,
        %mul3A_170 = arith.constant 5120 : i32
        %mul3A_171 = arith.muli %scan3A_24, %mul3A_170 : i32
        %sub3A_172 = vector.broadcast %mul3A_171 : i32 to vector<16xi32>
        %sub3A_173 = arith.subi %get3A_169, %sub3A_172 : vector<16xi32>
        %ge3A_174 = arith.constant 0 : i32
        %ge3A_175 = vector.broadcast %ge3A_174 : i32 to vector<16xi32>
        %ge3A_176 = arith.cmpi sge, %sub3A_173, %ge3A_175 : vector<16xi32>
        %lt3A_177 = arith.constant 5120 : i32
        %lt3A_178 = vector.broadcast %lt3A_177 : i32 to vector<16xi32>
        %lt3A_179 = arith.cmpi slt, %sub3A_173, %lt3A_178 : vector<16xi32>
        %and3A_180 = arith.andi %ge3A_176, %lt3A_179 : vector<16xi1>
        %jit3A_181 = arith.constant 0 : i32
        %broadcast_in_dim3A_182 = vector.broadcast %jit3A_181 : i32 to vector<16xi32>
        %select_n3A_183 = arith.select %and3A_180, %sub3A_173, %broadcast_in_dim3A_182 : vector<16xi1>, vector<16xi32>
        %swap3A_184 = arith.index_cast %and3A_34 : i32 to index
        %swap3A_185 = arith.constant 112 : index
        %swap3A_186 = tpu.vector_load %arg6[%swap3A_184, %swap3A_185] {strides = array<i32>} : memref<2x128xi32, #tpu.memory_space<vmem>>, vector<16xi32>,
        tpu.vector_store %arg6[%swap3A_184, %swap3A_185], %select_n3A_183 {strides = array<i32>} : memref<2x128xi32, #tpu.memory_space<vmem>>, vector<16xi32>,
        %dma_start3A = arith.constant 0 : i32
        %dma_start3A_187 = arith.constant 0 : i32
        %dma_start3A_188 = tpu.memref_slice %arg7[%and3A_34, %dma_start3A, %dma_start3A_187] : memref<2x128x128xi32, #tpu.memory_space<vmem>> -> memref<1x128x128xi32, #tpu.memory_space<vmem>>
        %dma_start3A_189 = tpu.memref_squeeze %dma_start3A_188 : memref<1x128x128xi32, #tpu.memory_space<vmem>> -> memref<128x128xi32, #tpu.memory_space<vmem>>
        %dma_start3A_190 = arith.constant 0 : i32
        %dma_start3A_191 = tpu.memref_slice %arg6[%and3A_34, %dma_start3A_190] : memref<2x128xi32, #tpu.memory_space<vmem>> -> memref<1x128xi32, #tpu.memory_space<vmem>>
        %dma_start3A_192 = tpu.memref_squeeze %dma_start3A_191 : memref<1x128xi32, #tpu.memory_space<vmem>> -> memref<128xi32, #tpu.memory_space<vmem>>
        %dma_start3A_193 = arith.constant 0 : i32
        %dma_start3A_194 = arith.constant 0 : i32
        %dma_start3A_195 = tpu.memref_slice %arg9[%dma_start3A_193, %dma_start3A_194] : memref<5120x128xi32, #tpu.memory_space<vmem_shared>> -> memref<5120x128xi32, #tpu.memory_space<vmem_shared>>
        tpu.enqueue_indirect_dma source(%dma_start3A_195 : memref<5120x128xi32, #tpu.memory_space<vmem_shared>>) target(%dma_start3A_189 : memref<128x128xi32, #tpu.memory_space<vmem>>) offsets(%dma_start3A_192 : memref<128xi32, #tpu.memory_space<vmem>>) semaphore(%arg10 : memref<!tpu.dma_semaphore, #tpu.memory_space<semaphore_mem>>)
        %scan3A_196 = arith.constant 0 : i32
        %scan3A_197 = arith.constant 0 : i32
        %scan3A_198 = arith.constant 16 : i32
        %scan3A_199 = arith.addi %scan3A_197, %scan3A_198 : i32
        %scan3A_200 = arith.constant 1 : i32
        scf.for %scan3A_203 = %scan3A_197 to %scan3A_199 step %scan3A_200  : i32 {
          %mul3A_204 = arith.constant 16 : i32
          %mul3A_205 = arith.muli %scan3A_6, %mul3A_204 : i32
          %add3A_206 = arith.addi %mul3A_205, %scan3A_203 : i32
          %and3A_207 = arith.constant 1 : i32
          %and3A_208 = arith.andi %add3A_206, %and3A_207 : i32
          %dma_wait3A = arith.constant 0 : i32
          %dma_wait3A_209 = arith.constant 0 : i32
          %dma_wait3A_210 = tpu.memref_slice %arg7[%and3A_208, %dma_wait3A, %dma_wait3A_209] : memref<2x128x128xi32, #tpu.memory_space<vmem>> -> memref<1x128x128xi32, #tpu.memory_space<vmem>>
          %dma_wait3A_211 = tpu.memref_squeeze %dma_wait3A_210 : memref<1x128x128xi32, #tpu.memory_space<vmem>> -> memref<128x128xi32, #tpu.memory_space<vmem>>
          %dma_wait3A_212 = arith.constant 0 : i32
          %dma_wait3A_213 = arith.constant 0 : i32
          %dma_wait3A_214 = tpu.memref_slice %arg2[%dma_wait3A_212, %dma_wait3A_213] : memref<10240x128xi32, #tpu.memory_space<hbm>> -> memref<128x128xi32, #tpu.memory_space<hbm>>
          %dma_wait3A_215 = arith.constant 0 : i32
          %dma_wait3A_216 = arith.constant 0 : i32
          %dma_wait3A_217 = tpu.memref_slice %arg7[%and3A_208, %dma_wait3A_215, %dma_wait3A_216] : memref<2x128x128xi32, #tpu.memory_space<vmem>> -> memref<1x128x128xi32, #tpu.memory_space<vmem>>
          %dma_wait3A_218 = tpu.memref_squeeze %dma_wait3A_217 : memref<1x128x128xi32, #tpu.memory_space<vmem>> -> memref<128x128xi32, #tpu.memory_space<vmem>>
          %dma_wait3A_219 = arith.constant 0 : i32
          %dma_wait3A_220 = arith.constant 0 : i32
          %dma_wait3A_221 = tpu.memref_slice %arg2[%dma_wait3A_219, %dma_wait3A_220] : memref<10240x128xi32, #tpu.memory_space<hbm>> -> memref<128x128xi32, #tpu.memory_space<hbm>>
          tpu.wait_dma2 semaphore(%arg10 : memref<!tpu.dma_semaphore, #tpu.memory_space<semaphore_mem>>) src(%dma_wait3A_221 : memref<128x128xi32, #tpu.memory_space<hbm>>) dst(%dma_wait3A_218 : memref<128x128xi32, #tpu.memory_space<vmem>>)
          %add3A_222 = arith.constant 1 : i32
          %add3A_223 = arith.addi %scan3A_203, %add3A_222 : i32
          %lt3A_224 = arith.constant 16 : i32
          %lt3A_225 = arith.cmpi slt, %add3A_223, %lt3A_224 : i32
          %convert_element_type3A = arith.extui %lt3A_225 : i1 to i32
          %cond3A = arith.constant 0 : i32
          %cond3A_226 = arith.cmpi ne, %convert_element_type3A, %cond3A : i32
          scf.if %cond3A_226 {
            %add3A_233 = arith.constant 1 : i32
            %add3A_234 = arith.addi %add3A_206, %add3A_233 : i32
            %and3A_235 = arith.constant 1 : i32
            %and3A_236 = arith.andi %add3A_234, %and3A_235 : i32
            %get3A_237 = arith.index_cast %add3A_234 : i32 to index
            %get3A_238 = arith.constant 0 : index
            %get3A_239 = tpu.vector_load %arg5[%get3A_237, %get3A_238] {strides = array<i32>} : memref<32x128xi32, #tpu.memory_space<vmem>>, vector<16xi32>,
            %mul3A_240 = arith.constant 5120 : i32
            %mul3A_241 = arith.muli %scan3A_24, %mul3A_240 : i32
            %sub3A_242 = vector.broadcast %mul3A_241 : i32 to vector<16xi32>
            %sub3A_243 = arith.subi %get3A_239, %sub3A_242 : vector<16xi32>
            %ge3A_244 = arith.constant 0 : i32
            %ge3A_245 = vector.broadcast %ge3A_244 : i32 to vector<16xi32>
            %ge3A_246 = arith.cmpi sge, %sub3A_243, %ge3A_245 : vector<16xi32>
            %lt3A_247 = arith.constant 5120 : i32
            %lt3A_248 = vector.broadcast %lt3A_247 : i32 to vector<16xi32>
            %lt3A_249 = arith.cmpi slt, %sub3A_243, %lt3A_248 : vector<16xi32>
            %and3A_250 = arith.andi %ge3A_246, %lt3A_249 : vector<16xi1>
            %jit3A_251 = arith.constant 0 : i32
            %broadcast_in_dim3A_252 = vector.broadcast %jit3A_251 : i32 to vector<16xi32>
            %select_n3A_253 = arith.select %and3A_250, %sub3A_243, %broadcast_in_dim3A_252 : vector<16xi1>, vector<16xi32>
            %swap3A_254 = arith.index_cast %and3A_236 : i32 to index
            %swap3A_255 = arith.constant 0 : index
            %swap3A_256 = tpu.vector_load %arg6[%swap3A_254, %swap3A_255] {strides = array<i32>} : memref<2x128xi32, #tpu.memory_space<vmem>>, vector<16xi32>,
            tpu.vector_store %arg6[%swap3A_254, %swap3A_255], %select_n3A_253 {strides = array<i32>} : memref<2x128xi32, #tpu.memory_space<vmem>>, vector<16xi32>,
            %get3A_257 = arith.index_cast %add3A_234 : i32 to index
            %get3A_258 = arith.constant 16 : index
            %get3A_259 = tpu.vector_load %arg5[%get3A_257, %get3A_258] {strides = array<i32>} : memref<32x128xi32, #tpu.memory_space<vmem>>, vector<16xi32>,
            %mul3A_260 = arith.constant 5120 : i32
            %mul3A_261 = arith.muli %scan3A_24, %mul3A_260 : i32
            %sub3A_262 = vector.broadcast %mul3A_261 : i32 to vector<16xi32>
            %sub3A_263 = arith.subi %get3A_259, %sub3A_262 : vector<16xi32>
            %ge3A_264 = arith.constant 0 : i32
            %ge3A_265 = vector.broadcast %ge3A_264 : i32 to vector<16xi32>
            %ge3A_266 = arith.cmpi sge, %sub3A_263, %ge3A_265 : vector<16xi32>
            %lt3A_267 = arith.constant 5120 : i32
            %lt3A_268 = vector.broadcast %lt3A_267 : i32 to vector<16xi32>
            %lt3A_269 = arith.cmpi slt, %sub3A_263, %lt3A_268 : vector<16xi32>
            %and3A_270 = arith.andi %ge3A_266, %lt3A_269 : vector<16xi1>
            %jit3A_271 = arith.constant 0 : i32
            %broadcast_in_dim3A_272 = vector.broadcast %jit3A_271 : i32 to vector<16xi32>
            %select_n3A_273 = arith.select %and3A_270, %sub3A_263, %broadcast_in_dim3A_272 : vector<16xi1>, vector<16xi32>
            %swap3A_274 = arith.index_cast %and3A_236 : i32 to index
            %swap3A_275 = arith.constant 16 : index
            %swap3A_276 = tpu.vector_load %arg6[%swap3A_274, %swap3A_275] {strides = array<i32>} : memref<2x128xi32, #tpu.memory_space<vmem>>, vector<16xi32>,
            tpu.vector_store %arg6[%swap3A_274, %swap3A_275], %select_n3A_273 {strides = array<i32>} : memref<2x128xi32, #tpu.memory_space<vmem>>, vector<16xi32>,
            %get3A_277 = arith.index_cast %add3A_234 : i32 to index
            %get3A_278 = arith.constant 32 : index
            %get3A_279 = tpu.vector_load %arg5[%get3A_277, %get3A_278] {strides = array<i32>} : memref<32x128xi32, #tpu.memory_space<vmem>>, vector<16xi32>,
            %mul3A_280 = arith.constant 5120 : i32
            %mul3A_281 = arith.muli %scan3A_24, %mul3A_280 : i32
            %sub3A_282 = vector.broadcast %mul3A_281 : i32 to vector<16xi32>
            %sub3A_283 = arith.subi %get3A_279, %sub3A_282 : vector<16xi32>
            %ge3A_284 = arith.constant 0 : i32
            %ge3A_285 = vector.broadcast %ge3A_284 : i32 to vector<16xi32>
            %ge3A_286 = arith.cmpi sge, %sub3A_283, %ge3A_285 : vector<16xi32>
            %lt3A_287 = arith.constant 5120 : i32
            %lt3A_288 = vector.broadcast %lt3A_287 : i32 to vector<16xi32>
            %lt3A_289 = arith.cmpi slt, %sub3A_283, %lt3A_288 : vector<16xi32>
            %and3A_290 = arith.andi %ge3A_286, %lt3A_289 : vector<16xi1>
            %jit3A_291 = arith.constant 0 : i32
            %broadcast_in_dim3A_292 = vector.broadcast %jit3A_291 : i32 to vector<16xi32>
            %select_n3A_293 = arith.select %and3A_290, %sub3A_283, %broadcast_in_dim3A_292 : vector<16xi1>, vector<16xi32>
            %swap3A_294 = arith.index_cast %and3A_236 : i32 to index
            %swap3A_295 = arith.constant 32 : index
            %swap3A_296 = tpu.vector_load %arg6[%swap3A_294, %swap3A_295] {strides = array<i32>} : memref<2x128xi32, #tpu.memory_space<vmem>>, vector<16xi32>,
            tpu.vector_store %arg6[%swap3A_294, %swap3A_295], %select_n3A_293 {strides = array<i32>} : memref<2x128xi32, #tpu.memory_space<vmem>>, vector<16xi32>,
            %get3A_297 = arith.index_cast %add3A_234 : i32 to index
            %get3A_298 = arith.constant 48 : index
            %get3A_299 = tpu.vector_load %arg5[%get3A_297, %get3A_298] {strides = array<i32>} : memref<32x128xi32, #tpu.memory_space<vmem>>, vector<16xi32>,
            %mul3A_300 = arith.constant 5120 : i32
            %mul3A_301 = arith.muli %scan3A_24, %mul3A_300 : i32
            %sub3A_302 = vector.broadcast %mul3A_301 : i32 to vector<16xi32>
            %sub3A_303 = arith.subi %get3A_299, %sub3A_302 : vector<16xi32>
            %ge3A_304 = arith.constant 0 : i32
            %ge3A_305 = vector.broadcast %ge3A_304 : i32 to vector<16xi32>
            %ge3A_306 = arith.cmpi sge, %sub3A_303, %ge3A_305 : vector<16xi32>
            %lt3A_307 = arith.constant 5120 : i32
            %lt3A_308 = vector.broadcast %lt3A_307 : i32 to vector<16xi32>
            %lt3A_309 = arith.cmpi slt, %sub3A_303, %lt3A_308 : vector<16xi32>
            %and3A_310 = arith.andi %ge3A_306, %lt3A_309 : vector<16xi1>
            %jit3A_311 = arith.constant 0 : i32
            %broadcast_in_dim3A_312 = vector.broadcast %jit3A_311 : i32 to vector<16xi32>
            %select_n3A_313 = arith.select %and3A_310, %sub3A_303, %broadcast_in_dim3A_312 : vector<16xi1>, vector<16xi32>
            %swap3A_314 = arith.index_cast %and3A_236 : i32 to index
            %swap3A_315 = arith.constant 48 : index
            %swap3A_316 = tpu.vector_load %arg6[%swap3A_314, %swap3A_315] {strides = array<i32>} : memref<2x128xi32, #tpu.memory_space<vmem>>, vector<16xi32>,
            tpu.vector_store %arg6[%swap3A_314, %swap3A_315], %select_n3A_313 {strides = array<i32>} : memref<2x128xi32, #tpu.memory_space<vmem>>, vector<16xi32>,
            %get3A_317 = arith.index_cast %add3A_234 : i32 to index
            %get3A_318 = arith.constant 64 : index
            %get3A_319 = tpu.vector_load %arg5[%get3A_317, %get3A_318] {strides = array<i32>} : memref<32x128xi32, #tpu.memory_space<vmem>>, vector<16xi32>,
            %mul3A_320 = arith.constant 5120 : i32
            %mul3A_321 = arith.muli %scan3A_24, %mul3A_320 : i32
            %sub3A_322 = vector.broadcast %mul3A_321 : i32 to vector<16xi32>
            %sub3A_323 = arith.subi %get3A_319, %sub3A_322 : vector<16xi32>
            %ge3A_324 = arith.constant 0 : i32
            %ge3A_325 = vector.broadcast %ge3A_324 : i32 to vector<16xi32>
            %ge3A_326 = arith.cmpi sge, %sub3A_323, %ge3A_325 : vector<16xi32>
            %lt3A_327 = arith.constant 5120 : i32
            %lt3A_328 = vector.broadcast %lt3A_327 : i32 to vector<16xi32>
            %lt3A_329 = arith.cmpi slt, %sub3A_323, %lt3A_328 : vector<16xi32>
            %and3A_330 = arith.andi %ge3A_326, %lt3A_329 : vector<16xi1>
            %jit3A_331 = arith.constant 0 : i32
            %broadcast_in_dim3A_332 = vector.broadcast %jit3A_331 : i32 to vector<16xi32>
            %select_n3A_333 = arith.select %and3A_330, %sub3A_323, %broadcast_in_dim3A_332 : vector<16xi1>, vector<16xi32>
            %swap3A_334 = arith.index_cast %and3A_236 : i32 to index
            %swap3A_335 = arith.constant 64 : index
            %swap3A_336 = tpu.vector_load %arg6[%swap3A_334, %swap3A_335] {strides = array<i32>} : memref<2x128xi32, #tpu.memory_space<vmem>>, vector<16xi32>,
            tpu.vector_store %arg6[%swap3A_334, %swap3A_335], %select_n3A_333 {strides = array<i32>} : memref<2x128xi32, #tpu.memory_space<vmem>>, vector<16xi32>,
            %get3A_337 = arith.index_cast %add3A_234 : i32 to index
            %get3A_338 = arith.constant 80 : index
            %get3A_339 = tpu.vector_load %arg5[%get3A_337, %get3A_338] {strides = array<i32>} : memref<32x128xi32, #tpu.memory_space<vmem>>, vector<16xi32>,
            %mul3A_340 = arith.constant 5120 : i32
            %mul3A_341 = arith.muli %scan3A_24, %mul3A_340 : i32
            %sub3A_342 = vector.broadcast %mul3A_341 : i32 to vector<16xi32>
            %sub3A_343 = arith.subi %get3A_339, %sub3A_342 : vector<16xi32>
            %ge3A_344 = arith.constant 0 : i32
            %ge3A_345 = vector.broadcast %ge3A_344 : i32 to vector<16xi32>
            %ge3A_346 = arith.cmpi sge, %sub3A_343, %ge3A_345 : vector<16xi32>
            %lt3A_347 = arith.constant 5120 : i32
            %lt3A_348 = vector.broadcast %lt3A_347 : i32 to vector<16xi32>
            %lt3A_349 = arith.cmpi slt, %sub3A_343, %lt3A_348 : vector<16xi32>
            %and3A_350 = arith.andi %ge3A_346, %lt3A_349 : vector<16xi1>
            %jit3A_351 = arith.constant 0 : i32
            %broadcast_in_dim3A_352 = vector.broadcast %jit3A_351 : i32 to vector<16xi32>
            %select_n3A_353 = arith.select %and3A_350, %sub3A_343, %broadcast_in_dim3A_352 : vector<16xi1>, vector<16xi32>
            %swap3A_354 = arith.index_cast %and3A_236 : i32 to index
            %swap3A_355 = arith.constant 80 : index
            %swap3A_356 = tpu.vector_load %arg6[%swap3A_354, %swap3A_355] {strides = array<i32>} : memref<2x128xi32, #tpu.memory_space<vmem>>, vector<16xi32>,
            tpu.vector_store %arg6[%swap3A_354, %swap3A_355], %select_n3A_353 {strides = array<i32>} : memref<2x128xi32, #tpu.memory_space<vmem>>, vector<16xi32>,
            %get3A_357 = arith.index_cast %add3A_234 : i32 to index
            %get3A_358 = arith.constant 96 : index
            %get3A_359 = tpu.vector_load %arg5[%get3A_357, %get3A_358] {strides = array<i32>} : memref<32x128xi32, #tpu.memory_space<vmem>>, vector<16xi32>,
            %mul3A_360 = arith.constant 5120 : i32
            %mul3A_361 = arith.muli %scan3A_24, %mul3A_360 : i32
            %sub3A_362 = vector.broadcast %mul3A_361 : i32 to vector<16xi32>
            %sub3A_363 = arith.subi %get3A_359, %sub3A_362 : vector<16xi32>
            %ge3A_364 = arith.constant 0 : i32
            %ge3A_365 = vector.broadcast %ge3A_364 : i32 to vector<16xi32>
            %ge3A_366 = arith.cmpi sge, %sub3A_363, %ge3A_365 : vector<16xi32>
            %lt3A_367 = arith.constant 5120 : i32
            %lt3A_368 = vector.broadcast %lt3A_367 : i32 to vector<16xi32>
            %lt3A_369 = arith.cmpi slt, %sub3A_363, %lt3A_368 : vector<16xi32>
            %and3A_370 = arith.andi %ge3A_366, %lt3A_369 : vector<16xi1>
            %jit3A_371 = arith.constant 0 : i32
            %broadcast_in_dim3A_372 = vector.broadcast %jit3A_371 : i32 to vector<16xi32>
            %select_n3A_373 = arith.select %and3A_370, %sub3A_363, %broadcast_in_dim3A_372 : vector<16xi1>, vector<16xi32>
            %swap3A_374 = arith.index_cast %and3A_236 : i32 to index
            %swap3A_375 = arith.constant 96 : index
            %swap3A_376 = tpu.vector_load %arg6[%swap3A_374, %swap3A_375] {strides = array<i32>} : memref<2x128xi32, #tpu.memory_space<vmem>>, vector<16xi32>,
            tpu.vector_store %arg6[%swap3A_374, %swap3A_375], %select_n3A_373 {strides = array<i32>} : memref<2x128xi32, #tpu.memory_space<vmem>>, vector<16xi32>,
            %get3A_377 = arith.index_cast %add3A_234 : i32 to index
            %get3A_378 = arith.constant 112 : index
            %get3A_379 = tpu.vector_load %arg5[%get3A_377, %get3A_378] {strides = array<i32>} : memref<32x128xi32, #tpu.memory_space<vmem>>, vector<16xi32>,
            %mul3A_380 = arith.constant 5120 : i32
            %mul3A_381 = arith.muli %scan3A_24, %mul3A_380 : i32
            %sub3A_382 = vector.broadcast %mul3A_381 : i32 to vector<16xi32>
            %sub3A_383 = arith.subi %get3A_379, %sub3A_382 : vector<16xi32>
            %ge3A_384 = arith.constant 0 : i32
            %ge3A_385 = vector.broadcast %ge3A_384 : i32 to vector<16xi32>
            %ge3A_386 = arith.cmpi sge, %sub3A_383, %ge3A_385 : vector<16xi32>
            %lt3A_387 = arith.constant 5120 : i32
            %lt3A_388 = vector.broadcast %lt3A_387 : i32 to vector<16xi32>
            %lt3A_389 = arith.cmpi slt, %sub3A_383, %lt3A_388 : vector<16xi32>
            %and3A_390 = arith.andi %ge3A_386, %lt3A_389 : vector<16xi1>
            %jit3A_391 = arith.constant 0 : i32
            %broadcast_in_dim3A_392 = vector.broadcast %jit3A_391 : i32 to vector<16xi32>
            %select_n3A_393 = arith.select %and3A_390, %sub3A_383, %broadcast_in_dim3A_392 : vector<16xi1>, vector<16xi32>
            %swap3A_394 = arith.index_cast %and3A_236 : i32 to index
            %swap3A_395 = arith.constant 112 : index
            %swap3A_396 = tpu.vector_load %arg6[%swap3A_394, %swap3A_395] {strides = array<i32>} : memref<2x128xi32, #tpu.memory_space<vmem>>, vector<16xi32>,
            tpu.vector_store %arg6[%swap3A_394, %swap3A_395], %select_n3A_393 {strides = array<i32>} : memref<2x128xi32, #tpu.memory_space<vmem>>, vector<16xi32>,
            %dma_start3A_397 = arith.constant 0 : i32
            %dma_start3A_398 = arith.constant 0 : i32
            %dma_start3A_399 = tpu.memref_slice %arg7[%and3A_236, %dma_start3A_397, %dma_start3A_398] : memref<2x128x128xi32, #tpu.memory_space<vmem>> -> memref<1x128x128xi32, #tpu.memory_space<vmem>>
            %dma_start3A_400 = tpu.memref_squeeze %dma_start3A_399 : memref<1x128x128xi32, #tpu.memory_space<vmem>> -> memref<128x128xi32, #tpu.memory_space<vmem>>
            %dma_start3A_401 = arith.constant 0 : i32
            %dma_start3A_402 = tpu.memref_slice %arg6[%and3A_236, %dma_start3A_401] : memref<2x128xi32, #tpu.memory_space<vmem>> -> memref<1x128xi32, #tpu.memory_space<vmem>>
            %dma_start3A_403 = tpu.memref_squeeze %dma_start3A_402 : memref<1x128xi32, #tpu.memory_space<vmem>> -> memref<128xi32, #tpu.memory_space<vmem>>
            %dma_start3A_404 = arith.constant 0 : i32
            %dma_start3A_405 = arith.constant 0 : i32
            %dma_start3A_406 = tpu.memref_slice %arg9[%dma_start3A_404, %dma_start3A_405] : memref<5120x128xi32, #tpu.memory_space<vmem_shared>> -> memref<5120x128xi32, #tpu.memory_space<vmem_shared>>
            tpu.enqueue_indirect_dma source(%dma_start3A_406 : memref<5120x128xi32, #tpu.memory_space<vmem_shared>>) target(%dma_start3A_400 : memref<128x128xi32, #tpu.memory_space<vmem>>) offsets(%dma_start3A_403 : memref<128xi32, #tpu.memory_space<vmem>>) semaphore(%arg10 : memref<!tpu.dma_semaphore, #tpu.memory_space<semaphore_mem>>)
          } else {
          }
          %scan3A_227 = arith.constant 0 : i32
          %scan3A_228 = arith.constant 0 : i32
          %scan3A_229 = arith.constant 8 : i32
          %scan3A_230 = arith.addi %scan3A_228, %scan3A_229 : i32
          %scan3A_231 = arith.constant 1 : i32
          scf.for %scan3A_233 = %scan3A_228 to %scan3A_230 step %scan3A_231  : i32 {
            %mul3A_234 = arith.constant 16 : i32
            %mul3A_235 = arith.muli %scan3A_233, %mul3A_234 : i32
            %mul3A_236 = arith.constant 2 : i32
            %mul3A_237 = arith.muli %scan3A_233, %mul3A_236 : i32
            %mul3A_238 = arith.constant 16 : i32
            %mul3A_239 = arith.muli %mul3A_237, %mul3A_238 : i32
            %mul3A_240 = arith.constant 2 : i32
            %mul3A_241 = arith.muli %scan3A_233, %mul3A_240 : i32
            %mul3A_242 = arith.constant 16 : i32
            %mul3A_243 = arith.muli %mul3A_241, %mul3A_242 : i32
            %add3A_244 = arith.constant 16 : i32
            %add3A_245 = arith.addi %mul3A_243, %add3A_244 : i32
            %get3A_246 = arith.constant 0 : i32
            %get3A_247 = arith.index_cast %and3A_208 : i32 to index
            %get3A_248 = arith.index_cast %get3A_246 : i32 to index
            %get3A_249 = arith.index_cast %mul3A_235 : i32 to index
            %get3A_250 = tpu.vector_load %arg7[%get3A_247, %get3A_248, %get3A_249] {strides = array<i32>} : memref<2x128x128xi32, #tpu.memory_space<vmem>>, vector<16xi32>,
            %bitcast3A = vector.bitcast %get3A_250 : vector<16xi32> to vector<32xbf16>
            %unpack3A = tpu.unpack_subelements %bitcast3A, 0 {pack_format = #tpu.pack_format<interleaved>} : vector<32xbf16> -> vector<16xf32>
            %unpack3A_251 = tpu.unpack_subelements %bitcast3A, 1 {pack_format = #tpu.pack_format<interleaved>} : vector<32xbf16> -> vector<16xf32>
            %get3A_252 = arith.constant 1 : i32
            %get3A_253 = arith.index_cast %and3A_208 : i32 to index
            %get3A_254 = arith.index_cast %get3A_252 : i32 to index
            %get3A_255 = arith.index_cast %mul3A_235 : i32 to index
            %get3A_256 = tpu.vector_load %arg7[%get3A_253, %get3A_254, %get3A_255] {strides = array<i32>} : memref<2x128x128xi32, #tpu.memory_space<vmem>>, vector<16xi32>,
            %bitcast3A_257 = vector.bitcast %get3A_256 : vector<16xi32> to vector<32xbf16>
            %unpack3A_258 = tpu.unpack_subelements %bitcast3A_257, 0 {pack_format = #tpu.pack_format<interleaved>} : vector<32xbf16> -> vector<16xf32>
            %unpack3A_259 = tpu.unpack_subelements %bitcast3A_257, 1 {pack_format = #tpu.pack_format<interleaved>} : vector<32xbf16> -> vector<16xf32>
            %add3A_260 = arith.addf %unpack3A, %unpack3A_258 : vector<16xf32>
            %add3A_261 = arith.addf %unpack3A_251, %unpack3A_259 : vector<16xf32>
            %get3A_262 = arith.constant 2 : i32
            %get3A_263 = arith.index_cast %and3A_208 : i32 to index
            %get3A_264 = arith.index_cast %get3A_262 : i32 to index
            %get3A_265 = arith.index_cast %mul3A_235 : i32 to index
            %get3A_266 = tpu.vector_load %arg7[%get3A_263, %get3A_264, %get3A_265] {strides = array<i32>} : memref<2x128x128xi32, #tpu.memory_space<vmem>>, vector<16xi32>,
            %bitcast3A_267 = vector.bitcast %get3A_266 : vector<16xi32> to vector<32xbf16>
            %unpack3A_268 = tpu.unpack_subelements %bitcast3A_267, 0 {pack_format = #tpu.pack_format<interleaved>} : vector<32xbf16> -> vector<16xf32>
            %unpack3A_269 = tpu.unpack_subelements %bitcast3A_267, 1 {pack_format = #tpu.pack_format<interleaved>} : vector<32xbf16> -> vector<16xf32>
            %add3A_270 = arith.addf %add3A_260, %unpack3A_268 : vector<16xf32>
            %add3A_271 = arith.addf %add3A_261, %unpack3A_269 : vector<16xf32>
            %get3A_272 = arith.constant 3 : i32
            %get3A_273 = arith.index_cast %and3A_208 : i32 to index
            %get3A_274 = arith.index_cast %get3A_272 : i32 to index
            %get3A_275 = arith.index_cast %mul3A_235 : i32 to index
            %get3A_276 = tpu.vector_load %arg7[%get3A_273, %get3A_274, %get3A_275] {strides = array<i32>} : memref<2x128x128xi32, #tpu.memory_space<vmem>>, vector<16xi32>,
            %bitcast3A_277 = vector.bitcast %get3A_276 : vector<16xi32> to vector<32xbf16>
            %unpack3A_278 = tpu.unpack_subelements %bitcast3A_277, 0 {pack_format = #tpu.pack_format<interleaved>} : vector<32xbf16> -> vector<16xf32>
            %unpack3A_279 = tpu.unpack_subelements %bitcast3A_277, 1 {pack_format = #tpu.pack_format<interleaved>} : vector<32xbf16> -> vector<16xf32>
            %add3A_280 = arith.addf %add3A_270, %unpack3A_278 : vector<16xf32>
            %add3A_281 = arith.addf %add3A_271, %unpack3A_279 : vector<16xf32>
            %get3A_282 = arith.constant 4 : i32
            %get3A_283 = arith.index_cast %and3A_208 : i32 to index
            %get3A_284 = arith.index_cast %get3A_282 : i32 to index
            %get3A_285 = arith.index_cast %mul3A_235 : i32 to index
            %get3A_286 = tpu.vector_load %arg7[%get3A_283, %get3A_284, %get3A_285] {strides = array<i32>} : memref<2x128x128xi32, #tpu.memory_space<vmem>>, vector<16xi32>,
            %bitcast3A_287 = vector.bitcast %get3A_286 : vector<16xi32> to vector<32xbf16>
            %unpack3A_288 = tpu.unpack_subelements %bitcast3A_287, 0 {pack_format = #tpu.pack_format<interleaved>} : vector<32xbf16> -> vector<16xf32>
            %unpack3A_289 = tpu.unpack_subelements %bitcast3A_287, 1 {pack_format = #tpu.pack_format<interleaved>} : vector<32xbf16> -> vector<16xf32>
            %add3A_290 = arith.addf %add3A_280, %unpack3A_288 : vector<16xf32>
            %add3A_291 = arith.addf %add3A_281, %unpack3A_289 : vector<16xf32>
            %get3A_292 = arith.constant 5 : i32
            %get3A_293 = arith.index_cast %and3A_208 : i32 to index
            %get3A_294 = arith.index_cast %get3A_292 : i32 to index
            %get3A_295 = arith.index_cast %mul3A_235 : i32 to index
            %get3A_296 = tpu.vector_load %arg7[%get3A_293, %get3A_294, %get3A_295] {strides = array<i32>} : memref<2x128x128xi32, #tpu.memory_space<vmem>>, vector<16xi32>,
            %bitcast3A_297 = vector.bitcast %get3A_296 : vector<16xi32> to vector<32xbf16>
            %unpack3A_298 = tpu.unpack_subelements %bitcast3A_297, 0 {pack_format = #tpu.pack_format<interleaved>} : vector<32xbf16> -> vector<16xf32>
            %unpack3A_299 = tpu.unpack_subelements %bitcast3A_297, 1 {pack_format = #tpu.pack_format<interleaved>} : vector<32xbf16> -> vector<16xf32>
            %add3A_300 = arith.addf %add3A_290, %unpack3A_298 : vector<16xf32>
            %add3A_301 = arith.addf %add3A_291, %unpack3A_299 : vector<16xf32>
            %get3A_302 = arith.constant 6 : i32
            %get3A_303 = arith.index_cast %and3A_208 : i32 to index
            %get3A_304 = arith.index_cast %get3A_302 : i32 to index
            %get3A_305 = arith.index_cast %mul3A_235 : i32 to index
            %get3A_306 = tpu.vector_load %arg7[%get3A_303, %get3A_304, %get3A_305] {strides = array<i32>} : memref<2x128x128xi32, #tpu.memory_space<vmem>>, vector<16xi32>,
            %bitcast3A_307 = vector.bitcast %get3A_306 : vector<16xi32> to vector<32xbf16>
            %unpack3A_308 = tpu.unpack_subelements %bitcast3A_307, 0 {pack_format = #tpu.pack_format<interleaved>} : vector<32xbf16> -> vector<16xf32>
            %unpack3A_309 = tpu.unpack_subelements %bitcast3A_307, 1 {pack_format = #tpu.pack_format<interleaved>} : vector<32xbf16> -> vector<16xf32>
            %add3A_310 = arith.addf %add3A_300, %unpack3A_308 : vector<16xf32>
            %add3A_311 = arith.addf %add3A_301, %unpack3A_309 : vector<16xf32>
            %get3A_312 = arith.constant 7 : i32
            %get3A_313 = arith.index_cast %and3A_208 : i32 to index
            %get3A_314 = arith.index_cast %get3A_312 : i32 to index
            %get3A_315 = arith.index_cast %mul3A_235 : i32 to index
            %get3A_316 = tpu.vector_load %arg7[%get3A_313, %get3A_314, %get3A_315] {strides = array<i32>} : memref<2x128x128xi32, #tpu.memory_space<vmem>>, vector<16xi32>,
            %bitcast3A_317 = vector.bitcast %get3A_316 : vector<16xi32> to vector<32xbf16>
            %unpack3A_318 = tpu.unpack_subelements %bitcast3A_317, 0 {pack_format = #tpu.pack_format<interleaved>} : vector<32xbf16> -> vector<16xf32>
            %unpack3A_319 = tpu.unpack_subelements %bitcast3A_317, 1 {pack_format = #tpu.pack_format<interleaved>} : vector<32xbf16> -> vector<16xf32>
            %add3A_320 = arith.addf %add3A_310, %unpack3A_318 : vector<16xf32>
            %add3A_321 = arith.addf %add3A_311, %unpack3A_319 : vector<16xf32>
            %get3A_322 = arith.constant 8 : i32
            %get3A_323 = arith.index_cast %and3A_208 : i32 to index
            %get3A_324 = arith.index_cast %get3A_322 : i32 to index
            %get3A_325 = arith.index_cast %mul3A_235 : i32 to index
            %get3A_326 = tpu.vector_load %arg7[%get3A_323, %get3A_324, %get3A_325] {strides = array<i32>} : memref<2x128x128xi32, #tpu.memory_space<vmem>>, vector<16xi32>,
            %bitcast3A_327 = vector.bitcast %get3A_326 : vector<16xi32> to vector<32xbf16>
            %unpack3A_328 = tpu.unpack_subelements %bitcast3A_327, 0 {pack_format = #tpu.pack_format<interleaved>} : vector<32xbf16> -> vector<16xf32>
            %unpack3A_329 = tpu.unpack_subelements %bitcast3A_327, 1 {pack_format = #tpu.pack_format<interleaved>} : vector<32xbf16> -> vector<16xf32>
            %add3A_330 = arith.addf %add3A_320, %unpack3A_328 : vector<16xf32>
            %add3A_331 = arith.addf %add3A_321, %unpack3A_329 : vector<16xf32>
            %get3A_332 = arith.constant 9 : i32
            %get3A_333 = arith.index_cast %and3A_208 : i32 to index
            %get3A_334 = arith.index_cast %get3A_332 : i32 to index
            %get3A_335 = arith.index_cast %mul3A_235 : i32 to index
            %get3A_336 = tpu.vector_load %arg7[%get3A_333, %get3A_334, %get3A_335] {strides = array<i32>} : memref<2x128x128xi32, #tpu.memory_space<vmem>>, vector<16xi32>,
            %bitcast3A_337 = vector.bitcast %get3A_336 : vector<16xi32> to vector<32xbf16>
            %unpack3A_338 = tpu.unpack_subelements %bitcast3A_337, 0 {pack_format = #tpu.pack_format<interleaved>} : vector<32xbf16> -> vector<16xf32>
            %unpack3A_339 = tpu.unpack_subelements %bitcast3A_337, 1 {pack_format = #tpu.pack_format<interleaved>} : vector<32xbf16> -> vector<16xf32>
            %add3A_340 = arith.addf %add3A_330, %unpack3A_338 : vector<16xf32>
            %add3A_341 = arith.addf %add3A_331, %unpack3A_339 : vector<16xf32>
            %get3A_342 = arith.constant 10 : i32
            %get3A_343 = arith.index_cast %and3A_208 : i32 to index
            %get3A_344 = arith.index_cast %get3A_342 : i32 to index
            %get3A_345 = arith.index_cast %mul3A_235 : i32 to index
            %get3A_346 = tpu.vector_load %arg7[%get3A_343, %get3A_344, %get3A_345] {strides = array<i32>} : memref<2x128x128xi32, #tpu.memory_space<vmem>>, vector<16xi32>,
            %bitcast3A_347 = vector.bitcast %get3A_346 : vector<16xi32> to vector<32xbf16>
            %unpack3A_348 = tpu.unpack_subelements %bitcast3A_347, 0 {pack_format = #tpu.pack_format<interleaved>} : vector<32xbf16> -> vector<16xf32>
            %unpack3A_349 = tpu.unpack_subelements %bitcast3A_347, 1 {pack_format = #tpu.pack_format<interleaved>} : vector<32xbf16> -> vector<16xf32>
            %add3A_350 = arith.addf %add3A_340, %unpack3A_348 : vector<16xf32>
            %add3A_351 = arith.addf %add3A_341, %unpack3A_349 : vector<16xf32>
            %mul3A_352 = arith.constant 11 : i32
            %mul3A_353 = arith.muli %scan3A_203, %mul3A_352 : i32
            %add3A_354 = arith.constant 0 : i32
            %add3A_355 = arith.addi %mul3A_353, %add3A_354 : i32
            %get3A_356 = arith.index_cast %add3A_355 : i32 to index
            %get3A_357 = arith.index_cast %mul3A_239 : i32 to index
            %get3A_358 = tpu.vector_load %arg8[%get3A_356, %get3A_357] {strides = array<i32>} : memref<176x256xf32, #tpu.memory_space<vmem>>, vector<16xf32>,
            %add3A_359 = arith.addf %get3A_358, %add3A_350 : vector<16xf32>
            %swap3A_360 = arith.index_cast %add3A_355 : i32 to index
            %swap3A_361 = arith.index_cast %mul3A_239 : i32 to index
            %swap3A_362 = tpu.vector_load %arg8[%swap3A_360, %swap3A_361] {strides = array<i32>} : memref<176x256xf32, #tpu.memory_space<vmem>>, vector<16xf32>,
            tpu.vector_store %arg8[%swap3A_360, %swap3A_361], %add3A_359 {strides = array<i32>} : memref<176x256xf32, #tpu.memory_space<vmem>>, vector<16xf32>,
            %get3A_363 = arith.index_cast %add3A_355 : i32 to index
            %get3A_364 = arith.index_cast %add3A_245 : i32 to index
            %get3A_365 = tpu.vector_load %arg8[%get3A_363, %get3A_364] {strides = array<i32>} : memref<176x256xf32, #tpu.memory_space<vmem>>, vector<16xf32>,
            %add3A_366 = arith.addf %get3A_365, %add3A_351 : vector<16xf32>
            %swap3A_367 = arith.index_cast %add3A_355 : i32 to index
            %swap3A_368 = arith.index_cast %add3A_245 : i32 to index
            %swap3A_369 = tpu.vector_load %arg8[%swap3A_367, %swap3A_368] {strides = array<i32>} : memref<176x256xf32, #tpu.memory_space<vmem>>, vector<16xf32>,
            tpu.vector_store %arg8[%swap3A_367, %swap3A_368], %add3A_366 {strides = array<i32>} : memref<176x256xf32, #tpu.memory_space<vmem>>, vector<16xf32>,
            %get3A_370 = arith.constant 11 : i32
            %get3A_371 = arith.index_cast %and3A_208 : i32 to index
            %get3A_372 = arith.index_cast %get3A_370 : i32 to index
            %get3A_373 = arith.index_cast %mul3A_235 : i32 to index
            %get3A_374 = tpu.vector_load %arg7[%get3A_371, %get3A_372, %get3A_373] {strides = array<i32>} : memref<2x128x128xi32, #tpu.memory_space<vmem>>, vector<16xi32>,
            %bitcast3A_375 = vector.bitcast %get3A_374 : vector<16xi32> to vector<32xbf16>
            %unpack3A_376 = tpu.unpack_subelements %bitcast3A_375, 0 {pack_format = #tpu.pack_format<interleaved>} : vector<32xbf16> -> vector<16xf32>
            %unpack3A_377 = tpu.unpack_subelements %bitcast3A_375, 1 {pack_format = #tpu.pack_format<interleaved>} : vector<32xbf16> -> vector<16xf32>
            %get3A_378 = arith.constant 12 : i32
            %get3A_379 = arith.index_cast %and3A_208 : i32 to index
            %get3A_380 = arith.index_cast %get3A_378 : i32 to index
            %get3A_381 = arith.index_cast %mul3A_235 : i32 to index
            %get3A_382 = tpu.vector_load %arg7[%get3A_379, %get3A_380, %get3A_381] {strides = array<i32>} : memref<2x128x128xi32, #tpu.memory_space<vmem>>, vector<16xi32>,
            %bitcast3A_383 = vector.bitcast %get3A_382 : vector<16xi32> to vector<32xbf16>
            %unpack3A_384 = tpu.unpack_subelements %bitcast3A_383, 0 {pack_format = #tpu.pack_format<interleaved>} : vector<32xbf16> -> vector<16xf32>
            %unpack3A_385 = tpu.unpack_subelements %bitcast3A_383, 1 {pack_format = #tpu.pack_format<interleaved>} : vector<32xbf16> -> vector<16xf32>
            %add3A_386 = arith.addf %unpack3A_376, %unpack3A_384 : vector<16xf32>
            %add3A_387 = arith.addf %unpack3A_377, %unpack3A_385 : vector<16xf32>
            %get3A_388 = arith.constant 13 : i32
            %get3A_389 = arith.index_cast %and3A_208 : i32 to index
            %get3A_390 = arith.index_cast %get3A_388 : i32 to index
            %get3A_391 = arith.index_cast %mul3A_235 : i32 to index
            %get3A_392 = tpu.vector_load %arg7[%get3A_389, %get3A_390, %get3A_391] {strides = array<i32>} : memref<2x128x128xi32, #tpu.memory_space<vmem>>, vector<16xi32>,
            %bitcast3A_393 = vector.bitcast %get3A_392 : vector<16xi32> to vector<32xbf16>
            %unpack3A_394 = tpu.unpack_subelements %bitcast3A_393, 0 {pack_format = #tpu.pack_format<interleaved>} : vector<32xbf16> -> vector<16xf32>
            %unpack3A_395 = tpu.unpack_subelements %bitcast3A_393, 1 {pack_format = #tpu.pack_format<interleaved>} : vector<32xbf16> -> vector<16xf32>
            %add3A_396 = arith.addf %add3A_386, %unpack3A_394 : vector<16xf32>
            %add3A_397 = arith.addf %add3A_387, %unpack3A_395 : vector<16xf32>
            %get3A_398 = arith.constant 14 : i32
            %get3A_399 = arith.index_cast %and3A_208 : i32 to index
            %get3A_400 = arith.index_cast %get3A_398 : i32 to index
            %get3A_401 = arith.index_cast %mul3A_235 : i32 to index
            %get3A_402 = tpu.vector_load %arg7[%get3A_399, %get3A_400, %get3A_401] {strides = array<i32>} : memref<2x128x128xi32, #tpu.memory_space<vmem>>, vector<16xi32>,
            %bitcast3A_403 = vector.bitcast %get3A_402 : vector<16xi32> to vector<32xbf16>
            %unpack3A_404 = tpu.unpack_subelements %bitcast3A_403, 0 {pack_format = #tpu.pack_format<interleaved>} : vector<32xbf16> -> vector<16xf32>
            %unpack3A_405 = tpu.unpack_subelements %bitcast3A_403, 1 {pack_format = #tpu.pack_format<interleaved>} : vector<32xbf16> -> vector<16xf32>
            %add3A_406 = arith.addf %add3A_396, %unpack3A_404 : vector<16xf32>
            %add3A_407 = arith.addf %add3A_397, %unpack3A_405 : vector<16xf32>
            %get3A_408 = arith.constant 15 : i32
            %get3A_409 = arith.index_cast %and3A_208 : i32 to index
            %get3A_410 = arith.index_cast %get3A_408 : i32 to index
            %get3A_411 = arith.index_cast %mul3A_235 : i32 to index
            %get3A_412 = tpu.vector_load %arg7[%get3A_409, %get3A_410, %get3A_411] {strides = array<i32>} : memref<2x128x128xi32, #tpu.memory_space<vmem>>, vector<16xi32>,
            %bitcast3A_413 = vector.bitcast %get3A_412 : vector<16xi32> to vector<32xbf16>
            %unpack3A_414 = tpu.unpack_subelements %bitcast3A_413, 0 {pack_format = #tpu.pack_format<interleaved>} : vector<32xbf16> -> vector<16xf32>
            %unpack3A_415 = tpu.unpack_subelements %bitcast3A_413, 1 {pack_format = #tpu.pack_format<interleaved>} : vector<32xbf16> -> vector<16xf32>
            %add3A_416 = arith.addf %add3A_406, %unpack3A_414 : vector<16xf32>
            %add3A_417 = arith.addf %add3A_407, %unpack3A_415 : vector<16xf32>
            %get3A_418 = arith.constant 16 : i32
            %get3A_419 = arith.index_cast %and3A_208 : i32 to index
            %get3A_420 = arith.index_cast %get3A_418 : i32 to index
            %get3A_421 = arith.index_cast %mul3A_235 : i32 to index
            %get3A_422 = tpu.vector_load %arg7[%get3A_419, %get3A_420, %get3A_421] {strides = array<i32>} : memref<2x128x128xi32, #tpu.memory_space<vmem>>, vector<16xi32>,
            %bitcast3A_423 = vector.bitcast %get3A_422 : vector<16xi32> to vector<32xbf16>
            %unpack3A_424 = tpu.unpack_subelements %bitcast3A_423, 0 {pack_format = #tpu.pack_format<interleaved>} : vector<32xbf16> -> vector<16xf32>
            %unpack3A_425 = tpu.unpack_subelements %bitcast3A_423, 1 {pack_format = #tpu.pack_format<interleaved>} : vector<32xbf16> -> vector<16xf32>
            %add3A_426 = arith.addf %add3A_416, %unpack3A_424 : vector<16xf32>
            %add3A_427 = arith.addf %add3A_417, %unpack3A_425 : vector<16xf32>
            %get3A_428 = arith.constant 17 : i32
            %get3A_429 = arith.index_cast %and3A_208 : i32 to index
            %get3A_430 = arith.index_cast %get3A_428 : i32 to index
            %get3A_431 = arith.index_cast %mul3A_235 : i32 to index
            %get3A_432 = tpu.vector_load %arg7[%get3A_429, %get3A_430, %get3A_431] {strides = array<i32>} : memref<2x128x128xi32, #tpu.memory_space<vmem>>, vector<16xi32>,
            %bitcast3A_433 = vector.bitcast %get3A_432 : vector<16xi32> to vector<32xbf16>
            %unpack3A_434 = tpu.unpack_subelements %bitcast3A_433, 0 {pack_format = #tpu.pack_format<interleaved>} : vector<32xbf16> -> vector<16xf32>
            %unpack3A_435 = tpu.unpack_subelements %bitcast3A_433, 1 {pack_format = #tpu.pack_format<interleaved>} : vector<32xbf16> -> vector<16xf32>
            %add3A_436 = arith.addf %add3A_426, %unpack3A_434 : vector<16xf32>
            %add3A_437 = arith.addf %add3A_427, %unpack3A_435 : vector<16xf32>
            %get3A_438 = arith.constant 18 : i32
            %get3A_439 = arith.index_cast %and3A_208 : i32 to index
            %get3A_440 = arith.index_cast %get3A_438 : i32 to index
            %get3A_441 = arith.index_cast %mul3A_235 : i32 to index
            %get3A_442 = tpu.vector_load %arg7[%get3A_439, %get3A_440, %get3A_441] {strides = array<i32>} : memref<2x128x128xi32, #tpu.memory_space<vmem>>, vector<16xi32>,
            %bitcast3A_443 = vector.bitcast %get3A_442 : vector<16xi32> to vector<32xbf16>
            %unpack3A_444 = tpu.unpack_subelements %bitcast3A_443, 0 {pack_format = #tpu.pack_format<interleaved>} : vector<32xbf16> -> vector<16xf32>
            %unpack3A_445 = tpu.unpack_subelements %bitcast3A_443, 1 {pack_format = #tpu.pack_format<interleaved>} : vector<32xbf16> -> vector<16xf32>
            %add3A_446 = arith.addf %add3A_436, %unpack3A_444 : vector<16xf32>
            %add3A_447 = arith.addf %add3A_437, %unpack3A_445 : vector<16xf32>
            %get3A_448 = arith.constant 19 : i32
            %get3A_449 = arith.index_cast %and3A_208 : i32 to index
            %get3A_450 = arith.index_cast %get3A_448 : i32 to index
            %get3A_451 = arith.index_cast %mul3A_235 : i32 to index
            %get3A_452 = tpu.vector_load %arg7[%get3A_449, %get3A_450, %get3A_451] {strides = array<i32>} : memref<2x128x128xi32, #tpu.memory_space<vmem>>, vector<16xi32>,
            %bitcast3A_453 = vector.bitcast %get3A_452 : vector<16xi32> to vector<32xbf16>
            %unpack3A_454 = tpu.unpack_subelements %bitcast3A_453, 0 {pack_format = #tpu.pack_format<interleaved>} : vector<32xbf16> -> vector<16xf32>
            %unpack3A_455 = tpu.unpack_subelements %bitcast3A_453, 1 {pack_format = #tpu.pack_format<interleaved>} : vector<32xbf16> -> vector<16xf32>
            %add3A_456 = arith.addf %add3A_446, %unpack3A_454 : vector<16xf32>
            %add3A_457 = arith.addf %add3A_447, %unpack3A_455 : vector<16xf32>
            %get3A_458 = arith.constant 20 : i32
            %get3A_459 = arith.index_cast %and3A_208 : i32 to index
            %get3A_460 = arith.index_cast %get3A_458 : i32 to index
            %get3A_461 = arith.index_cast %mul3A_235 : i32 to index
            %get3A_462 = tpu.vector_load %arg7[%get3A_459, %get3A_460, %get3A_461] {strides = array<i32>} : memref<2x128x128xi32, #tpu.memory_space<vmem>>, vector<16xi32>,
            %bitcast3A_463 = vector.bitcast %get3A_462 : vector<16xi32> to vector<32xbf16>
            %unpack3A_464 = tpu.unpack_subelements %bitcast3A_463, 0 {pack_format = #tpu.pack_format<interleaved>} : vector<32xbf16> -> vector<16xf32>
            %unpack3A_465 = tpu.unpack_subelements %bitcast3A_463, 1 {pack_format = #tpu.pack_format<interleaved>} : vector<32xbf16> -> vector<16xf32>
            %add3A_466 = arith.addf %add3A_456, %unpack3A_464 : vector<16xf32>
            %add3A_467 = arith.addf %add3A_457, %unpack3A_465 : vector<16xf32>
            %get3A_468 = arith.constant 21 : i32
            %get3A_469 = arith.index_cast %and3A_208 : i32 to index
            %get3A_470 = arith.index_cast %get3A_468 : i32 to index
            %get3A_471 = arith.index_cast %mul3A_235 : i32 to index
            %get3A_472 = tpu.vector_load %arg7[%get3A_469, %get3A_470, %get3A_471] {strides = array<i32>} : memref<2x128x128xi32, #tpu.memory_space<vmem>>, vector<16xi32>,
            %bitcast3A_473 = vector.bitcast %get3A_472 : vector<16xi32> to vector<32xbf16>
            %unpack3A_474 = tpu.unpack_subelements %bitcast3A_473, 0 {pack_format = #tpu.pack_format<interleaved>} : vector<32xbf16> -> vector<16xf32>
            %unpack3A_475 = tpu.unpack_subelements %bitcast3A_473, 1 {pack_format = #tpu.pack_format<interleaved>} : vector<32xbf16> -> vector<16xf32>
            %add3A_476 = arith.addf %add3A_466, %unpack3A_474 : vector<16xf32>
            %add3A_477 = arith.addf %add3A_467, %unpack3A_475 : vector<16xf32>
            %mul3A_478 = arith.constant 11 : i32
            %mul3A_479 = arith.muli %scan3A_203, %mul3A_478 : i32
            %add3A_480 = arith.constant 1 : i32
            %add3A_481 = arith.addi %mul3A_479, %add3A_480 : i32
            %get3A_482 = arith.index_cast %add3A_481 : i32 to index
            %get3A_483 = arith.index_cast %mul3A_239 : i32 to index
            %get3A_484 = tpu.vector_load %arg8[%get3A_482, %get3A_483] {strides = array<i32>} : memref<176x256xf32, #tpu.memory_space<vmem>>, vector<16xf32>,
            %add3A_485 = arith.addf %get3A_484, %add3A_476 : vector<16xf32>
            %swap3A_486 = arith.index_cast %add3A_481 : i32 to index
            %swap3A_487 = arith.index_cast %mul3A_239 : i32 to index
            %swap3A_488 = tpu.vector_load %arg8[%swap3A_486, %swap3A_487] {strides = array<i32>} : memref<176x256xf32, #tpu.memory_space<vmem>>, vector<16xf32>,
            tpu.vector_store %arg8[%swap3A_486, %swap3A_487], %add3A_485 {strides = array<i32>} : memref<176x256xf32, #tpu.memory_space<vmem>>, vector<16xf32>,
            %get3A_489 = arith.index_cast %add3A_481 : i32 to index
            %get3A_490 = arith.index_cast %add3A_245 : i32 to index
            %get3A_491 = tpu.vector_load %arg8[%get3A_489, %get3A_490] {strides = array<i32>} : memref<176x256xf32, #tpu.memory_space<vmem>>, vector<16xf32>,
            %add3A_492 = arith.addf %get3A_491, %add3A_477 : vector<16xf32>
            %swap3A_493 = arith.index_cast %add3A_481 : i32 to index
            %swap3A_494 = arith.index_cast %add3A_245 : i32 to index
            %swap3A_495 = tpu.vector_load %arg8[%swap3A_493, %swap3A_494] {strides = array<i32>} : memref<176x256xf32, #tpu.memory_space<vmem>>, vector<16xf32>,
            tpu.vector_store %arg8[%swap3A_493, %swap3A_494], %add3A_492 {strides = array<i32>} : memref<176x256xf32, #tpu.memory_space<vmem>>, vector<16xf32>,
            %get3A_496 = arith.constant 22 : i32
            %get3A_497 = arith.index_cast %and3A_208 : i32 to index
            %get3A_498 = arith.index_cast %get3A_496 : i32 to index
            %get3A_499 = arith.index_cast %mul3A_235 : i32 to index
            %get3A_500 = tpu.vector_load %arg7[%get3A_497, %get3A_498, %get3A_499] {strides = array<i32>} : memref<2x128x128xi32, #tpu.memory_space<vmem>>, vector<16xi32>,
            %bitcast3A_501 = vector.bitcast %get3A_500 : vector<16xi32> to vector<32xbf16>
            %unpack3A_502 = tpu.unpack_subelements %bitcast3A_501, 0 {pack_format = #tpu.pack_format<interleaved>} : vector<32xbf16> -> vector<16xf32>
            %unpack3A_503 = tpu.unpack_subelements %bitcast3A_501, 1 {pack_format = #tpu.pack_format<interleaved>} : vector<32xbf16> -> vector<16xf32>
            %get3A_504 = arith.constant 23 : i32
            %get3A_505 = arith.index_cast %and3A_208 : i32 to index
            %get3A_506 = arith.index_cast %get3A_504 : i32 to index
            %get3A_507 = arith.index_cast %mul3A_235 : i32 to index
            %get3A_508 = tpu.vector_load %arg7[%get3A_505, %get3A_506, %get3A_507] {strides = array<i32>} : memref<2x128x128xi32, #tpu.memory_space<vmem>>, vector<16xi32>,
            %bitcast3A_509 = vector.bitcast %get3A_508 : vector<16xi32> to vector<32xbf16>
            %unpack3A_510 = tpu.unpack_subelements %bitcast3A_509, 0 {pack_format = #tpu.pack_format<interleaved>} : vector<32xbf16> -> vector<16xf32>
            %unpack3A_511 = tpu.unpack_subelements %bitcast3A_509, 1 {pack_format = #tpu.pack_format<interleaved>} : vector<32xbf16> -> vector<16xf32>
            %add3A_512 = arith.addf %unpack3A_502, %unpack3A_510 : vector<16xf32>
            %add3A_513 = arith.addf %unpack3A_503, %unpack3A_511 : vector<16xf32>
            %get3A_514 = arith.constant 24 : i32
            %get3A_515 = arith.index_cast %and3A_208 : i32 to index
            %get3A_516 = arith.index_cast %get3A_514 : i32 to index
            %get3A_517 = arith.index_cast %mul3A_235 : i32 to index
            %get3A_518 = tpu.vector_load %arg7[%get3A_515, %get3A_516, %get3A_517] {strides = array<i32>} : memref<2x128x128xi32, #tpu.memory_space<vmem>>, vector<16xi32>,
            %bitcast3A_519 = vector.bitcast %get3A_518 : vector<16xi32> to vector<32xbf16>
            %unpack3A_520 = tpu.unpack_subelements %bitcast3A_519, 0 {pack_format = #tpu.pack_format<interleaved>} : vector<32xbf16> -> vector<16xf32>
            %unpack3A_521 = tpu.unpack_subelements %bitcast3A_519, 1 {pack_format = #tpu.pack_format<interleaved>} : vector<32xbf16> -> vector<16xf32>
            %add3A_522 = arith.addf %add3A_512, %unpack3A_520 : vector<16xf32>
            %add3A_523 = arith.addf %add3A_513, %unpack3A_521 : vector<16xf32>
            %get3A_524 = arith.constant 25 : i32
            %get3A_525 = arith.index_cast %and3A_208 : i32 to index
            %get3A_526 = arith.index_cast %get3A_524 : i32 to index
            %get3A_527 = arith.index_cast %mul3A_235 : i32 to index
            %get3A_528 = tpu.vector_load %arg7[%get3A_525, %get3A_526, %get3A_527] {strides = array<i32>} : memref<2x128x128xi32, #tpu.memory_space<vmem>>, vector<16xi32>,
            %bitcast3A_529 = vector.bitcast %get3A_528 : vector<16xi32> to vector<32xbf16>
            %unpack3A_530 = tpu.unpack_subelements %bitcast3A_529, 0 {pack_format = #tpu.pack_format<interleaved>} : vector<32xbf16> -> vector<16xf32>
            %unpack3A_531 = tpu.unpack_subelements %bitcast3A_529, 1 {pack_format = #tpu.pack_format<interleaved>} : vector<32xbf16> -> vector<16xf32>
            %add3A_532 = arith.addf %add3A_522, %unpack3A_530 : vector<16xf32>
            %add3A_533 = arith.addf %add3A_523, %unpack3A_531 : vector<16xf32>
            %get3A_534 = arith.constant 26 : i32
            %get3A_535 = arith.index_cast %and3A_208 : i32 to index
            %get3A_536 = arith.index_cast %get3A_534 : i32 to index
            %get3A_537 = arith.index_cast %mul3A_235 : i32 to index
            %get3A_538 = tpu.vector_load %arg7[%get3A_535, %get3A_536, %get3A_537] {strides = array<i32>} : memref<2x128x128xi32, #tpu.memory_space<vmem>>, vector<16xi32>,
            %bitcast3A_539 = vector.bitcast %get3A_538 : vector<16xi32> to vector<32xbf16>
            %unpack3A_540 = tpu.unpack_subelements %bitcast3A_539, 0 {pack_format = #tpu.pack_format<interleaved>} : vector<32xbf16> -> vector<16xf32>
            %unpack3A_541 = tpu.unpack_subelements %bitcast3A_539, 1 {pack_format = #tpu.pack_format<interleaved>} : vector<32xbf16> -> vector<16xf32>
            %add3A_542 = arith.addf %add3A_532, %unpack3A_540 : vector<16xf32>
            %add3A_543 = arith.addf %add3A_533, %unpack3A_541 : vector<16xf32>
            %get3A_544 = arith.constant 27 : i32
            %get3A_545 = arith.index_cast %and3A_208 : i32 to index
            %get3A_546 = arith.index_cast %get3A_544 : i32 to index
            %get3A_547 = arith.index_cast %mul3A_235 : i32 to index
            %get3A_548 = tpu.vector_load %arg7[%get3A_545, %get3A_546, %get3A_547] {strides = array<i32>} : memref<2x128x128xi32, #tpu.memory_space<vmem>>, vector<16xi32>,
            %bitcast3A_549 = vector.bitcast %get3A_548 : vector<16xi32> to vector<32xbf16>
            %unpack3A_550 = tpu.unpack_subelements %bitcast3A_549, 0 {pack_format = #tpu.pack_format<interleaved>} : vector<32xbf16> -> vector<16xf32>
            %unpack3A_551 = tpu.unpack_subelements %bitcast3A_549, 1 {pack_format = #tpu.pack_format<interleaved>} : vector<32xbf16> -> vector<16xf32>
            %add3A_552 = arith.addf %add3A_542, %unpack3A_550 : vector<16xf32>
            %add3A_553 = arith.addf %add3A_543, %unpack3A_551 : vector<16xf32>
            %get3A_554 = arith.constant 28 : i32
            %get3A_555 = arith.index_cast %and3A_208 : i32 to index
            %get3A_556 = arith.index_cast %get3A_554 : i32 to index
            %get3A_557 = arith.index_cast %mul3A_235 : i32 to index
            %get3A_558 = tpu.vector_load %arg7[%get3A_555, %get3A_556, %get3A_557] {strides = array<i32>} : memref<2x128x128xi32, #tpu.memory_space<vmem>>, vector<16xi32>,
            %bitcast3A_559 = vector.bitcast %get3A_558 : vector<16xi32> to vector<32xbf16>
            %unpack3A_560 = tpu.unpack_subelements %bitcast3A_559, 0 {pack_format = #tpu.pack_format<interleaved>} : vector<32xbf16> -> vector<16xf32>
            %unpack3A_561 = tpu.unpack_subelements %bitcast3A_559, 1 {pack_format = #tpu.pack_format<interleaved>} : vector<32xbf16> -> vector<16xf32>
            %add3A_562 = arith.addf %add3A_552, %unpack3A_560 : vector<16xf32>
            %add3A_563 = arith.addf %add3A_553, %unpack3A_561 : vector<16xf32>
            %get3A_564 = arith.constant 29 : i32
            %get3A_565 = arith.index_cast %and3A_208 : i32 to index
            %get3A_566 = arith.index_cast %get3A_564 : i32 to index
            %get3A_567 = arith.index_cast %mul3A_235 : i32 to index
            %get3A_568 = tpu.vector_load %arg7[%get3A_565, %get3A_566, %get3A_567] {strides = array<i32>} : memref<2x128x128xi32, #tpu.memory_space<vmem>>, vector<16xi32>,
            %bitcast3A_569 = vector.bitcast %get3A_568 : vector<16xi32> to vector<32xbf16>
            %unpack3A_570 = tpu.unpack_subelements %bitcast3A_569, 0 {pack_format = #tpu.pack_format<interleaved>} : vector<32xbf16> -> vector<16xf32>
            %unpack3A_571 = tpu.unpack_subelements %bitcast3A_569, 1 {pack_format = #tpu.pack_format<interleaved>} : vector<32xbf16> -> vector<16xf32>
            %add3A_572 = arith.addf %add3A_562, %unpack3A_570 : vector<16xf32>
            %add3A_573 = arith.addf %add3A_563, %unpack3A_571 : vector<16xf32>
            %get3A_574 = arith.constant 30 : i32
            %get3A_575 = arith.index_cast %and3A_208 : i32 to index
            %get3A_576 = arith.index_cast %get3A_574 : i32 to index
            %get3A_577 = arith.index_cast %mul3A_235 : i32 to index
            %get3A_578 = tpu.vector_load %arg7[%get3A_575, %get3A_576, %get3A_577] {strides = array<i32>} : memref<2x128x128xi32, #tpu.memory_space<vmem>>, vector<16xi32>,
            %bitcast3A_579 = vector.bitcast %get3A_578 : vector<16xi32> to vector<32xbf16>
            %unpack3A_580 = tpu.unpack_subelements %bitcast3A_579, 0 {pack_format = #tpu.pack_format<interleaved>} : vector<32xbf16> -> vector<16xf32>
            %unpack3A_581 = tpu.unpack_subelements %bitcast3A_579, 1 {pack_format = #tpu.pack_format<interleaved>} : vector<32xbf16> -> vector<16xf32>
            %add3A_582 = arith.addf %add3A_572, %unpack3A_580 : vector<16xf32>
            %add3A_583 = arith.addf %add3A_573, %unpack3A_581 : vector<16xf32>
            %get3A_584 = arith.constant 31 : i32
            %get3A_585 = arith.index_cast %and3A_208 : i32 to index
            %get3A_586 = arith.index_cast %get3A_584 : i32 to index
            %get3A_587 = arith.index_cast %mul3A_235 : i32 to index
            %get3A_588 = tpu.vector_load %arg7[%get3A_585, %get3A_586, %get3A_587] {strides = array<i32>} : memref<2x128x128xi32, #tpu.memory_space<vmem>>, vector<16xi32>,
            %bitcast3A_589 = vector.bitcast %get3A_588 : vector<16xi32> to vector<32xbf16>
            %unpack3A_590 = tpu.unpack_subelements %bitcast3A_589, 0 {pack_format = #tpu.pack_format<interleaved>} : vector<32xbf16> -> vector<16xf32>
            %unpack3A_591 = tpu.unpack_subelements %bitcast3A_589, 1 {pack_format = #tpu.pack_format<interleaved>} : vector<32xbf16> -> vector<16xf32>
            %add3A_592 = arith.addf %add3A_582, %unpack3A_590 : vector<16xf32>
            %add3A_593 = arith.addf %add3A_583, %unpack3A_591 : vector<16xf32>
            %get3A_594 = arith.constant 32 : i32
            %get3A_595 = arith.index_cast %and3A_208 : i32 to index
            %get3A_596 = arith.index_cast %get3A_594 : i32 to index
            %get3A_597 = arith.index_cast %mul3A_235 : i32 to index
            %get3A_598 = tpu.vector_load %arg7[%get3A_595, %get3A_596, %get3A_597] {strides = array<i32>} : memref<2x128x128xi32, #tpu.memory_space<vmem>>, vector<16xi32>,
            %bitcast3A_599 = vector.bitcast %get3A_598 : vector<16xi32> to vector<32xbf16>
            %unpack3A_600 = tpu.unpack_subelements %bitcast3A_599, 0 {pack_format = #tpu.pack_format<interleaved>} : vector<32xbf16> -> vector<16xf32>
            %unpack3A_601 = tpu.unpack_subelements %bitcast3A_599, 1 {pack_format = #tpu.pack_format<interleaved>} : vector<32xbf16> -> vector<16xf32>
            %add3A_602 = arith.addf %add3A_592, %unpack3A_600 : vector<16xf32>
            %add3A_603 = arith.addf %add3A_593, %unpack3A_601 : vector<16xf32>
            %mul3A_604 = arith.constant 11 : i32
            %mul3A_605 = arith.muli %scan3A_203, %mul3A_604 : i32
            %add3A_606 = arith.constant 2 : i32
            %add3A_607 = arith.addi %mul3A_605, %add3A_606 : i32
            %get3A_608 = arith.index_cast %add3A_607 : i32 to index
            %get3A_609 = arith.index_cast %mul3A_239 : i32 to index
            %get3A_610 = tpu.vector_load %arg8[%get3A_608, %get3A_609] {strides = array<i32>} : memref<176x256xf32, #tpu.memory_space<vmem>>, vector<16xf32>,
            %add3A_611 = arith.addf %get3A_610, %add3A_602 : vector<16xf32>
            %swap3A_612 = arith.index_cast %add3A_607 : i32 to index
            %swap3A_613 = arith.index_cast %mul3A_239 : i32 to index
            %swap3A_614 = tpu.vector_load %arg8[%swap3A_612, %swap3A_613] {strides = array<i32>} : memref<176x256xf32, #tpu.memory_space<vmem>>, vector<16xf32>,
            tpu.vector_store %arg8[%swap3A_612, %swap3A_613], %add3A_611 {strides = array<i32>} : memref<176x256xf32, #tpu.memory_space<vmem>>, vector<16xf32>,
            %get3A_615 = arith.index_cast %add3A_607 : i32 to index
            %get3A_616 = arith.index_cast %add3A_245 : i32 to index
            %get3A_617 = tpu.vector_load %arg8[%get3A_615, %get3A_616] {strides = array<i32>} : memref<176x256xf32, #tpu.memory_space<vmem>>, vector<16xf32>,
            %add3A_618 = arith.addf %get3A_617, %add3A_603 : vector<16xf32>
            %swap3A_619 = arith.index_cast %add3A_607 : i32 to index
            %swap3A_620 = arith.index_cast %add3A_245 : i32 to index
            %swap3A_621 = tpu.vector_load %arg8[%swap3A_619, %swap3A_620] {strides = array<i32>} : memref<176x256xf32, #tpu.memory_space<vmem>>, vector<16xf32>,
            tpu.vector_store %arg8[%swap3A_619, %swap3A_620], %add3A_618 {strides = array<i32>} : memref<176x256xf32, #tpu.memory_space<vmem>>, vector<16xf32>,
            %get3A_622 = arith.constant 33 : i32
            %get3A_623 = arith.index_cast %and3A_208 : i32 to index
            %get3A_624 = arith.index_cast %get3A_622 : i32 to index
            %get3A_625 = arith.index_cast %mul3A_235 : i32 to index
            %get3A_626 = tpu.vector_load %arg7[%get3A_623, %get3A_624, %get3A_625] {strides = array<i32>} : memref<2x128x128xi32, #tpu.memory_space<vmem>>, vector<16xi32>,
            %bitcast3A_627 = vector.bitcast %get3A_626 : vector<16xi32> to vector<32xbf16>
            %unpack3A_628 = tpu.unpack_subelements %bitcast3A_627, 0 {pack_format = #tpu.pack_format<interleaved>} : vector<32xbf16> -> vector<16xf32>
            %unpack3A_629 = tpu.unpack_subelements %bitcast3A_627, 1 {pack_format = #tpu.pack_format<interleaved>} : vector<32xbf16> -> vector<16xf32>
            %get3A_630 = arith.constant 34 : i32
            %get3A_631 = arith.index_cast %and3A_208 : i32 to index
            %get3A_632 = arith.index_cast %get3A_630 : i32 to index
            %get3A_633 = arith.index_cast %mul3A_235 : i32 to index
            %get3A_634 = tpu.vector_load %arg7[%get3A_631, %get3A_632, %get3A_633] {strides = array<i32>} : memref<2x128x128xi32, #tpu.memory_space<vmem>>, vector<16xi32>,
            %bitcast3A_635 = vector.bitcast %get3A_634 : vector<16xi32> to vector<32xbf16>
            %unpack3A_636 = tpu.unpack_subelements %bitcast3A_635, 0 {pack_format = #tpu.pack_format<interleaved>} : vector<32xbf16> -> vector<16xf32>
            %unpack3A_637 = tpu.unpack_subelements %bitcast3A_635, 1 {pack_format = #tpu.pack_format<interleaved>} : vector<32xbf16> -> vector<16xf32>
            %add3A_638 = arith.addf %unpack3A_628, %unpack3A_636 : vector<16xf32>
            %add3A_639 = arith.addf %unpack3A_629, %unpack3A_637 : vector<16xf32>
            %get3A_640 = arith.constant 35 : i32
            %get3A_641 = arith.index_cast %and3A_208 : i32 to index
            %get3A_642 = arith.index_cast %get3A_640 : i32 to index
            %get3A_643 = arith.index_cast %mul3A_235 : i32 to index
            %get3A_644 = tpu.vector_load %arg7[%get3A_641, %get3A_642, %get3A_643] {strides = array<i32>} : memref<2x128x128xi32, #tpu.memory_space<vmem>>, vector<16xi32>,
            %bitcast3A_645 = vector.bitcast %get3A_644 : vector<16xi32> to vector<32xbf16>
            %unpack3A_646 = tpu.unpack_subelements %bitcast3A_645, 0 {pack_format = #tpu.pack_format<interleaved>} : vector<32xbf16> -> vector<16xf32>
            %unpack3A_647 = tpu.unpack_subelements %bitcast3A_645, 1 {pack_format = #tpu.pack_format<interleaved>} : vector<32xbf16> -> vector<16xf32>
            %add3A_648 = arith.addf %add3A_638, %unpack3A_646 : vector<16xf32>
            %add3A_649 = arith.addf %add3A_639, %unpack3A_647 : vector<16xf32>
            %get3A_650 = arith.constant 36 : i32
            %get3A_651 = arith.index_cast %and3A_208 : i32 to index
            %get3A_652 = arith.index_cast %get3A_650 : i32 to index
            %get3A_653 = arith.index_cast %mul3A_235 : i32 to index
            %get3A_654 = tpu.vector_load %arg7[%get3A_651, %get3A_652, %get3A_653] {strides = array<i32>} : memref<2x128x128xi32, #tpu.memory_space<vmem>>, vector<16xi32>,
            %bitcast3A_655 = vector.bitcast %get3A_654 : vector<16xi32> to vector<32xbf16>
            %unpack3A_656 = tpu.unpack_subelements %bitcast3A_655, 0 {pack_format = #tpu.pack_format<interleaved>} : vector<32xbf16> -> vector<16xf32>
            %unpack3A_657 = tpu.unpack_subelements %bitcast3A_655, 1 {pack_format = #tpu.pack_format<interleaved>} : vector<32xbf16> -> vector<16xf32>
            %add3A_658 = arith.addf %add3A_648, %unpack3A_656 : vector<16xf32>
            %add3A_659 = arith.addf %add3A_649, %unpack3A_657 : vector<16xf32>
            %get3A_660 = arith.constant 37 : i32
            %get3A_661 = arith.index_cast %and3A_208 : i32 to index
            %get3A_662 = arith.index_cast %get3A_660 : i32 to index
            %get3A_663 = arith.index_cast %mul3A_235 : i32 to index
            %get3A_664 = tpu.vector_load %arg7[%get3A_661, %get3A_662, %get3A_663] {strides = array<i32>} : memref<2x128x128xi32, #tpu.memory_space<vmem>>, vector<16xi32>,
            %bitcast3A_665 = vector.bitcast %get3A_664 : vector<16xi32> to vector<32xbf16>
            %unpack3A_666 = tpu.unpack_subelements %bitcast3A_665, 0 {pack_format = #tpu.pack_format<interleaved>} : vector<32xbf16> -> vector<16xf32>
            %unpack3A_667 = tpu.unpack_subelements %bitcast3A_665, 1 {pack_format = #tpu.pack_format<interleaved>} : vector<32xbf16> -> vector<16xf32>
            %add3A_668 = arith.addf %add3A_658, %unpack3A_666 : vector<16xf32>
            %add3A_669 = arith.addf %add3A_659, %unpack3A_667 : vector<16xf32>
            %get3A_670 = arith.constant 38 : i32
            %get3A_671 = arith.index_cast %and3A_208 : i32 to index
            %get3A_672 = arith.index_cast %get3A_670 : i32 to index
            %get3A_673 = arith.index_cast %mul3A_235 : i32 to index
            %get3A_674 = tpu.vector_load %arg7[%get3A_671, %get3A_672, %get3A_673] {strides = array<i32>} : memref<2x128x128xi32, #tpu.memory_space<vmem>>, vector<16xi32>,
            %bitcast3A_675 = vector.bitcast %get3A_674 : vector<16xi32> to vector<32xbf16>
            %unpack3A_676 = tpu.unpack_subelements %bitcast3A_675, 0 {pack_format = #tpu.pack_format<interleaved>} : vector<32xbf16> -> vector<16xf32>
            %unpack3A_677 = tpu.unpack_subelements %bitcast3A_675, 1 {pack_format = #tpu.pack_format<interleaved>} : vector<32xbf16> -> vector<16xf32>
            %add3A_678 = arith.addf %add3A_668, %unpack3A_676 : vector<16xf32>
            %add3A_679 = arith.addf %add3A_669, %unpack3A_677 : vector<16xf32>
            %get3A_680 = arith.constant 39 : i32
            %get3A_681 = arith.index_cast %and3A_208 : i32 to index
            %get3A_682 = arith.index_cast %get3A_680 : i32 to index
            %get3A_683 = arith.index_cast %mul3A_235 : i32 to index
            %get3A_684 = tpu.vector_load %arg7[%get3A_681, %get3A_682, %get3A_683] {strides = array<i32>} : memref<2x128x128xi32, #tpu.memory_space<vmem>>, vector<16xi32>,
            %bitcast3A_685 = vector.bitcast %get3A_684 : vector<16xi32> to vector<32xbf16>
            %unpack3A_686 = tpu.unpack_subelements %bitcast3A_685, 0 {pack_format = #tpu.pack_format<interleaved>} : vector<32xbf16> -> vector<16xf32>
            %unpack3A_687 = tpu.unpack_subelements %bitcast3A_685, 1 {pack_format = #tpu.pack_format<interleaved>} : vector<32xbf16> -> vector<16xf32>
            %add3A_688 = arith.addf %add3A_678, %unpack3A_686 : vector<16xf32>
            %add3A_689 = arith.addf %add3A_679, %unpack3A_687 : vector<16xf32>
            %get3A_690 = arith.constant 40 : i32
            %get3A_691 = arith.index_cast %and3A_208 : i32 to index
            %get3A_692 = arith.index_cast %get3A_690 : i32 to index
            %get3A_693 = arith.index_cast %mul3A_235 : i32 to index
            %get3A_694 = tpu.vector_load %arg7[%get3A_691, %get3A_692, %get3A_693] {strides = array<i32>} : memref<2x128x128xi32, #tpu.memory_space<vmem>>, vector<16xi32>,
            %bitcast3A_695 = vector.bitcast %get3A_694 : vector<16xi32> to vector<32xbf16>
            %unpack3A_696 = tpu.unpack_subelements %bitcast3A_695, 0 {pack_format = #tpu.pack_format<interleaved>} : vector<32xbf16> -> vector<16xf32>
            %unpack3A_697 = tpu.unpack_subelements %bitcast3A_695, 1 {pack_format = #tpu.pack_format<interleaved>} : vector<32xbf16> -> vector<16xf32>
            %add3A_698 = arith.addf %add3A_688, %unpack3A_696 : vector<16xf32>
            %add3A_699 = arith.addf %add3A_689, %unpack3A_697 : vector<16xf32>
            %get3A_700 = arith.constant 41 : i32
            %get3A_701 = arith.index_cast %and3A_208 : i32 to index
            %get3A_702 = arith.index_cast %get3A_700 : i32 to index
            %get3A_703 = arith.index_cast %mul3A_235 : i32 to index
            %get3A_704 = tpu.vector_load %arg7[%get3A_701, %get3A_702, %get3A_703] {strides = array<i32>} : memref<2x128x128xi32, #tpu.memory_space<vmem>>, vector<16xi32>,
            %bitcast3A_705 = vector.bitcast %get3A_704 : vector<16xi32> to vector<32xbf16>
            %unpack3A_706 = tpu.unpack_subelements %bitcast3A_705, 0 {pack_format = #tpu.pack_format<interleaved>} : vector<32xbf16> -> vector<16xf32>
            %unpack3A_707 = tpu.unpack_subelements %bitcast3A_705, 1 {pack_format = #tpu.pack_format<interleaved>} : vector<32xbf16> -> vector<16xf32>
            %add3A_708 = arith.addf %add3A_698, %unpack3A_706 : vector<16xf32>
            %add3A_709 = arith.addf %add3A_699, %unpack3A_707 : vector<16xf32>
            %get3A_710 = arith.constant 42 : i32
            %get3A_711 = arith.index_cast %and3A_208 : i32 to index
            %get3A_712 = arith.index_cast %get3A_710 : i32 to index
            %get3A_713 = arith.index_cast %mul3A_235 : i32 to index
            %get3A_714 = tpu.vector_load %arg7[%get3A_711, %get3A_712, %get3A_713] {strides = array<i32>} : memref<2x128x128xi32, #tpu.memory_space<vmem>>, vector<16xi32>,
            %bitcast3A_715 = vector.bitcast %get3A_714 : vector<16xi32> to vector<32xbf16>
            %unpack3A_716 = tpu.unpack_subelements %bitcast3A_715, 0 {pack_format = #tpu.pack_format<interleaved>} : vector<32xbf16> -> vector<16xf32>
            %unpack3A_717 = tpu.unpack_subelements %bitcast3A_715, 1 {pack_format = #tpu.pack_format<interleaved>} : vector<32xbf16> -> vector<16xf32>
            %add3A_718 = arith.addf %add3A_708, %unpack3A_716 : vector<16xf32>
            %add3A_719 = arith.addf %add3A_709, %unpack3A_717 : vector<16xf32>
            %get3A_720 = arith.constant 43 : i32
            %get3A_721 = arith.index_cast %and3A_208 : i32 to index
            %get3A_722 = arith.index_cast %get3A_720 : i32 to index
            %get3A_723 = arith.index_cast %mul3A_235 : i32 to index
            %get3A_724 = tpu.vector_load %arg7[%get3A_721, %get3A_722, %get3A_723] {strides = array<i32>} : memref<2x128x128xi32, #tpu.memory_space<vmem>>, vector<16xi32>,
            %bitcast3A_725 = vector.bitcast %get3A_724 : vector<16xi32> to vector<32xbf16>
            %unpack3A_726 = tpu.unpack_subelements %bitcast3A_725, 0 {pack_format = #tpu.pack_format<interleaved>} : vector<32xbf16> -> vector<16xf32>
            %unpack3A_727 = tpu.unpack_subelements %bitcast3A_725, 1 {pack_format = #tpu.pack_format<interleaved>} : vector<32xbf16> -> vector<16xf32>
            %add3A_728 = arith.addf %add3A_718, %unpack3A_726 : vector<16xf32>
            %add3A_729 = arith.addf %add3A_719, %unpack3A_727 : vector<16xf32>
            %mul3A_730 = arith.constant 11 : i32
            %mul3A_731 = arith.muli %scan3A_203, %mul3A_730 : i32
            %add3A_732 = arith.constant 3 : i32
            %add3A_733 = arith.addi %mul3A_731, %add3A_732 : i32
            %get3A_734 = arith.index_cast %add3A_733 : i32 to index
            %get3A_735 = arith.index_cast %mul3A_239 : i32 to index
            %get3A_736 = tpu.vector_load %arg8[%get3A_734, %get3A_735] {strides = array<i32>} : memref<176x256xf32, #tpu.memory_space<vmem>>, vector<16xf32>,
            %add3A_737 = arith.addf %get3A_736, %add3A_728 : vector<16xf32>
            %swap3A_738 = arith.index_cast %add3A_733 : i32 to index
            %swap3A_739 = arith.index_cast %mul3A_239 : i32 to index
            %swap3A_740 = tpu.vector_load %arg8[%swap3A_738, %swap3A_739] {strides = array<i32>} : memref<176x256xf32, #tpu.memory_space<vmem>>, vector<16xf32>,
            tpu.vector_store %arg8[%swap3A_738, %swap3A_739], %add3A_737 {strides = array<i32>} : memref<176x256xf32, #tpu.memory_space<vmem>>, vector<16xf32>,
            %get3A_741 = arith.index_cast %add3A_733 : i32 to index
            %get3A_742 = arith.index_cast %add3A_245 : i32 to index
            %get3A_743 = tpu.vector_load %arg8[%get3A_741, %get3A_742] {strides = array<i32>} : memref<176x256xf32, #tpu.memory_space<vmem>>, vector<16xf32>,
            %add3A_744 = arith.addf %get3A_743, %add3A_729 : vector<16xf32>
            %swap3A_745 = arith.index_cast %add3A_733 : i32 to index
            %swap3A_746 = arith.index_cast %add3A_245 : i32 to index
            %swap3A_747 = tpu.vector_load %arg8[%swap3A_745, %swap3A_746] {strides = array<i32>} : memref<176x256xf32, #tpu.memory_space<vmem>>, vector<16xf32>,
            tpu.vector_store %arg8[%swap3A_745, %swap3A_746], %add3A_744 {strides = array<i32>} : memref<176x256xf32, #tpu.memory_space<vmem>>, vector<16xf32>,
            %get3A_748 = arith.constant 44 : i32
            %get3A_749 = arith.index_cast %and3A_208 : i32 to index
            %get3A_750 = arith.index_cast %get3A_748 : i32 to index
            %get3A_751 = arith.index_cast %mul3A_235 : i32 to index
            %get3A_752 = tpu.vector_load %arg7[%get3A_749, %get3A_750, %get3A_751] {strides = array<i32>} : memref<2x128x128xi32, #tpu.memory_space<vmem>>, vector<16xi32>,
            %bitcast3A_753 = vector.bitcast %get3A_752 : vector<16xi32> to vector<32xbf16>
            %unpack3A_754 = tpu.unpack_subelements %bitcast3A_753, 0 {pack_format = #tpu.pack_format<interleaved>} : vector<32xbf16> -> vector<16xf32>
            %unpack3A_755 = tpu.unpack_subelements %bitcast3A_753, 1 {pack_format = #tpu.pack_format<interleaved>} : vector<32xbf16> -> vector<16xf32>
            %get3A_756 = arith.constant 45 : i32
            %get3A_757 = arith.index_cast %and3A_208 : i32 to index
            %get3A_758 = arith.index_cast %get3A_756 : i32 to index
            %get3A_759 = arith.index_cast %mul3A_235 : i32 to index
            %get3A_760 = tpu.vector_load %arg7[%get3A_757, %get3A_758, %get3A_759] {strides = array<i32>} : memref<2x128x128xi32, #tpu.memory_space<vmem>>, vector<16xi32>,
            %bitcast3A_761 = vector.bitcast %get3A_760 : vector<16xi32> to vector<32xbf16>
            %unpack3A_762 = tpu.unpack_subelements %bitcast3A_761, 0 {pack_format = #tpu.pack_format<interleaved>} : vector<32xbf16> -> vector<16xf32>
            %unpack3A_763 = tpu.unpack_subelements %bitcast3A_761, 1 {pack_format = #tpu.pack_format<interleaved>} : vector<32xbf16> -> vector<16xf32>
            %add3A_764 = arith.addf %unpack3A_754, %unpack3A_762 : vector<16xf32>
            %add3A_765 = arith.addf %unpack3A_755, %unpack3A_763 : vector<16xf32>
            %get3A_766 = arith.constant 46 : i32
            %get3A_767 = arith.index_cast %and3A_208 : i32 to index
            %get3A_768 = arith.index_cast %get3A_766 : i32 to index
            %get3A_769 = arith.index_cast %mul3A_235 : i32 to index
            %get3A_770 = tpu.vector_load %arg7[%get3A_767, %get3A_768, %get3A_769] {strides = array<i32>} : memref<2x128x128xi32, #tpu.memory_space<vmem>>, vector<16xi32>,
            %bitcast3A_771 = vector.bitcast %get3A_770 : vector<16xi32> to vector<32xbf16>
            %unpack3A_772 = tpu.unpack_subelements %bitcast3A_771, 0 {pack_format = #tpu.pack_format<interleaved>} : vector<32xbf16> -> vector<16xf32>
            %unpack3A_773 = tpu.unpack_subelements %bitcast3A_771, 1 {pack_format = #tpu.pack_format<interleaved>} : vector<32xbf16> -> vector<16xf32>
            %add3A_774 = arith.addf %add3A_764, %unpack3A_772 : vector<16xf32>
            %add3A_775 = arith.addf %add3A_765, %unpack3A_773 : vector<16xf32>
            %get3A_776 = arith.constant 47 : i32
            %get3A_777 = arith.index_cast %and3A_208 : i32 to index
            %get3A_778 = arith.index_cast %get3A_776 : i32 to index
            %get3A_779 = arith.index_cast %mul3A_235 : i32 to index
            %get3A_780 = tpu.vector_load %arg7[%get3A_777, %get3A_778, %get3A_779] {strides = array<i32>} : memref<2x128x128xi32, #tpu.memory_space<vmem>>, vector<16xi32>,
            %bitcast3A_781 = vector.bitcast %get3A_780 : vector<16xi32> to vector<32xbf16>
            %unpack3A_782 = tpu.unpack_subelements %bitcast3A_781, 0 {pack_format = #tpu.pack_format<interleaved>} : vector<32xbf16> -> vector<16xf32>
            %unpack3A_783 = tpu.unpack_subelements %bitcast3A_781, 1 {pack_format = #tpu.pack_format<interleaved>} : vector<32xbf16> -> vector<16xf32>
            %add3A_784 = arith.addf %add3A_774, %unpack3A_782 : vector<16xf32>
            %add3A_785 = arith.addf %add3A_775, %unpack3A_783 : vector<16xf32>
            %get3A_786 = arith.constant 48 : i32
            %get3A_787 = arith.index_cast %and3A_208 : i32 to index
            %get3A_788 = arith.index_cast %get3A_786 : i32 to index
            %get3A_789 = arith.index_cast %mul3A_235 : i32 to index
            %get3A_790 = tpu.vector_load %arg7[%get3A_787, %get3A_788, %get3A_789] {strides = array<i32>} : memref<2x128x128xi32, #tpu.memory_space<vmem>>, vector<16xi32>,
            %bitcast3A_791 = vector.bitcast %get3A_790 : vector<16xi32> to vector<32xbf16>
            %unpack3A_792 = tpu.unpack_subelements %bitcast3A_791, 0 {pack_format = #tpu.pack_format<interleaved>} : vector<32xbf16> -> vector<16xf32>
            %unpack3A_793 = tpu.unpack_subelements %bitcast3A_791, 1 {pack_format = #tpu.pack_format<interleaved>} : vector<32xbf16> -> vector<16xf32>
            %add3A_794 = arith.addf %add3A_784, %unpack3A_792 : vector<16xf32>
            %add3A_795 = arith.addf %add3A_785, %unpack3A_793 : vector<16xf32>
            %get3A_796 = arith.constant 49 : i32
            %get3A_797 = arith.index_cast %and3A_208 : i32 to index
            %get3A_798 = arith.index_cast %get3A_796 : i32 to index
            %get3A_799 = arith.index_cast %mul3A_235 : i32 to index
            %get3A_800 = tpu.vector_load %arg7[%get3A_797, %get3A_798, %get3A_799] {strides = array<i32>} : memref<2x128x128xi32, #tpu.memory_space<vmem>>, vector<16xi32>,
            %bitcast3A_801 = vector.bitcast %get3A_800 : vector<16xi32> to vector<32xbf16>
            %unpack3A_802 = tpu.unpack_subelements %bitcast3A_801, 0 {pack_format = #tpu.pack_format<interleaved>} : vector<32xbf16> -> vector<16xf32>
            %unpack3A_803 = tpu.unpack_subelements %bitcast3A_801, 1 {pack_format = #tpu.pack_format<interleaved>} : vector<32xbf16> -> vector<16xf32>
            %add3A_804 = arith.addf %add3A_794, %unpack3A_802 : vector<16xf32>
            %add3A_805 = arith.addf %add3A_795, %unpack3A_803 : vector<16xf32>
            %get3A_806 = arith.constant 50 : i32
            %get3A_807 = arith.index_cast %and3A_208 : i32 to index
            %get3A_808 = arith.index_cast %get3A_806 : i32 to index
            %get3A_809 = arith.index_cast %mul3A_235 : i32 to index
            %get3A_810 = tpu.vector_load %arg7[%get3A_807, %get3A_808, %get3A_809] {strides = array<i32>} : memref<2x128x128xi32, #tpu.memory_space<vmem>>, vector<16xi32>,
            %bitcast3A_811 = vector.bitcast %get3A_810 : vector<16xi32> to vector<32xbf16>
            %unpack3A_812 = tpu.unpack_subelements %bitcast3A_811, 0 {pack_format = #tpu.pack_format<interleaved>} : vector<32xbf16> -> vector<16xf32>
            %unpack3A_813 = tpu.unpack_subelements %bitcast3A_811, 1 {pack_format = #tpu.pack_format<interleaved>} : vector<32xbf16> -> vector<16xf32>
            %add3A_814 = arith.addf %add3A_804, %unpack3A_812 : vector<16xf32>
            %add3A_815 = arith.addf %add3A_805, %unpack3A_813 : vector<16xf32>
            %get3A_816 = arith.constant 51 : i32
            %get3A_817 = arith.index_cast %and3A_208 : i32 to index
            %get3A_818 = arith.index_cast %get3A_816 : i32 to index
            %get3A_819 = arith.index_cast %mul3A_235 : i32 to index
            %get3A_820 = tpu.vector_load %arg7[%get3A_817, %get3A_818, %get3A_819] {strides = array<i32>} : memref<2x128x128xi32, #tpu.memory_space<vmem>>, vector<16xi32>,
            %bitcast3A_821 = vector.bitcast %get3A_820 : vector<16xi32> to vector<32xbf16>
            %unpack3A_822 = tpu.unpack_subelements %bitcast3A_821, 0 {pack_format = #tpu.pack_format<interleaved>} : vector<32xbf16> -> vector<16xf32>
            %unpack3A_823 = tpu.unpack_subelements %bitcast3A_821, 1 {pack_format = #tpu.pack_format<interleaved>} : vector<32xbf16> -> vector<16xf32>
            %add3A_824 = arith.addf %add3A_814, %unpack3A_822 : vector<16xf32>
            %add3A_825 = arith.addf %add3A_815, %unpack3A_823 : vector<16xf32>
            %get3A_826 = arith.constant 52 : i32
            %get3A_827 = arith.index_cast %and3A_208 : i32 to index
            %get3A_828 = arith.index_cast %get3A_826 : i32 to index
            %get3A_829 = arith.index_cast %mul3A_235 : i32 to index
            %get3A_830 = tpu.vector_load %arg7[%get3A_827, %get3A_828, %get3A_829] {strides = array<i32>} : memref<2x128x128xi32, #tpu.memory_space<vmem>>, vector<16xi32>,
            %bitcast3A_831 = vector.bitcast %get3A_830 : vector<16xi32> to vector<32xbf16>
            %unpack3A_832 = tpu.unpack_subelements %bitcast3A_831, 0 {pack_format = #tpu.pack_format<interleaved>} : vector<32xbf16> -> vector<16xf32>
            %unpack3A_833 = tpu.unpack_subelements %bitcast3A_831, 1 {pack_format = #tpu.pack_format<interleaved>} : vector<32xbf16> -> vector<16xf32>
            %add3A_834 = arith.addf %add3A_824, %unpack3A_832 : vector<16xf32>
            %add3A_835 = arith.addf %add3A_825, %unpack3A_833 : vector<16xf32>
            %get3A_836 = arith.constant 53 : i32
            %get3A_837 = arith.index_cast %and3A_208 : i32 to index
            %get3A_838 = arith.index_cast %get3A_836 : i32 to index
            %get3A_839 = arith.index_cast %mul3A_235 : i32 to index
            %get3A_840 = tpu.vector_load %arg7[%get3A_837, %get3A_838, %get3A_839] {strides = array<i32>} : memref<2x128x128xi32, #tpu.memory_space<vmem>>, vector<16xi32>,
            %bitcast3A_841 = vector.bitcast %get3A_840 : vector<16xi32> to vector<32xbf16>
            %unpack3A_842 = tpu.unpack_subelements %bitcast3A_841, 0 {pack_format = #tpu.pack_format<interleaved>} : vector<32xbf16> -> vector<16xf32>
            %unpack3A_843 = tpu.unpack_subelements %bitcast3A_841, 1 {pack_format = #tpu.pack_format<interleaved>} : vector<32xbf16> -> vector<16xf32>
            %add3A_844 = arith.addf %add3A_834, %unpack3A_842 : vector<16xf32>
            %add3A_845 = arith.addf %add3A_835, %unpack3A_843 : vector<16xf32>
            %get3A_846 = arith.constant 54 : i32
            %get3A_847 = arith.index_cast %and3A_208 : i32 to index
            %get3A_848 = arith.index_cast %get3A_846 : i32 to index
            %get3A_849 = arith.index_cast %mul3A_235 : i32 to index
            %get3A_850 = tpu.vector_load %arg7[%get3A_847, %get3A_848, %get3A_849] {strides = array<i32>} : memref<2x128x128xi32, #tpu.memory_space<vmem>>, vector<16xi32>,
            %bitcast3A_851 = vector.bitcast %get3A_850 : vector<16xi32> to vector<32xbf16>
            %unpack3A_852 = tpu.unpack_subelements %bitcast3A_851, 0 {pack_format = #tpu.pack_format<interleaved>} : vector<32xbf16> -> vector<16xf32>
            %unpack3A_853 = tpu.unpack_subelements %bitcast3A_851, 1 {pack_format = #tpu.pack_format<interleaved>} : vector<32xbf16> -> vector<16xf32>
            %add3A_854 = arith.addf %add3A_844, %unpack3A_852 : vector<16xf32>
            %add3A_855 = arith.addf %add3A_845, %unpack3A_853 : vector<16xf32>
            %mul3A_856 = arith.constant 11 : i32
            %mul3A_857 = arith.muli %scan3A_203, %mul3A_856 : i32
            %add3A_858 = arith.constant 4 : i32
            %add3A_859 = arith.addi %mul3A_857, %add3A_858 : i32
            %get3A_860 = arith.index_cast %add3A_859 : i32 to index
            %get3A_861 = arith.index_cast %mul3A_239 : i32 to index
            %get3A_862 = tpu.vector_load %arg8[%get3A_860, %get3A_861] {strides = array<i32>} : memref<176x256xf32, #tpu.memory_space<vmem>>, vector<16xf32>,
            %add3A_863 = arith.addf %get3A_862, %add3A_854 : vector<16xf32>
            %swap3A_864 = arith.index_cast %add3A_859 : i32 to index
            %swap3A_865 = arith.index_cast %mul3A_239 : i32 to index
            %swap3A_866 = tpu.vector_load %arg8[%swap3A_864, %swap3A_865] {strides = array<i32>} : memref<176x256xf32, #tpu.memory_space<vmem>>, vector<16xf32>,
            tpu.vector_store %arg8[%swap3A_864, %swap3A_865], %add3A_863 {strides = array<i32>} : memref<176x256xf32, #tpu.memory_space<vmem>>, vector<16xf32>,
            %get3A_867 = arith.index_cast %add3A_859 : i32 to index
            %get3A_868 = arith.index_cast %add3A_245 : i32 to index
            %get3A_869 = tpu.vector_load %arg8[%get3A_867, %get3A_868] {strides = array<i32>} : memref<176x256xf32, #tpu.memory_space<vmem>>, vector<16xf32>,
            %add3A_870 = arith.addf %get3A_869, %add3A_855 : vector<16xf32>
            %swap3A_871 = arith.index_cast %add3A_859 : i32 to index
            %swap3A_872 = arith.index_cast %add3A_245 : i32 to index
            %swap3A_873 = tpu.vector_load %arg8[%swap3A_871, %swap3A_872] {strides = array<i32>} : memref<176x256xf32, #tpu.memory_space<vmem>>, vector<16xf32>,
            tpu.vector_store %arg8[%swap3A_871, %swap3A_872], %add3A_870 {strides = array<i32>} : memref<176x256xf32, #tpu.memory_space<vmem>>, vector<16xf32>,
            %get3A_874 = arith.constant 55 : i32
            %get3A_875 = arith.index_cast %and3A_208 : i32 to index
            %get3A_876 = arith.index_cast %get3A_874 : i32 to index
            %get3A_877 = arith.index_cast %mul3A_235 : i32 to index
            %get3A_878 = tpu.vector_load %arg7[%get3A_875, %get3A_876, %get3A_877] {strides = array<i32>} : memref<2x128x128xi32, #tpu.memory_space<vmem>>, vector<16xi32>,
            %bitcast3A_879 = vector.bitcast %get3A_878 : vector<16xi32> to vector<32xbf16>
            %unpack3A_880 = tpu.unpack_subelements %bitcast3A_879, 0 {pack_format = #tpu.pack_format<interleaved>} : vector<32xbf16> -> vector<16xf32>
            %unpack3A_881 = tpu.unpack_subelements %bitcast3A_879, 1 {pack_format = #tpu.pack_format<interleaved>} : vector<32xbf16> -> vector<16xf32>
            %get3A_882 = arith.constant 56 : i32
            %get3A_883 = arith.index_cast %and3A_208 : i32 to index
            %get3A_884 = arith.index_cast %get3A_882 : i32 to index
            %get3A_885 = arith.index_cast %mul3A_235 : i32 to index
            %get3A_886 = tpu.vector_load %arg7[%get3A_883, %get3A_884, %get3A_885] {strides = array<i32>} : memref<2x128x128xi32, #tpu.memory_space<vmem>>, vector<16xi32>,
            %bitcast3A_887 = vector.bitcast %get3A_886 : vector<16xi32> to vector<32xbf16>
            %unpack3A_888 = tpu.unpack_subelements %bitcast3A_887, 0 {pack_format = #tpu.pack_format<interleaved>} : vector<32xbf16> -> vector<16xf32>
            %unpack3A_889 = tpu.unpack_subelements %bitcast3A_887, 1 {pack_format = #tpu.pack_format<interleaved>} : vector<32xbf16> -> vector<16xf32>
            %add3A_890 = arith.addf %unpack3A_880, %unpack3A_888 : vector<16xf32>
            %add3A_891 = arith.addf %unpack3A_881, %unpack3A_889 : vector<16xf32>
            %get3A_892 = arith.constant 57 : i32
            %get3A_893 = arith.index_cast %and3A_208 : i32 to index
            %get3A_894 = arith.index_cast %get3A_892 : i32 to index
            %get3A_895 = arith.index_cast %mul3A_235 : i32 to index
            %get3A_896 = tpu.vector_load %arg7[%get3A_893, %get3A_894, %get3A_895] {strides = array<i32>} : memref<2x128x128xi32, #tpu.memory_space<vmem>>, vector<16xi32>,
            %bitcast3A_897 = vector.bitcast %get3A_896 : vector<16xi32> to vector<32xbf16>
            %unpack3A_898 = tpu.unpack_subelements %bitcast3A_897, 0 {pack_format = #tpu.pack_format<interleaved>} : vector<32xbf16> -> vector<16xf32>
            %unpack3A_899 = tpu.unpack_subelements %bitcast3A_897, 1 {pack_format = #tpu.pack_format<interleaved>} : vector<32xbf16> -> vector<16xf32>
            %add3A_900 = arith.addf %add3A_890, %unpack3A_898 : vector<16xf32>
            %add3A_901 = arith.addf %add3A_891, %unpack3A_899 : vector<16xf32>
            %get3A_902 = arith.constant 58 : i32
            %get3A_903 = arith.index_cast %and3A_208 : i32 to index
            %get3A_904 = arith.index_cast %get3A_902 : i32 to index
            %get3A_905 = arith.index_cast %mul3A_235 : i32 to index
            %get3A_906 = tpu.vector_load %arg7[%get3A_903, %get3A_904, %get3A_905] {strides = array<i32>} : memref<2x128x128xi32, #tpu.memory_space<vmem>>, vector<16xi32>,
            %bitcast3A_907 = vector.bitcast %get3A_906 : vector<16xi32> to vector<32xbf16>
            %unpack3A_908 = tpu.unpack_subelements %bitcast3A_907, 0 {pack_format = #tpu.pack_format<interleaved>} : vector<32xbf16> -> vector<16xf32>
            %unpack3A_909 = tpu.unpack_subelements %bitcast3A_907, 1 {pack_format = #tpu.pack_format<interleaved>} : vector<32xbf16> -> vector<16xf32>
            %add3A_910 = arith.addf %add3A_900, %unpack3A_908 : vector<16xf32>
            %add3A_911 = arith.addf %add3A_901, %unpack3A_909 : vector<16xf32>
            %get3A_912 = arith.constant 59 : i32
            %get3A_913 = arith.index_cast %and3A_208 : i32 to index
            %get3A_914 = arith.index_cast %get3A_912 : i32 to index
            %get3A_915 = arith.index_cast %mul3A_235 : i32 to index
            %get3A_916 = tpu.vector_load %arg7[%get3A_913, %get3A_914, %get3A_915] {strides = array<i32>} : memref<2x128x128xi32, #tpu.memory_space<vmem>>, vector<16xi32>,
            %bitcast3A_917 = vector.bitcast %get3A_916 : vector<16xi32> to vector<32xbf16>
            %unpack3A_918 = tpu.unpack_subelements %bitcast3A_917, 0 {pack_format = #tpu.pack_format<interleaved>} : vector<32xbf16> -> vector<16xf32>
            %unpack3A_919 = tpu.unpack_subelements %bitcast3A_917, 1 {pack_format = #tpu.pack_format<interleaved>} : vector<32xbf16> -> vector<16xf32>
            %add3A_920 = arith.addf %add3A_910, %unpack3A_918 : vector<16xf32>
            %add3A_921 = arith.addf %add3A_911, %unpack3A_919 : vector<16xf32>
            %get3A_922 = arith.constant 60 : i32
            %get3A_923 = arith.index_cast %and3A_208 : i32 to index
            %get3A_924 = arith.index_cast %get3A_922 : i32 to index
            %get3A_925 = arith.index_cast %mul3A_235 : i32 to index
            %get3A_926 = tpu.vector_load %arg7[%get3A_923, %get3A_924, %get3A_925] {strides = array<i32>} : memref<2x128x128xi32, #tpu.memory_space<vmem>>, vector<16xi32>,
            %bitcast3A_927 = vector.bitcast %get3A_926 : vector<16xi32> to vector<32xbf16>
            %unpack3A_928 = tpu.unpack_subelements %bitcast3A_927, 0 {pack_format = #tpu.pack_format<interleaved>} : vector<32xbf16> -> vector<16xf32>
            %unpack3A_929 = tpu.unpack_subelements %bitcast3A_927, 1 {pack_format = #tpu.pack_format<interleaved>} : vector<32xbf16> -> vector<16xf32>
            %add3A_930 = arith.addf %add3A_920, %unpack3A_928 : vector<16xf32>
            %add3A_931 = arith.addf %add3A_921, %unpack3A_929 : vector<16xf32>
            %get3A_932 = arith.constant 61 : i32
            %get3A_933 = arith.index_cast %and3A_208 : i32 to index
            %get3A_934 = arith.index_cast %get3A_932 : i32 to index
            %get3A_935 = arith.index_cast %mul3A_235 : i32 to index
            %get3A_936 = tpu.vector_load %arg7[%get3A_933, %get3A_934, %get3A_935] {strides = array<i32>} : memref<2x128x128xi32, #tpu.memory_space<vmem>>, vector<16xi32>,
            %bitcast3A_937 = vector.bitcast %get3A_936 : vector<16xi32> to vector<32xbf16>
            %unpack3A_938 = tpu.unpack_subelements %bitcast3A_937, 0 {pack_format = #tpu.pack_format<interleaved>} : vector<32xbf16> -> vector<16xf32>
            %unpack3A_939 = tpu.unpack_subelements %bitcast3A_937, 1 {pack_format = #tpu.pack_format<interleaved>} : vector<32xbf16> -> vector<16xf32>
            %add3A_940 = arith.addf %add3A_930, %unpack3A_938 : vector<16xf32>
            %add3A_941 = arith.addf %add3A_931, %unpack3A_939 : vector<16xf32>
            %get3A_942 = arith.constant 62 : i32
            %get3A_943 = arith.index_cast %and3A_208 : i32 to index
            %get3A_944 = arith.index_cast %get3A_942 : i32 to index
            %get3A_945 = arith.index_cast %mul3A_235 : i32 to index
            %get3A_946 = tpu.vector_load %arg7[%get3A_943, %get3A_944, %get3A_945] {strides = array<i32>} : memref<2x128x128xi32, #tpu.memory_space<vmem>>, vector<16xi32>,
            %bitcast3A_947 = vector.bitcast %get3A_946 : vector<16xi32> to vector<32xbf16>
            %unpack3A_948 = tpu.unpack_subelements %bitcast3A_947, 0 {pack_format = #tpu.pack_format<interleaved>} : vector<32xbf16> -> vector<16xf32>
            %unpack3A_949 = tpu.unpack_subelements %bitcast3A_947, 1 {pack_format = #tpu.pack_format<interleaved>} : vector<32xbf16> -> vector<16xf32>
            %add3A_950 = arith.addf %add3A_940, %unpack3A_948 : vector<16xf32>
            %add3A_951 = arith.addf %add3A_941, %unpack3A_949 : vector<16xf32>
            %get3A_952 = arith.constant 63 : i32
            %get3A_953 = arith.index_cast %and3A_208 : i32 to index
            %get3A_954 = arith.index_cast %get3A_952 : i32 to index
            %get3A_955 = arith.index_cast %mul3A_235 : i32 to index
            %get3A_956 = tpu.vector_load %arg7[%get3A_953, %get3A_954, %get3A_955] {strides = array<i32>} : memref<2x128x128xi32, #tpu.memory_space<vmem>>, vector<16xi32>,
            %bitcast3A_957 = vector.bitcast %get3A_956 : vector<16xi32> to vector<32xbf16>
            %unpack3A_958 = tpu.unpack_subelements %bitcast3A_957, 0 {pack_format = #tpu.pack_format<interleaved>} : vector<32xbf16> -> vector<16xf32>
            %unpack3A_959 = tpu.unpack_subelements %bitcast3A_957, 1 {pack_format = #tpu.pack_format<interleaved>} : vector<32xbf16> -> vector<16xf32>
            %add3A_960 = arith.addf %add3A_950, %unpack3A_958 : vector<16xf32>
            %add3A_961 = arith.addf %add3A_951, %unpack3A_959 : vector<16xf32>
            %get3A_962 = arith.constant 64 : i32
            %get3A_963 = arith.index_cast %and3A_208 : i32 to index
            %get3A_964 = arith.index_cast %get3A_962 : i32 to index
            %get3A_965 = arith.index_cast %mul3A_235 : i32 to index
            %get3A_966 = tpu.vector_load %arg7[%get3A_963, %get3A_964, %get3A_965] {strides = array<i32>} : memref<2x128x128xi32, #tpu.memory_space<vmem>>, vector<16xi32>,
            %bitcast3A_967 = vector.bitcast %get3A_966 : vector<16xi32> to vector<32xbf16>
            %unpack3A_968 = tpu.unpack_subelements %bitcast3A_967, 0 {pack_format = #tpu.pack_format<interleaved>} : vector<32xbf16> -> vector<16xf32>
            %unpack3A_969 = tpu.unpack_subelements %bitcast3A_967, 1 {pack_format = #tpu.pack_format<interleaved>} : vector<32xbf16> -> vector<16xf32>
            %add3A_970 = arith.addf %add3A_960, %unpack3A_968 : vector<16xf32>
            %add3A_971 = arith.addf %add3A_961, %unpack3A_969 : vector<16xf32>
            %get3A_972 = arith.constant 65 : i32
            %get3A_973 = arith.index_cast %and3A_208 : i32 to index
            %get3A_974 = arith.index_cast %get3A_972 : i32 to index
            %get3A_975 = arith.index_cast %mul3A_235 : i32 to index
            %get3A_976 = tpu.vector_load %arg7[%get3A_973, %get3A_974, %get3A_975] {strides = array<i32>} : memref<2x128x128xi32, #tpu.memory_space<vmem>>, vector<16xi32>,
            %bitcast3A_977 = vector.bitcast %get3A_976 : vector<16xi32> to vector<32xbf16>
            %unpack3A_978 = tpu.unpack_subelements %bitcast3A_977, 0 {pack_format = #tpu.pack_format<interleaved>} : vector<32xbf16> -> vector<16xf32>
            %unpack3A_979 = tpu.unpack_subelements %bitcast3A_977, 1 {pack_format = #tpu.pack_format<interleaved>} : vector<32xbf16> -> vector<16xf32>
            %add3A_980 = arith.addf %add3A_970, %unpack3A_978 : vector<16xf32>
            %add3A_981 = arith.addf %add3A_971, %unpack3A_979 : vector<16xf32>
            %mul3A_982 = arith.constant 11 : i32
            %mul3A_983 = arith.muli %scan3A_203, %mul3A_982 : i32
            %add3A_984 = arith.constant 5 : i32
            %add3A_985 = arith.addi %mul3A_983, %add3A_984 : i32
            %get3A_986 = arith.index_cast %add3A_985 : i32 to index
            %get3A_987 = arith.index_cast %mul3A_239 : i32 to index
            %get3A_988 = tpu.vector_load %arg8[%get3A_986, %get3A_987] {strides = array<i32>} : memref<176x256xf32, #tpu.memory_space<vmem>>, vector<16xf32>,
            %add3A_989 = arith.addf %get3A_988, %add3A_980 : vector<16xf32>
            %swap3A_990 = arith.index_cast %add3A_985 : i32 to index
            %swap3A_991 = arith.index_cast %mul3A_239 : i32 to index
            %swap3A_992 = tpu.vector_load %arg8[%swap3A_990, %swap3A_991] {strides = array<i32>} : memref<176x256xf32, #tpu.memory_space<vmem>>, vector<16xf32>,
            tpu.vector_store %arg8[%swap3A_990, %swap3A_991], %add3A_989 {strides = array<i32>} : memref<176x256xf32, #tpu.memory_space<vmem>>, vector<16xf32>,
            %get3A_993 = arith.index_cast %add3A_985 : i32 to index
            %get3A_994 = arith.index_cast %add3A_245 : i32 to index
            %get3A_995 = tpu.vector_load %arg8[%get3A_993, %get3A_994] {strides = array<i32>} : memref<176x256xf32, #tpu.memory_space<vmem>>, vector<16xf32>,
            %add3A_996 = arith.addf %get3A_995, %add3A_981 : vector<16xf32>
            %swap3A_997 = arith.index_cast %add3A_985 : i32 to index
            %swap3A_998 = arith.index_cast %add3A_245 : i32 to index
            %swap3A_999 = tpu.vector_load %arg8[%swap3A_997, %swap3A_998] {strides = array<i32>} : memref<176x256xf32, #tpu.memory_space<vmem>>, vector<16xf32>,
            tpu.vector_store %arg8[%swap3A_997, %swap3A_998], %add3A_996 {strides = array<i32>} : memref<176x256xf32, #tpu.memory_space<vmem>>, vector<16xf32>,
            %get3A_1000 = arith.constant 66 : i32
            %get3A_1001 = arith.index_cast %and3A_208 : i32 to index
            %get3A_1002 = arith.index_cast %get3A_1000 : i32 to index
            %get3A_1003 = arith.index_cast %mul3A_235 : i32 to index
            %get3A_1004 = tpu.vector_load %arg7[%get3A_1001, %get3A_1002, %get3A_1003] {strides = array<i32>} : memref<2x128x128xi32, #tpu.memory_space<vmem>>, vector<16xi32>,
            %bitcast3A_1005 = vector.bitcast %get3A_1004 : vector<16xi32> to vector<32xbf16>
            %unpack3A_1006 = tpu.unpack_subelements %bitcast3A_1005, 0 {pack_format = #tpu.pack_format<interleaved>} : vector<32xbf16> -> vector<16xf32>
            %unpack3A_1007 = tpu.unpack_subelements %bitcast3A_1005, 1 {pack_format = #tpu.pack_format<interleaved>} : vector<32xbf16> -> vector<16xf32>
            %get3A_1008 = arith.constant 67 : i32
            %get3A_1009 = arith.index_cast %and3A_208 : i32 to index
            %get3A_1010 = arith.index_cast %get3A_1008 : i32 to index
            %get3A_1011 = arith.index_cast %mul3A_235 : i32 to index
            %get3A_1012 = tpu.vector_load %arg7[%get3A_1009, %get3A_1010, %get3A_1011] {strides = array<i32>} : memref<2x128x128xi32, #tpu.memory_space<vmem>>, vector<16xi32>,
            %bitcast3A_1013 = vector.bitcast %get3A_1012 : vector<16xi32> to vector<32xbf16>
            %unpack3A_1014 = tpu.unpack_subelements %bitcast3A_1013, 0 {pack_format = #tpu.pack_format<interleaved>} : vector<32xbf16> -> vector<16xf32>
            %unpack3A_1015 = tpu.unpack_subelements %bitcast3A_1013, 1 {pack_format = #tpu.pack_format<interleaved>} : vector<32xbf16> -> vector<16xf32>
            %add3A_1016 = arith.addf %unpack3A_1006, %unpack3A_1014 : vector<16xf32>
            %add3A_1017 = arith.addf %unpack3A_1007, %unpack3A_1015 : vector<16xf32>
            %get3A_1018 = arith.constant 68 : i32
            %get3A_1019 = arith.index_cast %and3A_208 : i32 to index
            %get3A_1020 = arith.index_cast %get3A_1018 : i32 to index
            %get3A_1021 = arith.index_cast %mul3A_235 : i32 to index
            %get3A_1022 = tpu.vector_load %arg7[%get3A_1019, %get3A_1020, %get3A_1021] {strides = array<i32>} : memref<2x128x128xi32, #tpu.memory_space<vmem>>, vector<16xi32>,
            %bitcast3A_1023 = vector.bitcast %get3A_1022 : vector<16xi32> to vector<32xbf16>
            %unpack3A_1024 = tpu.unpack_subelements %bitcast3A_1023, 0 {pack_format = #tpu.pack_format<interleaved>} : vector<32xbf16> -> vector<16xf32>
            %unpack3A_1025 = tpu.unpack_subelements %bitcast3A_1023, 1 {pack_format = #tpu.pack_format<interleaved>} : vector<32xbf16> -> vector<16xf32>
            %add3A_1026 = arith.addf %add3A_1016, %unpack3A_1024 : vector<16xf32>
            %add3A_1027 = arith.addf %add3A_1017, %unpack3A_1025 : vector<16xf32>
            %get3A_1028 = arith.constant 69 : i32
            %get3A_1029 = arith.index_cast %and3A_208 : i32 to index
            %get3A_1030 = arith.index_cast %get3A_1028 : i32 to index
            %get3A_1031 = arith.index_cast %mul3A_235 : i32 to index
            %get3A_1032 = tpu.vector_load %arg7[%get3A_1029, %get3A_1030, %get3A_1031] {strides = array<i32>} : memref<2x128x128xi32, #tpu.memory_space<vmem>>, vector<16xi32>,
            %bitcast3A_1033 = vector.bitcast %get3A_1032 : vector<16xi32> to vector<32xbf16>
            %unpack3A_1034 = tpu.unpack_subelements %bitcast3A_1033, 0 {pack_format = #tpu.pack_format<interleaved>} : vector<32xbf16> -> vector<16xf32>
            %unpack3A_1035 = tpu.unpack_subelements %bitcast3A_1033, 1 {pack_format = #tpu.pack_format<interleaved>} : vector<32xbf16> -> vector<16xf32>
            %add3A_1036 = arith.addf %add3A_1026, %unpack3A_1034 : vector<16xf32>
            %add3A_1037 = arith.addf %add3A_1027, %unpack3A_1035 : vector<16xf32>
            %get3A_1038 = arith.constant 70 : i32
            %get3A_1039 = arith.index_cast %and3A_208 : i32 to index
            %get3A_1040 = arith.index_cast %get3A_1038 : i32 to index
            %get3A_1041 = arith.index_cast %mul3A_235 : i32 to index
            %get3A_1042 = tpu.vector_load %arg7[%get3A_1039, %get3A_1040, %get3A_1041] {strides = array<i32>} : memref<2x128x128xi32, #tpu.memory_space<vmem>>, vector<16xi32>,
            %bitcast3A_1043 = vector.bitcast %get3A_1042 : vector<16xi32> to vector<32xbf16>
            %unpack3A_1044 = tpu.unpack_subelements %bitcast3A_1043, 0 {pack_format = #tpu.pack_format<interleaved>} : vector<32xbf16> -> vector<16xf32>
            %unpack3A_1045 = tpu.unpack_subelements %bitcast3A_1043, 1 {pack_format = #tpu.pack_format<interleaved>} : vector<32xbf16> -> vector<16xf32>
            %add3A_1046 = arith.addf %add3A_1036, %unpack3A_1044 : vector<16xf32>
            %add3A_1047 = arith.addf %add3A_1037, %unpack3A_1045 : vector<16xf32>
            %get3A_1048 = arith.constant 71 : i32
            %get3A_1049 = arith.index_cast %and3A_208 : i32 to index
            %get3A_1050 = arith.index_cast %get3A_1048 : i32 to index
            %get3A_1051 = arith.index_cast %mul3A_235 : i32 to index
            %get3A_1052 = tpu.vector_load %arg7[%get3A_1049, %get3A_1050, %get3A_1051] {strides = array<i32>} : memref<2x128x128xi32, #tpu.memory_space<vmem>>, vector<16xi32>,
            %bitcast3A_1053 = vector.bitcast %get3A_1052 : vector<16xi32> to vector<32xbf16>
            %unpack3A_1054 = tpu.unpack_subelements %bitcast3A_1053, 0 {pack_format = #tpu.pack_format<interleaved>} : vector<32xbf16> -> vector<16xf32>
            %unpack3A_1055 = tpu.unpack_subelements %bitcast3A_1053, 1 {pack_format = #tpu.pack_format<interleaved>} : vector<32xbf16> -> vector<16xf32>
            %add3A_1056 = arith.addf %add3A_1046, %unpack3A_1054 : vector<16xf32>
            %add3A_1057 = arith.addf %add3A_1047, %unpack3A_1055 : vector<16xf32>
            %get3A_1058 = arith.constant 72 : i32
            %get3A_1059 = arith.index_cast %and3A_208 : i32 to index
            %get3A_1060 = arith.index_cast %get3A_1058 : i32 to index
            %get3A_1061 = arith.index_cast %mul3A_235 : i32 to index
            %get3A_1062 = tpu.vector_load %arg7[%get3A_1059, %get3A_1060, %get3A_1061] {strides = array<i32>} : memref<2x128x128xi32, #tpu.memory_space<vmem>>, vector<16xi32>,
            %bitcast3A_1063 = vector.bitcast %get3A_1062 : vector<16xi32> to vector<32xbf16>
            %unpack3A_1064 = tpu.unpack_subelements %bitcast3A_1063, 0 {pack_format = #tpu.pack_format<interleaved>} : vector<32xbf16> -> vector<16xf32>
            %unpack3A_1065 = tpu.unpack_subelements %bitcast3A_1063, 1 {pack_format = #tpu.pack_format<interleaved>} : vector<32xbf16> -> vector<16xf32>
            %add3A_1066 = arith.addf %add3A_1056, %unpack3A_1064 : vector<16xf32>
            %add3A_1067 = arith.addf %add3A_1057, %unpack3A_1065 : vector<16xf32>
            %get3A_1068 = arith.constant 73 : i32
            %get3A_1069 = arith.index_cast %and3A_208 : i32 to index
            %get3A_1070 = arith.index_cast %get3A_1068 : i32 to index
            %get3A_1071 = arith.index_cast %mul3A_235 : i32 to index
            %get3A_1072 = tpu.vector_load %arg7[%get3A_1069, %get3A_1070, %get3A_1071] {strides = array<i32>} : memref<2x128x128xi32, #tpu.memory_space<vmem>>, vector<16xi32>,
            %bitcast3A_1073 = vector.bitcast %get3A_1072 : vector<16xi32> to vector<32xbf16>
            %unpack3A_1074 = tpu.unpack_subelements %bitcast3A_1073, 0 {pack_format = #tpu.pack_format<interleaved>} : vector<32xbf16> -> vector<16xf32>
            %unpack3A_1075 = tpu.unpack_subelements %bitcast3A_1073, 1 {pack_format = #tpu.pack_format<interleaved>} : vector<32xbf16> -> vector<16xf32>
            %add3A_1076 = arith.addf %add3A_1066, %unpack3A_1074 : vector<16xf32>
            %add3A_1077 = arith.addf %add3A_1067, %unpack3A_1075 : vector<16xf32>
            %get3A_1078 = arith.constant 74 : i32
            %get3A_1079 = arith.index_cast %and3A_208 : i32 to index
            %get3A_1080 = arith.index_cast %get3A_1078 : i32 to index
            %get3A_1081 = arith.index_cast %mul3A_235 : i32 to index
            %get3A_1082 = tpu.vector_load %arg7[%get3A_1079, %get3A_1080, %get3A_1081] {strides = array<i32>} : memref<2x128x128xi32, #tpu.memory_space<vmem>>, vector<16xi32>,
            %bitcast3A_1083 = vector.bitcast %get3A_1082 : vector<16xi32> to vector<32xbf16>
            %unpack3A_1084 = tpu.unpack_subelements %bitcast3A_1083, 0 {pack_format = #tpu.pack_format<interleaved>} : vector<32xbf16> -> vector<16xf32>
            %unpack3A_1085 = tpu.unpack_subelements %bitcast3A_1083, 1 {pack_format = #tpu.pack_format<interleaved>} : vector<32xbf16> -> vector<16xf32>
            %add3A_1086 = arith.addf %add3A_1076, %unpack3A_1084 : vector<16xf32>
            %add3A_1087 = arith.addf %add3A_1077, %unpack3A_1085 : vector<16xf32>
            %get3A_1088 = arith.constant 75 : i32
            %get3A_1089 = arith.index_cast %and3A_208 : i32 to index
            %get3A_1090 = arith.index_cast %get3A_1088 : i32 to index
            %get3A_1091 = arith.index_cast %mul3A_235 : i32 to index
            %get3A_1092 = tpu.vector_load %arg7[%get3A_1089, %get3A_1090, %get3A_1091] {strides = array<i32>} : memref<2x128x128xi32, #tpu.memory_space<vmem>>, vector<16xi32>,
            %bitcast3A_1093 = vector.bitcast %get3A_1092 : vector<16xi32> to vector<32xbf16>
            %unpack3A_1094 = tpu.unpack_subelements %bitcast3A_1093, 0 {pack_format = #tpu.pack_format<interleaved>} : vector<32xbf16> -> vector<16xf32>
            %unpack3A_1095 = tpu.unpack_subelements %bitcast3A_1093, 1 {pack_format = #tpu.pack_format<interleaved>} : vector<32xbf16> -> vector<16xf32>
            %add3A_1096 = arith.addf %add3A_1086, %unpack3A_1094 : vector<16xf32>
            %add3A_1097 = arith.addf %add3A_1087, %unpack3A_1095 : vector<16xf32>
            %get3A_1098 = arith.constant 76 : i32
            %get3A_1099 = arith.index_cast %and3A_208 : i32 to index
            %get3A_1100 = arith.index_cast %get3A_1098 : i32 to index
            %get3A_1101 = arith.index_cast %mul3A_235 : i32 to index
            %get3A_1102 = tpu.vector_load %arg7[%get3A_1099, %get3A_1100, %get3A_1101] {strides = array<i32>} : memref<2x128x128xi32, #tpu.memory_space<vmem>>, vector<16xi32>,
            %bitcast3A_1103 = vector.bitcast %get3A_1102 : vector<16xi32> to vector<32xbf16>
            %unpack3A_1104 = tpu.unpack_subelements %bitcast3A_1103, 0 {pack_format = #tpu.pack_format<interleaved>} : vector<32xbf16> -> vector<16xf32>
            %unpack3A_1105 = tpu.unpack_subelements %bitcast3A_1103, 1 {pack_format = #tpu.pack_format<interleaved>} : vector<32xbf16> -> vector<16xf32>
            %add3A_1106 = arith.addf %add3A_1096, %unpack3A_1104 : vector<16xf32>
            %add3A_1107 = arith.addf %add3A_1097, %unpack3A_1105 : vector<16xf32>
            %mul3A_1108 = arith.constant 11 : i32
            %mul3A_1109 = arith.muli %scan3A_203, %mul3A_1108 : i32
            %add3A_1110 = arith.constant 6 : i32
            %add3A_1111 = arith.addi %mul3A_1109, %add3A_1110 : i32
            %get3A_1112 = arith.index_cast %add3A_1111 : i32 to index
            %get3A_1113 = arith.index_cast %mul3A_239 : i32 to index
            %get3A_1114 = tpu.vector_load %arg8[%get3A_1112, %get3A_1113] {strides = array<i32>} : memref<176x256xf32, #tpu.memory_space<vmem>>, vector<16xf32>,
            %add3A_1115 = arith.addf %get3A_1114, %add3A_1106 : vector<16xf32>
            %swap3A_1116 = arith.index_cast %add3A_1111 : i32 to index
            %swap3A_1117 = arith.index_cast %mul3A_239 : i32 to index
            %swap3A_1118 = tpu.vector_load %arg8[%swap3A_1116, %swap3A_1117] {strides = array<i32>} : memref<176x256xf32, #tpu.memory_space<vmem>>, vector<16xf32>,
            tpu.vector_store %arg8[%swap3A_1116, %swap3A_1117], %add3A_1115 {strides = array<i32>} : memref<176x256xf32, #tpu.memory_space<vmem>>, vector<16xf32>,
            %get3A_1119 = arith.index_cast %add3A_1111 : i32 to index
            %get3A_1120 = arith.index_cast %add3A_245 : i32 to index
            %get3A_1121 = tpu.vector_load %arg8[%get3A_1119, %get3A_1120] {strides = array<i32>} : memref<176x256xf32, #tpu.memory_space<vmem>>, vector<16xf32>,
            %add3A_1122 = arith.addf %get3A_1121, %add3A_1107 : vector<16xf32>
            %swap3A_1123 = arith.index_cast %add3A_1111 : i32 to index
            %swap3A_1124 = arith.index_cast %add3A_245 : i32 to index
            %swap3A_1125 = tpu.vector_load %arg8[%swap3A_1123, %swap3A_1124] {strides = array<i32>} : memref<176x256xf32, #tpu.memory_space<vmem>>, vector<16xf32>,
            tpu.vector_store %arg8[%swap3A_1123, %swap3A_1124], %add3A_1122 {strides = array<i32>} : memref<176x256xf32, #tpu.memory_space<vmem>>, vector<16xf32>,
            %get3A_1126 = arith.constant 77 : i32
            %get3A_1127 = arith.index_cast %and3A_208 : i32 to index
            %get3A_1128 = arith.index_cast %get3A_1126 : i32 to index
            %get3A_1129 = arith.index_cast %mul3A_235 : i32 to index
            %get3A_1130 = tpu.vector_load %arg7[%get3A_1127, %get3A_1128, %get3A_1129] {strides = array<i32>} : memref<2x128x128xi32, #tpu.memory_space<vmem>>, vector<16xi32>,
            %bitcast3A_1131 = vector.bitcast %get3A_1130 : vector<16xi32> to vector<32xbf16>
            %unpack3A_1132 = tpu.unpack_subelements %bitcast3A_1131, 0 {pack_format = #tpu.pack_format<interleaved>} : vector<32xbf16> -> vector<16xf32>
            %unpack3A_1133 = tpu.unpack_subelements %bitcast3A_1131, 1 {pack_format = #tpu.pack_format<interleaved>} : vector<32xbf16> -> vector<16xf32>
            %get3A_1134 = arith.constant 78 : i32
            %get3A_1135 = arith.index_cast %and3A_208 : i32 to index
            %get3A_1136 = arith.index_cast %get3A_1134 : i32 to index
            %get3A_1137 = arith.index_cast %mul3A_235 : i32 to index
            %get3A_1138 = tpu.vector_load %arg7[%get3A_1135, %get3A_1136, %get3A_1137] {strides = array<i32>} : memref<2x128x128xi32, #tpu.memory_space<vmem>>, vector<16xi32>,
            %bitcast3A_1139 = vector.bitcast %get3A_1138 : vector<16xi32> to vector<32xbf16>
            %unpack3A_1140 = tpu.unpack_subelements %bitcast3A_1139, 0 {pack_format = #tpu.pack_format<interleaved>} : vector<32xbf16> -> vector<16xf32>
            %unpack3A_1141 = tpu.unpack_subelements %bitcast3A_1139, 1 {pack_format = #tpu.pack_format<interleaved>} : vector<32xbf16> -> vector<16xf32>
            %add3A_1142 = arith.addf %unpack3A_1132, %unpack3A_1140 : vector<16xf32>
            %add3A_1143 = arith.addf %unpack3A_1133, %unpack3A_1141 : vector<16xf32>
            %get3A_1144 = arith.constant 79 : i32
            %get3A_1145 = arith.index_cast %and3A_208 : i32 to index
            %get3A_1146 = arith.index_cast %get3A_1144 : i32 to index
            %get3A_1147 = arith.index_cast %mul3A_235 : i32 to index
            %get3A_1148 = tpu.vector_load %arg7[%get3A_1145, %get3A_1146, %get3A_1147] {strides = array<i32>} : memref<2x128x128xi32, #tpu.memory_space<vmem>>, vector<16xi32>,
            %bitcast3A_1149 = vector.bitcast %get3A_1148 : vector<16xi32> to vector<32xbf16>
            %unpack3A_1150 = tpu.unpack_subelements %bitcast3A_1149, 0 {pack_format = #tpu.pack_format<interleaved>} : vector<32xbf16> -> vector<16xf32>
            %unpack3A_1151 = tpu.unpack_subelements %bitcast3A_1149, 1 {pack_format = #tpu.pack_format<interleaved>} : vector<32xbf16> -> vector<16xf32>
            %add3A_1152 = arith.addf %add3A_1142, %unpack3A_1150 : vector<16xf32>
            %add3A_1153 = arith.addf %add3A_1143, %unpack3A_1151 : vector<16xf32>
            %get3A_1154 = arith.constant 80 : i32
            %get3A_1155 = arith.index_cast %and3A_208 : i32 to index
            %get3A_1156 = arith.index_cast %get3A_1154 : i32 to index
            %get3A_1157 = arith.index_cast %mul3A_235 : i32 to index
            %get3A_1158 = tpu.vector_load %arg7[%get3A_1155, %get3A_1156, %get3A_1157] {strides = array<i32>} : memref<2x128x128xi32, #tpu.memory_space<vmem>>, vector<16xi32>,
            %bitcast3A_1159 = vector.bitcast %get3A_1158 : vector<16xi32> to vector<32xbf16>
            %unpack3A_1160 = tpu.unpack_subelements %bitcast3A_1159, 0 {pack_format = #tpu.pack_format<interleaved>} : vector<32xbf16> -> vector<16xf32>
            %unpack3A_1161 = tpu.unpack_subelements %bitcast3A_1159, 1 {pack_format = #tpu.pack_format<interleaved>} : vector<32xbf16> -> vector<16xf32>
            %add3A_1162 = arith.addf %add3A_1152, %unpack3A_1160 : vector<16xf32>
            %add3A_1163 = arith.addf %add3A_1153, %unpack3A_1161 : vector<16xf32>
            %get3A_1164 = arith.constant 81 : i32
            %get3A_1165 = arith.index_cast %and3A_208 : i32 to index
            %get3A_1166 = arith.index_cast %get3A_1164 : i32 to index
            %get3A_1167 = arith.index_cast %mul3A_235 : i32 to index
            %get3A_1168 = tpu.vector_load %arg7[%get3A_1165, %get3A_1166, %get3A_1167] {strides = array<i32>} : memref<2x128x128xi32, #tpu.memory_space<vmem>>, vector<16xi32>,
            %bitcast3A_1169 = vector.bitcast %get3A_1168 : vector<16xi32> to vector<32xbf16>
            %unpack3A_1170 = tpu.unpack_subelements %bitcast3A_1169, 0 {pack_format = #tpu.pack_format<interleaved>} : vector<32xbf16> -> vector<16xf32>
            %unpack3A_1171 = tpu.unpack_subelements %bitcast3A_1169, 1 {pack_format = #tpu.pack_format<interleaved>} : vector<32xbf16> -> vector<16xf32>
            %add3A_1172 = arith.addf %add3A_1162, %unpack3A_1170 : vector<16xf32>
            %add3A_1173 = arith.addf %add3A_1163, %unpack3A_1171 : vector<16xf32>
            %get3A_1174 = arith.constant 82 : i32
            %get3A_1175 = arith.index_cast %and3A_208 : i32 to index
            %get3A_1176 = arith.index_cast %get3A_1174 : i32 to index
            %get3A_1177 = arith.index_cast %mul3A_235 : i32 to index
            %get3A_1178 = tpu.vector_load %arg7[%get3A_1175, %get3A_1176, %get3A_1177] {strides = array<i32>} : memref<2x128x128xi32, #tpu.memory_space<vmem>>, vector<16xi32>,
            %bitcast3A_1179 = vector.bitcast %get3A_1178 : vector<16xi32> to vector<32xbf16>
            %unpack3A_1180 = tpu.unpack_subelements %bitcast3A_1179, 0 {pack_format = #tpu.pack_format<interleaved>} : vector<32xbf16> -> vector<16xf32>
            %unpack3A_1181 = tpu.unpack_subelements %bitcast3A_1179, 1 {pack_format = #tpu.pack_format<interleaved>} : vector<32xbf16> -> vector<16xf32>
            %add3A_1182 = arith.addf %add3A_1172, %unpack3A_1180 : vector<16xf32>
            %add3A_1183 = arith.addf %add3A_1173, %unpack3A_1181 : vector<16xf32>
            %get3A_1184 = arith.constant 83 : i32
            %get3A_1185 = arith.index_cast %and3A_208 : i32 to index
            %get3A_1186 = arith.index_cast %get3A_1184 : i32 to index
            %get3A_1187 = arith.index_cast %mul3A_235 : i32 to index
            %get3A_1188 = tpu.vector_load %arg7[%get3A_1185, %get3A_1186, %get3A_1187] {strides = array<i32>} : memref<2x128x128xi32, #tpu.memory_space<vmem>>, vector<16xi32>,
            %bitcast3A_1189 = vector.bitcast %get3A_1188 : vector<16xi32> to vector<32xbf16>
            %unpack3A_1190 = tpu.unpack_subelements %bitcast3A_1189, 0 {pack_format = #tpu.pack_format<interleaved>} : vector<32xbf16> -> vector<16xf32>
            %unpack3A_1191 = tpu.unpack_subelements %bitcast3A_1189, 1 {pack_format = #tpu.pack_format<interleaved>} : vector<32xbf16> -> vector<16xf32>
            %add3A_1192 = arith.addf %add3A_1182, %unpack3A_1190 : vector<16xf32>
            %add3A_1193 = arith.addf %add3A_1183, %unpack3A_1191 : vector<16xf32>
            %get3A_1194 = arith.constant 84 : i32
            %get3A_1195 = arith.index_cast %and3A_208 : i32 to index
            %get3A_1196 = arith.index_cast %get3A_1194 : i32 to index
            %get3A_1197 = arith.index_cast %mul3A_235 : i32 to index
            %get3A_1198 = tpu.vector_load %arg7[%get3A_1195, %get3A_1196, %get3A_1197] {strides = array<i32>} : memref<2x128x128xi32, #tpu.memory_space<vmem>>, vector<16xi32>,
            %bitcast3A_1199 = vector.bitcast %get3A_1198 : vector<16xi32> to vector<32xbf16>
            %unpack3A_1200 = tpu.unpack_subelements %bitcast3A_1199, 0 {pack_format = #tpu.pack_format<interleaved>} : vector<32xbf16> -> vector<16xf32>
            %unpack3A_1201 = tpu.unpack_subelements %bitcast3A_1199, 1 {pack_format = #tpu.pack_format<interleaved>} : vector<32xbf16> -> vector<16xf32>
            %add3A_1202 = arith.addf %add3A_1192, %unpack3A_1200 : vector<16xf32>
            %add3A_1203 = arith.addf %add3A_1193, %unpack3A_1201 : vector<16xf32>
            %get3A_1204 = arith.constant 85 : i32
            %get3A_1205 = arith.index_cast %and3A_208 : i32 to index
            %get3A_1206 = arith.index_cast %get3A_1204 : i32 to index
            %get3A_1207 = arith.index_cast %mul3A_235 : i32 to index
            %get3A_1208 = tpu.vector_load %arg7[%get3A_1205, %get3A_1206, %get3A_1207] {strides = array<i32>} : memref<2x128x128xi32, #tpu.memory_space<vmem>>, vector<16xi32>,
            %bitcast3A_1209 = vector.bitcast %get3A_1208 : vector<16xi32> to vector<32xbf16>
            %unpack3A_1210 = tpu.unpack_subelements %bitcast3A_1209, 0 {pack_format = #tpu.pack_format<interleaved>} : vector<32xbf16> -> vector<16xf32>
            %unpack3A_1211 = tpu.unpack_subelements %bitcast3A_1209, 1 {pack_format = #tpu.pack_format<interleaved>} : vector<32xbf16> -> vector<16xf32>
            %add3A_1212 = arith.addf %add3A_1202, %unpack3A_1210 : vector<16xf32>
            %add3A_1213 = arith.addf %add3A_1203, %unpack3A_1211 : vector<16xf32>
            %get3A_1214 = arith.constant 86 : i32
            %get3A_1215 = arith.index_cast %and3A_208 : i32 to index
            %get3A_1216 = arith.index_cast %get3A_1214 : i32 to index
            %get3A_1217 = arith.index_cast %mul3A_235 : i32 to index
            %get3A_1218 = tpu.vector_load %arg7[%get3A_1215, %get3A_1216, %get3A_1217] {strides = array<i32>} : memref<2x128x128xi32, #tpu.memory_space<vmem>>, vector<16xi32>,
            %bitcast3A_1219 = vector.bitcast %get3A_1218 : vector<16xi32> to vector<32xbf16>
            %unpack3A_1220 = tpu.unpack_subelements %bitcast3A_1219, 0 {pack_format = #tpu.pack_format<interleaved>} : vector<32xbf16> -> vector<16xf32>
            %unpack3A_1221 = tpu.unpack_subelements %bitcast3A_1219, 1 {pack_format = #tpu.pack_format<interleaved>} : vector<32xbf16> -> vector<16xf32>
            %add3A_1222 = arith.addf %add3A_1212, %unpack3A_1220 : vector<16xf32>
            %add3A_1223 = arith.addf %add3A_1213, %unpack3A_1221 : vector<16xf32>
            %get3A_1224 = arith.constant 87 : i32
            %get3A_1225 = arith.index_cast %and3A_208 : i32 to index
            %get3A_1226 = arith.index_cast %get3A_1224 : i32 to index
            %get3A_1227 = arith.index_cast %mul3A_235 : i32 to index
            %get3A_1228 = tpu.vector_load %arg7[%get3A_1225, %get3A_1226, %get3A_1227] {strides = array<i32>} : memref<2x128x128xi32, #tpu.memory_space<vmem>>, vector<16xi32>,
            %bitcast3A_1229 = vector.bitcast %get3A_1228 : vector<16xi32> to vector<32xbf16>
            %unpack3A_1230 = tpu.unpack_subelements %bitcast3A_1229, 0 {pack_format = #tpu.pack_format<interleaved>} : vector<32xbf16> -> vector<16xf32>
            %unpack3A_1231 = tpu.unpack_subelements %bitcast3A_1229, 1 {pack_format = #tpu.pack_format<interleaved>} : vector<32xbf16> -> vector<16xf32>
            %add3A_1232 = arith.addf %add3A_1222, %unpack3A_1230 : vector<16xf32>
            %add3A_1233 = arith.addf %add3A_1223, %unpack3A_1231 : vector<16xf32>
            %mul3A_1234 = arith.constant 11 : i32
            %mul3A_1235 = arith.muli %scan3A_203, %mul3A_1234 : i32
            %add3A_1236 = arith.constant 7 : i32
            %add3A_1237 = arith.addi %mul3A_1235, %add3A_1236 : i32
            %get3A_1238 = arith.index_cast %add3A_1237 : i32 to index
            %get3A_1239 = arith.index_cast %mul3A_239 : i32 to index
            %get3A_1240 = tpu.vector_load %arg8[%get3A_1238, %get3A_1239] {strides = array<i32>} : memref<176x256xf32, #tpu.memory_space<vmem>>, vector<16xf32>,
            %add3A_1241 = arith.addf %get3A_1240, %add3A_1232 : vector<16xf32>
            %swap3A_1242 = arith.index_cast %add3A_1237 : i32 to index
            %swap3A_1243 = arith.index_cast %mul3A_239 : i32 to index
            %swap3A_1244 = tpu.vector_load %arg8[%swap3A_1242, %swap3A_1243] {strides = array<i32>} : memref<176x256xf32, #tpu.memory_space<vmem>>, vector<16xf32>,
            tpu.vector_store %arg8[%swap3A_1242, %swap3A_1243], %add3A_1241 {strides = array<i32>} : memref<176x256xf32, #tpu.memory_space<vmem>>, vector<16xf32>,
            %get3A_1245 = arith.index_cast %add3A_1237 : i32 to index
            %get3A_1246 = arith.index_cast %add3A_245 : i32 to index
            %get3A_1247 = tpu.vector_load %arg8[%get3A_1245, %get3A_1246] {strides = array<i32>} : memref<176x256xf32, #tpu.memory_space<vmem>>, vector<16xf32>,
            %add3A_1248 = arith.addf %get3A_1247, %add3A_1233 : vector<16xf32>
            %swap3A_1249 = arith.index_cast %add3A_1237 : i32 to index
            %swap3A_1250 = arith.index_cast %add3A_245 : i32 to index
            %swap3A_1251 = tpu.vector_load %arg8[%swap3A_1249, %swap3A_1250] {strides = array<i32>} : memref<176x256xf32, #tpu.memory_space<vmem>>, vector<16xf32>,
            tpu.vector_store %arg8[%swap3A_1249, %swap3A_1250], %add3A_1248 {strides = array<i32>} : memref<176x256xf32, #tpu.memory_space<vmem>>, vector<16xf32>,
            %get3A_1252 = arith.constant 88 : i32
            %get3A_1253 = arith.index_cast %and3A_208 : i32 to index
            %get3A_1254 = arith.index_cast %get3A_1252 : i32 to index
            %get3A_1255 = arith.index_cast %mul3A_235 : i32 to index
            %get3A_1256 = tpu.vector_load %arg7[%get3A_1253, %get3A_1254, %get3A_1255] {strides = array<i32>} : memref<2x128x128xi32, #tpu.memory_space<vmem>>, vector<16xi32>,
            %bitcast3A_1257 = vector.bitcast %get3A_1256 : vector<16xi32> to vector<32xbf16>
            %unpack3A_1258 = tpu.unpack_subelements %bitcast3A_1257, 0 {pack_format = #tpu.pack_format<interleaved>} : vector<32xbf16> -> vector<16xf32>
            %unpack3A_1259 = tpu.unpack_subelements %bitcast3A_1257, 1 {pack_format = #tpu.pack_format<interleaved>} : vector<32xbf16> -> vector<16xf32>
            %get3A_1260 = arith.constant 89 : i32
            %get3A_1261 = arith.index_cast %and3A_208 : i32 to index
            %get3A_1262 = arith.index_cast %get3A_1260 : i32 to index
            %get3A_1263 = arith.index_cast %mul3A_235 : i32 to index
            %get3A_1264 = tpu.vector_load %arg7[%get3A_1261, %get3A_1262, %get3A_1263] {strides = array<i32>} : memref<2x128x128xi32, #tpu.memory_space<vmem>>, vector<16xi32>,
            %bitcast3A_1265 = vector.bitcast %get3A_1264 : vector<16xi32> to vector<32xbf16>
            %unpack3A_1266 = tpu.unpack_subelements %bitcast3A_1265, 0 {pack_format = #tpu.pack_format<interleaved>} : vector<32xbf16> -> vector<16xf32>
            %unpack3A_1267 = tpu.unpack_subelements %bitcast3A_1265, 1 {pack_format = #tpu.pack_format<interleaved>} : vector<32xbf16> -> vector<16xf32>
            %add3A_1268 = arith.addf %unpack3A_1258, %unpack3A_1266 : vector<16xf32>
            %add3A_1269 = arith.addf %unpack3A_1259, %unpack3A_1267 : vector<16xf32>
            %get3A_1270 = arith.constant 90 : i32
            %get3A_1271 = arith.index_cast %and3A_208 : i32 to index
            %get3A_1272 = arith.index_cast %get3A_1270 : i32 to index
            %get3A_1273 = arith.index_cast %mul3A_235 : i32 to index
            %get3A_1274 = tpu.vector_load %arg7[%get3A_1271, %get3A_1272, %get3A_1273] {strides = array<i32>} : memref<2x128x128xi32, #tpu.memory_space<vmem>>, vector<16xi32>,
            %bitcast3A_1275 = vector.bitcast %get3A_1274 : vector<16xi32> to vector<32xbf16>
            %unpack3A_1276 = tpu.unpack_subelements %bitcast3A_1275, 0 {pack_format = #tpu.pack_format<interleaved>} : vector<32xbf16> -> vector<16xf32>
            %unpack3A_1277 = tpu.unpack_subelements %bitcast3A_1275, 1 {pack_format = #tpu.pack_format<interleaved>} : vector<32xbf16> -> vector<16xf32>
            %add3A_1278 = arith.addf %add3A_1268, %unpack3A_1276 : vector<16xf32>
            %add3A_1279 = arith.addf %add3A_1269, %unpack3A_1277 : vector<16xf32>
            %get3A_1280 = arith.constant 91 : i32
            %get3A_1281 = arith.index_cast %and3A_208 : i32 to index
            %get3A_1282 = arith.index_cast %get3A_1280 : i32 to index
            %get3A_1283 = arith.index_cast %mul3A_235 : i32 to index
            %get3A_1284 = tpu.vector_load %arg7[%get3A_1281, %get3A_1282, %get3A_1283] {strides = array<i32>} : memref<2x128x128xi32, #tpu.memory_space<vmem>>, vector<16xi32>,
            %bitcast3A_1285 = vector.bitcast %get3A_1284 : vector<16xi32> to vector<32xbf16>
            %unpack3A_1286 = tpu.unpack_subelements %bitcast3A_1285, 0 {pack_format = #tpu.pack_format<interleaved>} : vector<32xbf16> -> vector<16xf32>
            %unpack3A_1287 = tpu.unpack_subelements %bitcast3A_1285, 1 {pack_format = #tpu.pack_format<interleaved>} : vector<32xbf16> -> vector<16xf32>
            %add3A_1288 = arith.addf %add3A_1278, %unpack3A_1286 : vector<16xf32>
            %add3A_1289 = arith.addf %add3A_1279, %unpack3A_1287 : vector<16xf32>
            %get3A_1290 = arith.constant 92 : i32
            %get3A_1291 = arith.index_cast %and3A_208 : i32 to index
            %get3A_1292 = arith.index_cast %get3A_1290 : i32 to index
            %get3A_1293 = arith.index_cast %mul3A_235 : i32 to index
            %get3A_1294 = tpu.vector_load %arg7[%get3A_1291, %get3A_1292, %get3A_1293] {strides = array<i32>} : memref<2x128x128xi32, #tpu.memory_space<vmem>>, vector<16xi32>,
            %bitcast3A_1295 = vector.bitcast %get3A_1294 : vector<16xi32> to vector<32xbf16>
            %unpack3A_1296 = tpu.unpack_subelements %bitcast3A_1295, 0 {pack_format = #tpu.pack_format<interleaved>} : vector<32xbf16> -> vector<16xf32>
            %unpack3A_1297 = tpu.unpack_subelements %bitcast3A_1295, 1 {pack_format = #tpu.pack_format<interleaved>} : vector<32xbf16> -> vector<16xf32>
            %add3A_1298 = arith.addf %add3A_1288, %unpack3A_1296 : vector<16xf32>
            %add3A_1299 = arith.addf %add3A_1289, %unpack3A_1297 : vector<16xf32>
            %get3A_1300 = arith.constant 93 : i32
            %get3A_1301 = arith.index_cast %and3A_208 : i32 to index
            %get3A_1302 = arith.index_cast %get3A_1300 : i32 to index
            %get3A_1303 = arith.index_cast %mul3A_235 : i32 to index
            %get3A_1304 = tpu.vector_load %arg7[%get3A_1301, %get3A_1302, %get3A_1303] {strides = array<i32>} : memref<2x128x128xi32, #tpu.memory_space<vmem>>, vector<16xi32>,
            %bitcast3A_1305 = vector.bitcast %get3A_1304 : vector<16xi32> to vector<32xbf16>
            %unpack3A_1306 = tpu.unpack_subelements %bitcast3A_1305, 0 {pack_format = #tpu.pack_format<interleaved>} : vector<32xbf16> -> vector<16xf32>
            %unpack3A_1307 = tpu.unpack_subelements %bitcast3A_1305, 1 {pack_format = #tpu.pack_format<interleaved>} : vector<32xbf16> -> vector<16xf32>
            %add3A_1308 = arith.addf %add3A_1298, %unpack3A_1306 : vector<16xf32>
            %add3A_1309 = arith.addf %add3A_1299, %unpack3A_1307 : vector<16xf32>
            %get3A_1310 = arith.constant 94 : i32
            %get3A_1311 = arith.index_cast %and3A_208 : i32 to index
            %get3A_1312 = arith.index_cast %get3A_1310 : i32 to index
            %get3A_1313 = arith.index_cast %mul3A_235 : i32 to index
            %get3A_1314 = tpu.vector_load %arg7[%get3A_1311, %get3A_1312, %get3A_1313] {strides = array<i32>} : memref<2x128x128xi32, #tpu.memory_space<vmem>>, vector<16xi32>,
            %bitcast3A_1315 = vector.bitcast %get3A_1314 : vector<16xi32> to vector<32xbf16>
            %unpack3A_1316 = tpu.unpack_subelements %bitcast3A_1315, 0 {pack_format = #tpu.pack_format<interleaved>} : vector<32xbf16> -> vector<16xf32>
            %unpack3A_1317 = tpu.unpack_subelements %bitcast3A_1315, 1 {pack_format = #tpu.pack_format<interleaved>} : vector<32xbf16> -> vector<16xf32>
            %add3A_1318 = arith.addf %add3A_1308, %unpack3A_1316 : vector<16xf32>
            %add3A_1319 = arith.addf %add3A_1309, %unpack3A_1317 : vector<16xf32>
            %get3A_1320 = arith.constant 95 : i32
            %get3A_1321 = arith.index_cast %and3A_208 : i32 to index
            %get3A_1322 = arith.index_cast %get3A_1320 : i32 to index
            %get3A_1323 = arith.index_cast %mul3A_235 : i32 to index
            %get3A_1324 = tpu.vector_load %arg7[%get3A_1321, %get3A_1322, %get3A_1323] {strides = array<i32>} : memref<2x128x128xi32, #tpu.memory_space<vmem>>, vector<16xi32>,
            %bitcast3A_1325 = vector.bitcast %get3A_1324 : vector<16xi32> to vector<32xbf16>
            %unpack3A_1326 = tpu.unpack_subelements %bitcast3A_1325, 0 {pack_format = #tpu.pack_format<interleaved>} : vector<32xbf16> -> vector<16xf32>
            %unpack3A_1327 = tpu.unpack_subelements %bitcast3A_1325, 1 {pack_format = #tpu.pack_format<interleaved>} : vector<32xbf16> -> vector<16xf32>
            %add3A_1328 = arith.addf %add3A_1318, %unpack3A_1326 : vector<16xf32>
            %add3A_1329 = arith.addf %add3A_1319, %unpack3A_1327 : vector<16xf32>
            %get3A_1330 = arith.constant 96 : i32
            %get3A_1331 = arith.index_cast %and3A_208 : i32 to index
            %get3A_1332 = arith.index_cast %get3A_1330 : i32 to index
            %get3A_1333 = arith.index_cast %mul3A_235 : i32 to index
            %get3A_1334 = tpu.vector_load %arg7[%get3A_1331, %get3A_1332, %get3A_1333] {strides = array<i32>} : memref<2x128x128xi32, #tpu.memory_space<vmem>>, vector<16xi32>,
            %bitcast3A_1335 = vector.bitcast %get3A_1334 : vector<16xi32> to vector<32xbf16>
            %unpack3A_1336 = tpu.unpack_subelements %bitcast3A_1335, 0 {pack_format = #tpu.pack_format<interleaved>} : vector<32xbf16> -> vector<16xf32>
            %unpack3A_1337 = tpu.unpack_subelements %bitcast3A_1335, 1 {pack_format = #tpu.pack_format<interleaved>} : vector<32xbf16> -> vector<16xf32>
            %add3A_1338 = arith.addf %add3A_1328, %unpack3A_1336 : vector<16xf32>
            %add3A_1339 = arith.addf %add3A_1329, %unpack3A_1337 : vector<16xf32>
            %get3A_1340 = arith.constant 97 : i32
            %get3A_1341 = arith.index_cast %and3A_208 : i32 to index
            %get3A_1342 = arith.index_cast %get3A_1340 : i32 to index
            %get3A_1343 = arith.index_cast %mul3A_235 : i32 to index
            %get3A_1344 = tpu.vector_load %arg7[%get3A_1341, %get3A_1342, %get3A_1343] {strides = array<i32>} : memref<2x128x128xi32, #tpu.memory_space<vmem>>, vector<16xi32>,
            %bitcast3A_1345 = vector.bitcast %get3A_1344 : vector<16xi32> to vector<32xbf16>
            %unpack3A_1346 = tpu.unpack_subelements %bitcast3A_1345, 0 {pack_format = #tpu.pack_format<interleaved>} : vector<32xbf16> -> vector<16xf32>
            %unpack3A_1347 = tpu.unpack_subelements %bitcast3A_1345, 1 {pack_format = #tpu.pack_format<interleaved>} : vector<32xbf16> -> vector<16xf32>
            %add3A_1348 = arith.addf %add3A_1338, %unpack3A_1346 : vector<16xf32>
            %add3A_1349 = arith.addf %add3A_1339, %unpack3A_1347 : vector<16xf32>
            %get3A_1350 = arith.constant 98 : i32
            %get3A_1351 = arith.index_cast %and3A_208 : i32 to index
            %get3A_1352 = arith.index_cast %get3A_1350 : i32 to index
            %get3A_1353 = arith.index_cast %mul3A_235 : i32 to index
            %get3A_1354 = tpu.vector_load %arg7[%get3A_1351, %get3A_1352, %get3A_1353] {strides = array<i32>} : memref<2x128x128xi32, #tpu.memory_space<vmem>>, vector<16xi32>,
            %bitcast3A_1355 = vector.bitcast %get3A_1354 : vector<16xi32> to vector<32xbf16>
            %unpack3A_1356 = tpu.unpack_subelements %bitcast3A_1355, 0 {pack_format = #tpu.pack_format<interleaved>} : vector<32xbf16> -> vector<16xf32>
            %unpack3A_1357 = tpu.unpack_subelements %bitcast3A_1355, 1 {pack_format = #tpu.pack_format<interleaved>} : vector<32xbf16> -> vector<16xf32>
            %add3A_1358 = arith.addf %add3A_1348, %unpack3A_1356 : vector<16xf32>
            %add3A_1359 = arith.addf %add3A_1349, %unpack3A_1357 : vector<16xf32>
            %mul3A_1360 = arith.constant 11 : i32
            %mul3A_1361 = arith.muli %scan3A_203, %mul3A_1360 : i32
            %add3A_1362 = arith.constant 8 : i32
            %add3A_1363 = arith.addi %mul3A_1361, %add3A_1362 : i32
            %get3A_1364 = arith.index_cast %add3A_1363 : i32 to index
            %get3A_1365 = arith.index_cast %mul3A_239 : i32 to index
            %get3A_1366 = tpu.vector_load %arg8[%get3A_1364, %get3A_1365] {strides = array<i32>} : memref<176x256xf32, #tpu.memory_space<vmem>>, vector<16xf32>,
            %add3A_1367 = arith.addf %get3A_1366, %add3A_1358 : vector<16xf32>
            %swap3A_1368 = arith.index_cast %add3A_1363 : i32 to index
            %swap3A_1369 = arith.index_cast %mul3A_239 : i32 to index
            %swap3A_1370 = tpu.vector_load %arg8[%swap3A_1368, %swap3A_1369] {strides = array<i32>} : memref<176x256xf32, #tpu.memory_space<vmem>>, vector<16xf32>,
            tpu.vector_store %arg8[%swap3A_1368, %swap3A_1369], %add3A_1367 {strides = array<i32>} : memref<176x256xf32, #tpu.memory_space<vmem>>, vector<16xf32>,
            %get3A_1371 = arith.index_cast %add3A_1363 : i32 to index
            %get3A_1372 = arith.index_cast %add3A_245 : i32 to index
            %get3A_1373 = tpu.vector_load %arg8[%get3A_1371, %get3A_1372] {strides = array<i32>} : memref<176x256xf32, #tpu.memory_space<vmem>>, vector<16xf32>,
            %add3A_1374 = arith.addf %get3A_1373, %add3A_1359 : vector<16xf32>
            %swap3A_1375 = arith.index_cast %add3A_1363 : i32 to index
            %swap3A_1376 = arith.index_cast %add3A_245 : i32 to index
            %swap3A_1377 = tpu.vector_load %arg8[%swap3A_1375, %swap3A_1376] {strides = array<i32>} : memref<176x256xf32, #tpu.memory_space<vmem>>, vector<16xf32>,
            tpu.vector_store %arg8[%swap3A_1375, %swap3A_1376], %add3A_1374 {strides = array<i32>} : memref<176x256xf32, #tpu.memory_space<vmem>>, vector<16xf32>,
            %get3A_1378 = arith.constant 99 : i32
            %get3A_1379 = arith.index_cast %and3A_208 : i32 to index
            %get3A_1380 = arith.index_cast %get3A_1378 : i32 to index
            %get3A_1381 = arith.index_cast %mul3A_235 : i32 to index
            %get3A_1382 = tpu.vector_load %arg7[%get3A_1379, %get3A_1380, %get3A_1381] {strides = array<i32>} : memref<2x128x128xi32, #tpu.memory_space<vmem>>, vector<16xi32>,
            %bitcast3A_1383 = vector.bitcast %get3A_1382 : vector<16xi32> to vector<32xbf16>
            %unpack3A_1384 = tpu.unpack_subelements %bitcast3A_1383, 0 {pack_format = #tpu.pack_format<interleaved>} : vector<32xbf16> -> vector<16xf32>
            %unpack3A_1385 = tpu.unpack_subelements %bitcast3A_1383, 1 {pack_format = #tpu.pack_format<interleaved>} : vector<32xbf16> -> vector<16xf32>
            %get3A_1386 = arith.constant 100 : i32
            %get3A_1387 = arith.index_cast %and3A_208 : i32 to index
            %get3A_1388 = arith.index_cast %get3A_1386 : i32 to index
            %get3A_1389 = arith.index_cast %mul3A_235 : i32 to index
            %get3A_1390 = tpu.vector_load %arg7[%get3A_1387, %get3A_1388, %get3A_1389] {strides = array<i32>} : memref<2x128x128xi32, #tpu.memory_space<vmem>>, vector<16xi32>,
            %bitcast3A_1391 = vector.bitcast %get3A_1390 : vector<16xi32> to vector<32xbf16>
            %unpack3A_1392 = tpu.unpack_subelements %bitcast3A_1391, 0 {pack_format = #tpu.pack_format<interleaved>} : vector<32xbf16> -> vector<16xf32>
            %unpack3A_1393 = tpu.unpack_subelements %bitcast3A_1391, 1 {pack_format = #tpu.pack_format<interleaved>} : vector<32xbf16> -> vector<16xf32>
            %add3A_1394 = arith.addf %unpack3A_1384, %unpack3A_1392 : vector<16xf32>
            %add3A_1395 = arith.addf %unpack3A_1385, %unpack3A_1393 : vector<16xf32>
            %get3A_1396 = arith.constant 101 : i32
            %get3A_1397 = arith.index_cast %and3A_208 : i32 to index
            %get3A_1398 = arith.index_cast %get3A_1396 : i32 to index
            %get3A_1399 = arith.index_cast %mul3A_235 : i32 to index
            %get3A_1400 = tpu.vector_load %arg7[%get3A_1397, %get3A_1398, %get3A_1399] {strides = array<i32>} : memref<2x128x128xi32, #tpu.memory_space<vmem>>, vector<16xi32>,
            %bitcast3A_1401 = vector.bitcast %get3A_1400 : vector<16xi32> to vector<32xbf16>
            %unpack3A_1402 = tpu.unpack_subelements %bitcast3A_1401, 0 {pack_format = #tpu.pack_format<interleaved>} : vector<32xbf16> -> vector<16xf32>
            %unpack3A_1403 = tpu.unpack_subelements %bitcast3A_1401, 1 {pack_format = #tpu.pack_format<interleaved>} : vector<32xbf16> -> vector<16xf32>
            %add3A_1404 = arith.addf %add3A_1394, %unpack3A_1402 : vector<16xf32>
            %add3A_1405 = arith.addf %add3A_1395, %unpack3A_1403 : vector<16xf32>
            %get3A_1406 = arith.constant 102 : i32
            %get3A_1407 = arith.index_cast %and3A_208 : i32 to index
            %get3A_1408 = arith.index_cast %get3A_1406 : i32 to index
            %get3A_1409 = arith.index_cast %mul3A_235 : i32 to index
            %get3A_1410 = tpu.vector_load %arg7[%get3A_1407, %get3A_1408, %get3A_1409] {strides = array<i32>} : memref<2x128x128xi32, #tpu.memory_space<vmem>>, vector<16xi32>,
            %bitcast3A_1411 = vector.bitcast %get3A_1410 : vector<16xi32> to vector<32xbf16>
            %unpack3A_1412 = tpu.unpack_subelements %bitcast3A_1411, 0 {pack_format = #tpu.pack_format<interleaved>} : vector<32xbf16> -> vector<16xf32>
            %unpack3A_1413 = tpu.unpack_subelements %bitcast3A_1411, 1 {pack_format = #tpu.pack_format<interleaved>} : vector<32xbf16> -> vector<16xf32>
            %add3A_1414 = arith.addf %add3A_1404, %unpack3A_1412 : vector<16xf32>
            %add3A_1415 = arith.addf %add3A_1405, %unpack3A_1413 : vector<16xf32>
            %get3A_1416 = arith.constant 103 : i32
            %get3A_1417 = arith.index_cast %and3A_208 : i32 to index
            %get3A_1418 = arith.index_cast %get3A_1416 : i32 to index
            %get3A_1419 = arith.index_cast %mul3A_235 : i32 to index
            %get3A_1420 = tpu.vector_load %arg7[%get3A_1417, %get3A_1418, %get3A_1419] {strides = array<i32>} : memref<2x128x128xi32, #tpu.memory_space<vmem>>, vector<16xi32>,
            %bitcast3A_1421 = vector.bitcast %get3A_1420 : vector<16xi32> to vector<32xbf16>
            %unpack3A_1422 = tpu.unpack_subelements %bitcast3A_1421, 0 {pack_format = #tpu.pack_format<interleaved>} : vector<32xbf16> -> vector<16xf32>
            %unpack3A_1423 = tpu.unpack_subelements %bitcast3A_1421, 1 {pack_format = #tpu.pack_format<interleaved>} : vector<32xbf16> -> vector<16xf32>
            %add3A_1424 = arith.addf %add3A_1414, %unpack3A_1422 : vector<16xf32>
            %add3A_1425 = arith.addf %add3A_1415, %unpack3A_1423 : vector<16xf32>
            %get3A_1426 = arith.constant 104 : i32
            %get3A_1427 = arith.index_cast %and3A_208 : i32 to index
            %get3A_1428 = arith.index_cast %get3A_1426 : i32 to index
            %get3A_1429 = arith.index_cast %mul3A_235 : i32 to index
            %get3A_1430 = tpu.vector_load %arg7[%get3A_1427, %get3A_1428, %get3A_1429] {strides = array<i32>} : memref<2x128x128xi32, #tpu.memory_space<vmem>>, vector<16xi32>,
            %bitcast3A_1431 = vector.bitcast %get3A_1430 : vector<16xi32> to vector<32xbf16>
            %unpack3A_1432 = tpu.unpack_subelements %bitcast3A_1431, 0 {pack_format = #tpu.pack_format<interleaved>} : vector<32xbf16> -> vector<16xf32>
            %unpack3A_1433 = tpu.unpack_subelements %bitcast3A_1431, 1 {pack_format = #tpu.pack_format<interleaved>} : vector<32xbf16> -> vector<16xf32>
            %add3A_1434 = arith.addf %add3A_1424, %unpack3A_1432 : vector<16xf32>
            %add3A_1435 = arith.addf %add3A_1425, %unpack3A_1433 : vector<16xf32>
            %get3A_1436 = arith.constant 105 : i32
            %get3A_1437 = arith.index_cast %and3A_208 : i32 to index
            %get3A_1438 = arith.index_cast %get3A_1436 : i32 to index
            %get3A_1439 = arith.index_cast %mul3A_235 : i32 to index
            %get3A_1440 = tpu.vector_load %arg7[%get3A_1437, %get3A_1438, %get3A_1439] {strides = array<i32>} : memref<2x128x128xi32, #tpu.memory_space<vmem>>, vector<16xi32>,
            %bitcast3A_1441 = vector.bitcast %get3A_1440 : vector<16xi32> to vector<32xbf16>
            %unpack3A_1442 = tpu.unpack_subelements %bitcast3A_1441, 0 {pack_format = #tpu.pack_format<interleaved>} : vector<32xbf16> -> vector<16xf32>
            %unpack3A_1443 = tpu.unpack_subelements %bitcast3A_1441, 1 {pack_format = #tpu.pack_format<interleaved>} : vector<32xbf16> -> vector<16xf32>
            %add3A_1444 = arith.addf %add3A_1434, %unpack3A_1442 : vector<16xf32>
            %add3A_1445 = arith.addf %add3A_1435, %unpack3A_1443 : vector<16xf32>
            %get3A_1446 = arith.constant 106 : i32
            %get3A_1447 = arith.index_cast %and3A_208 : i32 to index
            %get3A_1448 = arith.index_cast %get3A_1446 : i32 to index
            %get3A_1449 = arith.index_cast %mul3A_235 : i32 to index
            %get3A_1450 = tpu.vector_load %arg7[%get3A_1447, %get3A_1448, %get3A_1449] {strides = array<i32>} : memref<2x128x128xi32, #tpu.memory_space<vmem>>, vector<16xi32>,
            %bitcast3A_1451 = vector.bitcast %get3A_1450 : vector<16xi32> to vector<32xbf16>
            %unpack3A_1452 = tpu.unpack_subelements %bitcast3A_1451, 0 {pack_format = #tpu.pack_format<interleaved>} : vector<32xbf16> -> vector<16xf32>
            %unpack3A_1453 = tpu.unpack_subelements %bitcast3A_1451, 1 {pack_format = #tpu.pack_format<interleaved>} : vector<32xbf16> -> vector<16xf32>
            %add3A_1454 = arith.addf %add3A_1444, %unpack3A_1452 : vector<16xf32>
            %add3A_1455 = arith.addf %add3A_1445, %unpack3A_1453 : vector<16xf32>
            %get3A_1456 = arith.constant 107 : i32
            %get3A_1457 = arith.index_cast %and3A_208 : i32 to index
            %get3A_1458 = arith.index_cast %get3A_1456 : i32 to index
            %get3A_1459 = arith.index_cast %mul3A_235 : i32 to index
            %get3A_1460 = tpu.vector_load %arg7[%get3A_1457, %get3A_1458, %get3A_1459] {strides = array<i32>} : memref<2x128x128xi32, #tpu.memory_space<vmem>>, vector<16xi32>,
            %bitcast3A_1461 = vector.bitcast %get3A_1460 : vector<16xi32> to vector<32xbf16>
            %unpack3A_1462 = tpu.unpack_subelements %bitcast3A_1461, 0 {pack_format = #tpu.pack_format<interleaved>} : vector<32xbf16> -> vector<16xf32>
            %unpack3A_1463 = tpu.unpack_subelements %bitcast3A_1461, 1 {pack_format = #tpu.pack_format<interleaved>} : vector<32xbf16> -> vector<16xf32>
            %add3A_1464 = arith.addf %add3A_1454, %unpack3A_1462 : vector<16xf32>
            %add3A_1465 = arith.addf %add3A_1455, %unpack3A_1463 : vector<16xf32>
            %get3A_1466 = arith.constant 108 : i32
            %get3A_1467 = arith.index_cast %and3A_208 : i32 to index
            %get3A_1468 = arith.index_cast %get3A_1466 : i32 to index
            %get3A_1469 = arith.index_cast %mul3A_235 : i32 to index
            %get3A_1470 = tpu.vector_load %arg7[%get3A_1467, %get3A_1468, %get3A_1469] {strides = array<i32>} : memref<2x128x128xi32, #tpu.memory_space<vmem>>, vector<16xi32>,
            %bitcast3A_1471 = vector.bitcast %get3A_1470 : vector<16xi32> to vector<32xbf16>
            %unpack3A_1472 = tpu.unpack_subelements %bitcast3A_1471, 0 {pack_format = #tpu.pack_format<interleaved>} : vector<32xbf16> -> vector<16xf32>
            %unpack3A_1473 = tpu.unpack_subelements %bitcast3A_1471, 1 {pack_format = #tpu.pack_format<interleaved>} : vector<32xbf16> -> vector<16xf32>
            %add3A_1474 = arith.addf %add3A_1464, %unpack3A_1472 : vector<16xf32>
            %add3A_1475 = arith.addf %add3A_1465, %unpack3A_1473 : vector<16xf32>
            %get3A_1476 = arith.constant 109 : i32
            %get3A_1477 = arith.index_cast %and3A_208 : i32 to index
            %get3A_1478 = arith.index_cast %get3A_1476 : i32 to index
            %get3A_1479 = arith.index_cast %mul3A_235 : i32 to index
            %get3A_1480 = tpu.vector_load %arg7[%get3A_1477, %get3A_1478, %get3A_1479] {strides = array<i32>} : memref<2x128x128xi32, #tpu.memory_space<vmem>>, vector<16xi32>,
            %bitcast3A_1481 = vector.bitcast %get3A_1480 : vector<16xi32> to vector<32xbf16>
            %unpack3A_1482 = tpu.unpack_subelements %bitcast3A_1481, 0 {pack_format = #tpu.pack_format<interleaved>} : vector<32xbf16> -> vector<16xf32>
            %unpack3A_1483 = tpu.unpack_subelements %bitcast3A_1481, 1 {pack_format = #tpu.pack_format<interleaved>} : vector<32xbf16> -> vector<16xf32>
            %add3A_1484 = arith.addf %add3A_1474, %unpack3A_1482 : vector<16xf32>
            %add3A_1485 = arith.addf %add3A_1475, %unpack3A_1483 : vector<16xf32>
            %mul3A_1486 = arith.constant 11 : i32
            %mul3A_1487 = arith.muli %scan3A_203, %mul3A_1486 : i32
            %add3A_1488 = arith.constant 9 : i32
            %add3A_1489 = arith.addi %mul3A_1487, %add3A_1488 : i32
            %get3A_1490 = arith.index_cast %add3A_1489 : i32 to index
            %get3A_1491 = arith.index_cast %mul3A_239 : i32 to index
            %get3A_1492 = tpu.vector_load %arg8[%get3A_1490, %get3A_1491] {strides = array<i32>} : memref<176x256xf32, #tpu.memory_space<vmem>>, vector<16xf32>,
            %add3A_1493 = arith.addf %get3A_1492, %add3A_1484 : vector<16xf32>
            %swap3A_1494 = arith.index_cast %add3A_1489 : i32 to index
            %swap3A_1495 = arith.index_cast %mul3A_239 : i32 to index
            %swap3A_1496 = tpu.vector_load %arg8[%swap3A_1494, %swap3A_1495] {strides = array<i32>} : memref<176x256xf32, #tpu.memory_space<vmem>>, vector<16xf32>,
            tpu.vector_store %arg8[%swap3A_1494, %swap3A_1495], %add3A_1493 {strides = array<i32>} : memref<176x256xf32, #tpu.memory_space<vmem>>, vector<16xf32>,
            %get3A_1497 = arith.index_cast %add3A_1489 : i32 to index
            %get3A_1498 = arith.index_cast %add3A_245 : i32 to index
            %get3A_1499 = tpu.vector_load %arg8[%get3A_1497, %get3A_1498] {strides = array<i32>} : memref<176x256xf32, #tpu.memory_space<vmem>>, vector<16xf32>,
            %add3A_1500 = arith.addf %get3A_1499, %add3A_1485 : vector<16xf32>
            %swap3A_1501 = arith.index_cast %add3A_1489 : i32 to index
            %swap3A_1502 = arith.index_cast %add3A_245 : i32 to index
            %swap3A_1503 = tpu.vector_load %arg8[%swap3A_1501, %swap3A_1502] {strides = array<i32>} : memref<176x256xf32, #tpu.memory_space<vmem>>, vector<16xf32>,
            tpu.vector_store %arg8[%swap3A_1501, %swap3A_1502], %add3A_1500 {strides = array<i32>} : memref<176x256xf32, #tpu.memory_space<vmem>>, vector<16xf32>,
            %get3A_1504 = arith.constant 110 : i32
            %get3A_1505 = arith.index_cast %and3A_208 : i32 to index
            %get3A_1506 = arith.index_cast %get3A_1504 : i32 to index
            %get3A_1507 = arith.index_cast %mul3A_235 : i32 to index
            %get3A_1508 = tpu.vector_load %arg7[%get3A_1505, %get3A_1506, %get3A_1507] {strides = array<i32>} : memref<2x128x128xi32, #tpu.memory_space<vmem>>, vector<16xi32>,
            %bitcast3A_1509 = vector.bitcast %get3A_1508 : vector<16xi32> to vector<32xbf16>
            %unpack3A_1510 = tpu.unpack_subelements %bitcast3A_1509, 0 {pack_format = #tpu.pack_format<interleaved>} : vector<32xbf16> -> vector<16xf32>
            %unpack3A_1511 = tpu.unpack_subelements %bitcast3A_1509, 1 {pack_format = #tpu.pack_format<interleaved>} : vector<32xbf16> -> vector<16xf32>
            %get3A_1512 = arith.constant 111 : i32
            %get3A_1513 = arith.index_cast %and3A_208 : i32 to index
            %get3A_1514 = arith.index_cast %get3A_1512 : i32 to index
            %get3A_1515 = arith.index_cast %mul3A_235 : i32 to index
            %get3A_1516 = tpu.vector_load %arg7[%get3A_1513, %get3A_1514, %get3A_1515] {strides = array<i32>} : memref<2x128x128xi32, #tpu.memory_space<vmem>>, vector<16xi32>,
            %bitcast3A_1517 = vector.bitcast %get3A_1516 : vector<16xi32> to vector<32xbf16>
            %unpack3A_1518 = tpu.unpack_subelements %bitcast3A_1517, 0 {pack_format = #tpu.pack_format<interleaved>} : vector<32xbf16> -> vector<16xf32>
            %unpack3A_1519 = tpu.unpack_subelements %bitcast3A_1517, 1 {pack_format = #tpu.pack_format<interleaved>} : vector<32xbf16> -> vector<16xf32>
            %add3A_1520 = arith.addf %unpack3A_1510, %unpack3A_1518 : vector<16xf32>
            %add3A_1521 = arith.addf %unpack3A_1511, %unpack3A_1519 : vector<16xf32>
            %get3A_1522 = arith.constant 112 : i32
            %get3A_1523 = arith.index_cast %and3A_208 : i32 to index
            %get3A_1524 = arith.index_cast %get3A_1522 : i32 to index
            %get3A_1525 = arith.index_cast %mul3A_235 : i32 to index
            %get3A_1526 = tpu.vector_load %arg7[%get3A_1523, %get3A_1524, %get3A_1525] {strides = array<i32>} : memref<2x128x128xi32, #tpu.memory_space<vmem>>, vector<16xi32>,
            %bitcast3A_1527 = vector.bitcast %get3A_1526 : vector<16xi32> to vector<32xbf16>
            %unpack3A_1528 = tpu.unpack_subelements %bitcast3A_1527, 0 {pack_format = #tpu.pack_format<interleaved>} : vector<32xbf16> -> vector<16xf32>
            %unpack3A_1529 = tpu.unpack_subelements %bitcast3A_1527, 1 {pack_format = #tpu.pack_format<interleaved>} : vector<32xbf16> -> vector<16xf32>
            %add3A_1530 = arith.addf %add3A_1520, %unpack3A_1528 : vector<16xf32>
            %add3A_1531 = arith.addf %add3A_1521, %unpack3A_1529 : vector<16xf32>
            %get3A_1532 = arith.constant 113 : i32
            %get3A_1533 = arith.index_cast %and3A_208 : i32 to index
            %get3A_1534 = arith.index_cast %get3A_1532 : i32 to index
            %get3A_1535 = arith.index_cast %mul3A_235 : i32 to index
            %get3A_1536 = tpu.vector_load %arg7[%get3A_1533, %get3A_1534, %get3A_1535] {strides = array<i32>} : memref<2x128x128xi32, #tpu.memory_space<vmem>>, vector<16xi32>,
            %bitcast3A_1537 = vector.bitcast %get3A_1536 : vector<16xi32> to vector<32xbf16>
            %unpack3A_1538 = tpu.unpack_subelements %bitcast3A_1537, 0 {pack_format = #tpu.pack_format<interleaved>} : vector<32xbf16> -> vector<16xf32>
            %unpack3A_1539 = tpu.unpack_subelements %bitcast3A_1537, 1 {pack_format = #tpu.pack_format<interleaved>} : vector<32xbf16> -> vector<16xf32>
            %add3A_1540 = arith.addf %add3A_1530, %unpack3A_1538 : vector<16xf32>
            %add3A_1541 = arith.addf %add3A_1531, %unpack3A_1539 : vector<16xf32>
            %get3A_1542 = arith.constant 114 : i32
            %get3A_1543 = arith.index_cast %and3A_208 : i32 to index
            %get3A_1544 = arith.index_cast %get3A_1542 : i32 to index
            %get3A_1545 = arith.index_cast %mul3A_235 : i32 to index
            %get3A_1546 = tpu.vector_load %arg7[%get3A_1543, %get3A_1544, %get3A_1545] {strides = array<i32>} : memref<2x128x128xi32, #tpu.memory_space<vmem>>, vector<16xi32>,
            %bitcast3A_1547 = vector.bitcast %get3A_1546 : vector<16xi32> to vector<32xbf16>
            %unpack3A_1548 = tpu.unpack_subelements %bitcast3A_1547, 0 {pack_format = #tpu.pack_format<interleaved>} : vector<32xbf16> -> vector<16xf32>
            %unpack3A_1549 = tpu.unpack_subelements %bitcast3A_1547, 1 {pack_format = #tpu.pack_format<interleaved>} : vector<32xbf16> -> vector<16xf32>
            %add3A_1550 = arith.addf %add3A_1540, %unpack3A_1548 : vector<16xf32>
            %add3A_1551 = arith.addf %add3A_1541, %unpack3A_1549 : vector<16xf32>
            %get3A_1552 = arith.constant 115 : i32
            %get3A_1553 = arith.index_cast %and3A_208 : i32 to index
            %get3A_1554 = arith.index_cast %get3A_1552 : i32 to index
            %get3A_1555 = arith.index_cast %mul3A_235 : i32 to index
            %get3A_1556 = tpu.vector_load %arg7[%get3A_1553, %get3A_1554, %get3A_1555] {strides = array<i32>} : memref<2x128x128xi32, #tpu.memory_space<vmem>>, vector<16xi32>,
            %bitcast3A_1557 = vector.bitcast %get3A_1556 : vector<16xi32> to vector<32xbf16>
            %unpack3A_1558 = tpu.unpack_subelements %bitcast3A_1557, 0 {pack_format = #tpu.pack_format<interleaved>} : vector<32xbf16> -> vector<16xf32>
            %unpack3A_1559 = tpu.unpack_subelements %bitcast3A_1557, 1 {pack_format = #tpu.pack_format<interleaved>} : vector<32xbf16> -> vector<16xf32>
            %add3A_1560 = arith.addf %add3A_1550, %unpack3A_1558 : vector<16xf32>
            %add3A_1561 = arith.addf %add3A_1551, %unpack3A_1559 : vector<16xf32>
            %get3A_1562 = arith.constant 116 : i32
            %get3A_1563 = arith.index_cast %and3A_208 : i32 to index
            %get3A_1564 = arith.index_cast %get3A_1562 : i32 to index
            %get3A_1565 = arith.index_cast %mul3A_235 : i32 to index
            %get3A_1566 = tpu.vector_load %arg7[%get3A_1563, %get3A_1564, %get3A_1565] {strides = array<i32>} : memref<2x128x128xi32, #tpu.memory_space<vmem>>, vector<16xi32>,
            %bitcast3A_1567 = vector.bitcast %get3A_1566 : vector<16xi32> to vector<32xbf16>
            %unpack3A_1568 = tpu.unpack_subelements %bitcast3A_1567, 0 {pack_format = #tpu.pack_format<interleaved>} : vector<32xbf16> -> vector<16xf32>
            %unpack3A_1569 = tpu.unpack_subelements %bitcast3A_1567, 1 {pack_format = #tpu.pack_format<interleaved>} : vector<32xbf16> -> vector<16xf32>
            %add3A_1570 = arith.addf %add3A_1560, %unpack3A_1568 : vector<16xf32>
            %add3A_1571 = arith.addf %add3A_1561, %unpack3A_1569 : vector<16xf32>
            %get3A_1572 = arith.constant 117 : i32
            %get3A_1573 = arith.index_cast %and3A_208 : i32 to index
            %get3A_1574 = arith.index_cast %get3A_1572 : i32 to index
            %get3A_1575 = arith.index_cast %mul3A_235 : i32 to index
            %get3A_1576 = tpu.vector_load %arg7[%get3A_1573, %get3A_1574, %get3A_1575] {strides = array<i32>} : memref<2x128x128xi32, #tpu.memory_space<vmem>>, vector<16xi32>,
            %bitcast3A_1577 = vector.bitcast %get3A_1576 : vector<16xi32> to vector<32xbf16>
            %unpack3A_1578 = tpu.unpack_subelements %bitcast3A_1577, 0 {pack_format = #tpu.pack_format<interleaved>} : vector<32xbf16> -> vector<16xf32>
            %unpack3A_1579 = tpu.unpack_subelements %bitcast3A_1577, 1 {pack_format = #tpu.pack_format<interleaved>} : vector<32xbf16> -> vector<16xf32>
            %add3A_1580 = arith.addf %add3A_1570, %unpack3A_1578 : vector<16xf32>
            %add3A_1581 = arith.addf %add3A_1571, %unpack3A_1579 : vector<16xf32>
            %get3A_1582 = arith.constant 118 : i32
            %get3A_1583 = arith.index_cast %and3A_208 : i32 to index
            %get3A_1584 = arith.index_cast %get3A_1582 : i32 to index
            %get3A_1585 = arith.index_cast %mul3A_235 : i32 to index
            %get3A_1586 = tpu.vector_load %arg7[%get3A_1583, %get3A_1584, %get3A_1585] {strides = array<i32>} : memref<2x128x128xi32, #tpu.memory_space<vmem>>, vector<16xi32>,
            %bitcast3A_1587 = vector.bitcast %get3A_1586 : vector<16xi32> to vector<32xbf16>
            %unpack3A_1588 = tpu.unpack_subelements %bitcast3A_1587, 0 {pack_format = #tpu.pack_format<interleaved>} : vector<32xbf16> -> vector<16xf32>
            %unpack3A_1589 = tpu.unpack_subelements %bitcast3A_1587, 1 {pack_format = #tpu.pack_format<interleaved>} : vector<32xbf16> -> vector<16xf32>
            %add3A_1590 = arith.addf %add3A_1580, %unpack3A_1588 : vector<16xf32>
            %add3A_1591 = arith.addf %add3A_1581, %unpack3A_1589 : vector<16xf32>
            %get3A_1592 = arith.constant 119 : i32
            %get3A_1593 = arith.index_cast %and3A_208 : i32 to index
            %get3A_1594 = arith.index_cast %get3A_1592 : i32 to index
            %get3A_1595 = arith.index_cast %mul3A_235 : i32 to index
            %get3A_1596 = tpu.vector_load %arg7[%get3A_1593, %get3A_1594, %get3A_1595] {strides = array<i32>} : memref<2x128x128xi32, #tpu.memory_space<vmem>>, vector<16xi32>,
            %bitcast3A_1597 = vector.bitcast %get3A_1596 : vector<16xi32> to vector<32xbf16>
            %unpack3A_1598 = tpu.unpack_subelements %bitcast3A_1597, 0 {pack_format = #tpu.pack_format<interleaved>} : vector<32xbf16> -> vector<16xf32>
            %unpack3A_1599 = tpu.unpack_subelements %bitcast3A_1597, 1 {pack_format = #tpu.pack_format<interleaved>} : vector<32xbf16> -> vector<16xf32>
            %add3A_1600 = arith.addf %add3A_1590, %unpack3A_1598 : vector<16xf32>
            %add3A_1601 = arith.addf %add3A_1591, %unpack3A_1599 : vector<16xf32>
            %get3A_1602 = arith.constant 120 : i32
            %get3A_1603 = arith.index_cast %and3A_208 : i32 to index
            %get3A_1604 = arith.index_cast %get3A_1602 : i32 to index
            %get3A_1605 = arith.index_cast %mul3A_235 : i32 to index
            %get3A_1606 = tpu.vector_load %arg7[%get3A_1603, %get3A_1604, %get3A_1605] {strides = array<i32>} : memref<2x128x128xi32, #tpu.memory_space<vmem>>, vector<16xi32>,
            %bitcast3A_1607 = vector.bitcast %get3A_1606 : vector<16xi32> to vector<32xbf16>
            %unpack3A_1608 = tpu.unpack_subelements %bitcast3A_1607, 0 {pack_format = #tpu.pack_format<interleaved>} : vector<32xbf16> -> vector<16xf32>
            %unpack3A_1609 = tpu.unpack_subelements %bitcast3A_1607, 1 {pack_format = #tpu.pack_format<interleaved>} : vector<32xbf16> -> vector<16xf32>
            %add3A_1610 = arith.addf %add3A_1600, %unpack3A_1608 : vector<16xf32>
            %add3A_1611 = arith.addf %add3A_1601, %unpack3A_1609 : vector<16xf32>
            %mul3A_1612 = arith.constant 11 : i32
            %mul3A_1613 = arith.muli %scan3A_203, %mul3A_1612 : i32
            %add3A_1614 = arith.constant 10 : i32
            %add3A_1615 = arith.addi %mul3A_1613, %add3A_1614 : i32
            %get3A_1616 = arith.index_cast %add3A_1615 : i32 to index
            %get3A_1617 = arith.index_cast %mul3A_239 : i32 to index
            %get3A_1618 = tpu.vector_load %arg8[%get3A_1616, %get3A_1617] {strides = array<i32>} : memref<176x256xf32, #tpu.memory_space<vmem>>, vector<16xf32>,
            %add3A_1619 = arith.addf %get3A_1618, %add3A_1610 : vector<16xf32>
            %swap3A_1620 = arith.index_cast %add3A_1615 : i32 to index
            %swap3A_1621 = arith.index_cast %mul3A_239 : i32 to index
            %swap3A_1622 = tpu.vector_load %arg8[%swap3A_1620, %swap3A_1621] {strides = array<i32>} : memref<176x256xf32, #tpu.memory_space<vmem>>, vector<16xf32>,
            tpu.vector_store %arg8[%swap3A_1620, %swap3A_1621], %add3A_1619 {strides = array<i32>} : memref<176x256xf32, #tpu.memory_space<vmem>>, vector<16xf32>,
            %get3A_1623 = arith.index_cast %add3A_1615 : i32 to index
            %get3A_1624 = arith.index_cast %add3A_245 : i32 to index
            %get3A_1625 = tpu.vector_load %arg8[%get3A_1623, %get3A_1624] {strides = array<i32>} : memref<176x256xf32, #tpu.memory_space<vmem>>, vector<16xf32>,
            %add3A_1626 = arith.addf %get3A_1625, %add3A_1611 : vector<16xf32>
            %swap3A_1627 = arith.index_cast %add3A_1615 : i32 to index
            %swap3A_1628 = arith.index_cast %add3A_245 : i32 to index
            %swap3A_1629 = tpu.vector_load %arg8[%swap3A_1627, %swap3A_1628] {strides = array<i32>} : memref<176x256xf32, #tpu.memory_space<vmem>>, vector<16xf32>,
            tpu.vector_store %arg8[%swap3A_1627, %swap3A_1628], %add3A_1626 {strides = array<i32>} : memref<176x256xf32, #tpu.memory_space<vmem>>, vector<16xf32>,
          }
          %scan3A_232 = arith.constant 8 : i32
        }
        %scan3A_201 = arith.constant 16 : i32
        %barrier3A_202 = arith.constant 0 : index
        tpu.barrier barrier_id(%barrier3A_202)
      }
      %scan3A_18 = arith.constant 2 : i32
      %mul3A_19 = arith.constant 352 : i32
      %mul3A_20 = arith.muli %add3A, %mul3A_19 : i32
      %mul3A_21 = arith.constant 176 : i32
      %mul3A_22 = arith.muli %scan3A_6, %mul3A_21 : i32
      %add3A_23 = arith.addi %mul3A_20, %mul3A_22 : i32
      "tpu.region"() ({
        %run_scoped3A = tpu.sem_alloc : memref<!tpu.dma_semaphore, #tpu.memory_space<semaphore_mem>>
        %dma_start3A = arith.constant 0 : i32
        %dma_start3A_24 = tpu.memref_slice %arg4[%add3A_23, %dma_start3A] : memref<11264x256xf32, #tpu.memory_space<hbm>> -> memref<176x256xf32, #tpu.memory_space<hbm>>
        %dma_start3A_25 = arith.constant 0 : i32
        %dma_start3A_26 = tpu.memref_slice %arg4[%add3A_23, %dma_start3A_25] : memref<11264x256xf32, #tpu.memory_space<hbm>> -> memref<176x256xf32, #tpu.memory_space<hbm>>
        tpu.enqueue_dma source(%arg8 : memref<176x256xf32, #tpu.memory_space<vmem>>) target(%dma_start3A_26 : memref<176x256xf32, #tpu.memory_space<hbm>>) target_semaphore(%run_scoped3A : memref<!tpu.dma_semaphore, #tpu.memory_space<semaphore_mem>>)
        %dma_wait3A = arith.constant 0 : i32
        %dma_wait3A_27 = tpu.memref_slice %arg4[%add3A_23, %dma_wait3A] : memref<11264x256xf32, #tpu.memory_space<hbm>> -> memref<176x256xf32, #tpu.memory_space<hbm>>
        %dma_wait3A_28 = arith.constant 0 : i32
        %dma_wait3A_29 = tpu.memref_slice %arg4[%add3A_23, %dma_wait3A_28] : memref<11264x256xf32, #tpu.memory_space<hbm>> -> memref<176x256xf32, #tpu.memory_space<hbm>>
        tpu.wait_dma2 semaphore(%run_scoped3A : memref<!tpu.dma_semaphore, #tpu.memory_space<semaphore_mem>>) src(%arg8 : memref<176x256xf32, #tpu.memory_space<vmem>>) dst(%dma_wait3A_29 : memref<176x256xf32, #tpu.memory_space<hbm>>)
        tpu.yield
      }) : () -> ()
    }
    %scan3A_5 = arith.constant 2 : i32
    return
  }
}

module attributes {stable_mosaic.version = 14 : i64} {
  func.func @_dense_body(%arg0: i32, %arg1: memref<11x128x256xf32, #tpu.memory_space<vmem>>, %arg2: memref<11x128x1xf32, #tpu.memory_space<vmem>>, %arg3: memref<128x1xf32, #tpu.memory_space<vmem>>, %arg4: memref<256x256xf32, #tpu.memory_space<vmem>>, %arg5: memref<256x256xf32, #tpu.memory_space<vmem>>, %arg6: memref<128x256xf32, #tpu.memory_space<vmem>>) attributes {dimension_semantics = [#tpu.dimension_semantics<arbitrary>], iteration_bounds = array<i64: 8>, scalar_prefetch = 0 : i64, scratch_operands = 0 : i64, tpu.core_type = #tpu.core_type<tc>, window_params = [{transform_indices = @transform_0, window_bounds = array<i64: 11, 128, 256>}, {transform_indices = @transform_1, window_bounds = array<i64: 11, 128, 1>}, {transform_indices = @transform_2, window_bounds = array<i64: 128, 1>}, {pipeline_mode = #tpu.pipeline_mode<synchronous>, transform_indices = @transform_3, window_bounds = array<i64: 256, 256>}, {pipeline_mode = #tpu.pipeline_mode<synchronous>, transform_indices = @transform_4, window_bounds = array<i64: 256, 256>}, {transform_indices = @transform_5, window_bounds = array<i64: 128, 256>}]} {
    %get3A = arith.constant 0 : index
    %get3A_0 = arith.constant 0 : index
    %get3A_1 = vector.load %arg4[%get3A, %get3A_0] : memref<256x256xf32, #tpu.memory_space<vmem>>, vector<256x256xf32>
    %broadcast_in_dim3A = arith.constant 0.000000e+00 : f32
    %broadcast_in_dim3A_2 = vector.broadcast %broadcast_in_dim3A : f32 to vector<128x256xf32>
    %get3A_3 = arith.constant 0 : index
    %get3A_4 = arith.constant 0 : index
    %get3A_5 = arith.constant 0 : index
    %get3A_6 = vector.load %arg1[%get3A_3, %get3A_4, %get3A_5] : memref<11x128x256xf32, #tpu.memory_space<vmem>>, vector<1x128x256xf32>
    %get3A_7 = vector.shape_cast %get3A_6 : vector<1x128x256xf32> to vector<128x256xf32>
    %get3A_8 = arith.constant 0 : index
    %get3A_9 = arith.constant 0 : index
    %get3A_10 = arith.constant 0 : index
    %get3A_11 = vector.load %arg2[%get3A_8, %get3A_9, %get3A_10] : memref<11x128x1xf32, #tpu.memory_space<vmem>>, vector<1x128x1xf32>
    %get3A_12 = vector.shape_cast %get3A_11 : vector<1x128x1xf32> to vector<128x1xf32>
    %mul3A = vector.broadcast %get3A_12 : vector<128x1xf32> to vector<128x256xf32>
    %mul3A_13 = arith.mulf %get3A_7, %mul3A : vector<128x256xf32>
    %dot_general3A = arith.constant dense<0.000000e+00> : vector<128x256xf32>
    %dot_general3A_14 = tpu.matmul %mul3A_13, %get3A_1, %dot_general3A {dimension_numbers = #tpu.dot_dimension_numbers<[1], [0], [0], [1], [0, 0, 1, 1], [], []>, transpose_lhs_hint = false} : vector<128x256xf32>, vector<256x256xf32>, vector<128x256xf32> -> vector<128x256xf32>
    %max3A = arith.constant 0.000000e+00 : f32
    %max3A_15 = vector.broadcast %max3A : f32 to vector<128x256xf32>
    %max3A_16 = arith.maximumf %dot_general3A_14, %max3A_15 : vector<128x256xf32>
    %mul3A_17 = arith.mulf %max3A_16, %max3A_16 : vector<128x256xf32>
    %reduce_sum3A = arith.constant dense<0.000000e+00> : vector<128xf32>
    %reduce_sum3A_18 = vector.multi_reduction <add>, %mul3A_17, %reduce_sum3A [1] : vector<128x256xf32> to vector<128xf32>
    %broadcast_in_dim3A_19 = vector.shape_cast %reduce_sum3A_18 : vector<128xf32> to vector<128x1xf32>
    %sqrt3A = math.sqrt %broadcast_in_dim3A_19 : vector<128x1xf32>
    %max3A_20 = arith.constant 9.99999996E-13 : f32
    %max3A_21 = vector.broadcast %max3A_20 : f32 to vector<128x1xf32>
    %max3A_22 = arith.maximumf %sqrt3A, %max3A_21 : vector<128x1xf32>
    %div3A = vector.broadcast %max3A_22 : vector<128x1xf32> to vector<128x256xf32>
    %div3A_23 = arith.divf %max3A_16, %div3A : vector<128x256xf32>
    %add3A = arith.addf %broadcast_in_dim3A_2, %div3A_23 : vector<128x256xf32>
    %get3A_24 = arith.constant 1 : index
    %get3A_25 = arith.constant 0 : index
    %get3A_26 = arith.constant 0 : index
    %get3A_27 = vector.load %arg1[%get3A_24, %get3A_25, %get3A_26] : memref<11x128x256xf32, #tpu.memory_space<vmem>>, vector<1x128x256xf32>
    %get3A_28 = vector.shape_cast %get3A_27 : vector<1x128x256xf32> to vector<128x256xf32>
    %get3A_29 = arith.constant 1 : index
    %get3A_30 = arith.constant 0 : index
    %get3A_31 = arith.constant 0 : index
    %get3A_32 = vector.load %arg2[%get3A_29, %get3A_30, %get3A_31] : memref<11x128x1xf32, #tpu.memory_space<vmem>>, vector<1x128x1xf32>
    %get3A_33 = vector.shape_cast %get3A_32 : vector<1x128x1xf32> to vector<128x1xf32>
    %mul3A_34 = vector.broadcast %get3A_33 : vector<128x1xf32> to vector<128x256xf32>
    %mul3A_35 = arith.mulf %get3A_28, %mul3A_34 : vector<128x256xf32>
    %dot_general3A_36 = arith.constant dense<0.000000e+00> : vector<128x256xf32>
    %dot_general3A_37 = tpu.matmul %mul3A_35, %get3A_1, %dot_general3A_36 {dimension_numbers = #tpu.dot_dimension_numbers<[1], [0], [0], [1], [0, 0, 1, 1], [], []>, transpose_lhs_hint = false} : vector<128x256xf32>, vector<256x256xf32>, vector<128x256xf32> -> vector<128x256xf32>
    %max3A_38 = arith.constant 0.000000e+00 : f32
    %max3A_39 = vector.broadcast %max3A_38 : f32 to vector<128x256xf32>
    %max3A_40 = arith.maximumf %dot_general3A_37, %max3A_39 : vector<128x256xf32>
    %mul3A_41 = arith.mulf %max3A_40, %max3A_40 : vector<128x256xf32>
    %reduce_sum3A_42 = arith.constant dense<0.000000e+00> : vector<128xf32>
    %reduce_sum3A_43 = vector.multi_reduction <add>, %mul3A_41, %reduce_sum3A_42 [1] : vector<128x256xf32> to vector<128xf32>
    %broadcast_in_dim3A_44 = vector.shape_cast %reduce_sum3A_43 : vector<128xf32> to vector<128x1xf32>
    %sqrt3A_45 = math.sqrt %broadcast_in_dim3A_44 : vector<128x1xf32>
    %max3A_46 = arith.constant 9.99999996E-13 : f32
    %max3A_47 = vector.broadcast %max3A_46 : f32 to vector<128x1xf32>
    %max3A_48 = arith.maximumf %sqrt3A_45, %max3A_47 : vector<128x1xf32>
    %div3A_49 = vector.broadcast %max3A_48 : vector<128x1xf32> to vector<128x256xf32>
    %div3A_50 = arith.divf %max3A_40, %div3A_49 : vector<128x256xf32>
    %add3A_51 = arith.addf %add3A, %div3A_50 : vector<128x256xf32>
    %get3A_52 = arith.constant 2 : index
    %get3A_53 = arith.constant 0 : index
    %get3A_54 = arith.constant 0 : index
    %get3A_55 = vector.load %arg1[%get3A_52, %get3A_53, %get3A_54] : memref<11x128x256xf32, #tpu.memory_space<vmem>>, vector<1x128x256xf32>
    %get3A_56 = vector.shape_cast %get3A_55 : vector<1x128x256xf32> to vector<128x256xf32>
    %get3A_57 = arith.constant 2 : index
    %get3A_58 = arith.constant 0 : index
    %get3A_59 = arith.constant 0 : index
    %get3A_60 = vector.load %arg2[%get3A_57, %get3A_58, %get3A_59] : memref<11x128x1xf32, #tpu.memory_space<vmem>>, vector<1x128x1xf32>
    %get3A_61 = vector.shape_cast %get3A_60 : vector<1x128x1xf32> to vector<128x1xf32>
    %mul3A_62 = vector.broadcast %get3A_61 : vector<128x1xf32> to vector<128x256xf32>
    %mul3A_63 = arith.mulf %get3A_56, %mul3A_62 : vector<128x256xf32>
    %dot_general3A_64 = arith.constant dense<0.000000e+00> : vector<128x256xf32>
    %dot_general3A_65 = tpu.matmul %mul3A_63, %get3A_1, %dot_general3A_64 {dimension_numbers = #tpu.dot_dimension_numbers<[1], [0], [0], [1], [0, 0, 1, 1], [], []>, transpose_lhs_hint = false} : vector<128x256xf32>, vector<256x256xf32>, vector<128x256xf32> -> vector<128x256xf32>
    %max3A_66 = arith.constant 0.000000e+00 : f32
    %max3A_67 = vector.broadcast %max3A_66 : f32 to vector<128x256xf32>
    %max3A_68 = arith.maximumf %dot_general3A_65, %max3A_67 : vector<128x256xf32>
    %mul3A_69 = arith.mulf %max3A_68, %max3A_68 : vector<128x256xf32>
    %reduce_sum3A_70 = arith.constant dense<0.000000e+00> : vector<128xf32>
    %reduce_sum3A_71 = vector.multi_reduction <add>, %mul3A_69, %reduce_sum3A_70 [1] : vector<128x256xf32> to vector<128xf32>
    %broadcast_in_dim3A_72 = vector.shape_cast %reduce_sum3A_71 : vector<128xf32> to vector<128x1xf32>
    %sqrt3A_73 = math.sqrt %broadcast_in_dim3A_72 : vector<128x1xf32>
    %max3A_74 = arith.constant 9.99999996E-13 : f32
    %max3A_75 = vector.broadcast %max3A_74 : f32 to vector<128x1xf32>
    %max3A_76 = arith.maximumf %sqrt3A_73, %max3A_75 : vector<128x1xf32>
    %div3A_77 = vector.broadcast %max3A_76 : vector<128x1xf32> to vector<128x256xf32>
    %div3A_78 = arith.divf %max3A_68, %div3A_77 : vector<128x256xf32>
    %add3A_79 = arith.addf %add3A_51, %div3A_78 : vector<128x256xf32>
    %get3A_80 = arith.constant 3 : index
    %get3A_81 = arith.constant 0 : index
    %get3A_82 = arith.constant 0 : index
    %get3A_83 = vector.load %arg1[%get3A_80, %get3A_81, %get3A_82] : memref<11x128x256xf32, #tpu.memory_space<vmem>>, vector<1x128x256xf32>
    %get3A_84 = vector.shape_cast %get3A_83 : vector<1x128x256xf32> to vector<128x256xf32>
    %get3A_85 = arith.constant 3 : index
    %get3A_86 = arith.constant 0 : index
    %get3A_87 = arith.constant 0 : index
    %get3A_88 = vector.load %arg2[%get3A_85, %get3A_86, %get3A_87] : memref<11x128x1xf32, #tpu.memory_space<vmem>>, vector<1x128x1xf32>
    %get3A_89 = vector.shape_cast %get3A_88 : vector<1x128x1xf32> to vector<128x1xf32>
    %mul3A_90 = vector.broadcast %get3A_89 : vector<128x1xf32> to vector<128x256xf32>
    %mul3A_91 = arith.mulf %get3A_84, %mul3A_90 : vector<128x256xf32>
    %dot_general3A_92 = arith.constant dense<0.000000e+00> : vector<128x256xf32>
    %dot_general3A_93 = tpu.matmul %mul3A_91, %get3A_1, %dot_general3A_92 {dimension_numbers = #tpu.dot_dimension_numbers<[1], [0], [0], [1], [0, 0, 1, 1], [], []>, transpose_lhs_hint = false} : vector<128x256xf32>, vector<256x256xf32>, vector<128x256xf32> -> vector<128x256xf32>
    %max3A_94 = arith.constant 0.000000e+00 : f32
    %max3A_95 = vector.broadcast %max3A_94 : f32 to vector<128x256xf32>
    %max3A_96 = arith.maximumf %dot_general3A_93, %max3A_95 : vector<128x256xf32>
    %mul3A_97 = arith.mulf %max3A_96, %max3A_96 : vector<128x256xf32>
    %reduce_sum3A_98 = arith.constant dense<0.000000e+00> : vector<128xf32>
    %reduce_sum3A_99 = vector.multi_reduction <add>, %mul3A_97, %reduce_sum3A_98 [1] : vector<128x256xf32> to vector<128xf32>
    %broadcast_in_dim3A_100 = vector.shape_cast %reduce_sum3A_99 : vector<128xf32> to vector<128x1xf32>
    %sqrt3A_101 = math.sqrt %broadcast_in_dim3A_100 : vector<128x1xf32>
    %max3A_102 = arith.constant 9.99999996E-13 : f32
    %max3A_103 = vector.broadcast %max3A_102 : f32 to vector<128x1xf32>
    %max3A_104 = arith.maximumf %sqrt3A_101, %max3A_103 : vector<128x1xf32>
    %div3A_105 = vector.broadcast %max3A_104 : vector<128x1xf32> to vector<128x256xf32>
    %div3A_106 = arith.divf %max3A_96, %div3A_105 : vector<128x256xf32>
    %add3A_107 = arith.addf %add3A_79, %div3A_106 : vector<128x256xf32>
    %get3A_108 = arith.constant 4 : index
    %get3A_109 = arith.constant 0 : index
    %get3A_110 = arith.constant 0 : index
    %get3A_111 = vector.load %arg1[%get3A_108, %get3A_109, %get3A_110] : memref<11x128x256xf32, #tpu.memory_space<vmem>>, vector<1x128x256xf32>
    %get3A_112 = vector.shape_cast %get3A_111 : vector<1x128x256xf32> to vector<128x256xf32>
    %get3A_113 = arith.constant 4 : index
    %get3A_114 = arith.constant 0 : index
    %get3A_115 = arith.constant 0 : index
    %get3A_116 = vector.load %arg2[%get3A_113, %get3A_114, %get3A_115] : memref<11x128x1xf32, #tpu.memory_space<vmem>>, vector<1x128x1xf32>
    %get3A_117 = vector.shape_cast %get3A_116 : vector<1x128x1xf32> to vector<128x1xf32>
    %mul3A_118 = vector.broadcast %get3A_117 : vector<128x1xf32> to vector<128x256xf32>
    %mul3A_119 = arith.mulf %get3A_112, %mul3A_118 : vector<128x256xf32>
    %dot_general3A_120 = arith.constant dense<0.000000e+00> : vector<128x256xf32>
    %dot_general3A_121 = tpu.matmul %mul3A_119, %get3A_1, %dot_general3A_120 {dimension_numbers = #tpu.dot_dimension_numbers<[1], [0], [0], [1], [0, 0, 1, 1], [], []>, transpose_lhs_hint = false} : vector<128x256xf32>, vector<256x256xf32>, vector<128x256xf32> -> vector<128x256xf32>
    %max3A_122 = arith.constant 0.000000e+00 : f32
    %max3A_123 = vector.broadcast %max3A_122 : f32 to vector<128x256xf32>
    %max3A_124 = arith.maximumf %dot_general3A_121, %max3A_123 : vector<128x256xf32>
    %mul3A_125 = arith.mulf %max3A_124, %max3A_124 : vector<128x256xf32>
    %reduce_sum3A_126 = arith.constant dense<0.000000e+00> : vector<128xf32>
    %reduce_sum3A_127 = vector.multi_reduction <add>, %mul3A_125, %reduce_sum3A_126 [1] : vector<128x256xf32> to vector<128xf32>
    %broadcast_in_dim3A_128 = vector.shape_cast %reduce_sum3A_127 : vector<128xf32> to vector<128x1xf32>
    %sqrt3A_129 = math.sqrt %broadcast_in_dim3A_128 : vector<128x1xf32>
    %max3A_130 = arith.constant 9.99999996E-13 : f32
    %max3A_131 = vector.broadcast %max3A_130 : f32 to vector<128x1xf32>
    %max3A_132 = arith.maximumf %sqrt3A_129, %max3A_131 : vector<128x1xf32>
    %div3A_133 = vector.broadcast %max3A_132 : vector<128x1xf32> to vector<128x256xf32>
    %div3A_134 = arith.divf %max3A_124, %div3A_133 : vector<128x256xf32>
    %add3A_135 = arith.addf %add3A_107, %div3A_134 : vector<128x256xf32>
    %get3A_136 = arith.constant 5 : index
    %get3A_137 = arith.constant 0 : index
    %get3A_138 = arith.constant 0 : index
    %get3A_139 = vector.load %arg1[%get3A_136, %get3A_137, %get3A_138] : memref<11x128x256xf32, #tpu.memory_space<vmem>>, vector<1x128x256xf32>
    %get3A_140 = vector.shape_cast %get3A_139 : vector<1x128x256xf32> to vector<128x256xf32>
    %get3A_141 = arith.constant 5 : index
    %get3A_142 = arith.constant 0 : index
    %get3A_143 = arith.constant 0 : index
    %get3A_144 = vector.load %arg2[%get3A_141, %get3A_142, %get3A_143] : memref<11x128x1xf32, #tpu.memory_space<vmem>>, vector<1x128x1xf32>
    %get3A_145 = vector.shape_cast %get3A_144 : vector<1x128x1xf32> to vector<128x1xf32>
    %mul3A_146 = vector.broadcast %get3A_145 : vector<128x1xf32> to vector<128x256xf32>
    %mul3A_147 = arith.mulf %get3A_140, %mul3A_146 : vector<128x256xf32>
    %dot_general3A_148 = arith.constant dense<0.000000e+00> : vector<128x256xf32>
    %dot_general3A_149 = tpu.matmul %mul3A_147, %get3A_1, %dot_general3A_148 {dimension_numbers = #tpu.dot_dimension_numbers<[1], [0], [0], [1], [0, 0, 1, 1], [], []>, transpose_lhs_hint = false} : vector<128x256xf32>, vector<256x256xf32>, vector<128x256xf32> -> vector<128x256xf32>
    %max3A_150 = arith.constant 0.000000e+00 : f32
    %max3A_151 = vector.broadcast %max3A_150 : f32 to vector<128x256xf32>
    %max3A_152 = arith.maximumf %dot_general3A_149, %max3A_151 : vector<128x256xf32>
    %mul3A_153 = arith.mulf %max3A_152, %max3A_152 : vector<128x256xf32>
    %reduce_sum3A_154 = arith.constant dense<0.000000e+00> : vector<128xf32>
    %reduce_sum3A_155 = vector.multi_reduction <add>, %mul3A_153, %reduce_sum3A_154 [1] : vector<128x256xf32> to vector<128xf32>
    %broadcast_in_dim3A_156 = vector.shape_cast %reduce_sum3A_155 : vector<128xf32> to vector<128x1xf32>
    %sqrt3A_157 = math.sqrt %broadcast_in_dim3A_156 : vector<128x1xf32>
    %max3A_158 = arith.constant 9.99999996E-13 : f32
    %max3A_159 = vector.broadcast %max3A_158 : f32 to vector<128x1xf32>
    %max3A_160 = arith.maximumf %sqrt3A_157, %max3A_159 : vector<128x1xf32>
    %div3A_161 = vector.broadcast %max3A_160 : vector<128x1xf32> to vector<128x256xf32>
    %div3A_162 = arith.divf %max3A_152, %div3A_161 : vector<128x256xf32>
    %add3A_163 = arith.addf %add3A_135, %div3A_162 : vector<128x256xf32>
    %get3A_164 = arith.constant 6 : index
    %get3A_165 = arith.constant 0 : index
    %get3A_166 = arith.constant 0 : index
    %get3A_167 = vector.load %arg1[%get3A_164, %get3A_165, %get3A_166] : memref<11x128x256xf32, #tpu.memory_space<vmem>>, vector<1x128x256xf32>
    %get3A_168 = vector.shape_cast %get3A_167 : vector<1x128x256xf32> to vector<128x256xf32>
    %get3A_169 = arith.constant 6 : index
    %get3A_170 = arith.constant 0 : index
    %get3A_171 = arith.constant 0 : index
    %get3A_172 = vector.load %arg2[%get3A_169, %get3A_170, %get3A_171] : memref<11x128x1xf32, #tpu.memory_space<vmem>>, vector<1x128x1xf32>
    %get3A_173 = vector.shape_cast %get3A_172 : vector<1x128x1xf32> to vector<128x1xf32>
    %mul3A_174 = vector.broadcast %get3A_173 : vector<128x1xf32> to vector<128x256xf32>
    %mul3A_175 = arith.mulf %get3A_168, %mul3A_174 : vector<128x256xf32>
    %dot_general3A_176 = arith.constant dense<0.000000e+00> : vector<128x256xf32>
    %dot_general3A_177 = tpu.matmul %mul3A_175, %get3A_1, %dot_general3A_176 {dimension_numbers = #tpu.dot_dimension_numbers<[1], [0], [0], [1], [0, 0, 1, 1], [], []>, transpose_lhs_hint = false} : vector<128x256xf32>, vector<256x256xf32>, vector<128x256xf32> -> vector<128x256xf32>
    %max3A_178 = arith.constant 0.000000e+00 : f32
    %max3A_179 = vector.broadcast %max3A_178 : f32 to vector<128x256xf32>
    %max3A_180 = arith.maximumf %dot_general3A_177, %max3A_179 : vector<128x256xf32>
    %mul3A_181 = arith.mulf %max3A_180, %max3A_180 : vector<128x256xf32>
    %reduce_sum3A_182 = arith.constant dense<0.000000e+00> : vector<128xf32>
    %reduce_sum3A_183 = vector.multi_reduction <add>, %mul3A_181, %reduce_sum3A_182 [1] : vector<128x256xf32> to vector<128xf32>
    %broadcast_in_dim3A_184 = vector.shape_cast %reduce_sum3A_183 : vector<128xf32> to vector<128x1xf32>
    %sqrt3A_185 = math.sqrt %broadcast_in_dim3A_184 : vector<128x1xf32>
    %max3A_186 = arith.constant 9.99999996E-13 : f32
    %max3A_187 = vector.broadcast %max3A_186 : f32 to vector<128x1xf32>
    %max3A_188 = arith.maximumf %sqrt3A_185, %max3A_187 : vector<128x1xf32>
    %div3A_189 = vector.broadcast %max3A_188 : vector<128x1xf32> to vector<128x256xf32>
    %div3A_190 = arith.divf %max3A_180, %div3A_189 : vector<128x256xf32>
    %add3A_191 = arith.addf %add3A_163, %div3A_190 : vector<128x256xf32>
    %get3A_192 = arith.constant 7 : index
    %get3A_193 = arith.constant 0 : index
    %get3A_194 = arith.constant 0 : index
    %get3A_195 = vector.load %arg1[%get3A_192, %get3A_193, %get3A_194] : memref<11x128x256xf32, #tpu.memory_space<vmem>>, vector<1x128x256xf32>
    %get3A_196 = vector.shape_cast %get3A_195 : vector<1x128x256xf32> to vector<128x256xf32>
    %get3A_197 = arith.constant 7 : index
    %get3A_198 = arith.constant 0 : index
    %get3A_199 = arith.constant 0 : index
    %get3A_200 = vector.load %arg2[%get3A_197, %get3A_198, %get3A_199] : memref<11x128x1xf32, #tpu.memory_space<vmem>>, vector<1x128x1xf32>
    %get3A_201 = vector.shape_cast %get3A_200 : vector<1x128x1xf32> to vector<128x1xf32>
    %mul3A_202 = vector.broadcast %get3A_201 : vector<128x1xf32> to vector<128x256xf32>
    %mul3A_203 = arith.mulf %get3A_196, %mul3A_202 : vector<128x256xf32>
    %dot_general3A_204 = arith.constant dense<0.000000e+00> : vector<128x256xf32>
    %dot_general3A_205 = tpu.matmul %mul3A_203, %get3A_1, %dot_general3A_204 {dimension_numbers = #tpu.dot_dimension_numbers<[1], [0], [0], [1], [0, 0, 1, 1], [], []>, transpose_lhs_hint = false} : vector<128x256xf32>, vector<256x256xf32>, vector<128x256xf32> -> vector<128x256xf32>
    %max3A_206 = arith.constant 0.000000e+00 : f32
    %max3A_207 = vector.broadcast %max3A_206 : f32 to vector<128x256xf32>
    %max3A_208 = arith.maximumf %dot_general3A_205, %max3A_207 : vector<128x256xf32>
    %mul3A_209 = arith.mulf %max3A_208, %max3A_208 : vector<128x256xf32>
    %reduce_sum3A_210 = arith.constant dense<0.000000e+00> : vector<128xf32>
    %reduce_sum3A_211 = vector.multi_reduction <add>, %mul3A_209, %reduce_sum3A_210 [1] : vector<128x256xf32> to vector<128xf32>
    %broadcast_in_dim3A_212 = vector.shape_cast %reduce_sum3A_211 : vector<128xf32> to vector<128x1xf32>
    %sqrt3A_213 = math.sqrt %broadcast_in_dim3A_212 : vector<128x1xf32>
    %max3A_214 = arith.constant 9.99999996E-13 : f32
    %max3A_215 = vector.broadcast %max3A_214 : f32 to vector<128x1xf32>
    %max3A_216 = arith.maximumf %sqrt3A_213, %max3A_215 : vector<128x1xf32>
    %div3A_217 = vector.broadcast %max3A_216 : vector<128x1xf32> to vector<128x256xf32>
    %div3A_218 = arith.divf %max3A_208, %div3A_217 : vector<128x256xf32>
    %add3A_219 = arith.addf %add3A_191, %div3A_218 : vector<128x256xf32>
    %get3A_220 = arith.constant 8 : index
    %get3A_221 = arith.constant 0 : index
    %get3A_222 = arith.constant 0 : index
    %get3A_223 = vector.load %arg1[%get3A_220, %get3A_221, %get3A_222] : memref<11x128x256xf32, #tpu.memory_space<vmem>>, vector<1x128x256xf32>
    %get3A_224 = vector.shape_cast %get3A_223 : vector<1x128x256xf32> to vector<128x256xf32>
    %get3A_225 = arith.constant 8 : index
    %get3A_226 = arith.constant 0 : index
    %get3A_227 = arith.constant 0 : index
    %get3A_228 = vector.load %arg2[%get3A_225, %get3A_226, %get3A_227] : memref<11x128x1xf32, #tpu.memory_space<vmem>>, vector<1x128x1xf32>
    %get3A_229 = vector.shape_cast %get3A_228 : vector<1x128x1xf32> to vector<128x1xf32>
    %mul3A_230 = vector.broadcast %get3A_229 : vector<128x1xf32> to vector<128x256xf32>
    %mul3A_231 = arith.mulf %get3A_224, %mul3A_230 : vector<128x256xf32>
    %dot_general3A_232 = arith.constant dense<0.000000e+00> : vector<128x256xf32>
    %dot_general3A_233 = tpu.matmul %mul3A_231, %get3A_1, %dot_general3A_232 {dimension_numbers = #tpu.dot_dimension_numbers<[1], [0], [0], [1], [0, 0, 1, 1], [], []>, transpose_lhs_hint = false} : vector<128x256xf32>, vector<256x256xf32>, vector<128x256xf32> -> vector<128x256xf32>
    %max3A_234 = arith.constant 0.000000e+00 : f32
    %max3A_235 = vector.broadcast %max3A_234 : f32 to vector<128x256xf32>
    %max3A_236 = arith.maximumf %dot_general3A_233, %max3A_235 : vector<128x256xf32>
    %mul3A_237 = arith.mulf %max3A_236, %max3A_236 : vector<128x256xf32>
    %reduce_sum3A_238 = arith.constant dense<0.000000e+00> : vector<128xf32>
    %reduce_sum3A_239 = vector.multi_reduction <add>, %mul3A_237, %reduce_sum3A_238 [1] : vector<128x256xf32> to vector<128xf32>
    %broadcast_in_dim3A_240 = vector.shape_cast %reduce_sum3A_239 : vector<128xf32> to vector<128x1xf32>
    %sqrt3A_241 = math.sqrt %broadcast_in_dim3A_240 : vector<128x1xf32>
    %max3A_242 = arith.constant 9.99999996E-13 : f32
    %max3A_243 = vector.broadcast %max3A_242 : f32 to vector<128x1xf32>
    %max3A_244 = arith.maximumf %sqrt3A_241, %max3A_243 : vector<128x1xf32>
    %div3A_245 = vector.broadcast %max3A_244 : vector<128x1xf32> to vector<128x256xf32>
    %div3A_246 = arith.divf %max3A_236, %div3A_245 : vector<128x256xf32>
    %add3A_247 = arith.addf %add3A_219, %div3A_246 : vector<128x256xf32>
    %get3A_248 = arith.constant 9 : index
    %get3A_249 = arith.constant 0 : index
    %get3A_250 = arith.constant 0 : index
    %get3A_251 = vector.load %arg1[%get3A_248, %get3A_249, %get3A_250] : memref<11x128x256xf32, #tpu.memory_space<vmem>>, vector<1x128x256xf32>
    %get3A_252 = vector.shape_cast %get3A_251 : vector<1x128x256xf32> to vector<128x256xf32>
    %get3A_253 = arith.constant 9 : index
    %get3A_254 = arith.constant 0 : index
    %get3A_255 = arith.constant 0 : index
    %get3A_256 = vector.load %arg2[%get3A_253, %get3A_254, %get3A_255] : memref<11x128x1xf32, #tpu.memory_space<vmem>>, vector<1x128x1xf32>
    %get3A_257 = vector.shape_cast %get3A_256 : vector<1x128x1xf32> to vector<128x1xf32>
    %mul3A_258 = vector.broadcast %get3A_257 : vector<128x1xf32> to vector<128x256xf32>
    %mul3A_259 = arith.mulf %get3A_252, %mul3A_258 : vector<128x256xf32>
    %dot_general3A_260 = arith.constant dense<0.000000e+00> : vector<128x256xf32>
    %dot_general3A_261 = tpu.matmul %mul3A_259, %get3A_1, %dot_general3A_260 {dimension_numbers = #tpu.dot_dimension_numbers<[1], [0], [0], [1], [0, 0, 1, 1], [], []>, transpose_lhs_hint = false} : vector<128x256xf32>, vector<256x256xf32>, vector<128x256xf32> -> vector<128x256xf32>
    %max3A_262 = arith.constant 0.000000e+00 : f32
    %max3A_263 = vector.broadcast %max3A_262 : f32 to vector<128x256xf32>
    %max3A_264 = arith.maximumf %dot_general3A_261, %max3A_263 : vector<128x256xf32>
    %mul3A_265 = arith.mulf %max3A_264, %max3A_264 : vector<128x256xf32>
    %reduce_sum3A_266 = arith.constant dense<0.000000e+00> : vector<128xf32>
    %reduce_sum3A_267 = vector.multi_reduction <add>, %mul3A_265, %reduce_sum3A_266 [1] : vector<128x256xf32> to vector<128xf32>
    %broadcast_in_dim3A_268 = vector.shape_cast %reduce_sum3A_267 : vector<128xf32> to vector<128x1xf32>
    %sqrt3A_269 = math.sqrt %broadcast_in_dim3A_268 : vector<128x1xf32>
    %max3A_270 = arith.constant 9.99999996E-13 : f32
    %max3A_271 = vector.broadcast %max3A_270 : f32 to vector<128x1xf32>
    %max3A_272 = arith.maximumf %sqrt3A_269, %max3A_271 : vector<128x1xf32>
    %div3A_273 = vector.broadcast %max3A_272 : vector<128x1xf32> to vector<128x256xf32>
    %div3A_274 = arith.divf %max3A_264, %div3A_273 : vector<128x256xf32>
    %add3A_275 = arith.addf %add3A_247, %div3A_274 : vector<128x256xf32>
    %get3A_276 = arith.constant 10 : index
    %get3A_277 = arith.constant 0 : index
    %get3A_278 = arith.constant 0 : index
    %get3A_279 = vector.load %arg1[%get3A_276, %get3A_277, %get3A_278] : memref<11x128x256xf32, #tpu.memory_space<vmem>>, vector<1x128x256xf32>
    %get3A_280 = vector.shape_cast %get3A_279 : vector<1x128x256xf32> to vector<128x256xf32>
    %get3A_281 = arith.constant 10 : index
    %get3A_282 = arith.constant 0 : index
    %get3A_283 = arith.constant 0 : index
    %get3A_284 = vector.load %arg2[%get3A_281, %get3A_282, %get3A_283] : memref<11x128x1xf32, #tpu.memory_space<vmem>>, vector<1x128x1xf32>
    %get3A_285 = vector.shape_cast %get3A_284 : vector<1x128x1xf32> to vector<128x1xf32>
    %mul3A_286 = vector.broadcast %get3A_285 : vector<128x1xf32> to vector<128x256xf32>
    %mul3A_287 = arith.mulf %get3A_280, %mul3A_286 : vector<128x256xf32>
    %dot_general3A_288 = arith.constant dense<0.000000e+00> : vector<128x256xf32>
    %dot_general3A_289 = tpu.matmul %mul3A_287, %get3A_1, %dot_general3A_288 {dimension_numbers = #tpu.dot_dimension_numbers<[1], [0], [0], [1], [0, 0, 1, 1], [], []>, transpose_lhs_hint = false} : vector<128x256xf32>, vector<256x256xf32>, vector<128x256xf32> -> vector<128x256xf32>
    %max3A_290 = arith.constant 0.000000e+00 : f32
    %max3A_291 = vector.broadcast %max3A_290 : f32 to vector<128x256xf32>
    %max3A_292 = arith.maximumf %dot_general3A_289, %max3A_291 : vector<128x256xf32>
    %mul3A_293 = arith.mulf %max3A_292, %max3A_292 : vector<128x256xf32>
    %reduce_sum3A_294 = arith.constant dense<0.000000e+00> : vector<128xf32>
    %reduce_sum3A_295 = vector.multi_reduction <add>, %mul3A_293, %reduce_sum3A_294 [1] : vector<128x256xf32> to vector<128xf32>
    %broadcast_in_dim3A_296 = vector.shape_cast %reduce_sum3A_295 : vector<128xf32> to vector<128x1xf32>
    %sqrt3A_297 = math.sqrt %broadcast_in_dim3A_296 : vector<128x1xf32>
    %max3A_298 = arith.constant 9.99999996E-13 : f32
    %max3A_299 = vector.broadcast %max3A_298 : f32 to vector<128x1xf32>
    %max3A_300 = arith.maximumf %sqrt3A_297, %max3A_299 : vector<128x1xf32>
    %div3A_301 = vector.broadcast %max3A_300 : vector<128x1xf32> to vector<128x256xf32>
    %div3A_302 = arith.divf %max3A_292, %div3A_301 : vector<128x256xf32>
    %add3A_303 = arith.addf %add3A_275, %div3A_302 : vector<128x256xf32>
    %get3A_304 = arith.constant 0 : index
    %get3A_305 = arith.constant 0 : index
    %get3A_306 = vector.load %arg3[%get3A_304, %get3A_305] : memref<128x1xf32, #tpu.memory_space<vmem>>, vector<128x1xf32>
    %mul3A_307 = vector.broadcast %get3A_306 : vector<128x1xf32> to vector<128x256xf32>
    %mul3A_308 = arith.mulf %add3A_303, %mul3A_307 : vector<128x256xf32>
    %get3A_309 = arith.constant 0 : index
    %get3A_310 = arith.constant 0 : index
    %get3A_311 = vector.load %arg5[%get3A_309, %get3A_310] : memref<256x256xf32, #tpu.memory_space<vmem>>, vector<256x256xf32>
    %dot_general3A_312 = arith.constant dense<0.000000e+00> : vector<128x256xf32>
    %dot_general3A_313 = tpu.matmul %mul3A_308, %get3A_311, %dot_general3A_312 {dimension_numbers = #tpu.dot_dimension_numbers<[1], [0], [0], [1], [0, 0, 1, 1], [], []>, transpose_lhs_hint = false} : vector<128x256xf32>, vector<256x256xf32>, vector<128x256xf32> -> vector<128x256xf32>
    %max3A_314 = arith.constant 0.000000e+00 : f32
    %max3A_315 = vector.broadcast %max3A_314 : f32 to vector<128x256xf32>
    %max3A_316 = arith.maximumf %dot_general3A_313, %max3A_315 : vector<128x256xf32>
    %mul3A_317 = arith.mulf %max3A_316, %max3A_316 : vector<128x256xf32>
    %reduce_sum3A_318 = arith.constant dense<0.000000e+00> : vector<128xf32>
    %reduce_sum3A_319 = vector.multi_reduction <add>, %mul3A_317, %reduce_sum3A_318 [1] : vector<128x256xf32> to vector<128xf32>
    %broadcast_in_dim3A_320 = vector.shape_cast %reduce_sum3A_319 : vector<128xf32> to vector<128x1xf32>
    %sqrt3A_321 = math.sqrt %broadcast_in_dim3A_320 : vector<128x1xf32>
    %max3A_322 = arith.constant 9.99999996E-13 : f32
    %max3A_323 = vector.broadcast %max3A_322 : f32 to vector<128x1xf32>
    %max3A_324 = arith.maximumf %sqrt3A_321, %max3A_323 : vector<128x1xf32>
    %div3A_325 = vector.broadcast %max3A_324 : vector<128x1xf32> to vector<128x256xf32>
    %div3A_326 = arith.divf %max3A_316, %div3A_325 : vector<128x256xf32>
    %swap3A = arith.constant 0 : index
    %swap3A_327 = arith.constant 0 : index
    %swap3A_328 = vector.load %arg6[%swap3A, %swap3A_327] : memref<128x256xf32, #tpu.memory_space<vmem>>, vector<128x256xf32>
    tpu.vector_store %arg6[%swap3A, %swap3A_327], %div3A_326 {strides = array<i32>} : memref<128x256xf32, #tpu.memory_space<vmem>>, vector<128x256xf32>,
    return
  }
  func.func @transform_0(%arg0: i32) -> (i32, i32, i32) {
    %c0_i32 = arith.constant 0 : i32
    %c0_i32_0 = arith.constant 0 : i32
    %c0_i32_1 = arith.constant 0 : i32
    return %c0_i32, %arg0, %c0_i32_0 : i32, i32, i32
  }
  func.func @transform_1(%arg0: i32) -> (i32, i32, i32) {
    %c0_i32 = arith.constant 0 : i32
    %c0_i32_0 = arith.constant 0 : i32
    %c0_i32_1 = arith.constant 0 : i32
    return %c0_i32, %arg0, %c0_i32_0 : i32, i32, i32
  }
  func.func @transform_2(%arg0: i32) -> (i32, i32) {
    %c0_i32 = arith.constant 0 : i32
    %c0_i32_0 = arith.constant 0 : i32
    return %arg0, %c0_i32 : i32, i32
  }
  func.func @transform_3(%arg0: i32) -> (i32, i32) {
    %c0_i32 = arith.constant 0 : i32
    %c0_i32_0 = arith.constant 0 : i32
    %c0_i32_1 = arith.constant 0 : i32
    return %c0_i32, %c0_i32_0 : i32, i32
  }
  func.func @transform_4(%arg0: i32) -> (i32, i32) {
    %c0_i32 = arith.constant 0 : i32
    %c0_i32_0 = arith.constant 0 : i32
    %c0_i32_1 = arith.constant 0 : i32
    return %c0_i32, %c0_i32_0 : i32, i32
  }
  func.func @transform_5(%arg0: i32) -> (i32, i32) {
    %c0_i32 = arith.constant 0 : i32
    %c0_i32_0 = arith.constant 0 : i32
    return %arg0, %c0_i32 : i32, i32
  }
}

</mosaic_0001>

<sc_bundles>
// kernel: gather_offload_async_start.1
scs
__scs_entry_jumppad:
0x0: {  	(pc) =	sbr.rel $0x88, $3  }
0x1: {  	(tag) =	ssettag $0x0;
	lr =	simm.s32 $0x1  }
0x2: {  	[smem:$0x3F9B] =	sst lr;
	_ =	strace $0xD0000000  }
0x3: {  	_ = 	snop  }
0x4: {  	_ = 	snop  }
0x5: {  	_ = 	snop  }
0x6: {  	_ = 	snop  }
0x7: {  	_ = 	snop  }
__scs_overlays_trampoline_lowered:
0x8: {  	[smem:$0x3FAA] =	sst s0  }
0x9: {  	[smem:$0x3FAB] =	sst s1  }
0xa: {  	[smem:$0x3FAC] =	sst s2  }
0xb: {  	[smem:$0x3FAD] =	sst s3  }
0xc: {  	[smem:$0x3FAE] =	sst s4  }
0xd: {  	[smem:$0x3FAF] =	sst s5  }
0xe: {  	[smem:$0x3FB0] =	sst s6  }
0xf: {  	[smem:$0x3FB1] =	sst s7  }
0x10: {  	[smem:$0x3FB2] =	sst s8  }
0x11: {  	[smem:$0x3FB3] =	sst s9;
	s0 =	simm.s32 @!p0 $0x0  }
0x12: {  	s1 =	sld [smem:$0x3F99];
	s0 =	simm.s32 @p0 $0x1  }
0x13: {  	[smem:$0x3FB4] =	sst s0;
	s0 =	simm.s32 @!p1 $0x0  }
0x14: {  	s2 =	sld [smem:$0x3F98];
	s0 =	simm.s32 @p1 $0x1  }
0x15: {  	[smem:$0x3FB5] =	sst s0;
	s0 =	simm.s32 @!p2 $0x0  }
0x16: {  	s3 =	sld [smem:$0x3FDB];
	s0 =	simm.s32 @p2 $0x1  }
0x17: {  	s4 =	simm.s32 $0x1BF5;
	[smem:$0x3FB7] =	sst s0  }
0x18: {  	s0 =	sld [smem:$0x3F9A];
	_ =	swait.ge [sflag:s4], $0x0  }
0x19: {  	s7 =	sld [smem:$0x3F9B]  }
0x1a: {  	s8 =	sadd.s32 $0xFFFFE003, lr  }
0x1b: {  	s9 =	sadd.s32 $0xFFFFFEF7, lr;
	s5 =	simm.s32 $0xFFFFFFFF;
	p2 =	slt.u32 s8, $0xFFFFF086  }
0x1c: {  	p1 =	slt.u32 s9, $0xF7A;
	s5 =	simm.s32 @!p2 $0x0  }
0x1d: {  	s5 =	simm.s32 @p1 $0x1;
	p0 =	seq.s32 s7, s2  }
0x1e: {  	s7 =	smul.u32 @!p0 $0xF7A, s2;
	p2 =	seq.s32 @!p0 s5, $0x0  }
0x1f: {  	s9 =	smul.u32 $0xF7A, s1;
	s8 =	simm.s32 @!p0 $0x1BF5;
	p2 =	por !p2, p0  }
0x20: {  	[sflag:s8] =	ssyncset.s32 @!p0 $0xFFFFF086;
	s6 =	sadd.s32 @!p0 s3, s7;
	s7 =	simm.s32 @!p0 $0x108  }
0x21: {  	s3 =	sadd.s32 s3, s9;
	s6 =	sadd.s32 @!p0 $0x88, s6;
	s7 =	simm.s32 @p2 $0x1082  }
0x22: {  	[simem:s7], [sflag:s8] =	dma.local @!p0 [hbm:s6], $0xF7A  }
0x23: {  	s9 =	sor.u32 $0xD0000000, s2;
	s6 =	simm.s32 $0x108;
	_ =	swait.ge @!p0 [sflag:s8], $0x0  }
0x24: {  	s3 =	sadd.s32 $0x88, s3;
	s6 =	simm.s32 @!p1 $0x1082;
	[sflag:s4] =	ssyncset.s32 $0xFFFFF086  }
0x25: {  	[simem:s6], [sflag:s4] =	dma.local [hbm:s3], $0xF7A  }
0x26: {  	[smem:$0x3F9B] =	sst s1;
	(tag) =	ssettag s2;
	_ =	strace s9  }
0x27: {  	s1 =	sld [smem:$0x3FAB]  }
0x28: {  	s2 =	sld [smem:$0x3FAC]  }
0x29: {  	s4 =	sld [smem:$0x3FAE]  }
0x2a: {  	p0 =	seq.s32 s5, $0x0;
	s5 =	sld [smem:$0x3FAF]  }
0x2b: {  	s6 =	sld [smem:$0x3FB0]  }
0x2c: {  	s7 =	sld [smem:$0x3FB1]  }
0x2d: {  	s3 =	simm.s32 $0x108;
	s8 =	sld [smem:$0x3FB2]  }
0x2e: {  	s3 =	simm.s32 @!p0 $0x1082;
	s9 =	sld [smem:$0x3FB3]  }
0x2f: {  	lr =	sadd.s32 s0, s3;
	s0 =	sld [smem:$0x3FAA]  }
0x30: {  	s3 =	sld [smem:$0x3FAD]  }
0x31: {  	[smem:$0x3FB6] =	sst s10  }
0x32: {  	s10 =	sld [smem:$0x3FB4];
	_ =	sdelay $0x3  }
0x33: {  	p0 =	seq.s32 s10, $0x1;
	s10 =	sld [smem:$0x3FB6];
	_ =	sdelay $0x3  }
0x34: {  	[smem:$0x3FB6] =	sst s10  }
0x35: {  	s10 =	sld [smem:$0x3FB5];
	_ =	sdelay $0x3  }
0x36: {  	p1 =	seq.s32 s10, $0x1;
	s10 =	sld [smem:$0x3FB6];
	_ =	sdelay $0x3  }
0x37: {  	[smem:$0x3FB6] =	sst s10  }
0x38: {  	s10 =	sld [smem:$0x3FB7]  }
0x39: {  	_ = 	snop;
	(pc) =	sbr.ind lr, $3  }
0x3a: {  	_ = 	snop  }
0x3b: {  	_ = 	snop  }
0x3c: {  	p2 =	seq.s32 s10, $0x1;
	s10 =	sld [smem:$0x3FB6]  }
0x3d: {  	_ =	shalt  }
0x3e: {  	_ =	shalt  }
0x3f: {  	_ =	shalt  }
0x40: {  	_ =	shalt  }
0x41: {  	_ =	shalt  }
0x42: {  	_ =	shalt  }
0x43: {  	_ =	shalt  }
0x44: {  	_ =	shalt  }
0x45: {  	_ =	shalt  }
0x46: {  	_ =	shalt  }
0x47: {  	_ =	shalt  }
0x48: {  	_ =	shalt  }
0x49: {  	_ =	shalt  }
0x4a: {  	_ =	shalt  }
0x4b: {  	_ =	shalt  }
0x4c: {  	_ =	shalt  }
0x4d: {  	_ =	shalt  }
0x4e: {  	_ =	shalt  }
0x4f: {  	_ =	shalt  }
0x50: {  	_ =	shalt  }
0x51: {  	_ =	shalt  }
0x52: {  	_ =	shalt  }
0x53: {  	_ =	shalt  }
0x54: {  	_ =	shalt  }
0x55: {  	_ =	shalt  }
0x56: {  	_ =	shalt  }
0x57: {  	_ =	shalt  }
0x58: {  	_ =	shalt  }
0x59: {  	_ =	shalt  }
0x5a: {  	_ =	shalt  }
0x5b: {  	_ =	shalt  }
0x5c: {  	_ =	shalt  }
0x5d: {  	_ =	shalt  }
0x5e: {  	_ =	shalt  }
0x5f: {  	_ =	shalt  }
0x60: {  	_ =	shalt  }
0x61: {  	_ =	shalt  }
0x62: {  	_ =	shalt  }
0x63: {  	_ =	shalt  }
0x64: {  	_ =	shalt  }
0x65: {  	_ =	shalt  }
0x66: {  	_ =	shalt  }
0x67: {  	_ =	shalt  }
0x68: {  	_ =	shalt  }
0x69: {  	_ =	shalt  }
0x6a: {  	_ =	shalt  }
0x6b: {  	_ =	shalt  }
0x6c: {  	_ =	shalt  }
0x6d: {  	_ =	shalt  }
0x6e: {  	_ =	shalt  }
0x6f: {  	_ =	shalt  }
0x70: {  	_ =	shalt  }
0x71: {  	_ =	shalt  }
0x72: {  	_ =	shalt  }
0x73: {  	_ =	shalt  }
0x74: {  	_ =	shalt  }
0x75: {  	_ =	shalt  }
0x76: {  	_ =	shalt  }
0x77: {  	_ =	shalt  }
0x78: {  	_ =	shalt  }
0x79: {  	_ =	shalt  }
0x7a: {  	_ =	shalt  }
0x7b: {  	_ =	shalt  }
0x7c: {  	_ =	shalt  }
0x7d: {  	_ =	shalt  }
0x7e: {  	_ =	shalt  }
0x7f: {  	_ =	shalt  }
0x80: {  	_ =	shalt  }
0x81: {  	_ =	shalt  }
0x82: {  	_ =	shalt  }
0x83: {  	_ =	shalt  }
0x84: {  	_ =	shalt  }
0x85: {  	_ =	shalt  }
0x86: {  	_ =	shalt  }
0x87: {  	_ =	shalt  }
.Lfunc_end0:
.L_simem_size_0:
called_computation.1_lowered:
.L_overlay_start_0:
0x88: {  	s2 =	sld [smem:$0x3FD9]  }
0x89: {  	s3 =	sld [smem:$0x3FFE];
	_ =	sdelay $0x1  }
0x8a: {  	s1 =	srdreg.scid  }
0x8b: {  	s0 =	sand.u32 $0x1, s1  }
0x8c: {  	s17 =	sshll.u32 s0, $0xA;
	s2 =	sadd.s32 s3, s2  }
0x8d: {  	s2 =	sadd.s32 s2, s17  }
0x8e: {  	[smem:$0x3FC2] =	sst s2  }
0x8f: {  	_ = 	snop  }
0x90: {  	s2 =	sld [smem:$0x3FC7]  }
0x91: {  	s18 =	sld [smem:$0x3FD0];
	(tm) =	ssettm $0x1  }
0x92: {  	s4 =	sld [smem:$0x3FFB];
	_ =	sdelay $0x3  }
0x93: {  	_ =	strace s4  }
0x94: {  	s4 =	sld [smem:$0x3FFC];
	_ =	sdelay $0x3  }
0x95: {  	_ =	strace s4  }
0x96: {  	s4 =	sld [smem:$0x3FFD];
	_ =	sdelay $0x3  }
0x97: {  	_ =	strace s4  }
0x98: {  	_ =	strace $0x8FFFFFFF  }
0x99: {  	s19 =	sld [smem:$0x3FDB];
	_ =	sdelay $0x1  }
0x9a: {  	s5 =	simm.s32 $_scs_section_size  }
0x9b: {  	s6 =	simm.s32 $_size__tile_overlayer_lowered;
	s7 =	simm.s32 $_tile_overlayer_lowered  }
0x9c: {  	s22 =	simm.s32 $0x1BFF;
	s21 =	sshll.u32 s7, $0x1;
	s4 =	sadd.s32 s5, s19  }
0x9d: {  	s8 =	simm.s32 $0x0;
	s20 =	sshll.u32 s6, $0x1;
	s6 =	sadd.s32 s21, s4  }
0x9e: {  	[timem:s8], [sflag:s22] =	dma.local [hbm:s6], s20  }
0x9f: {  	_ =	swait.ge [sflag:s22], s20  }
0xa0: {  	s5 =	ssub.s32 $0x0, s20;
	[sflag:s22] =	ssyncset.done $0x0  }
0xa1: {  	[sflag:s22] =	ssyncadd.s32 s5;
	_ =	sdelay $0x1  }
0xa2: {  	s23 =	simm.s32 $0x1B8B  }
0xa3: {  	_ =	swait.ge [sflag:s23], $0x1  }
0xa4: {  	[sflag:s23] =	ssyncset.done $0x0  }
0xa5: {  	s25 =	simm.s32 $0x1B8E;
	s24 =	sld [smem:$0x3FFE];
	[sflag:s23] =	ssyncadd.s32 $0xFFFFFFFF  }
0xa6: {  	s26 =	simm.s32 $execute0_lowered;
	[smem:$0x3FD2] =	sst s25  }
0xa7: {  	s6 =	sshll.u32 s26, $0x1;
	_ =	strace $0x80000049;
	[dreg:$0x1] =	wrdreg $0xFFFFFFFF  }
0xa8: {  	s28 =	simm.s32 $_size_execute0_lowered;
	s4 =	sadd.s32 s4, s6;
	[dreg:$0x0] =	wrdreg $0x0  }
0xa9: {  	s6 =	sshll.u32 s28, $0x1;
	[dreg:$0x2] =	wrdreg s4  }
0xaa: {  	[dreg:$0x3] =	wrdreg s6  }
0xab: {  	[dreg:$0x4] =	wrdreg $0xC0  }
0xac: {  	_ =	task [dreg:s8], $0x5FFFF  }
0xad: {  	[dreg:$0x1] =	wrdreg $0xFFFFFFFF  }
0xae: {  	[dreg:$0x0] =	wrdreg $0x60  }
0xaf: {  	[dreg:$0x2] =	wrdreg s2  }
0xb0: {  	[dreg:$0x3] =	wrdreg s18  }
0xb1: {  	[dreg:$0x4] =	wrdreg s24  }
0xb2: {  	[dreg:$0x5] =	wrdreg $0x9  }
0xb3: {  	_ =	task.clear_ibuf [dreg:s8], $0x6FFFF;
	_ =	strace $0x90000049  }
0xb4: {  	s29 =	simm.s32 $0x9;
	_ =	strace $0x8000004B  }
0xb5: {  	_ =	swait.ge [sflag:s29], $0x1  }
0xb6: {  	[sflag:s29] =	ssyncadd.s32 $0xFFFFFFFF  }
0xb7: {  	_ =	strace $0x9000004B  }
0xb8: {  	_ =	sfence  }
0xb9: {  	s30 =	sld [smem:$0x0];
	_ =	sdelay $0x2  }
0xba: {  	s31 =	sshll.u32 s1, $0xD;
	s1 =	sshrl.u32 s1, $0x2  }
0xbb: {  	s3 =	sand.u32 $0x4000, s31;
	s1 =	sadd.s32 s1, s30  }
0xbc: {  	s0 =	sor.u32 s3, s0;
	s1 =	sshll.u32 s1, $0x11  }
0xbd: {  	s0 =	sor.u32 s1, s0  }
0xbe: {  	s0 =	sadd.s32 $0x8F2B, s0  }
0xbf: {  	[sflag:s0] =	ssyncadd.remote.s32 $0x1  }
0xc0: {  	_ =	sfence.sel $0xFFFF  }
0xc1: {  	[dreg:$0x0] =	wrdreg $0xFFFFFFFF;
	(pc) =	sbr.abs _section_cstart, $3  }
0xc2: {  	[dreg:$0x1] =	wrdreg $0xFFFFFFFF  }
0xc3: {  	_ =	task.clear_ibuf [dreg:s8], $0x2FFFF;
	_ =	strace $0x9FFFFFFF  }
0xc4: {  	(tm) =	ssettm $0x7FFFFFFF  }
0xc5: {  	_ =	shalt  }
tec
execute0_lowered:
.L_overlay_start_1:
0x0: {  	(tag) =	ssettag $0x1  }
0x1: {  	s2 =	rddreg [dreg:$0x0]  }
0x2: {  	s1 =	srdreg.scid;
	s3 =	rddreg [dreg:$0x1]  }
0x3: {  	s0 =	stileid.u32;
	s5 =	rddreg [dreg:$0x2]  }
0x4: {  	s9 =	simm.s32 $0x1;
	s10 =	simm.s32 $0x3;
	s1 =	sshll.u32 s1, $0x8  }
0x5: {  	s13 =	simm.s32 $0x0;
	s4 =	sshll.u32 s0, $0x9;
	s6 =	sand.u32 $0x100, s1  }
0x6: {  	s12 =	simm.s32 $0x0;
	s5 =	sadd.s32 $0x2C000, s5;
	s4 =	sor.u32 s4, s6  }
0x7: {  	s1 =	rddreg [dreg:$0x3];
	_ =	strace $0x8000004A;
	s8 =	ssub.s32 $0x2C00, s4  }
.Ltmp0:
0x8: {  	s6 =	simm.s32 $0x1;
	s7 =	sand.u32 $0x1F00, s8;
	(pc) =	sbr.rel .LBB2_1-.Ltmp0, $4  }
0x9: {  	[sflag:s6] =	ssyncpa.u1 $0x0;
	s11 =	smov.u32 s4;
	p0 =	sne.s32 s7, $0x0  }
0xa: {  	s8 =	sshrl.u32 s8, $0xD;
	s7 =	simm.s32 $0x2;
	s9 =	simm.s32 @!p0 $0x0  }
0xb: {  	[sflag:s7] =	ssyncpa.u1 $0x0;
	p0 =	por $0x0, $0x0;
	s8 =	sadd.s32 s9, s8  }
0xc: {  	vm0 =	vmmov $0xffff;
	[sflag:s10] =	ssyncpa.u1 $0x0;
	s10 =	simm.s32 $0x0;
	s9 =	sadd.s32 $0x1, s8  }
.LBB2_4:
0xd: {  	v2 =	vnsel vm1, $0x0, v2  }
0xe: {  	vm1 =	vgt.s32 v0, $0x0;
	v2 =	vmin.u32 v2, $0x270F  }
0xf: {  	v0 =	vnsel vm1, $0x0, v0  }
0x10: {  	v0 =	vmin.u32 v0, $0x270F  }
0x11: {  	[tilespmem:s15], [sflag:$0x1] =	stream.indirect_vreg.gather [hbm4b:s2+s10], $0x1, v1, vm0, $0x4038;
	[tilespmem:$0x400] =	vst v63  }
0x12: {  	(ifvalue) =	ssetifvalue $0x7FFFFFFF  }
0x13: {  	[tilespmem:s16], [sflag:$0x1] =	stream.indirect_vreg.gather [hbm4b:s2+s10], $0x1, v2, vm0, $0x4038;
	[tilespmem:$0x400] =	vst v63  }
0x14: {  	s29 =	sadd.s32 $0x10, s16;
	(ifvalue) =	ssetifvalue $0x7FFFFFFF  }
0x15: {  	[tilespmem:s29], [sflag:$0x1] =	stream.indirect_vreg.gather [hbm4b:s2+s10], $0x1, v0, vm0, $0x4038;
	[tilespmem:$0x400] =	vst v63  }
0x16: {  	_ =	swait.ge [sflag:s6], $0x100  }
0x17: {  	s30 =	sshrl.u32 s13, $0x3;
	[sflag:s6] =	ssyncset.done $0x0  }
0x18: {  	s31 =	sand.u32 $0x7, s13;
	s15 =	sadd.s32 s5, s30;
	[sflag:s6] =	ssyncadd.s32 $0xFFFFFF00  }
0x19: {  	[hbm4b:s15+s31] =	stream.linear.scatter [tilespmem:s14], [sflag:$0x3], $0x100, $0x38;
	[tilespmem:$0x400] =	vst v63  }
.LBB2_5:
0x1a: {  	s15 =	sadd.s32 $0x2000, s11  }
0x1b: {  	p2 =	sgt.s32 s15, $0x2BFF  }
0x1c: {  	s15 =	smov.u32 @p2 s4;
	p2 =	sne.s32 s12, s9  }
.Ltmp1:
0x1d: {  	p1 =	slt.u32 s12, $0x2;
	(pc) =	sbr.rel @!p2 .LBB2_6-.Ltmp1, $4  }
0x1e: {  	s14 =	simm.s32 @!p1 $0x3  }
0x1f: {  	s16 =	sadd.s32 $0x1, s12;
	_ =	swait.ge @!p1 [sflag:s14], $0x100  }
0x20: {  	s13 =	smov.u32 s11;
	p0 =	por !p0, !p0;
	[sflag:s14] =	ssyncset.done @!p1 $0x0  }
0x21: {  	s12 =	smov.u32 s16;
	s11 =	smov.u32 s15;
	[sflag:s14] =	ssyncadd.s32 @!p1 $0xFFFFFF00  }
.LBB2_1:
0x22: {  	p1 =	sge.u32 s12, s8  }
0x23: {  	s14 =	sxor.u32 @!p1 $0xFFFFFFFF, s12  }
0x24: {  	s31 =	sadd.s32 $0xFFFFFFFF, s12;
	s15 =	sshrl.u32 @!p1 s11, $0x3;
	s14 =	sshll.u32 @!p1 s14, $0x8  }
0x25: {  	s16 =	sand.u32 @!p1 $0x7, s11;
	s15 =	sadd.s32 @!p1 s3, s15;
	s14 =	sand.u32 @!p1 $0x100, s14  }
0x26: {  	[tilespmem:s14], [sflag:$0x2] =	stream.linear.gather @!p1 [hbm4b:s15+s16], $0x100, $0x38;
	[tilespmem:$0x400] =	vst v63  }
0x27: {  	p1 =	sge.u32 s31, s8  }
.Ltmp2:
0x28: {  	_ = 	snop;
	(pc) =	sbr.rel @p1 .LBB2_5-.Ltmp2, $1  }
0x29: {  	_ =	sdelay $0x3  }
0x2a: {  	s14 =	simm.s32 $0x1  }
0x2b: {  	_ =	swait.ge [sflag:s7], $0x100;
	s14 =	simm.s32 @!p0 $0x0  }
0x2c: {  	[sflag:s7] =	ssyncset.done $0x0;
	s14 =	sshll.u32 s14, $0x8  }
0x2d: {  	[sflag:s7] =	ssyncadd.s32 $0xFFFFFF00;
	(ifvalue) =	ssetifvalue $0x7FFFFFFF;
	v0 =	vld.msk [tilespmem:s14+$0x0 ss:$0x1], $0xffff;
	_ =	sdelay $0x4  }
0x2e: {  	s15 =	sadd.s32 $0x10, s14;
	vm1 =	vgt.s32 v0, $0x0  }
0x2f: {  	v2 =	vld.msk [tilespmem:s15+$0x0 ss:$0x1], $0xffff;
	v1 =	vnsel vm1, $0x0, v0  }
0x30: {  	v1 =	vmin.u32 v1, $0x270F;
	_ =	sdelay $0x1  }
0x31: {  	s16 =	sshll.u32 s12, $0x8;
	s18 =	simm.s32 $0x20  }
0x32: {  	s16 =	sand.u32 $0x100, s16;
	s17 =	sadd.s32 $0x10, s15;
	s15 =	sor.u32 $0x200, s14  }
0x33: {  	s14 =	sor.u32 $0x200, s16;
	s16 =	sadd.s32 $0x10, s15;
	v0 =	vld.msk [tilespmem:s17+$0x0 ss:$0x1], $0xffff;
	vm1 =	vgt.s32 v2, $0x0;
	(ifvalue) =	ssetifvalue $0x7FFFFFFF  }
.LBB2_3:
0x34: {  	[tilespmem:s15], [sflag:$0x1] =	stream.indirect_vreg.gather [hbm4b:s2+s10], $0x1, v1, vm0, $0x4038;
	[tilespmem:$0x400] =	vst v63  }
0x35: {  	s18 =	sadd.s32 $0x10, s18  }
0x36: {  	v2 =	vnsel vm1, $0x0, v2;
	p1 =	slt.u32 s18, $0xF0  }
.Ltmp3:
0x37: {  	s15 =	smov.u32 s16;
	v1 =	vmin.u32 v2, $0x270F;
	(pc) =	sbr.rel @p1 .LBB2_3-.Ltmp3, $3  }
0x38: {  	_ =	sdelay $0x1  }
0x39: {  	s17 =	sadd.s32 $0x10, s17  }
0x3a: {  	vm1 =	vgt.s32 v0, $0x0;
	s16 =	sadd.s32 $0x10, s16;
	v2 =	vmov v0;
	(ifvalue) =	ssetifvalue $0x7FFFFFFF;
	v0 =	vld.msk [tilespmem:s17+$0x0 ss:$0x1], $0xffff  }
.Ltmp4:
0x3b: {  	_ = 	snop;
	(pc) =	sbr.rel .LBB2_4-.Ltmp4, $1  }
0x3c: {  	_ =	sdelay $0x3  }
.LBB2_6:
0x3d: {  	_ =	sfence.sel $0x180000  }
0x3e: {  	s2 =	simm.s32 $0x2;
	[bflag:$0x0] =	sbarrier.arrive $0xFFFF  }
0x3f: {  	s30 =	simm.s32 $0x3;
	[sflag:s2] =	ssyncpa.u1 $0x1  }
0x40: {  	s31 =	simm.s32 $0x1;
	[sflag:s30] =	ssyncpa.u1 $0x1  }
0x41: {  	[sflag:s31] =	ssyncpa.u1 $0x1  }
0x42: {  	p0 =	sne.s32 s0, $0x0;
	_ =	strace $0x9000004A  }
0x43: {  	s0 =	sadd.s32 @!p0 $0x100000, s1;
	[bflag:$0x2] =	sbarrier.arrive $0xFFFF  }
0x44: {  	[sflag:s0] =	ssyncadd.tile.s32 @!p0 $0x1;
	_ =	shalt  }
.Lfunc_end2:
_tile_overlayer_lowered:
.L_overlay_start_2:
0x45: {  	(tag) =	ssettag $0x2  }
0x46: {  	s0 =	rddreg [dreg:$0x0];
	s2 =	stileid.u32  }
0x47: {  	s1 =	rddreg [dreg:$0x1];
	p0 =	sne.s32 s2, $0x0  }
0x48: {  	s3 =	rddreg [dreg:$0x2];
	[bflag:$0x3] =	sbarrier.arrive $0xFFFF;
	s2 =	simm.s32 @!p0 $0x1C01  }
0x49: {  	[timem:s3], [sflag:s2] =	dma.local @!p0 [hbm:s0], s1  }
0x4a: {  	s0 =	simm.s32 @!p0 $0x1  }
0x4b: {  	_ =	swait.ge @!p0 [sflag:s0], s1  }
0x4c: {  	s1 =	ssub.s32 @!p0 $0x0, s1;
	[sflag:s0] =	ssyncset.done @!p0 $0x0  }
0x4d: {  	[sflag:s0] =	ssyncadd.s32 @!p0 s1  }
0x4e: {  	[bflag:$0x3] =	sbarrier.arrive $0xFFFF  }
0x4f: {  	_ =	shalt  }

// kernel: gather_offload_async_start.2
scs
__scs_entry_jumppad:
0x0: {  	(pc) =	sbr.rel $0x88, $3  }
0x1: {  	(tag) =	ssettag $0x0;
	lr =	simm.s32 $0x1  }
0x2: {  	[smem:$0x3F9B] =	sst lr;
	_ =	strace $0xD0000000  }
0x3: {  	_ = 	snop  }
0x4: {  	_ = 	snop  }
0x5: {  	_ = 	snop  }
0x6: {  	_ = 	snop  }
0x7: {  	_ = 	snop  }
__scs_overlays_trampoline_lowered:
0x8: {  	[smem:$0x3FAA] =	sst s0  }
0x9: {  	[smem:$0x3FAB] =	sst s1  }
0xa: {  	[smem:$0x3FAC] =	sst s2  }
0xb: {  	[smem:$0x3FAD] =	sst s3  }
0xc: {  	[smem:$0x3FAE] =	sst s4  }
0xd: {  	[smem:$0x3FAF] =	sst s5  }
0xe: {  	[smem:$0x3FB0] =	sst s6  }
0xf: {  	[smem:$0x3FB1] =	sst s7  }
0x10: {  	[smem:$0x3FB2] =	sst s8  }
0x11: {  	[smem:$0x3FB3] =	sst s9;
	s0 =	simm.s32 @!p0 $0x0  }
0x12: {  	s1 =	sld [smem:$0x3F99];
	s0 =	simm.s32 @p0 $0x1  }
0x13: {  	[smem:$0x3FB4] =	sst s0;
	s0 =	simm.s32 @!p1 $0x0  }
0x14: {  	s2 =	sld [smem:$0x3F98];
	s0 =	simm.s32 @p1 $0x1  }
0x15: {  	[smem:$0x3FB5] =	sst s0;
	s0 =	simm.s32 @!p2 $0x0  }
0x16: {  	s3 =	sld [smem:$0x3FDB];
	s0 =	simm.s32 @p2 $0x1  }
0x17: {  	s4 =	simm.s32 $0x1BF5;
	[smem:$0x3FB7] =	sst s0  }
0x18: {  	s0 =	sld [smem:$0x3F9A];
	_ =	swait.ge [sflag:s4], $0x0  }
0x19: {  	s7 =	sld [smem:$0x3F9B]  }
0x1a: {  	s8 =	sadd.s32 $0xFFFFE003, lr  }
0x1b: {  	s9 =	sadd.s32 $0xFFFFFEF7, lr;
	s5 =	simm.s32 $0xFFFFFFFF;
	p2 =	slt.u32 s8, $0xFFFFF086  }
0x1c: {  	p1 =	slt.u32 s9, $0xF7A;
	s5 =	simm.s32 @!p2 $0x0  }
0x1d: {  	s5 =	simm.s32 @p1 $0x1;
	p0 =	seq.s32 s7, s2  }
0x1e: {  	s7 =	smul.u32 @!p0 $0xF7A, s2;
	p2 =	seq.s32 @!p0 s5, $0x0  }
0x1f: {  	s9 =	smul.u32 $0xF7A, s1;
	s8 =	simm.s32 @!p0 $0x1BF5;
	p2 =	por !p2, p0  }
0x20: {  	[sflag:s8] =	ssyncset.s32 @!p0 $0xFFFFF086;
	s6 =	sadd.s32 @!p0 s3, s7;
	s7 =	simm.s32 @!p0 $0x108  }
0x21: {  	s3 =	sadd.s32 s3, s9;
	s6 =	sadd.s32 @!p0 $0x88, s6;
	s7 =	simm.s32 @p2 $0x1082  }
0x22: {  	[simem:s7], [sflag:s8] =	dma.local @!p0 [hbm:s6], $0xF7A  }
0x23: {  	s9 =	sor.u32 $0xD0000000, s2;
	s6 =	simm.s32 $0x108;
	_ =	swait.ge @!p0 [sflag:s8], $0x0  }
0x24: {  	s3 =	sadd.s32 $0x88, s3;
	s6 =	simm.s32 @!p1 $0x1082;
	[sflag:s4] =	ssyncset.s32 $0xFFFFF086  }
0x25: {  	[simem:s6], [sflag:s4] =	dma.local [hbm:s3], $0xF7A  }
0x26: {  	[smem:$0x3F9B] =	sst s1;
	(tag) =	ssettag s2;
	_ =	strace s9  }
0x27: {  	s1 =	sld [smem:$0x3FAB]  }
0x28: {  	s2 =	sld [smem:$0x3FAC]  }
0x29: {  	s4 =	sld [smem:$0x3FAE]  }
0x2a: {  	p0 =	seq.s32 s5, $0x0;
	s5 =	sld [smem:$0x3FAF]  }
0x2b: {  	s6 =	sld [smem:$0x3FB0]  }
0x2c: {  	s7 =	sld [smem:$0x3FB1]  }
0x2d: {  	s3 =	simm.s32 $0x108;
	s8 =	sld [smem:$0x3FB2]  }
0x2e: {  	s3 =	simm.s32 @!p0 $0x1082;
	s9 =	sld [smem:$0x3FB3]  }
0x2f: {  	lr =	sadd.s32 s0, s3;
	s0 =	sld [smem:$0x3FAA]  }
0x30: {  	s3 =	sld [smem:$0x3FAD]  }
0x31: {  	[smem:$0x3FB6] =	sst s10  }
0x32: {  	s10 =	sld [smem:$0x3FB4];
	_ =	sdelay $0x3  }
0x33: {  	p0 =	seq.s32 s10, $0x1;
	s10 =	sld [smem:$0x3FB6];
	_ =	sdelay $0x3  }
0x34: {  	[smem:$0x3FB6] =	sst s10  }
0x35: {  	s10 =	sld [smem:$0x3FB5];
	_ =	sdelay $0x3  }
0x36: {  	p1 =	seq.s32 s10, $0x1;
	s10 =	sld [smem:$0x3FB6];
	_ =	sdelay $0x3  }
0x37: {  	[smem:$0x3FB6] =	sst s10  }
0x38: {  	s10 =	sld [smem:$0x3FB7]  }
0x39: {  	_ = 	snop;
	(pc) =	sbr.ind lr, $3  }
0x3a: {  	_ = 	snop  }
0x3b: {  	_ = 	snop  }
0x3c: {  	p2 =	seq.s32 s10, $0x1;
	s10 =	sld [smem:$0x3FB6]  }
0x3d: {  	_ =	shalt  }
0x3e: {  	_ =	shalt  }
0x3f: {  	_ =	shalt  }
0x40: {  	_ =	shalt  }
0x41: {  	_ =	shalt  }
0x42: {  	_ =	shalt  }
0x43: {  	_ =	shalt  }
0x44: {  	_ =	shalt  }
0x45: {  	_ =	shalt  }
0x46: {  	_ =	shalt  }
0x47: {  	_ =	shalt  }
0x48: {  	_ =	shalt  }
0x49: {  	_ =	shalt  }
0x4a: {  	_ =	shalt  }
0x4b: {  	_ =	shalt  }
0x4c: {  	_ =	shalt  }
0x4d: {  	_ =	shalt  }
0x4e: {  	_ =	shalt  }
0x4f: {  	_ =	shalt  }
0x50: {  	_ =	shalt  }
0x51: {  	_ =	shalt  }
0x52: {  	_ =	shalt  }
0x53: {  	_ =	shalt  }
0x54: {  	_ =	shalt  }
0x55: {  	_ =	shalt  }
0x56: {  	_ =	shalt  }
0x57: {  	_ =	shalt  }
0x58: {  	_ =	shalt  }
0x59: {  	_ =	shalt  }
0x5a: {  	_ =	shalt  }
0x5b: {  	_ =	shalt  }
0x5c: {  	_ =	shalt  }
0x5d: {  	_ =	shalt  }
0x5e: {  	_ =	shalt  }
0x5f: {  	_ =	shalt  }
0x60: {  	_ =	shalt  }
0x61: {  	_ =	shalt  }
0x62: {  	_ =	shalt  }
0x63: {  	_ =	shalt  }
0x64: {  	_ =	shalt  }
0x65: {  	_ =	shalt  }
0x66: {  	_ =	shalt  }
0x67: {  	_ =	shalt  }
0x68: {  	_ =	shalt  }
0x69: {  	_ =	shalt  }
0x6a: {  	_ =	shalt  }
0x6b: {  	_ =	shalt  }
0x6c: {  	_ =	shalt  }
0x6d: {  	_ =	shalt  }
0x6e: {  	_ =	shalt  }
0x6f: {  	_ =	shalt  }
0x70: {  	_ =	shalt  }
0x71: {  	_ =	shalt  }
0x72: {  	_ =	shalt  }
0x73: {  	_ =	shalt  }
0x74: {  	_ =	shalt  }
0x75: {  	_ =	shalt  }
0x76: {  	_ =	shalt  }
0x77: {  	_ =	shalt  }
0x78: {  	_ =	shalt  }
0x79: {  	_ =	shalt  }
0x7a: {  	_ =	shalt  }
0x7b: {  	_ =	shalt  }
0x7c: {  	_ =	shalt  }
0x7d: {  	_ =	shalt  }
0x7e: {  	_ =	shalt  }
0x7f: {  	_ =	shalt  }
0x80: {  	_ =	shalt  }
0x81: {  	_ =	shalt  }
0x82: {  	_ =	shalt  }
0x83: {  	_ =	shalt  }
0x84: {  	_ =	shalt  }
0x85: {  	_ =	shalt  }
0x86: {  	_ =	shalt  }
0x87: {  	_ =	shalt  }
.Lfunc_end0:
.L_simem_size_0:
called_computation.2_lowered:
.L_overlay_start_0:
0x88: {  	s2 =	sld [smem:$0x3FD9]  }
0x89: {  	s3 =	sld [smem:$0x3FFE];
	_ =	sdelay $0x1  }
0x8a: {  	s1 =	srdreg.scid  }
0x8b: {  	s0 =	sand.u32 $0x1, s1  }
0x8c: {  	s17 =	sshll.u32 s0, $0xA;
	s2 =	sadd.s32 s3, s2  }
0x8d: {  	s2 =	sadd.s32 s2, s17  }
0x8e: {  	[smem:$0x3FC2] =	sst s2  }
0x8f: {  	_ = 	snop  }
0x90: {  	s18 =	sld [smem:$0x3FD0];
	(tm) =	ssettm $0x1  }
0x91: {  	s19 =	sld [smem:$0x3FFB];
	_ =	sdelay $0x3  }
0x92: {  	_ =	strace s19  }
0x93: {  	s2 =	sld [smem:$0x3FFC];
	_ =	sdelay $0x3  }
0x94: {  	_ =	strace s2  }
0x95: {  	s2 =	sld [smem:$0x3FFD];
	_ =	sdelay $0x3  }
0x96: {  	_ =	strace s2  }
0x97: {  	_ =	strace $0x8FFFFFFF  }
0x98: {  	s20 =	sld [smem:$0x3FDB];
	_ =	sdelay $0x1  }
0x99: {  	s4 =	simm.s32 $_scs_section_size  }
0x9a: {  	s5 =	simm.s32 $_size__tile_overlayer_lowered;
	s6 =	simm.s32 $_tile_overlayer_lowered  }
0x9b: {  	s7 =	simm.s32 $0x1BFF;
	s21 =	sshll.u32 s6, $0x1;
	s4 =	sadd.s32 s4, s20  }
0x9c: {  	s22 =	simm.s32 $0x0;
	s5 =	sshll.u32 s5, $0x1;
	s6 =	sadd.s32 s21, s4  }
0x9d: {  	[timem:s22], [sflag:s7] =	dma.local [hbm:s6], s5  }
0x9e: {  	_ =	swait.ge [sflag:s7], s5  }
0x9f: {  	s5 =	ssub.s32 $0x0, s5;
	[sflag:s7] =	ssyncset.done $0x0  }
0xa0: {  	[sflag:s7] =	ssyncadd.s32 s5;
	_ =	sdelay $0x1  }
0xa1: {  	s23 =	simm.s32 $0x1B8B  }
0xa2: {  	_ =	swait.ge [sflag:s23], $0x1  }
0xa3: {  	[sflag:s23] =	ssyncset.done $0x0  }
0xa4: {  	[sflag:s23] =	ssyncadd.s32 $0xFFFFFFFF  }
0xa5: {  	s5 =	sld [smem:$0x0]  }
0xa6: {  	s6 =	sand.u32 $0xFFFFFFFE, s1  }
0xa7: {  	p0 =	sne.s32 s1, s6  }
0xa8: {  	s6 =	sshll.u32 @p0 s6, $0xE  }
0xa9: {  	s6 =	sadd.s32 @p0 $0x11B8D, s6;
	s7 =	sshll.u32 @p0 s5, $0x11  }
0xaa: {  	s6 =	sor.u32 @p0 s7, s6  }
0xab: {  	[sflag:s6] =	ssyncadd.remote.s32 @p0 $0x1;
	_ =	sdelay $0x1  }
0xac: {  	s6 =	simm.s32 @p0 $0x1B8D  }
0xad: {  	_ =	swait.eq @p0 [sflag:s6], $0x1  }
0xae: {  	[sflag:s6] =	ssyncadd.s32 @p0 $0xFFFFFFFF  }
0xaf: {  	s7 =	sshll.u32 @!p0 s1, $0xE  }
0xb0: {  	s7 =	sor.u32 @!p0 $0x4000, s7;
	s6 =	simm.s32 @!p0 $0x1B8D  }
0xb1: {  	s5 =	sshll.u32 @!p0 s5, $0x11;
	s7 =	sadd.s32 @!p0 $0x11B8D, s7;
	_ =	swait.eq @!p0 [sflag:s6], $0x1  }
0xb2: {  	s5 =	sor.u32 @!p0 s5, s7;
	[sflag:s6] =	ssyncadd.s32 @!p0 $0xFFFFFFFF  }
0xb3: {  	s25 =	simm.s32 $0x1B8E;
	s24 =	sld [smem:$0x3FFE];
	[sflag:s5] =	ssyncadd.remote.s32 @!p0 $0x1  }
0xb4: {  	s26 =	simm.s32 $execute0_lowered;
	[smem:$0x3FD2] =	sst s25  }
0xb5: {  	s6 =	sshll.u32 s26, $0x1;
	_ =	strace $0x8000004C;
	[dreg:$0x1] =	wrdreg $0xFFFFFFFF  }
0xb6: {  	s28 =	simm.s32 $_size_execute0_lowered;
	s4 =	sadd.s32 s4, s6;
	[dreg:$0x0] =	wrdreg $0x0  }
0xb7: {  	s6 =	sshll.u32 s28, $0x1;
	[dreg:$0x2] =	wrdreg s4  }
0xb8: {  	[dreg:$0x3] =	wrdreg s6  }
0xb9: {  	[dreg:$0x4] =	wrdreg $0xC0  }
0xba: {  	_ =	task [dreg:s22], $0x5FFFF  }
0xbb: {  	[dreg:$0x1] =	wrdreg $0xFFFFFFFF  }
0xbc: {  	[dreg:$0x0] =	wrdreg $0x60  }
0xbd: {  	[dreg:$0x2] =	wrdreg s24  }
0xbe: {  	[dreg:$0x3] =	wrdreg s18  }
0xbf: {  	[dreg:$0x4] =	wrdreg $0xA  }
0xc0: {  	_ =	task.clear_ibuf [dreg:s22], $0x5FFFF;
	_ =	strace $0x9000004C  }
0xc1: {  	s29 =	simm.s32 $0xA;
	_ =	strace $0x8000004E  }
0xc2: {  	_ =	swait.ge [sflag:s29], $0x1  }
0xc3: {  	[sflag:s29] =	ssyncadd.s32 $0xFFFFFFFF  }
0xc4: {  	_ =	strace $0x9000004E  }
0xc5: {  	_ =	sfence  }
0xc6: {  	s30 =	sld [smem:$0x0];
	_ =	sdelay $0x2  }
0xc7: {  	s31 =	sshll.u32 s1, $0xD;
	s1 =	sshrl.u32 s1, $0x2  }
0xc8: {  	s4 =	sand.u32 $0x4000, s31;
	s1 =	sadd.s32 s1, s30  }
0xc9: {  	s0 =	sor.u32 s4, s0;
	s1 =	sshll.u32 s1, $0x11  }
0xca: {  	s0 =	sor.u32 s1, s0  }
0xcb: {  	s0 =	sadd.s32 $0x8F2B, s0  }
0xcc: {  	[sflag:s0] =	ssyncadd.remote.s32 $0x1  }
0xcd: {  	_ =	sfence.sel $0xFFFF  }
0xce: {  	[dreg:$0x0] =	wrdreg $0xFFFFFFFF;
	(pc) =	sbr.abs _section_cstart, $3  }
0xcf: {  	[dreg:$0x1] =	wrdreg $0xFFFFFFFF  }
0xd0: {  	_ =	task.clear_ibuf [dreg:s22], $0x2FFFF;
	_ =	strace $0x9FFFFFFF  }
0xd1: {  	(tm) =	ssettm $0x7FFFFFFF  }
tec
execute0_lowered:
.L_overlay_start_1:
0x0: {  	(tag) =	ssettag $0x1  }
0x1: {  	s1 =	srdreg.scid;
	s5 =	rddreg [dreg:$0x0]  }
0x2: {  	s0 =	stileid.u32;
	s2 =	rddreg [dreg:$0x1];
	s6 =	simm.s32 $0x1  }
0x3: {  	s9 =	simm.s32 $0x1;
	s10 =	simm.s32 $0x3;
	s1 =	sshll.u32 s1, $0x8  }
0x4: {  	s13 =	simm.s32 $0x0;
	s3 =	sshll.u32 s0, $0x9;
	s4 =	sand.u32 $0x100, s1  }
0x5: {  	s12 =	simm.s32 $0x0;
	s1 =	rddreg [dreg:$0x2];
	s3 =	sor.u32 s3, s4  }
0x6: {  	_ =	strace $0x8000004D;
	s4 =	sadd.s32 $0x2AC00, s5;
	s8 =	ssub.s32 $0x2C00, s3  }
.Ltmp0:
0x7: {  	s5 =	sadd.s32 $0x2C600, s5;
	s7 =	sand.u32 $0x1F00, s8;
	(pc) =	sbr.rel .LBB2_1-.Ltmp0, $4  }
0x8: {  	[sflag:s6] =	ssyncpa.u1 $0x0;
	s11 =	smov.u32 s3;
	p0 =	sne.s32 s7, $0x0  }
0x9: {  	s8 =	sshrl.u32 s8, $0xD;
	s7 =	simm.s32 $0x2;
	s9 =	simm.s32 @!p0 $0x0  }
0xa: {  	[sflag:s7] =	ssyncpa.u1 $0x0;
	p0 =	por $0x0, $0x0;
	s8 =	sadd.s32 s9, s8  }
0xb: {  	vm0 =	vmmov $0xffff;
	[sflag:s10] =	ssyncpa.u1 $0x0;
	s10 =	simm.s32 $0x0;
	s9 =	sadd.s32 $0x1, s8  }
.LBB2_4:
0xc: {  	v2 =	vnsel vm1, $0x0, v2  }
0xd: {  	vm1 =	vgt.s32 v0, $0x0;
	v2 =	vmin.u32 v2, $0x270F  }
0xe: {  	v0 =	vnsel vm1, $0x0, v0  }
0xf: {  	v0 =	vmin.u32 v0, $0x270F  }
0x10: {  	[tilespmem:s15], [sflag:$0x1] =	stream.indirect_vreg.gather [hbm4b:s4+s10], $0x1, v1, vm0, $0x4038;
	[tilespmem:$0x400] =	vst v63  }
0x11: {  	(ifvalue) =	ssetifvalue $0x7FFFFFFF  }
0x12: {  	[tilespmem:s16], [sflag:$0x1] =	stream.indirect_vreg.gather [hbm4b:s4+s10], $0x1, v2, vm0, $0x4038;
	[tilespmem:$0x400] =	vst v63  }
0x13: {  	s29 =	sadd.s32 $0x10, s16;
	(ifvalue) =	ssetifvalue $0x7FFFFFFF  }
0x14: {  	[tilespmem:s29], [sflag:$0x1] =	stream.indirect_vreg.gather [hbm4b:s4+s10], $0x1, v0, vm0, $0x4038;
	[tilespmem:$0x400] =	vst v63  }
0x15: {  	_ =	swait.ge [sflag:s6], $0x100  }
0x16: {  	s30 =	sshrl.u32 s13, $0x3;
	[sflag:s6] =	ssyncset.done $0x0  }
0x17: {  	s31 =	sand.u32 $0x7, s13;
	s15 =	sadd.s32 s5, s30;
	[sflag:s6] =	ssyncadd.s32 $0xFFFFFF00  }
0x18: {  	[hbm4b:s15+s31] =	stream.linear.scatter [tilespmem:s14], [sflag:$0x3], $0x100, $0x38;
	[tilespmem:$0x400] =	vst v63  }
.LBB2_5:
0x19: {  	s15 =	sadd.s32 $0x2000, s11  }
0x1a: {  	p2 =	sgt.s32 s15, $0x2BFF  }
0x1b: {  	s15 =	smov.u32 @p2 s3;
	p2 =	sne.s32 s12, s9  }
.Ltmp1:
0x1c: {  	p1 =	slt.u32 s12, $0x2;
	(pc) =	sbr.rel @!p2 .LBB2_6-.Ltmp1, $4  }
0x1d: {  	s14 =	simm.s32 @!p1 $0x3  }
0x1e: {  	s16 =	sadd.s32 $0x1, s12;
	_ =	swait.ge @!p1 [sflag:s14], $0x100  }
0x1f: {  	s13 =	smov.u32 s11;
	p0 =	por !p0, !p0;
	[sflag:s14] =	ssyncset.done @!p1 $0x0  }
0x20: {  	s12 =	smov.u32 s16;
	s11 =	smov.u32 s15;
	[sflag:s14] =	ssyncadd.s32 @!p1 $0xFFFFFF00  }
.LBB2_1:
0x21: {  	p1 =	sge.u32 s12, s8  }
0x22: {  	s14 =	sxor.u32 @!p1 $0xFFFFFFFF, s12  }
0x23: {  	s31 =	sadd.s32 $0xFFFFFFFF, s12;
	s15 =	sshrl.u32 @!p1 s11, $0x3;
	s14 =	sshll.u32 @!p1 s14, $0x8  }
0x24: {  	s16 =	sand.u32 @!p1 $0x7, s11;
	s15 =	sadd.s32 @!p1 s2, s15;
	s14 =	sand.u32 @!p1 $0x100, s14  }
0x25: {  	[tilespmem:s14], [sflag:$0x2] =	stream.linear.gather @!p1 [hbm4b:s15+s16], $0x100, $0x38;
	[tilespmem:$0x400] =	vst v63  }
0x26: {  	p1 =	sge.u32 s31, s8  }
.Ltmp2:
0x27: {  	_ = 	snop;
	(pc) =	sbr.rel @p1 .LBB2_5-.Ltmp2, $1  }
0x28: {  	_ =	sdelay $0x3  }
0x29: {  	s14 =	simm.s32 $0x1  }
0x2a: {  	_ =	swait.ge [sflag:s7], $0x100;
	s14 =	simm.s32 @!p0 $0x0  }
0x2b: {  	[sflag:s7] =	ssyncset.done $0x0;
	s14 =	sshll.u32 s14, $0x8  }
0x2c: {  	[sflag:s7] =	ssyncadd.s32 $0xFFFFFF00;
	(ifvalue) =	ssetifvalue $0x7FFFFFFF;
	v0 =	vld.msk [tilespmem:s14+$0x0 ss:$0x1], $0xffff;
	_ =	sdelay $0x4  }
0x2d: {  	s15 =	sadd.s32 $0x10, s14;
	vm1 =	vgt.s32 v0, $0x0  }
0x2e: {  	v2 =	vld.msk [tilespmem:s15+$0x0 ss:$0x1], $0xffff;
	v1 =	vnsel vm1, $0x0, v0  }
0x2f: {  	v1 =	vmin.u32 v1, $0x270F;
	_ =	sdelay $0x1  }
0x30: {  	s16 =	sshll.u32 s12, $0x8;
	s18 =	simm.s32 $0x20  }
0x31: {  	s16 =	sand.u32 $0x100, s16;
	s17 =	sadd.s32 $0x10, s15;
	s15 =	sor.u32 $0x200, s14  }
0x32: {  	s14 =	sor.u32 $0x200, s16;
	s16 =	sadd.s32 $0x10, s15;
	v0 =	vld.msk [tilespmem:s17+$0x0 ss:$0x1], $0xffff;
	vm1 =	vgt.s32 v2, $0x0;
	(ifvalue) =	ssetifvalue $0x7FFFFFFF  }
.LBB2_3:
0x33: {  	[tilespmem:s15], [sflag:$0x1] =	stream.indirect_vreg.gather [hbm4b:s4+s10], $0x1, v1, vm0, $0x4038;
	[tilespmem:$0x400] =	vst v63  }
0x34: {  	s18 =	sadd.s32 $0x10, s18  }
0x35: {  	v2 =	vnsel vm1, $0x0, v2;
	p1 =	slt.u32 s18, $0xF0  }
.Ltmp3:
0x36: {  	s15 =	smov.u32 s16;
	v1 =	vmin.u32 v2, $0x270F;
	(pc) =	sbr.rel @p1 .LBB2_3-.Ltmp3, $3  }
0x37: {  	_ =	sdelay $0x1  }
0x38: {  	s17 =	sadd.s32 $0x10, s17  }
0x39: {  	vm1 =	vgt.s32 v0, $0x0;
	s16 =	sadd.s32 $0x10, s16;
	v2 =	vmov v0;
	(ifvalue) =	ssetifvalue $0x7FFFFFFF;
	v0 =	vld.msk [tilespmem:s17+$0x0 ss:$0x1], $0xffff  }
.Ltmp4:
0x3a: {  	_ = 	snop;
	(pc) =	sbr.rel .LBB2_4-.Ltmp4, $1  }
0x3b: {  	_ =	sdelay $0x3  }
.LBB2_6:
0x3c: {  	_ =	sfence.sel $0x180000  }
0x3d: {  	s2 =	simm.s32 $0x2;
	[bflag:$0x0] =	sbarrier.arrive $0xFFFF  }
0x3e: {  	s30 =	simm.s32 $0x3;
	[sflag:s2] =	ssyncpa.u1 $0x1  }
0x3f: {  	s31 =	simm.s32 $0x1;
	[sflag:s30] =	ssyncpa.u1 $0x1  }
0x40: {  	[sflag:s31] =	ssyncpa.u1 $0x1  }
0x41: {  	p0 =	sne.s32 s0, $0x0;
	_ =	strace $0x9000004D  }
0x42: {  	s0 =	sadd.s32 @!p0 $0x100000, s1;
	[bflag:$0x2] =	sbarrier.arrive $0xFFFF  }
0x43: {  	[sflag:s0] =	ssyncadd.tile.s32 @!p0 $0x1;
	_ =	shalt  }
.Lfunc_end2:
_tile_overlayer_lowered:
.L_overlay_start_2:
0x44: {  	(tag) =	ssettag $0x2  }
0x45: {  	s0 =	rddreg [dreg:$0x0];
	s2 =	stileid.u32  }
0x46: {  	s1 =	rddreg [dreg:$0x1];
	p0 =	sne.s32 s2, $0x0  }
0x47: {  	s3 =	rddreg [dreg:$0x2];
	[bflag:$0x3] =	sbarrier.arrive $0xFFFF;
	s2 =	simm.s32 @!p0 $0x1C01  }
0x48: {  	[timem:s3], [sflag:s2] =	dma.local @!p0 [hbm:s0], s1  }
0x49: {  	s0 =	simm.s32 @!p0 $0x1  }
0x4a: {  	_ =	swait.ge @!p0 [sflag:s0], s1  }
0x4b: {  	s1 =	ssub.s32 @!p0 $0x0, s1;
	[sflag:s0] =	ssyncset.done @!p0 $0x0  }
0x4c: {  	[sflag:s0] =	ssyncadd.s32 @!p0 s1  }
0x4d: {  	[bflag:$0x3] =	sbarrier.arrive $0xFFFF  }
0x4e: {  	_ =	shalt  }

// kernel: gather_offload_async_start.3
scs
__scs_entry_jumppad:
0x0: {  	(pc) =	sbr.rel $0x88, $3  }
0x1: {  	(tag) =	ssettag $0x0;
	lr =	simm.s32 $0x1  }
0x2: {  	[smem:$0x3F9B] =	sst lr;
	_ =	strace $0xD0000000  }
0x3: {  	_ = 	snop  }
0x4: {  	_ = 	snop  }
0x5: {  	_ = 	snop  }
0x6: {  	_ = 	snop  }
0x7: {  	_ = 	snop  }
__scs_overlays_trampoline_lowered:
0x8: {  	[smem:$0x3FAA] =	sst s0  }
0x9: {  	[smem:$0x3FAB] =	sst s1  }
0xa: {  	[smem:$0x3FAC] =	sst s2  }
0xb: {  	[smem:$0x3FAD] =	sst s3  }
0xc: {  	[smem:$0x3FAE] =	sst s4  }
0xd: {  	[smem:$0x3FAF] =	sst s5  }
0xe: {  	[smem:$0x3FB0] =	sst s6  }
0xf: {  	[smem:$0x3FB1] =	sst s7  }
0x10: {  	[smem:$0x3FB2] =	sst s8  }
0x11: {  	[smem:$0x3FB3] =	sst s9;
	s0 =	simm.s32 @!p0 $0x0  }
0x12: {  	s1 =	sld [smem:$0x3F99];
	s0 =	simm.s32 @p0 $0x1  }
0x13: {  	[smem:$0x3FB4] =	sst s0;
	s0 =	simm.s32 @!p1 $0x0  }
0x14: {  	s2 =	sld [smem:$0x3F98];
	s0 =	simm.s32 @p1 $0x1  }
0x15: {  	[smem:$0x3FB5] =	sst s0;
	s0 =	simm.s32 @!p2 $0x0  }
0x16: {  	s3 =	sld [smem:$0x3FDB];
	s0 =	simm.s32 @p2 $0x1  }
0x17: {  	s4 =	simm.s32 $0x1BF5;
	[smem:$0x3FB7] =	sst s0  }
0x18: {  	s0 =	sld [smem:$0x3F9A];
	_ =	swait.ge [sflag:s4], $0x0  }
0x19: {  	s7 =	sld [smem:$0x3F9B]  }
0x1a: {  	s8 =	sadd.s32 $0xFFFFE003, lr  }
0x1b: {  	s9 =	sadd.s32 $0xFFFFFEF7, lr;
	s5 =	simm.s32 $0xFFFFFFFF;
	p2 =	slt.u32 s8, $0xFFFFF086  }
0x1c: {  	p1 =	slt.u32 s9, $0xF7A;
	s5 =	simm.s32 @!p2 $0x0  }
0x1d: {  	s5 =	simm.s32 @p1 $0x1;
	p0 =	seq.s32 s7, s2  }
0x1e: {  	s7 =	smul.u32 @!p0 $0xF7A, s2;
	p2 =	seq.s32 @!p0 s5, $0x0  }
0x1f: {  	s9 =	smul.u32 $0xF7A, s1;
	s8 =	simm.s32 @!p0 $0x1BF5;
	p2 =	por !p2, p0  }
0x20: {  	[sflag:s8] =	ssyncset.s32 @!p0 $0xFFFFF086;
	s6 =	sadd.s32 @!p0 s3, s7;
	s7 =	simm.s32 @!p0 $0x108  }
0x21: {  	s3 =	sadd.s32 s3, s9;
	s6 =	sadd.s32 @!p0 $0x88, s6;
	s7 =	simm.s32 @p2 $0x1082  }
0x22: {  	[simem:s7], [sflag:s8] =	dma.local @!p0 [hbm:s6], $0xF7A  }
0x23: {  	s9 =	sor.u32 $0xD0000000, s2;
	s6 =	simm.s32 $0x108;
	_ =	swait.ge @!p0 [sflag:s8], $0x0  }
0x24: {  	s3 =	sadd.s32 $0x88, s3;
	s6 =	simm.s32 @!p1 $0x1082;
	[sflag:s4] =	ssyncset.s32 $0xFFFFF086  }
0x25: {  	[simem:s6], [sflag:s4] =	dma.local [hbm:s3], $0xF7A  }
0x26: {  	[smem:$0x3F9B] =	sst s1;
	(tag) =	ssettag s2;
	_ =	strace s9  }
0x27: {  	s1 =	sld [smem:$0x3FAB]  }
0x28: {  	s2 =	sld [smem:$0x3FAC]  }
0x29: {  	s4 =	sld [smem:$0x3FAE]  }
0x2a: {  	p0 =	seq.s32 s5, $0x0;
	s5 =	sld [smem:$0x3FAF]  }
0x2b: {  	s6 =	sld [smem:$0x3FB0]  }
0x2c: {  	s7 =	sld [smem:$0x3FB1]  }
0x2d: {  	s3 =	simm.s32 $0x108;
	s8 =	sld [smem:$0x3FB2]  }
0x2e: {  	s3 =	simm.s32 @!p0 $0x1082;
	s9 =	sld [smem:$0x3FB3]  }
0x2f: {  	lr =	sadd.s32 s0, s3;
	s0 =	sld [smem:$0x3FAA]  }
0x30: {  	s3 =	sld [smem:$0x3FAD]  }
0x31: {  	[smem:$0x3FB6] =	sst s10  }
0x32: {  	s10 =	sld [smem:$0x3FB4];
	_ =	sdelay $0x3  }
0x33: {  	p0 =	seq.s32 s10, $0x1;
	s10 =	sld [smem:$0x3FB6];
	_ =	sdelay $0x3  }
0x34: {  	[smem:$0x3FB6] =	sst s10  }
0x35: {  	s10 =	sld [smem:$0x3FB5];
	_ =	sdelay $0x3  }
0x36: {  	p1 =	seq.s32 s10, $0x1;
	s10 =	sld [smem:$0x3FB6];
	_ =	sdelay $0x3  }
0x37: {  	[smem:$0x3FB6] =	sst s10  }
0x38: {  	s10 =	sld [smem:$0x3FB7]  }
0x39: {  	_ = 	snop;
	(pc) =	sbr.ind lr, $3  }
0x3a: {  	_ = 	snop  }
0x3b: {  	_ = 	snop  }
0x3c: {  	p2 =	seq.s32 s10, $0x1;
	s10 =	sld [smem:$0x3FB6]  }
0x3d: {  	_ =	shalt  }
0x3e: {  	_ =	shalt  }
0x3f: {  	_ =	shalt  }
0x40: {  	_ =	shalt  }
0x41: {  	_ =	shalt  }
0x42: {  	_ =	shalt  }
0x43: {  	_ =	shalt  }
0x44: {  	_ =	shalt  }
0x45: {  	_ =	shalt  }
0x46: {  	_ =	shalt  }
0x47: {  	_ =	shalt  }
0x48: {  	_ =	shalt  }
0x49: {  	_ =	shalt  }
0x4a: {  	_ =	shalt  }
0x4b: {  	_ =	shalt  }
0x4c: {  	_ =	shalt  }
0x4d: {  	_ =	shalt  }
0x4e: {  	_ =	shalt  }
0x4f: {  	_ =	shalt  }
0x50: {  	_ =	shalt  }
0x51: {  	_ =	shalt  }
0x52: {  	_ =	shalt  }
0x53: {  	_ =	shalt  }
0x54: {  	_ =	shalt  }
0x55: {  	_ =	shalt  }
0x56: {  	_ =	shalt  }
0x57: {  	_ =	shalt  }
0x58: {  	_ =	shalt  }
0x59: {  	_ =	shalt  }
0x5a: {  	_ =	shalt  }
0x5b: {  	_ =	shalt  }
0x5c: {  	_ =	shalt  }
0x5d: {  	_ =	shalt  }
0x5e: {  	_ =	shalt  }
0x5f: {  	_ =	shalt  }
0x60: {  	_ =	shalt  }
0x61: {  	_ =	shalt  }
0x62: {  	_ =	shalt  }
0x63: {  	_ =	shalt  }
0x64: {  	_ =	shalt  }
0x65: {  	_ =	shalt  }
0x66: {  	_ =	shalt  }
0x67: {  	_ =	shalt  }
0x68: {  	_ =	shalt  }
0x69: {  	_ =	shalt  }
0x6a: {  	_ =	shalt  }
0x6b: {  	_ =	shalt  }
0x6c: {  	_ =	shalt  }
0x6d: {  	_ =	shalt  }
0x6e: {  	_ =	shalt  }
0x6f: {  	_ =	shalt  }
0x70: {  	_ =	shalt  }
0x71: {  	_ =	shalt  }
0x72: {  	_ =	shalt  }
0x73: {  	_ =	shalt  }
0x74: {  	_ =	shalt  }
0x75: {  	_ =	shalt  }
0x76: {  	_ =	shalt  }
0x77: {  	_ =	shalt  }
0x78: {  	_ =	shalt  }
0x79: {  	_ =	shalt  }
0x7a: {  	_ =	shalt  }
0x7b: {  	_ =	shalt  }
0x7c: {  	_ =	shalt  }
0x7d: {  	_ =	shalt  }
0x7e: {  	_ =	shalt  }
0x7f: {  	_ =	shalt  }
0x80: {  	_ =	shalt  }
0x81: {  	_ =	shalt  }
0x82: {  	_ =	shalt  }
0x83: {  	_ =	shalt  }
0x84: {  	_ =	shalt  }
0x85: {  	_ =	shalt  }
0x86: {  	_ =	shalt  }
0x87: {  	_ =	shalt  }
.Lfunc_end0:
.L_simem_size_0:
called_computation.3_lowered:
.L_overlay_start_0:
0x88: {  	s2 =	sld [smem:$0x3FD9]  }
0x89: {  	s3 =	sld [smem:$0x3FFE];
	_ =	sdelay $0x1  }
0x8a: {  	s1 =	srdreg.scid  }
0x8b: {  	s0 =	sand.u32 $0x1, s1  }
0x8c: {  	s17 =	sshll.u32 s0, $0xA;
	s2 =	sadd.s32 s3, s2  }
0x8d: {  	s2 =	sadd.s32 s2, s17  }
0x8e: {  	[smem:$0x3FC2] =	sst s2  }
0x8f: {  	_ = 	snop  }
0x90: {  	s2 =	sld [smem:$0x3FC8]  }
0x91: {  	s18 =	sld [smem:$0x3FD0];
	(tm) =	ssettm $0x1  }
0x92: {  	s4 =	sld [smem:$0x3FFB];
	_ =	sdelay $0x3  }
0x93: {  	_ =	strace s4  }
0x94: {  	s4 =	sld [smem:$0x3FFC];
	_ =	sdelay $0x3  }
0x95: {  	_ =	strace s4  }
0x96: {  	s4 =	sld [smem:$0x3FFD];
	_ =	sdelay $0x3  }
0x97: {  	_ =	strace s4  }
0x98: {  	_ =	strace $0x8FFFFFFF  }
0x99: {  	s19 =	sld [smem:$0x3FDB];
	_ =	sdelay $0x1  }
0x9a: {  	s5 =	simm.s32 $_scs_section_size  }
0x9b: {  	s6 =	simm.s32 $_size__tile_overlayer_lowered;
	s7 =	simm.s32 $_tile_overlayer_lowered  }
0x9c: {  	s22 =	simm.s32 $0x1BFF;
	s21 =	sshll.u32 s7, $0x1;
	s4 =	sadd.s32 s5, s19  }
0x9d: {  	s8 =	simm.s32 $0x0;
	s20 =	sshll.u32 s6, $0x1;
	s6 =	sadd.s32 s21, s4  }
0x9e: {  	[timem:s8], [sflag:s22] =	dma.local [hbm:s6], s20  }
0x9f: {  	_ =	swait.ge [sflag:s22], s20  }
0xa0: {  	s5 =	ssub.s32 $0x0, s20;
	[sflag:s22] =	ssyncset.done $0x0  }
0xa1: {  	[sflag:s22] =	ssyncadd.s32 s5;
	_ =	sdelay $0x1  }
0xa2: {  	s23 =	simm.s32 $0x1B8B  }
0xa3: {  	_ =	swait.ge [sflag:s23], $0x1  }
0xa4: {  	[sflag:s23] =	ssyncset.done $0x0  }
0xa5: {  	s25 =	simm.s32 $0x1B8E;
	s24 =	sld [smem:$0x3FFE];
	[sflag:s23] =	ssyncadd.s32 $0xFFFFFFFF  }
0xa6: {  	s26 =	simm.s32 $execute0_lowered;
	[smem:$0x3FD2] =	sst s25  }
0xa7: {  	s6 =	sshll.u32 s26, $0x1;
	_ =	strace $0x8000004F;
	[dreg:$0x1] =	wrdreg $0xFFFFFFFF  }
0xa8: {  	s28 =	simm.s32 $_size_execute0_lowered;
	s4 =	sadd.s32 s4, s6;
	[dreg:$0x0] =	wrdreg $0x0  }
0xa9: {  	s6 =	sshll.u32 s28, $0x1;
	[dreg:$0x2] =	wrdreg s4  }
0xaa: {  	[dreg:$0x3] =	wrdreg s6  }
0xab: {  	[dreg:$0x4] =	wrdreg $0xC0  }
0xac: {  	_ =	task [dreg:s8], $0x5FFFF  }
0xad: {  	[dreg:$0x1] =	wrdreg $0xFFFFFFFF  }
0xae: {  	[dreg:$0x0] =	wrdreg $0x60  }
0xaf: {  	[dreg:$0x2] =	wrdreg s2  }
0xb0: {  	[dreg:$0x3] =	wrdreg s18  }
0xb1: {  	[dreg:$0x4] =	wrdreg s24  }
0xb2: {  	[dreg:$0x5] =	wrdreg $0x9  }
0xb3: {  	_ =	task.clear_ibuf [dreg:s8], $0x6FFFF;
	_ =	strace $0x9000004F  }
0xb4: {  	s29 =	simm.s32 $0x9;
	_ =	strace $0x80000051  }
0xb5: {  	_ =	swait.ge [sflag:s29], $0x1  }
0xb6: {  	[sflag:s29] =	ssyncadd.s32 $0xFFFFFFFF  }
0xb7: {  	_ =	strace $0x90000051  }
0xb8: {  	_ =	sfence  }
0xb9: {  	s30 =	sld [smem:$0x0];
	_ =	sdelay $0x2  }
0xba: {  	s31 =	sshll.u32 s1, $0xD;
	s1 =	sshrl.u32 s1, $0x2  }
0xbb: {  	s3 =	sand.u32 $0x4000, s31;
	s1 =	sadd.s32 s1, s30  }
0xbc: {  	s0 =	sor.u32 s3, s0;
	s1 =	sshll.u32 s1, $0x11  }
0xbd: {  	s0 =	sor.u32 s1, s0  }
0xbe: {  	s0 =	sadd.s32 $0x8F2B, s0  }
0xbf: {  	[sflag:s0] =	ssyncadd.remote.s32 $0x1  }
0xc0: {  	_ =	sfence.sel $0xFFFF  }
0xc1: {  	[dreg:$0x0] =	wrdreg $0xFFFFFFFF;
	(pc) =	sbr.abs _section_cstart, $3  }
0xc2: {  	[dreg:$0x1] =	wrdreg $0xFFFFFFFF  }
0xc3: {  	_ =	task.clear_ibuf [dreg:s8], $0x2FFFF;
	_ =	strace $0x9FFFFFFF  }
0xc4: {  	(tm) =	ssettm $0x7FFFFFFF  }
0xc5: {  	_ =	shalt  }
tec
execute0_lowered:
.L_overlay_start_1:
0x0: {  	(tag) =	ssettag $0x1  }
0x1: {  	s2 =	rddreg [dreg:$0x0]  }
0x2: {  	s3 =	rddreg [dreg:$0x1]  }
0x3: {  	s0 =	stileid.u32;
	s1 =	srdreg.scid  }
0x4: {  	s8 =	rddreg [dreg:$0x2];
	s9 =	simm.s32 $0x1;
	s10 =	simm.s32 $0x3  }
0x5: {  	s13 =	simm.s32 $0x0;
	s4 =	sand.u32 $0x1, s1;
	s5 =	sshll.u32 s0, $0x1  }
0x6: {  	s12 =	simm.s32 $0x0;
	s1 =	rddreg [dreg:$0x3];
	s6 =	sor.u32 s5, s4  }
0x7: {  	_ =	strace $0x80000050;
	s8 =	sadd.s32 $0x2D200, s8;
	s4 =	smul.u32 $0xB00, s6  }
0x8: {  	s5 =	simm.s32 $0x1;
	p0 =	slt.u32 s6, $0x9;
	s6 =	simm.s32 $0x16000  }
.Ltmp0:
0x9: {  	s6 =	simm.s32 @!p0 $0x0;
	s7 =	ssub.s32 $0x1B800, s4;
	(pc) =	sbr.rel .LBB2_1-.Ltmp0, $4  }
0xa: {  	s9 =	simm.s32 @!p0 $0x0;
	p0 =	sne.s32 s7, s6;
	s7 =	simm.s32 $0x1  }
0xb: {  	[sflag:s5] =	ssyncpa.u1 $0x0;
	s6 =	simm.s32 $0x2;
	s7 =	simm.s32 @!p0 $0x0  }
0xc: {  	s11 =	smov.u32 s4;
	[sflag:s6] =	ssyncpa.u1 $0x0;
	s7 =	sadd.s32 s9, s7  }
0xd: {  	vm0 =	vmmov $0xffff;
	[sflag:s10] =	ssyncpa.u1 $0x0;
	s10 =	simm.s32 $0x0;
	s9 =	sadd.s32 $0x1, s7  }
.LBB2_4:
0xe: {  	v2 =	vnsel vm1, $0x0, v2  }
0xf: {  	vm1 =	vgt.s32 v0, $0x0;
	v2 =	vmin.u32 v2, $0x270FF  }
0x10: {  	v0 =	vnsel vm1, $0x0, v0  }
0x11: {  	v0 =	vmin.u32 v0, $0x270FF  }
0x12: {  	[tilespmem:s18], [sflag:$0x1] =	stream.indirect_vreg.gather [hbm4b:s2+s10], $0x1, v1, vm0, $0x4038;
	[tilespmem:$0x2C00] =	vst v63  }
0x13: {  	(ifvalue) =	ssetifvalue $0x7FFFFFFF  }
0x14: {  	[tilespmem:s15], [sflag:$0x1] =	stream.indirect_vreg.gather [hbm4b:s2+s10], $0x1, v2, vm0, $0x4038;
	[tilespmem:$0x2C00] =	vst v63  }
0x15: {  	s29 =	sadd.s32 $0x10, s15;
	(ifvalue) =	ssetifvalue $0x7FFFFFFF  }
0x16: {  	[tilespmem:s29], [sflag:$0x1] =	stream.indirect_vreg.gather [hbm4b:s2+s10], $0x1, v0, vm0, $0x4038;
	[tilespmem:$0x2C00] =	vst v63  }
0x17: {  	_ =	swait.ge [sflag:s5], $0xB00  }
0x18: {  	s30 =	sshrl.u32 s13, $0x3;
	[sflag:s5] =	ssyncset.done $0x0  }
0x19: {  	s31 =	sand.u32 $0x7, s13;
	s15 =	sadd.s32 s8, s30;
	[sflag:s5] =	ssyncadd.s32 $0xFFFFF500  }
0x1a: {  	[hbm4b:s15+s31] =	stream.linear.scatter [tilespmem:s14], [sflag:$0x3], $0xB00, $0x38;
	[tilespmem:$0x2C00] =	vst v63  }
.LBB2_5:
0x1b: {  	s15 =	sadd.s32 $0x16000, s11  }
0x1c: {  	p1 =	sgt.s32 s15, $0x1B7FF  }
0x1d: {  	s15 =	smov.u32 @p1 s4;
	p1 =	sne.s32 s12, s9  }
.Ltmp1:
0x1e: {  	p0 =	slt.u32 s12, $0x2;
	(pc) =	sbr.rel @!p1 .LBB2_6-.Ltmp1, $4  }
0x1f: {  	s14 =	simm.s32 @!p0 $0x3  }
0x20: {  	_ =	swait.ge @!p0 [sflag:s14], $0xB00  }
0x21: {  	s16 =	sadd.s32 $0x1, s12;
	s13 =	smov.u32 s11;
	[sflag:s14] =	ssyncset.done @!p0 $0x0  }
0x22: {  	s12 =	smov.u32 s16;
	s11 =	smov.u32 s15;
	[sflag:s14] =	ssyncadd.s32 @!p0 $0xFFFFF500  }
.LBB2_1:
0x23: {  	p0 =	sge.u32 s12, s7  }
0x24: {  	s14 =	sxor.u32 @!p0 $0x1, s12  }
0x25: {  	s14 =	smul.u32 @!p0 $0x2C00, s14  }
0x26: {  	s31 =	sadd.s32 $0xFFFFFFFF, s12;
	s15 =	sshrl.u32 @!p0 s11, $0x3  }
0x27: {  	s16 =	sand.u32 @!p0 $0x7, s11;
	s15 =	sadd.s32 @!p0 s3, s15;
	s14 =	sshra.s32 @!p0 s14, $0x2  }
0x28: {  	[tilespmem:s14], [sflag:$0x2] =	stream.linear.gather @!p0 [hbm4b:s15+s16], $0xB00, $0x38;
	[tilespmem:$0x2C00] =	vst v63  }
0x29: {  	p0 =	sge.u32 s31, s7  }
.Ltmp2:
0x2a: {  	_ = 	snop;
	(pc) =	sbr.rel @p0 .LBB2_5-.Ltmp2, $1  }
0x2b: {  	_ =	sdelay $0x3  }
0x2c: {  	s14 =	sand.u32 $0x1, s12  }
0x2d: {  	_ =	swait.ge [sflag:s6], $0xB00;
	p0 =	seq.s32 s14, $0x1;
	s14 =	simm.s32 $0xB00  }
0x2e: {  	[sflag:s6] =	ssyncset.done $0x0;
	s14 =	simm.s32 @!p0 $0x0  }
0x2f: {  	[sflag:s6] =	ssyncadd.s32 $0xFFFFF500;
	(ifvalue) =	ssetifvalue $0x7FFFFFFF;
	v0 =	vld.msk [tilespmem:s14+$0x0 ss:$0x1], $0xffff;
	_ =	sdelay $0x4  }
0x30: {  	s15 =	sadd.s32 $0x10, s14;
	vm1 =	vgt.s32 v0, $0x0  }
0x31: {  	v2 =	vld.msk [tilespmem:s15+$0x0 ss:$0x1], $0xffff;
	v1 =	vnsel vm1, $0x0, v0  }
0x32: {  	v1 =	vmin.u32 v1, $0x270FF;
	_ =	sdelay $0x2  }
0x33: {  	s17 =	simm.s32 $0x20;
	s14 =	sadd.s32 $0x1600, s14;
	s16 =	sadd.s32 $0x10, s15  }
0x34: {  	s15 =	sadd.s32 $0x10, s14;
	s18 =	smov.u32 s14;
	v0 =	vld.msk [tilespmem:s16+$0x0 ss:$0x1], $0xffff;
	vm1 =	vgt.s32 v2, $0x0;
	(ifvalue) =	ssetifvalue $0x7FFFFFFF  }
.LBB2_3:
0x35: {  	[tilespmem:s18], [sflag:$0x1] =	stream.indirect_vreg.gather [hbm4b:s2+s10], $0x1, v1, vm0, $0x4038;
	[tilespmem:$0x2C00] =	vst v63  }
0x36: {  	s17 =	sadd.s32 $0x10, s17  }
0x37: {  	v2 =	vnsel vm1, $0x0, v2;
	p0 =	slt.u32 s17, $0xAF0  }
.Ltmp3:
0x38: {  	s18 =	smov.u32 s15;
	v1 =	vmin.u32 v2, $0x270FF;
	(pc) =	sbr.rel @p0 .LBB2_3-.Ltmp3, $3  }
0x39: {  	_ =	sdelay $0x1  }
0x3a: {  	s16 =	sadd.s32 $0x10, s16  }
0x3b: {  	vm1 =	vgt.s32 v0, $0x0;
	s15 =	sadd.s32 $0x10, s15;
	v2 =	vmov v0;
	(ifvalue) =	ssetifvalue $0x7FFFFFFF;
	v0 =	vld.msk [tilespmem:s16+$0x0 ss:$0x1], $0xffff  }
.Ltmp4:
0x3c: {  	_ = 	snop;
	(pc) =	sbr.rel .LBB2_4-.Ltmp4, $1  }
0x3d: {  	_ =	sdelay $0x3  }
.LBB2_6:
0x3e: {  	_ =	sfence.sel $0x180000  }
0x3f: {  	s2 =	simm.s32 $0x2;
	[bflag:$0x0] =	sbarrier.arrive $0xFFFF  }
0x40: {  	s30 =	simm.s32 $0x3;
	[sflag:s2] =	ssyncpa.u1 $0x1  }
0x41: {  	s31 =	simm.s32 $0x1;
	[sflag:s30] =	ssyncpa.u1 $0x1  }
0x42: {  	[sflag:s31] =	ssyncpa.u1 $0x1  }
0x43: {  	p0 =	sne.s32 s0, $0x0;
	_ =	strace $0x90000050  }
0x44: {  	s0 =	sadd.s32 @!p0 $0x100000, s1;
	[bflag:$0x2] =	sbarrier.arrive $0xFFFF  }
0x45: {  	[sflag:s0] =	ssyncadd.tile.s32 @!p0 $0x1;
	_ =	shalt  }
.Lfunc_end2:
_tile_overlayer_lowered:
.L_overlay_start_2:
0x46: {  	(tag) =	ssettag $0x2  }
0x47: {  	s0 =	rddreg [dreg:$0x0];
	s2 =	stileid.u32  }
0x48: {  	s1 =	rddreg [dreg:$0x1];
	p0 =	sne.s32 s2, $0x0  }
0x49: {  	s3 =	rddreg [dreg:$0x2];
	[bflag:$0x3] =	sbarrier.arrive $0xFFFF;
	s2 =	simm.s32 @!p0 $0x1C01  }
0x4a: {  	[timem:s3], [sflag:s2] =	dma.local @!p0 [hbm:s0], s1  }
0x4b: {  	s0 =	simm.s32 @!p0 $0x1  }
0x4c: {  	_ =	swait.ge @!p0 [sflag:s0], s1  }
0x4d: {  	s1 =	ssub.s32 @!p0 $0x0, s1;
	[sflag:s0] =	ssyncset.done @!p0 $0x0  }
0x4e: {  	[sflag:s0] =	ssyncadd.s32 @!p0 s1  }
0x4f: {  	[bflag:$0x3] =	sbarrier.arrive $0xFFFF  }
0x50: {  	_ =	shalt  }

// kernel: gather_offload_async_start
scs
__scs_entry_jumppad:
0x0: {  	(pc) =	sbr.rel $0x88, $3  }
0x1: {  	(tag) =	ssettag $0x0;
	lr =	simm.s32 $0x1  }
0x2: {  	[smem:$0x3F9B] =	sst lr;
	_ =	strace $0xD0000000  }
0x3: {  	_ = 	snop  }
0x4: {  	_ = 	snop  }
0x5: {  	_ = 	snop  }
0x6: {  	_ = 	snop  }
0x7: {  	_ = 	snop  }
__scs_overlays_trampoline_lowered:
0x8: {  	[smem:$0x3FAA] =	sst s0  }
0x9: {  	[smem:$0x3FAB] =	sst s1  }
0xa: {  	[smem:$0x3FAC] =	sst s2  }
0xb: {  	[smem:$0x3FAD] =	sst s3  }
0xc: {  	[smem:$0x3FAE] =	sst s4  }
0xd: {  	[smem:$0x3FAF] =	sst s5  }
0xe: {  	[smem:$0x3FB0] =	sst s6  }
0xf: {  	[smem:$0x3FB1] =	sst s7  }
0x10: {  	[smem:$0x3FB2] =	sst s8  }
0x11: {  	[smem:$0x3FB3] =	sst s9;
	s0 =	simm.s32 @!p0 $0x0  }
0x12: {  	s1 =	sld [smem:$0x3F99];
	s0 =	simm.s32 @p0 $0x1  }
0x13: {  	[smem:$0x3FB4] =	sst s0;
	s0 =	simm.s32 @!p1 $0x0  }
0x14: {  	s2 =	sld [smem:$0x3F98];
	s0 =	simm.s32 @p1 $0x1  }
0x15: {  	[smem:$0x3FB5] =	sst s0;
	s0 =	simm.s32 @!p2 $0x0  }
0x16: {  	s3 =	sld [smem:$0x3FDB];
	s0 =	simm.s32 @p2 $0x1  }
0x17: {  	s4 =	simm.s32 $0x1BF5;
	[smem:$0x3FB7] =	sst s0  }
0x18: {  	s0 =	sld [smem:$0x3F9A];
	_ =	swait.ge [sflag:s4], $0x0  }
0x19: {  	s7 =	sld [smem:$0x3F9B]  }
0x1a: {  	s8 =	sadd.s32 $0xFFFFE003, lr  }
0x1b: {  	s9 =	sadd.s32 $0xFFFFFEF7, lr;
	s5 =	simm.s32 $0xFFFFFFFF;
	p2 =	slt.u32 s8, $0xFFFFF086  }
0x1c: {  	p1 =	slt.u32 s9, $0xF7A;
	s5 =	simm.s32 @!p2 $0x0  }
0x1d: {  	s5 =	simm.s32 @p1 $0x1;
	p0 =	seq.s32 s7, s2  }
0x1e: {  	s7 =	smul.u32 @!p0 $0xF7A, s2;
	p2 =	seq.s32 @!p0 s5, $0x0  }
0x1f: {  	s9 =	smul.u32 $0xF7A, s1;
	s8 =	simm.s32 @!p0 $0x1BF5;
	p2 =	por !p2, p0  }
0x20: {  	[sflag:s8] =	ssyncset.s32 @!p0 $0xFFFFF086;
	s6 =	sadd.s32 @!p0 s3, s7;
	s7 =	simm.s32 @!p0 $0x108  }
0x21: {  	s3 =	sadd.s32 s3, s9;
	s6 =	sadd.s32 @!p0 $0x88, s6;
	s7 =	simm.s32 @p2 $0x1082  }
0x22: {  	[simem:s7], [sflag:s8] =	dma.local @!p0 [hbm:s6], $0xF7A  }
0x23: {  	s9 =	sor.u32 $0xD0000000, s2;
	s6 =	simm.s32 $0x108;
	_ =	swait.ge @!p0 [sflag:s8], $0x0  }
0x24: {  	s3 =	sadd.s32 $0x88, s3;
	s6 =	simm.s32 @!p1 $0x1082;
	[sflag:s4] =	ssyncset.s32 $0xFFFFF086  }
0x25: {  	[simem:s6], [sflag:s4] =	dma.local [hbm:s3], $0xF7A  }
0x26: {  	[smem:$0x3F9B] =	sst s1;
	(tag) =	ssettag s2;
	_ =	strace s9  }
0x27: {  	s1 =	sld [smem:$0x3FAB]  }
0x28: {  	s2 =	sld [smem:$0x3FAC]  }
0x29: {  	s4 =	sld [smem:$0x3FAE]  }
0x2a: {  	p0 =	seq.s32 s5, $0x0;
	s5 =	sld [smem:$0x3FAF]  }
0x2b: {  	s6 =	sld [smem:$0x3FB0]  }
0x2c: {  	s7 =	sld [smem:$0x3FB1]  }
0x2d: {  	s3 =	simm.s32 $0x108;
	s8 =	sld [smem:$0x3FB2]  }
0x2e: {  	s3 =	simm.s32 @!p0 $0x1082;
	s9 =	sld [smem:$0x3FB3]  }
0x2f: {  	lr =	sadd.s32 s0, s3;
	s0 =	sld [smem:$0x3FAA]  }
0x30: {  	s3 =	sld [smem:$0x3FAD]  }
0x31: {  	[smem:$0x3FB6] =	sst s10  }
0x32: {  	s10 =	sld [smem:$0x3FB4];
	_ =	sdelay $0x3  }
0x33: {  	p0 =	seq.s32 s10, $0x1;
	s10 =	sld [smem:$0x3FB6];
	_ =	sdelay $0x3  }
0x34: {  	[smem:$0x3FB6] =	sst s10  }
0x35: {  	s10 =	sld [smem:$0x3FB5];
	_ =	sdelay $0x3  }
0x36: {  	p1 =	seq.s32 s10, $0x1;
	s10 =	sld [smem:$0x3FB6];
	_ =	sdelay $0x3  }
0x37: {  	[smem:$0x3FB6] =	sst s10  }
0x38: {  	s10 =	sld [smem:$0x3FB7]  }
0x39: {  	_ = 	snop;
	(pc) =	sbr.ind lr, $3  }
0x3a: {  	_ = 	snop  }
0x3b: {  	_ = 	snop  }
0x3c: {  	p2 =	seq.s32 s10, $0x1;
	s10 =	sld [smem:$0x3FB6]  }
0x3d: {  	_ =	shalt  }
0x3e: {  	_ =	shalt  }
0x3f: {  	_ =	shalt  }
0x40: {  	_ =	shalt  }
0x41: {  	_ =	shalt  }
0x42: {  	_ =	shalt  }
0x43: {  	_ =	shalt  }
0x44: {  	_ =	shalt  }
0x45: {  	_ =	shalt  }
0x46: {  	_ =	shalt  }
0x47: {  	_ =	shalt  }
0x48: {  	_ =	shalt  }
0x49: {  	_ =	shalt  }
0x4a: {  	_ =	shalt  }
0x4b: {  	_ =	shalt  }
0x4c: {  	_ =	shalt  }
0x4d: {  	_ =	shalt  }
0x4e: {  	_ =	shalt  }
0x4f: {  	_ =	shalt  }
0x50: {  	_ =	shalt  }
0x51: {  	_ =	shalt  }
0x52: {  	_ =	shalt  }
0x53: {  	_ =	shalt  }
0x54: {  	_ =	shalt  }
0x55: {  	_ =	shalt  }
0x56: {  	_ =	shalt  }
0x57: {  	_ =	shalt  }
0x58: {  	_ =	shalt  }
0x59: {  	_ =	shalt  }
0x5a: {  	_ =	shalt  }
0x5b: {  	_ =	shalt  }
0x5c: {  	_ =	shalt  }
0x5d: {  	_ =	shalt  }
0x5e: {  	_ =	shalt  }
0x5f: {  	_ =	shalt  }
0x60: {  	_ =	shalt  }
0x61: {  	_ =	shalt  }
0x62: {  	_ =	shalt  }
0x63: {  	_ =	shalt  }
0x64: {  	_ =	shalt  }
0x65: {  	_ =	shalt  }
0x66: {  	_ =	shalt  }
0x67: {  	_ =	shalt  }
0x68: {  	_ =	shalt  }
0x69: {  	_ =	shalt  }
0x6a: {  	_ =	shalt  }
0x6b: {  	_ =	shalt  }
0x6c: {  	_ =	shalt  }
0x6d: {  	_ =	shalt  }
0x6e: {  	_ =	shalt  }
0x6f: {  	_ =	shalt  }
0x70: {  	_ =	shalt  }
0x71: {  	_ =	shalt  }
0x72: {  	_ =	shalt  }
0x73: {  	_ =	shalt  }
0x74: {  	_ =	shalt  }
0x75: {  	_ =	shalt  }
0x76: {  	_ =	shalt  }
0x77: {  	_ =	shalt  }
0x78: {  	_ =	shalt  }
0x79: {  	_ =	shalt  }
0x7a: {  	_ =	shalt  }
0x7b: {  	_ =	shalt  }
0x7c: {  	_ =	shalt  }
0x7d: {  	_ =	shalt  }
0x7e: {  	_ =	shalt  }
0x7f: {  	_ =	shalt  }
0x80: {  	_ =	shalt  }
0x81: {  	_ =	shalt  }
0x82: {  	_ =	shalt  }
0x83: {  	_ =	shalt  }
0x84: {  	_ =	shalt  }
0x85: {  	_ =	shalt  }
0x86: {  	_ =	shalt  }
0x87: {  	_ =	shalt  }
.Lfunc_end0:
.L_simem_size_0:
called_computation_lowered:
.L_overlay_start_0:
0x88: {  	s2 =	sld [smem:$0x3FD9]  }
0x89: {  	s3 =	sld [smem:$0x3FFE];
	_ =	sdelay $0x1  }
0x8a: {  	s1 =	srdreg.scid  }
0x8b: {  	s0 =	sand.u32 $0x1, s1  }
0x8c: {  	s17 =	sshll.u32 s0, $0xA;
	s2 =	sadd.s32 s3, s2  }
0x8d: {  	s2 =	sadd.s32 s2, s17  }
0x8e: {  	[smem:$0x3FC2] =	sst s2  }
0x8f: {  	_ = 	snop  }
0x90: {  	s2 =	sld [smem:$0x3FC8]  }
0x91: {  	s18 =	sld [smem:$0x3FD0];
	(tm) =	ssettm $0x1  }
0x92: {  	s4 =	sld [smem:$0x3FFB];
	_ =	sdelay $0x3  }
0x93: {  	_ =	strace s4  }
0x94: {  	s4 =	sld [smem:$0x3FFC];
	_ =	sdelay $0x3  }
0x95: {  	_ =	strace s4  }
0x96: {  	s4 =	sld [smem:$0x3FFD];
	_ =	sdelay $0x3  }
0x97: {  	_ =	strace s4  }
0x98: {  	_ =	strace $0x8FFFFFFF  }
0x99: {  	s19 =	sld [smem:$0x3FDB];
	_ =	sdelay $0x1  }
0x9a: {  	s5 =	simm.s32 $_scs_section_size  }
0x9b: {  	s6 =	simm.s32 $_size__tile_overlayer_lowered;
	s7 =	simm.s32 $_tile_overlayer_lowered  }
0x9c: {  	s22 =	simm.s32 $0x1BFF;
	s21 =	sshll.u32 s7, $0x1;
	s4 =	sadd.s32 s5, s19  }
0x9d: {  	s8 =	simm.s32 $0x0;
	s20 =	sshll.u32 s6, $0x1;
	s6 =	sadd.s32 s21, s4  }
0x9e: {  	[timem:s8], [sflag:s22] =	dma.local [hbm:s6], s20  }
0x9f: {  	_ =	swait.ge [sflag:s22], s20  }
0xa0: {  	s5 =	ssub.s32 $0x0, s20;
	[sflag:s22] =	ssyncset.done $0x0  }
0xa1: {  	[sflag:s22] =	ssyncadd.s32 s5;
	_ =	sdelay $0x1  }
0xa2: {  	s23 =	simm.s32 $0x1B8B  }
0xa3: {  	_ =	swait.ge [sflag:s23], $0x1  }
0xa4: {  	[sflag:s23] =	ssyncset.done $0x0  }
0xa5: {  	s25 =	simm.s32 $0x1B8E;
	s24 =	sld [smem:$0x3FFE];
	[sflag:s23] =	ssyncadd.s32 $0xFFFFFFFF  }
0xa6: {  	s26 =	simm.s32 $execute0_lowered;
	[smem:$0x3FD2] =	sst s25  }
0xa7: {  	s6 =	sshll.u32 s26, $0x1;
	_ =	strace $0x80000046;
	[dreg:$0x1] =	wrdreg $0xFFFFFFFF  }
0xa8: {  	s28 =	simm.s32 $_size_execute0_lowered;
	s4 =	sadd.s32 s4, s6;
	[dreg:$0x0] =	wrdreg $0x0  }
0xa9: {  	s6 =	sshll.u32 s28, $0x1;
	[dreg:$0x2] =	wrdreg s4  }
0xaa: {  	[dreg:$0x3] =	wrdreg s6  }
0xab: {  	[dreg:$0x4] =	wrdreg $0xC0  }
0xac: {  	_ =	task [dreg:s8], $0x5FFFF  }
0xad: {  	[dreg:$0x1] =	wrdreg $0xFFFFFFFF  }
0xae: {  	[dreg:$0x0] =	wrdreg $0x60  }
0xaf: {  	[dreg:$0x2] =	wrdreg s2  }
0xb0: {  	[dreg:$0x3] =	wrdreg s18  }
0xb1: {  	[dreg:$0x4] =	wrdreg s24  }
0xb2: {  	[dreg:$0x5] =	wrdreg $0x9  }
0xb3: {  	_ =	task.clear_ibuf [dreg:s8], $0x6FFFF;
	_ =	strace $0x90000046  }
0xb4: {  	s29 =	simm.s32 $0x9;
	_ =	strace $0x80000048  }
0xb5: {  	_ =	swait.ge [sflag:s29], $0x1  }
0xb6: {  	[sflag:s29] =	ssyncadd.s32 $0xFFFFFFFF  }
0xb7: {  	_ =	strace $0x90000048  }
0xb8: {  	_ =	sfence  }
0xb9: {  	s30 =	sld [smem:$0x0];
	_ =	sdelay $0x2  }
0xba: {  	s31 =	sshll.u32 s1, $0xD;
	s1 =	sshrl.u32 s1, $0x2  }
0xbb: {  	s3 =	sand.u32 $0x4000, s31;
	s1 =	sadd.s32 s1, s30  }
0xbc: {  	s0 =	sor.u32 s3, s0;
	s1 =	sshll.u32 s1, $0x11  }
0xbd: {  	s0 =	sor.u32 s1, s0  }
0xbe: {  	s0 =	sadd.s32 $0x8F2B, s0  }
0xbf: {  	[sflag:s0] =	ssyncadd.remote.s32 $0x1  }
0xc0: {  	_ =	sfence.sel $0xFFFF  }
0xc1: {  	[dreg:$0x0] =	wrdreg $0xFFFFFFFF;
	(pc) =	sbr.abs _section_cstart, $3  }
0xc2: {  	[dreg:$0x1] =	wrdreg $0xFFFFFFFF  }
0xc3: {  	_ =	task.clear_ibuf [dreg:s8], $0x2FFFF;
	_ =	strace $0x9FFFFFFF  }
0xc4: {  	(tm) =	ssettm $0x7FFFFFFF  }
0xc5: {  	_ =	shalt  }
tec
execute0_lowered:
.L_overlay_start_1:
0x0: {  	(tag) =	ssettag $0x1  }
0x1: {  	s2 =	rddreg [dreg:$0x0]  }
0x2: {  	s1 =	srdreg.scid;
	s3 =	rddreg [dreg:$0x1]  }
0x3: {  	s0 =	stileid.u32;
	s5 =	rddreg [dreg:$0x2]  }
0x4: {  	s9 =	simm.s32 $0x1;
	s10 =	simm.s32 $0x3;
	s1 =	sshll.u32 s1, $0x8  }
0x5: {  	s13 =	simm.s32 $0x0;
	s4 =	sshll.u32 s0, $0x9;
	s6 =	sand.u32 $0x100, s1  }
0x6: {  	s12 =	simm.s32 $0x0;
	s5 =	sadd.s32 $0x2B200, s5;
	s4 =	sor.u32 s4, s6  }
0x7: {  	s1 =	rddreg [dreg:$0x3];
	_ =	strace $0x80000047;
	s8 =	ssub.s32 $0x2800, s4  }
.Ltmp0:
0x8: {  	s6 =	simm.s32 $0x1;
	s7 =	sand.u32 $0x1F00, s8;
	(pc) =	sbr.rel .LBB2_1-.Ltmp0, $4  }
0x9: {  	[sflag:s6] =	ssyncpa.u1 $0x0;
	s11 =	smov.u32 s4;
	p0 =	sne.s32 s7, $0x0  }
0xa: {  	s8 =	sshrl.u32 s8, $0xD;
	s7 =	simm.s32 $0x2;
	s9 =	simm.s32 @!p0 $0x0  }
0xb: {  	[sflag:s7] =	ssyncpa.u1 $0x0;
	p0 =	por $0x0, $0x0;
	s8 =	sadd.s32 s9, s8  }
0xc: {  	vm0 =	vmmov $0xffff;
	[sflag:s10] =	ssyncpa.u1 $0x0;
	s10 =	simm.s32 $0x0;
	s9 =	sadd.s32 $0x1, s8  }
.LBB2_4:
0xd: {  	v2 =	vnsel vm1, $0x0, v2  }
0xe: {  	vm1 =	vgt.s32 v0, $0x0;
	v2 =	vmin.u32 v2, $0x270FF  }
0xf: {  	v0 =	vnsel vm1, $0x0, v0  }
0x10: {  	v0 =	vmin.u32 v0, $0x270FF  }
0x11: {  	[tilespmem:s15], [sflag:$0x1] =	stream.indirect_vreg.gather [hbm4b:s2+s10], $0x1, v1, vm0, $0x4038;
	[tilespmem:$0x400] =	vst v63  }
0x12: {  	(ifvalue) =	ssetifvalue $0x7FFFFFFF  }
0x13: {  	[tilespmem:s16], [sflag:$0x1] =	stream.indirect_vreg.gather [hbm4b:s2+s10], $0x1, v2, vm0, $0x4038;
	[tilespmem:$0x400] =	vst v63  }
0x14: {  	s29 =	sadd.s32 $0x10, s16;
	(ifvalue) =	ssetifvalue $0x7FFFFFFF  }
0x15: {  	[tilespmem:s29], [sflag:$0x1] =	stream.indirect_vreg.gather [hbm4b:s2+s10], $0x1, v0, vm0, $0x4038;
	[tilespmem:$0x400] =	vst v63  }
0x16: {  	_ =	swait.ge [sflag:s6], $0x100  }
0x17: {  	s30 =	sshrl.u32 s13, $0x3;
	[sflag:s6] =	ssyncset.done $0x0  }
0x18: {  	s31 =	sand.u32 $0x7, s13;
	s15 =	sadd.s32 s5, s30;
	[sflag:s6] =	ssyncadd.s32 $0xFFFFFF00  }
0x19: {  	[hbm4b:s15+s31] =	stream.linear.scatter [tilespmem:s14], [sflag:$0x3], $0x100, $0x38;
	[tilespmem:$0x400] =	vst v63  }
.LBB2_5:
0x1a: {  	s15 =	sadd.s32 $0x2000, s11  }
0x1b: {  	p2 =	sgt.s32 s15, $0x27FF  }
0x1c: {  	s15 =	smov.u32 @p2 s4;
	p2 =	sne.s32 s12, s9  }
.Ltmp1:
0x1d: {  	p1 =	slt.u32 s12, $0x2;
	(pc) =	sbr.rel @!p2 .LBB2_6-.Ltmp1, $4  }
0x1e: {  	s14 =	simm.s32 @!p1 $0x3  }
0x1f: {  	s16 =	sadd.s32 $0x1, s12;
	_ =	swait.ge @!p1 [sflag:s14], $0x100  }
0x20: {  	s13 =	smov.u32 s11;
	p0 =	por !p0, !p0;
	[sflag:s14] =	ssyncset.done @!p1 $0x0  }
0x21: {  	s12 =	smov.u32 s16;
	s11 =	smov.u32 s15;
	[sflag:s14] =	ssyncadd.s32 @!p1 $0xFFFFFF00  }
.LBB2_1:
0x22: {  	p1 =	sge.u32 s12, s8  }
0x23: {  	s14 =	sxor.u32 @!p1 $0xFFFFFFFF, s12  }
0x24: {  	s31 =	sadd.s32 $0xFFFFFFFF, s12;
	s15 =	sshrl.u32 @!p1 s11, $0x3;
	s14 =	sshll.u32 @!p1 s14, $0x8  }
0x25: {  	s16 =	sand.u32 @!p1 $0x7, s11;
	s15 =	sadd.s32 @!p1 s3, s15;
	s14 =	sand.u32 @!p1 $0x100, s14  }
0x26: {  	[tilespmem:s14], [sflag:$0x2] =	stream.linear.gather @!p1 [hbm4b:s15+s16], $0x100, $0x38;
	[tilespmem:$0x400] =	vst v63  }
0x27: {  	p1 =	sge.u32 s31, s8  }
.Ltmp2:
0x28: {  	_ = 	snop;
	(pc) =	sbr.rel @p1 .LBB2_5-.Ltmp2, $1  }
0x29: {  	_ =	sdelay $0x3  }
0x2a: {  	s14 =	simm.s32 $0x1  }
0x2b: {  	_ =	swait.ge [sflag:s7], $0x100;
	s14 =	simm.s32 @!p0 $0x0  }
0x2c: {  	[sflag:s7] =	ssyncset.done $0x0;
	s14 =	sshll.u32 s14, $0x8  }
0x2d: {  	[sflag:s7] =	ssyncadd.s32 $0xFFFFFF00;
	(ifvalue) =	ssetifvalue $0x7FFFFFFF;
	v0 =	vld.msk [tilespmem:s14+$0x0 ss:$0x1], $0xffff;
	_ =	sdelay $0x4  }
0x2e: {  	s15 =	sadd.s32 $0x10, s14;
	vm1 =	vgt.s32 v0, $0x0  }
0x2f: {  	v2 =	vld.msk [tilespmem:s15+$0x0 ss:$0x1], $0xffff;
	v1 =	vnsel vm1, $0x0, v0  }
0x30: {  	v1 =	vmin.u32 v1, $0x270FF;
	_ =	sdelay $0x1  }
0x31: {  	s16 =	sshll.u32 s12, $0x8;
	s18 =	simm.s32 $0x20  }
0x32: {  	s16 =	sand.u32 $0x100, s16;
	s17 =	sadd.s32 $0x10, s15;
	s15 =	sor.u32 $0x200, s14  }
0x33: {  	s14 =	sor.u32 $0x200, s16;
	s16 =	sadd.s32 $0x10, s15;
	v0 =	vld.msk [tilespmem:s17+$0x0 ss:$0x1], $0xffff;
	vm1 =	vgt.s32 v2, $0x0;
	(ifvalue) =	ssetifvalue $0x7FFFFFFF  }
.LBB2_3:
0x34: {  	[tilespmem:s15], [sflag:$0x1] =	stream.indirect_vreg.gather [hbm4b:s2+s10], $0x1, v1, vm0, $0x4038;
	[tilespmem:$0x400] =	vst v63  }
0x35: {  	s18 =	sadd.s32 $0x10, s18  }
0x36: {  	v2 =	vnsel vm1, $0x0, v2;
	p1 =	slt.u32 s18, $0xF0  }
.Ltmp3:
0x37: {  	s15 =	smov.u32 s16;
	v1 =	vmin.u32 v2, $0x270FF;
	(pc) =	sbr.rel @p1 .LBB2_3-.Ltmp3, $3  }
0x38: {  	_ =	sdelay $0x1  }
0x39: {  	s17 =	sadd.s32 $0x10, s17  }
0x3a: {  	vm1 =	vgt.s32 v0, $0x0;
	s16 =	sadd.s32 $0x10, s16;
	v2 =	vmov v0;
	(ifvalue) =	ssetifvalue $0x7FFFFFFF;
	v0 =	vld.msk [tilespmem:s17+$0x0 ss:$0x1], $0xffff  }
.Ltmp4:
0x3b: {  	_ = 	snop;
	(pc) =	sbr.rel .LBB2_4-.Ltmp4, $1  }
0x3c: {  	_ =	sdelay $0x3  }
.LBB2_6:
0x3d: {  	_ =	sfence.sel $0x180000  }
0x3e: {  	s2 =	simm.s32 $0x2;
	[bflag:$0x0] =	sbarrier.arrive $0xFFFF  }
0x3f: {  	s30 =	simm.s32 $0x3;
	[sflag:s2] =	ssyncpa.u1 $0x1  }
0x40: {  	s31 =	simm.s32 $0x1;
	[sflag:s30] =	ssyncpa.u1 $0x1  }
0x41: {  	[sflag:s31] =	ssyncpa.u1 $0x1  }
0x42: {  	p0 =	sne.s32 s0, $0x0;
	_ =	strace $0x90000047  }
0x43: {  	s0 =	sadd.s32 @!p0 $0x100000, s1;
	[bflag:$0x2] =	sbarrier.arrive $0xFFFF  }
0x44: {  	[sflag:s0] =	ssyncadd.tile.s32 @!p0 $0x1;
	_ =	shalt  }
.Lfunc_end2:
_tile_overlayer_lowered:
.L_overlay_start_2:
0x45: {  	(tag) =	ssettag $0x2  }
0x46: {  	s0 =	rddreg [dreg:$0x0];
	s2 =	stileid.u32  }
0x47: {  	s1 =	rddreg [dreg:$0x1];
	p0 =	sne.s32 s2, $0x0  }
0x48: {  	s3 =	rddreg [dreg:$0x2];
	[bflag:$0x3] =	sbarrier.arrive $0xFFFF;
	s2 =	simm.s32 @!p0 $0x1C01  }
0x49: {  	[timem:s3], [sflag:s2] =	dma.local @!p0 [hbm:s0], s1  }
0x4a: {  	s0 =	simm.s32 @!p0 $0x1  }
0x4b: {  	_ =	swait.ge @!p0 [sflag:s0], s1  }
0x4c: {  	s1 =	ssub.s32 @!p0 $0x0, s1;
	[sflag:s0] =	ssyncset.done @!p0 $0x0  }
0x4d: {  	[sflag:s0] =	ssyncadd.s32 @!p0 s1  }
0x4e: {  	[bflag:$0x3] =	sbarrier.arrive $0xFFFF  }
0x4f: {  	_ =	shalt  }

// kernel: kernel.4.cloned.1.call-start
scs
__scs_entry_jumppad:
0x0: {  	(pc) =	sbr.rel $0x88, $3  }
0x1: {  	(tag) =	ssettag $0x0;
	lr =	simm.s32 $0x1  }
0x2: {  	[smem:$0x3F9B] =	sst lr;
	_ =	strace $0xD0000000  }
0x3: {  	_ = 	snop  }
0x4: {  	_ = 	snop  }
0x5: {  	_ = 	snop  }
0x6: {  	_ = 	snop  }
0x7: {  	_ = 	snop  }
__scs_overlays_trampoline_lowered:
0x8: {  	[smem:$0x3FAA] =	sst s0  }
0x9: {  	[smem:$0x3FAB] =	sst s1  }
0xa: {  	[smem:$0x3FAC] =	sst s2  }
0xb: {  	[smem:$0x3FAD] =	sst s3  }
0xc: {  	[smem:$0x3FAE] =	sst s4  }
0xd: {  	[smem:$0x3FAF] =	sst s5  }
0xe: {  	[smem:$0x3FB0] =	sst s6  }
0xf: {  	[smem:$0x3FB1] =	sst s7  }
0x10: {  	[smem:$0x3FB2] =	sst s8  }
0x11: {  	[smem:$0x3FB3] =	sst s9;
	s0 =	simm.s32 @!p0 $0x0  }
0x12: {  	s1 =	sld [smem:$0x3F99];
	s0 =	simm.s32 @p0 $0x1  }
0x13: {  	[smem:$0x3FB4] =	sst s0;
	s0 =	simm.s32 @!p1 $0x0  }
0x14: {  	s2 =	sld [smem:$0x3F98];
	s0 =	simm.s32 @p1 $0x1  }
0x15: {  	[smem:$0x3FB5] =	sst s0;
	s0 =	simm.s32 @!p2 $0x0  }
0x16: {  	s3 =	sld [smem:$0x3FDB];
	s0 =	simm.s32 @p2 $0x1  }
0x17: {  	s4 =	simm.s32 $0x1BF5;
	[smem:$0x3FB7] =	sst s0  }
0x18: {  	s0 =	sld [smem:$0x3F9A];
	_ =	swait.ge [sflag:s4], $0x0  }
0x19: {  	s7 =	sld [smem:$0x3F9B]  }
0x1a: {  	s8 =	sadd.s32 $0xFFFFE003, lr  }
0x1b: {  	s9 =	sadd.s32 $0xFFFFFEF7, lr;
	s5 =	simm.s32 $0xFFFFFFFF;
	p2 =	slt.u32 s8, $0xFFFFF086  }
0x1c: {  	p1 =	slt.u32 s9, $0xF7A;
	s5 =	simm.s32 @!p2 $0x0  }
0x1d: {  	s5 =	simm.s32 @p1 $0x1;
	p0 =	seq.s32 s7, s2  }
0x1e: {  	s7 =	smul.u32 @!p0 $0xF7A, s2;
	p2 =	seq.s32 @!p0 s5, $0x0  }
0x1f: {  	s9 =	smul.u32 $0xF7A, s1;
	s8 =	simm.s32 @!p0 $0x1BF5;
	p2 =	por !p2, p0  }
0x20: {  	[sflag:s8] =	ssyncset.s32 @!p0 $0xFFFFF086;
	s6 =	sadd.s32 @!p0 s3, s7;
	s7 =	simm.s32 @!p0 $0x108  }
0x21: {  	s3 =	sadd.s32 s3, s9;
	s6 =	sadd.s32 @!p0 $0x88, s6;
	s7 =	simm.s32 @p2 $0x1082  }
0x22: {  	[simem:s7], [sflag:s8] =	dma.local @!p0 [hbm:s6], $0xF7A  }
0x23: {  	s9 =	sor.u32 $0xD0000000, s2;
	s6 =	simm.s32 $0x108;
	_ =	swait.ge @!p0 [sflag:s8], $0x0  }
0x24: {  	s3 =	sadd.s32 $0x88, s3;
	s6 =	simm.s32 @!p1 $0x1082;
	[sflag:s4] =	ssyncset.s32 $0xFFFFF086  }
0x25: {  	[simem:s6], [sflag:s4] =	dma.local [hbm:s3], $0xF7A  }
0x26: {  	[smem:$0x3F9B] =	sst s1;
	(tag) =	ssettag s2;
	_ =	strace s9  }
0x27: {  	s1 =	sld [smem:$0x3FAB]  }
0x28: {  	s2 =	sld [smem:$0x3FAC]  }
0x29: {  	s4 =	sld [smem:$0x3FAE]  }
0x2a: {  	p0 =	seq.s32 s5, $0x0;
	s5 =	sld [smem:$0x3FAF]  }
0x2b: {  	s6 =	sld [smem:$0x3FB0]  }
0x2c: {  	s7 =	sld [smem:$0x3FB1]  }
0x2d: {  	s3 =	simm.s32 $0x108;
	s8 =	sld [smem:$0x3FB2]  }
0x2e: {  	s3 =	simm.s32 @!p0 $0x1082;
	s9 =	sld [smem:$0x3FB3]  }
0x2f: {  	lr =	sadd.s32 s0, s3;
	s0 =	sld [smem:$0x3FAA]  }
0x30: {  	s3 =	sld [smem:$0x3FAD]  }
0x31: {  	[smem:$0x3FB6] =	sst s10  }
0x32: {  	s10 =	sld [smem:$0x3FB4];
	_ =	sdelay $0x3  }
0x33: {  	p0 =	seq.s32 s10, $0x1;
	s10 =	sld [smem:$0x3FB6];
	_ =	sdelay $0x3  }
0x34: {  	[smem:$0x3FB6] =	sst s10  }
0x35: {  	s10 =	sld [smem:$0x3FB5];
	_ =	sdelay $0x3  }
0x36: {  	p1 =	seq.s32 s10, $0x1;
	s10 =	sld [smem:$0x3FB6];
	_ =	sdelay $0x3  }
0x37: {  	[smem:$0x3FB6] =	sst s10  }
0x38: {  	s10 =	sld [smem:$0x3FB7]  }
0x39: {  	_ = 	snop;
	(pc) =	sbr.ind lr, $3  }
0x3a: {  	_ = 	snop  }
0x3b: {  	_ = 	snop  }
0x3c: {  	p2 =	seq.s32 s10, $0x1;
	s10 =	sld [smem:$0x3FB6]  }
0x3d: {  	_ =	shalt  }
0x3e: {  	_ =	shalt  }
0x3f: {  	_ =	shalt  }
0x40: {  	_ =	shalt  }
0x41: {  	_ =	shalt  }
0x42: {  	_ =	shalt  }
0x43: {  	_ =	shalt  }
0x44: {  	_ =	shalt  }
0x45: {  	_ =	shalt  }
0x46: {  	_ =	shalt  }
0x47: {  	_ =	shalt  }
0x48: {  	_ =	shalt  }
0x49: {  	_ =	shalt  }
0x4a: {  	_ =	shalt  }
0x4b: {  	_ =	shalt  }
0x4c: {  	_ =	shalt  }
0x4d: {  	_ =	shalt  }
0x4e: {  	_ =	shalt  }
0x4f: {  	_ =	shalt  }
0x50: {  	_ =	shalt  }
0x51: {  	_ =	shalt  }
0x52: {  	_ =	shalt  }
0x53: {  	_ =	shalt  }
0x54: {  	_ =	shalt  }
0x55: {  	_ =	shalt  }
0x56: {  	_ =	shalt  }
0x57: {  	_ =	shalt  }
0x58: {  	_ =	shalt  }
0x59: {  	_ =	shalt  }
0x5a: {  	_ =	shalt  }
0x5b: {  	_ =	shalt  }
0x5c: {  	_ =	shalt  }
0x5d: {  	_ =	shalt  }
0x5e: {  	_ =	shalt  }
0x5f: {  	_ =	shalt  }
0x60: {  	_ =	shalt  }
0x61: {  	_ =	shalt  }
0x62: {  	_ =	shalt  }
0x63: {  	_ =	shalt  }
0x64: {  	_ =	shalt  }
0x65: {  	_ =	shalt  }
0x66: {  	_ =	shalt  }
0x67: {  	_ =	shalt  }
0x68: {  	_ =	shalt  }
0x69: {  	_ =	shalt  }
0x6a: {  	_ =	shalt  }
0x6b: {  	_ =	shalt  }
0x6c: {  	_ =	shalt  }
0x6d: {  	_ =	shalt  }
0x6e: {  	_ =	shalt  }
0x6f: {  	_ =	shalt  }
0x70: {  	_ =	shalt  }
0x71: {  	_ =	shalt  }
0x72: {  	_ =	shalt  }
0x73: {  	_ =	shalt  }
0x74: {  	_ =	shalt  }
0x75: {  	_ =	shalt  }
0x76: {  	_ =	shalt  }
0x77: {  	_ =	shalt  }
0x78: {  	_ =	shalt  }
0x79: {  	_ =	shalt  }
0x7a: {  	_ =	shalt  }
0x7b: {  	_ =	shalt  }
0x7c: {  	_ =	shalt  }
0x7d: {  	_ =	shalt  }
0x7e: {  	_ =	shalt  }
0x7f: {  	_ =	shalt  }
0x80: {  	_ =	shalt  }
0x81: {  	_ =	shalt  }
0x82: {  	_ =	shalt  }
0x83: {  	_ =	shalt  }
0x84: {  	_ =	shalt  }
0x85: {  	_ =	shalt  }
0x86: {  	_ =	shalt  }
0x87: {  	_ =	shalt  }
.Lfunc_end0:
.L_simem_size_0:
called_computation.4_lowered:
.L_overlay_start_0:
0x88: {  	s2 =	sld [smem:$0x3FD9]  }
0x89: {  	s3 =	sld [smem:$0x3FFE];
	_ =	sdelay $0x1  }
0x8a: {  	s1 =	srdreg.scid  }
0x8b: {  	s0 =	sand.u32 $0x1, s1  }
0x8c: {  	s17 =	sshll.u32 s0, $0xA;
	s2 =	sadd.s32 s3, s2  }
0x8d: {  	s2 =	sadd.s32 s2, s17  }
0x8e: {  	[smem:$0x3FC2] =	sst s2  }
0x8f: {  	_ = 	snop  }
0x90: {  	s2 =	sld [smem:$0x3FD0];
	(tm) =	ssettm $0x1  }
0x91: {  	s18 =	sld [smem:$0x3FFB];
	_ =	sdelay $0x3  }
0x92: {  	_ =	strace s18  }
0x93: {  	s3 =	sld [smem:$0x3FFC];
	_ =	sdelay $0x3  }
0x94: {  	_ =	strace s3  }
0x95: {  	s3 =	sld [smem:$0x3FFD];
	_ =	sdelay $0x3  }
0x96: {  	_ =	strace s3  }
0x97: {  	_ =	strace $0x8FFFFFFF  }
0x98: {  	s19 =	sld [smem:$0x3FDB];
	_ =	sdelay $0x1  }
0x99: {  	s4 =	simm.s32 $_scs_section_size  }
0x9a: {  	s5 =	simm.s32 $_size__tile_overlayer_lowered;
	s6 =	simm.s32 $_tile_overlayer_lowered  }
0x9b: {  	s22 =	simm.s32 $0x1BFF;
	s21 =	sshll.u32 s6, $0x1;
	s3 =	sadd.s32 s4, s19  }
0x9c: {  	s7 =	simm.s32 $0x0;
	s20 =	sshll.u32 s5, $0x1;
	s5 =	sadd.s32 s21, s3  }
0x9d: {  	[timem:s7], [sflag:s22] =	dma.local [hbm:s5], s20  }
0x9e: {  	_ =	swait.ge [sflag:s22], s20  }
0x9f: {  	s4 =	ssub.s32 $0x0, s20;
	[sflag:s22] =	ssyncset.done $0x0  }
0xa0: {  	[sflag:s22] =	ssyncadd.s32 s4;
	_ =	sdelay $0x1  }
0xa1: {  	s23 =	simm.s32 $0x1B8B  }
0xa2: {  	_ =	swait.ge [sflag:s23], $0x1  }
0xa3: {  	[sflag:s23] =	ssyncset.done $0x0  }
0xa4: {  	s25 =	simm.s32 $0x1B8E;
	s24 =	sld [smem:$0x3FFE];
	[sflag:s23] =	ssyncadd.s32 $0xFFFFFFFF  }
0xa5: {  	s26 =	simm.s32 $execute0_lowered;
	[smem:$0x3FD2] =	sst s25  }
0xa6: {  	s5 =	sshll.u32 s26, $0x1;
	_ =	strace $0x80000052;
	[dreg:$0x1] =	wrdreg $0xFFFFFFFF  }
0xa7: {  	s28 =	simm.s32 $_size_execute0_lowered;
	s3 =	sadd.s32 s3, s5;
	[dreg:$0x0] =	wrdreg $0x0  }
0xa8: {  	s5 =	sshll.u32 s28, $0x1;
	[dreg:$0x2] =	wrdreg s3  }
0xa9: {  	[dreg:$0x3] =	wrdreg s5  }
0xaa: {  	[dreg:$0x4] =	wrdreg $0xC0  }
0xab: {  	_ =	task [dreg:s7], $0x5FFFF  }
0xac: {  	[dreg:$0x1] =	wrdreg $0xFFFFFFFF  }
0xad: {  	[dreg:$0x0] =	wrdreg $0x60  }
0xae: {  	[dreg:$0x2] =	wrdreg s24  }
0xaf: {  	[dreg:$0x3] =	wrdreg s2  }
0xb0: {  	[dreg:$0x4] =	wrdreg $0x141000  }
0xb1: {  	[dreg:$0x5] =	wrdreg $0x9  }
0xb2: {  	_ =	task.clear_ibuf [dreg:s7], $0x6FFFF;
	_ =	strace $0x90000052  }
0xb3: {  	s29 =	simm.s32 $0x9;
	_ =	strace $0x80000054  }
0xb4: {  	_ =	swait.ge [sflag:s29], $0x1  }
0xb5: {  	[sflag:s29] =	ssyncadd.s32 $0xFFFFFFFF  }
0xb6: {  	_ =	strace $0x90000054  }
0xb7: {  	_ =	sfence  }
0xb8: {  	s30 =	sld [smem:$0x0];
	_ =	sdelay $0x2  }
0xb9: {  	s31 =	sshll.u32 s1, $0xD;
	s1 =	sshrl.u32 s1, $0x2  }
0xba: {  	s3 =	sand.u32 $0x4000, s31;
	s1 =	sadd.s32 s1, s30  }
0xbb: {  	s0 =	sor.u32 s3, s0;
	s1 =	sshll.u32 s1, $0x11  }
0xbc: {  	s0 =	sor.u32 s1, s0  }
0xbd: {  	s0 =	sadd.s32 $0x8F2B, s0  }
0xbe: {  	[sflag:s0] =	ssyncadd.remote.s32 $0x1  }
0xbf: {  	_ =	sfence.sel $0xFFFF  }
0xc0: {  	[dreg:$0x0] =	wrdreg $0xFFFFFFFF;
	(pc) =	sbr.abs _section_cstart, $3  }
0xc1: {  	[dreg:$0x1] =	wrdreg $0xFFFFFFFF  }
0xc2: {  	_ =	task.clear_ibuf [dreg:s7], $0x2FFFF;
	_ =	strace $0x9FFFFFFF  }
0xc3: {  	(tm) =	ssettm $0x7FFFFFFF  }
tec
execute0_lowered:
.L_overlay_start_1:
0x0: {  	(tag) =	ssettag $0x1  }
0x1: {  	s5 =	rddreg [dreg:$0x0]  }
0x2: {  	s6 =	rddreg [dreg:$0x1];
	s1 =	srdreg.scid  }
0x3: {  	s0 =	stileid.u32;
	s2 =	rddreg [dreg:$0x2];
	s3 =	simm.s32 $0x0  }
0x4: {  	s12 =	simm.s32 $0x80;
	s13 =	simm.s32 $0x1000;
	s14 =	simm.s32 $0x1100  }
0x5: {  	s15 =	simm.s32 $0x1;
	s16 =	simm.s32 $0x9100;
	s17 =	simm.s32 $0x0  }
0x6: {  	s4 =	sand.u32 $0x1, s1;
	s7 =	sshll.u32 s0, $0x1;
	s1 =	rddreg [dreg:$0x3]  }
0x7: {  	[smem:$0x7FF] =	sst s3;
	s10 =	smul.u32 $0x28000, s0;
	s31 =	sshll.u32 s0, $0x6  }
0x8: {  	s7 =	sor.u32 s4, s7;
	_ =	strace $0x80000053;
	s9 =	ssub.s32 $0x2, s4  }
0x9: {  	s4 =	sadd.s32 $0x2800, s5;
	s8 =	smul.u32 $0x2C00, s7;
	s28 =	sshrl.u32 s9, $0x1  }
0xa: {  	s29 =	sshll.u32 s7, $0x9;
	s30 =	sshrl.u32 s10, $0x2;
	s10 =	sor.u32 $0x1C02, s31  }
0xb: {  	s9 =	ssub.s32 s9, s28;
	s11 =	sadd.s32 s30, s2;
	s8 =	sadd.s32 s8, s5  }
0xc: {  	s5 =	sadd.s32 s6, s29;
	s6 =	smul.u32 $0x140, s0;
	s11 =	sshrl.u32 s11, $0x3  }
0xd: {  	v0 =	vimm.f32 $0.0e+00;
	s7 =	sadd.s32 $0x2C600, s8;
	s8 =	smax.u32 s9, $0x1;
	s9 =	simm.s32 $0x2  }
.LBB2_1:
0xe: {  	[tilespmem:s3], [sflag:$0x2] =	stream.linear.gather [hbm4b:s5+s3], $0x1000, $0x38;
	[tilespmem:$0x1E100] =	vst v63  }
0xf: {  	_ =	swait.ge [sflag:s9], $0x1000  }
0x10: {  	[sflag:s9] =	ssyncset.done $0x0  }
0x11: {  	p1 =	por $0x1, $0x1;
	s18 =	simm.s32 $0x0;
	[sflag:s9] =	ssyncadd.s32 $0xFFFFF000  }
.LBB2_2:
0x12: {  	s19 =	simm.s32 $0x0  }
0x13: {  	s20 =	sand.u32 $0xF800, s19;
	s19 =	sand.u32 $0x380, s19  }
0x14: {  	s19 =	sor.u32 s19, s20  }
0x15: {  	[tilespmem:s19+$0x9570] =	vst v0  }
0x16: {  	[tilespmem:s19+$0x9100] =	vst v0  }
0x17: {  	[tilespmem:s19+$0x9110] =	vst v0  }
0x18: {  	[tilespmem:s19+$0x9120] =	vst v0  }
0x19: {  	[tilespmem:s19+$0x9130] =	vst v0  }
0x1a: {  	[tilespmem:s19+$0x9140] =	vst v0  }
0x1b: {  	[tilespmem:s19+$0x9150] =	vst v0  }
0x1c: {  	[tilespmem:s19+$0x9160] =	vst v0  }
0x1d: {  	[tilespmem:s19+$0x9170] =	vst v0  }
0x1e: {  	[tilespmem:s19+$0x9500] =	vst v0  }
0x1f: {  	[tilespmem:s19+$0x9510] =	vst v0  }
0x20: {  	[tilespmem:s19+$0x9520] =	vst v0  }
0x21: {  	[tilespmem:s19+$0x9530] =	vst v0  }
0x22: {  	p0 =	por p1, p1;
	s21 =	simm.s32 $0x100;
	s20 =	simm.s32 $0x80;
	[tilespmem:s19+$0x9540] =	vst v0  }
0x23: {  	s22 =	sand.u32 $0xF800, s21;
	s21 =	simm.s32 $0x200;
	s23 =	sand.u32 $0x380, s20;
	[tilespmem:s19+$0x9550] =	vst v0  }
.LBB2_3:
0x24: {  	p1 =	seq.s32 s21, $0xAF00;
	[tilespmem:s19+$0x9560] =	vst v0;
	s19 =	sor.u32 s23, s22  }
0x25: {  	[tilespmem:s19+$0x9570] =	vst v0  }
0x26: {  	[tilespmem:s19+$0x9100] =	vst v0  }
0x27: {  	[tilespmem:s19+$0x9110] =	vst v0  }
0x28: {  	[tilespmem:s19+$0x9120] =	vst v0  }
0x29: {  	[tilespmem:s19+$0x9130] =	vst v0  }
0x2a: {  	[tilespmem:s19+$0x9140] =	vst v0  }
0x2b: {  	[tilespmem:s19+$0x9150] =	vst v0  }
0x2c: {  	[tilespmem:s19+$0x9160] =	vst v0  }
0x2d: {  	[tilespmem:s19+$0x9170] =	vst v0  }
0x2e: {  	[tilespmem:s19+$0x9500] =	vst v0  }
.Ltmp0:
0x2f: {  	[tilespmem:s19+$0x9510] =	vst v0;
	(pc) =	sbr.rel @!p1 .LBB2_3-.Ltmp0, $4  }
0x30: {  	[tilespmem:s19+$0x9520] =	vst v0  }
0x31: {  	[tilespmem:s19+$0x9530] =	vst v0  }
0x32: {  	s20 =	sadd.s32 $0x80, s20;
	[tilespmem:s19+$0x9540] =	vst v0  }
0x33: {  	s22 =	sand.u32 $0xF800, s21;
	s21 =	sadd.s32 $0x100, s21;
	s23 =	sand.u32 $0x380, s20;
	[tilespmem:s19+$0x9550] =	vst v0  }
0x34: {  	s20 =	sor.u32 s23, s22;
	[tilespmem:s19+$0x9560] =	vst v0  }
0x35: {  	[tilespmem:s20+$0x9570] =	vst v0  }
0x36: {  	[tilespmem:s20+$0x9100] =	vst v0  }
0x37: {  	[tilespmem:s20+$0x9110] =	vst v0  }
0x38: {  	[tilespmem:s20+$0x9120] =	vst v0  }
0x39: {  	[tilespmem:s20+$0x9130] =	vst v0  }
0x3a: {  	[tilespmem:s20+$0x9140] =	vst v0  }
0x3b: {  	[tilespmem:s20+$0x9150] =	vst v0  }
0x3c: {  	[tilespmem:s20+$0x9160] =	vst v0  }
0x3d: {  	[tilespmem:s20+$0x9170] =	vst v0  }
0x3e: {  	[tilespmem:s20+$0x9500] =	vst v0  }
0x3f: {  	[tilespmem:s20+$0x9510] =	vst v0  }
0x40: {  	[tilespmem:s20+$0x9520] =	vst v0  }
0x41: {  	[tilespmem:s20+$0x9530] =	vst v0  }
0x42: {  	[tilespmem:s20+$0x9540] =	vst v0  }
0x43: {  	s30 =	sshll.u32 s18, $0xB;
	s31 =	sshll.u32 s18, $0x4;
	s21 =	simm.s32 $0x0;
	[tilespmem:s20+$0x9550] =	vst v0  }
0x44: {  	p2 =	por $0x1, $0x1;
	[tilespmem:s20+$0x9560] =	vst v0;
	s19 =	sand.u32 $0x3FFFF800, s30;
	s20 =	sor.u32 $0x1, s31  }
.LBB2_5:
0x45: {  	s22 =	sadd.s32 s6, s21  }
0x46: {  	s22 =	sshll.u32 s22, $0x4  }
0x47: {  	s22 =	sadd.s32 s4, s22  }
0x48: {  	[spmem:s11], [sflag:s10] =	dma.local [hbm:s22], $0x1400  }
0x49: {  	_ =	swait.ge [sflag:s9], $0x1400  }
0x4a: {  	[sflag:s9] =	ssyncset.done $0x0  }
0x4b: {  	[sflag:s9] =	ssyncadd.s32 $0xFFFFEC00  }
0x4c: {  	[bflag:$0x0] =	sbarrier.arrive $0xFFFF  }
0x4d: {  	v2 =	vld [tilespmem:s19+$0x0];
	_ =	sdelay $0x3  }
0x4e: {  	v1 =	vmov s21  }
0x4f: {  	v2 =	vsub.s32 v2, v1  }
0x50: {  	vm0 =	vlt.u32 v2, $0x1400  }
0x51: {  	v2 =	vnsel vm0, $0x0, v2  }
0x52: {  	[tilespmem:$0x1000] =	vst v2  }
0x53: {  	v2 =	vld [tilespmem:s19+$0x10];
	_ =	sdelay $0x4  }
0x54: {  	v2 =	vsub.s32 v2, v1  }
0x55: {  	vm9 =	vlt.u32 v2, $0x1400  }
0x56: {  	v2 =	vnsel vm9, $0x0, v2  }
0x57: {  	[tilespmem:$0x1010] =	vst v2  }
0x58: {  	v2 =	vld [tilespmem:s19+$0x20];
	_ =	sdelay $0x4  }
0x59: {  	v2 =	vsub.s32 v2, v1  }
0x5a: {  	vm10 =	vlt.u32 v2, $0x1400  }
0x5b: {  	v2 =	vnsel vm10, $0x0, v2  }
0x5c: {  	[tilespmem:$0x1020] =	vst v2  }
0x5d: {  	v2 =	vld [tilespmem:s19+$0x30];
	_ =	sdelay $0x4  }
0x5e: {  	v2 =	vsub.s32 v2, v1  }
0x5f: {  	vm11 =	vlt.u32 v2, $0x1400  }
0x60: {  	v2 =	vnsel vm11, $0x0, v2  }
0x61: {  	[tilespmem:$0x1030] =	vst v2  }
0x62: {  	v2 =	vld [tilespmem:s19+$0x40];
	_ =	sdelay $0x4  }
0x63: {  	v2 =	vsub.s32 v2, v1  }
0x64: {  	vm12 =	vlt.u32 v2, $0x1400  }
0x65: {  	v2 =	vnsel vm12, $0x0, v2  }
0x66: {  	[tilespmem:$0x1040] =	vst v2  }
0x67: {  	v2 =	vld [tilespmem:s19+$0x50];
	_ =	sdelay $0x4  }
0x68: {  	v2 =	vsub.s32 v2, v1  }
0x69: {  	vm13 =	vlt.u32 v2, $0x1400  }
0x6a: {  	v2 =	vnsel vm13, $0x0, v2  }
0x6b: {  	[tilespmem:$0x1050] =	vst v2  }
0x6c: {  	v2 =	vld [tilespmem:s19+$0x60];
	_ =	sdelay $0x4  }
0x6d: {  	v2 =	vsub.s32 v2, v1  }
0x6e: {  	vm14 =	vlt.u32 v2, $0x1400  }
0x6f: {  	v2 =	vnsel vm14, $0x0, v2  }
0x70: {  	[tilespmem:$0x1060] =	vst v2  }
0x71: {  	v2 =	vld [tilespmem:s19+$0x70];
	_ =	sdelay $0x4  }
0x72: {  	v2 =	vsub.s32 v2, v1  }
0x73: {  	vm15 =	vlt.u32 v2, $0x1400  }
0x74: {  	v2 =	vnsel vm15, $0x0, v2  }
0x75: {  	p1 =	por p2, p2;
	p2 =	por $0x0, $0x0;
	s22 =	simm.s32 $0x0;
	[tilespmem:$0x1070] =	vst v2  }
0x76: {  	[tilespmem:s14], [sflag:$0x1] =	stream.indirect.gather [spmem:s2], $0x80, s13, s12, $0xb8;
	[tilespmem:$0x1E100] =	vst v63  }
.LBB2_7:
0x77: {  	p3 =	seq.s32 s22, $0xF  }
0x78: {  	_ =	swait.ge [sflag:s15], $0x4000;
	s21 =	sadd.s32 @!p3 s22, s20  }
0x79: {  	[sflag:s15] =	ssyncset.done $0x0;
	s23 =	sshll.u32 @!p3 s21, $0x7  }
0x7a: {  	[sflag:s15] =	ssyncadd.s32 $0xFFFFC000;
	s23 =	sand.u32 @!p3 $0x3FFFFF80, s23  }
0x7b: {  	v2 =	vld @!p3 [tilespmem:s23+$0x0];
	_ =	sdelay $0x4  }
0x7c: {  	v2 =	vsub.s32 @!p3 v2, v1  }
0x7d: {  	s21 =	sand.u32 @!p3 $0x1, s21;
	vm0 =	vlt.u32 @!p3 v2, $0x1400  }
0x7e: {  	s24 =	sshll.u32 @!p3 s21, $0x7;
	v2 =	vnsel @!p3 vm0, $0x0, v2  }
0x7f: {  	[tilespmem:s24+$0x1000] =	vst @!p3 v2  }
0x80: {  	v2 =	vld @!p3 [tilespmem:s23+$0x10];
	_ =	sdelay $0x4  }
0x81: {  	v2 =	vsub.s32 @!p3 v2, v1  }
0x82: {  	vm0 =	vlt.u32 @!p3 v2, $0x1400  }
0x83: {  	v2 =	vnsel @!p3 vm0, $0x0, v2  }
0x84: {  	[tilespmem:s24+$0x1010] =	vst @!p3 v2  }
0x85: {  	v2 =	vld @!p3 [tilespmem:s23+$0x20];
	_ =	sdelay $0x4  }
0x86: {  	v2 =	vsub.s32 @!p3 v2, v1  }
0x87: {  	vm0 =	vlt.u32 @!p3 v2, $0x1400  }
0x88: {  	v2 =	vnsel @!p3 vm0, $0x0, v2  }
0x89: {  	[tilespmem:s24+$0x1020] =	vst @!p3 v2  }
0x8a: {  	v2 =	vld @!p3 [tilespmem:s23+$0x30];
	_ =	sdelay $0x4  }
0x8b: {  	v2 =	vsub.s32 @!p3 v2, v1  }
0x8c: {  	vm0 =	vlt.u32 @!p3 v2, $0x1400  }
0x8d: {  	v2 =	vnsel @!p3 vm0, $0x0, v2  }
0x8e: {  	[tilespmem:s24+$0x1030] =	vst @!p3 v2  }
0x8f: {  	v2 =	vld @!p3 [tilespmem:s23+$0x40];
	_ =	sdelay $0x4  }
0x90: {  	v2 =	vsub.s32 @!p3 v2, v1  }
0x91: {  	vm0 =	vlt.u32 @!p3 v2, $0x1400  }
0x92: {  	v2 =	vnsel @!p3 vm0, $0x0, v2  }
0x93: {  	[tilespmem:s24+$0x1040] =	vst @!p3 v2  }
0x94: {  	v2 =	vld @!p3 [tilespmem:s23+$0x50];
	_ =	sdelay $0x4  }
0x95: {  	v2 =	vsub.s32 @!p3 v2, v1  }
0x96: {  	vm0 =	vlt.u32 @!p3 v2, $0x1400  }
0x97: {  	v2 =	vnsel @!p3 vm0, $0x0, v2  }
0x98: {  	[tilespmem:s24+$0x1050] =	vst @!p3 v2  }
0x99: {  	v2 =	vld @!p3 [tilespmem:s23+$0x60];
	_ =	sdelay $0x4  }
0x9a: {  	v2 =	vsub.s32 @!p3 v2, v1  }
0x9b: {  	vm0 =	vlt.u32 @!p3 v2, $0x1400  }
0x9c: {  	v2 =	vnsel @!p3 vm0, $0x0, v2  }
0x9d: {  	[tilespmem:s24+$0x1060] =	vst @!p3 v2  }
0x9e: {  	v2 =	vld @!p3 [tilespmem:s23+$0x70];
	_ =	sdelay $0x4  }
0x9f: {  	v2 =	vsub.s32 @!p3 v2, v1  }
0xa0: {  	s25 =	smul.u32 $0xB00, s22;
	vm0 =	vlt.u32 @!p3 v2, $0x1400  }
0xa1: {  	s26 =	smul.u32 $0x180, s22;
	s21 =	sshll.u32 @!p3 s21, $0xE;
	v2 =	vnsel @!p3 vm0, $0x0, v2  }
0xa2: {  	s21 =	sor.u32 @!p3 $0x1100, s21;
	s23 =	sor.u32 @!p3 $0x1000, s24;
	[tilespmem:s24+$0x1070] =	vst @!p3 v2;
	s24 =	simm.s32 @!p3 $0x80  }
0xa3: {  	[tilespmem:s21], [sflag:$0x1] =	stream.indirect.gather @!p3 [spmem:s2], $0x80, s23, s24, $0xb8;
	[tilespmem:$0x1E100] =	vst v63  }
0xa4: {  	s25 =	sand.u32 $0xF800, s25;
	s28 =	sand.u32 $0x380, s26;
	s23 =	smul.u32 $0xB, s22  }
0xa5: {  	s24 =	sor.u32 s28, s25  }
0xa6: {  	s21 =	sadd.s32 $0x9100, s24;
	s29 =	sadd.s32 $0x1, s23  }
0xa7: {  	[dreg:$0x4] =	wrdreg s21;
	s31 =	sadd.s32 $0x2, s23;
	s30 =	sshll.u32 s29, $0x8  }
0xa8: {  	s25 =	sshll.u32 s29, $0x7;
	s28 =	sshll.u32 s31, $0x8;
	s26 =	sshll.u32 s31, $0x7  }
0xa9: {  	s21 =	sand.u32 $0x1F800, s30;
	s25 =	sand.u32 $0x380, s25;
	s26 =	sand.u32 $0x380, s26  }
0xaa: {  	s21 =	sor.u32 s25, s21;
	s25 =	sand.u32 $0x1F800, s28;
	s28 =	sadd.s32 $0x3, s23  }
0xab: {  	s24 =	sadd.s32 $0x9900, s24;
	s25 =	sor.u32 s26, s25;
	s29 =	sshll.u32 s28, $0x8  }
0xac: {  	s28 =	sshll.u32 s28, $0x7;
	s21 =	sadd.s32 $0x9100, s21;
	s26 =	sand.u32 $0x1F800, s29  }
0xad: {  	s28 =	sand.u32 $0x380, s28;
	[dreg:$0x5] =	wrdreg s21;
	s30 =	sadd.s32 $0x9100, s25  }
0xae: {  	s31 =	sor.u32 s28, s26;
	[dreg:$0x6] =	wrdreg s30;
	s28 =	sadd.s32 $0x4, s23  }
0xaf: {  	s30 =	sadd.s32 $0x5, s23;
	s26 =	sadd.s32 $0x9100, s31;
	s29 =	sshll.u32 s28, $0x8  }
0xb0: {  	s25 =	sshll.u32 s28, $0x7;
	s31 =	sshll.u32 s30, $0x8;
	s28 =	simm.s32 $0x1  }
0xb1: {  	[dreg:$0x7] =	wrdreg s26;
	s21 =	sand.u32 $0x1F800, s29;
	s25 =	sand.u32 $0x380, s25  }
0xb2: {  	s26 =	sshll.u32 s30, $0x7;
	s28 =	simm.s32 @!p2 $0x0;
	s29 =	sadd.s32 $0x6, s23  }
0xb3: {  	s21 =	sor.u32 s25, s21;
	s25 =	sand.u32 $0x1F800, s31;
	s26 =	sand.u32 $0x380, s26  }
0xb4: {  	s30 =	sshll.u32 s29, $0x8;
	s31 =	sadd.s32 $0x7, s23;
	s21 =	sadd.s32 $0x9100, s21  }
0xb5: {  	s28 =	sshll.u32 s28, $0xE;
	s25 =	sor.u32 s26, s25;
	[dreg:$0x8] =	wrdreg s21  }
0xb6: {  	s26 =	sadd.s32 $0x9100, s25;
	s25 =	sshll.u32 s29, $0x7;
	s21 =	sand.u32 $0x1F800, s30  }
0xb7: {  	s29 =	sshll.u32 s31, $0x8;
	[dreg:$0x9] =	wrdreg s26;
	s25 =	sand.u32 $0x380, s25  }
0xb8: {  	s26 =	sshll.u32 s31, $0x7;
	s29 =	sand.u32 $0x1F800, s29;
	s31 =	sadd.s32 $0x9, s23  }
0xb9: {  	s23 =	sadd.s32 $0xA, s23;
	s25 =	sor.u32 s25, s21;
	s26 =	sand.u32 $0x380, s26  }
0xba: {  	s21 =	sor.u32 $0x2F00, s28;
	s28 =	sshll.u32 s31, $0x8;
	s25 =	sadd.s32 $0x9100, s25  }
0xbb: {  	s26 =	sor.u32 s26, s29;
	s29 =	sshll.u32 s23, $0x8;
	s23 =	sshll.u32 s23, $0x7  }
0xbc: {  	[dreg:$0xa] =	wrdreg s25;
	s30 =	sadd.s32 $0x9100, s26;
	s26 =	sshll.u32 s31, $0x7  }
0xbd: {  	s25 =	sand.u32 $0x1F800, s28;
	s23 =	sand.u32 $0x380, s23;
	s26 =	sand.u32 $0x380, s26  }
0xbe: {  	[dreg:$0xb] =	wrdreg s30;
	s30 =	sand.u32 $0x1F800, s29;
	s25 =	sor.u32 s26, s25  }
0xbf: {  	[dreg:$0xc] =	wrdreg s24;
	s23 =	sor.u32 s23, s30;
	s31 =	sadd.s32 $0x9100, s25  }
0xc0: {  	s22 =	sadd.s32 $0x1, s22;
	s23 =	sadd.s32 $0x9100, s23;
	[dreg:$0xd] =	wrdreg s31  }
0xc1: {  	s24 =	simm.s32 $0x0;
	[dreg:$0xe] =	wrdreg s23;
	s23 =	simm.s32 $0x0  }
.LBB2_8:
0xc2: {  	v2 =	vld [tilespmem:s21+$0xFFFFE200]  }
0xc3: {  	v3 =	vld [tilespmem:s21+$0xFFFFE280];
	_ =	sdelay $0x1  }
0xc4: {  	v4 =	vld [tilespmem:s21+$0xFFFFE300];
	_ =	sdelay $0x1  }
0xc5: {  	v5 =	vld [tilespmem:s21+$0xFFFFE380]  }
0xc6: {  	v6 =	vunpack.i.l.bf16.f32 v2;
	v7 =	vunpack.i.l.bf16.f32 v3  }
0xc7: {  	v57 =	vld [tilespmem:s21+$0xFFFFE400];
	v6 =	vadd.f32 v7, v6  }
0xc8: {  	v8 =	vunpack.i.l.bf16.f32 v4  }
0xc9: {  	v58 =	vld [tilespmem:s21+$0xFFFFE480];
	v6 =	vadd.f32 v8, v6  }
0xca: {  	v9 =	vunpack.i.l.bf16.f32 v5  }
0xcb: {  	v59 =	vld [tilespmem:s21+$0xFFFFE500];
	v6 =	vadd.f32 v9, v6  }
0xcc: {  	v10 =	vunpack.i.l.bf16.f32 v57  }
0xcd: {  	v60 =	vld [tilespmem:s21+$0xFFFFE580];
	v6 =	vadd.f32 v10, v6  }
0xce: {  	v2 =	vunpack.i.u.bf16.f32 v2;
	v3 =	vunpack.i.u.bf16.f32 v3;
	v11 =	vunpack.i.l.bf16.f32 v58  }
0xcf: {  	v61 =	vld [tilespmem:s21+$0xFFFFE600];
	v2 =	vadd.f32 v3, v2;
	v3 =	vadd.f32 v11, v6  }
0xd0: {  	v4 =	vunpack.i.u.bf16.f32 v4;
	v62 =	vunpack.i.l.bf16.f32 v59  }
0xd1: {  	v63 =	vld [tilespmem:s21+$0xFFFFE680];
	v2 =	vadd.f32 v4, v2;
	v3 =	vadd.f32 v62, v3  }
0xd2: {  	v5 =	vunpack.i.u.bf16.f32 v5;
	v12 =	vunpack.i.l.bf16.f32 v60  }
0xd3: {  	s28 =	rddreg [dreg:$0x4];
	v13 =	vld [tilespmem:s21+$0xFFFFE700];
	s26 =	sand.u32 $0x400, s23;
	v2 =	vadd.f32 v5, v2;
	v3 =	vadd.f32 v12, v3  }
0xd4: {  	s25 =	sand.u32 $0x60, s24;
	s29 =	sadd.s32 s26, s28;
	v14 =	vunpack.i.l.bf16.f32 v61;
	v7 =	vunpack.i.u.bf16.f32 v57  }
0xd5: {  	s30 =	sadd.s32 s25, s29;
	v2 =	vadd.f32 v7, v2;
	v3 =	vadd.f32 v14, v3  }
0xd6: {  	v17 =	vld [tilespmem:s30+$0x0];
	v15 =	vunpack.i.u.bf16.f32 v58;
	v16 =	vunpack.i.l.bf16.f32 v63  }
0xd7: {  	v2 =	vadd.f32 v15, v2;
	v3 =	vadd.f32 v16, v3  }
0xd8: {  	v18 =	vunpack.i.u.bf16.f32 v59;
	v19 =	vunpack.i.l.bf16.f32 v13  }
0xd9: {  	v2 =	vadd.f32 v18, v2;
	v3 =	vadd.f32 v19, v3  }
0xda: {  	v20 =	vunpack.i.u.bf16.f32 v60  }
0xdb: {  	v2 =	vadd.f32 v20, v2;
	v3 =	vadd.f32 v3, v17  }
0xdc: {  	s28 =	sor.u32 $0x10, s25;
	v6 =	vunpack.i.u.bf16.f32 v61  }
0xdd: {  	s29 =	sadd.s32 s28, s29;
	v2 =	vadd.f32 v6, v2;
	[tilespmem:s30+$0x0] =	vst v3  }
0xde: {  	v3 =	vunpack.i.u.bf16.f32 v63;
	v21 =	vld [tilespmem:s29+$0x0]  }
0xdf: {  	v2 =	vadd.f32 v3, v2  }
0xe0: {  	v3 =	vunpack.i.u.bf16.f32 v13  }
0xe1: {  	v2 =	vadd.f32 v3, v2;
	_ =	sdelay $0x1  }
0xe2: {  	v2 =	vadd.f32 v21, v2;
	_ =	sdelay $0x1  }
0xe3: {  	[tilespmem:s29+$0x0] =	vst v2  }
0xe4: {  	v2 =	vld [tilespmem:s21+$0xFFFFE780]  }
0xe5: {  	v3 =	vld [tilespmem:s21+$0xFFFFE800];
	_ =	sdelay $0x1  }
0xe6: {  	v22 =	vld [tilespmem:s21+$0xFFFFE880];
	_ =	sdelay $0x1  }
0xe7: {  	v23 =	vld [tilespmem:s21+$0xFFFFE900]  }
0xe8: {  	v24 =	vunpack.i.l.bf16.f32 v2;
	v25 =	vunpack.i.l.bf16.f32 v3  }
0xe9: {  	v26 =	vld [tilespmem:s21+$0xFFFFE980];
	v6 =	vadd.f32 v25, v24  }
0xea: {  	v27 =	vunpack.i.l.bf16.f32 v22  }
0xeb: {  	v28 =	vld [tilespmem:s21+$0xFFFFEA00];
	v6 =	vadd.f32 v27, v6  }
0xec: {  	v29 =	vunpack.i.l.bf16.f32 v23  }
0xed: {  	v30 =	vld [tilespmem:s21+$0xFFFFEA80];
	v6 =	vadd.f32 v29, v6  }
0xee: {  	v31 =	vunpack.i.l.bf16.f32 v26  }
0xef: {  	v32 =	vld [tilespmem:s21+$0xFFFFEB00];
	v6 =	vadd.f32 v31, v6  }
0xf0: {  	v2 =	vunpack.i.u.bf16.f32 v2;
	v3 =	vunpack.i.u.bf16.f32 v3;
	v33 =	vunpack.i.l.bf16.f32 v28  }
0xf1: {  	v34 =	vld [tilespmem:s21+$0xFFFFEB80];
	v2 =	vadd.f32 v3, v2;
	v3 =	vadd.f32 v33, v6  }
0xf2: {  	v4 =	vunpack.i.u.bf16.f32 v22;
	v35 =	vunpack.i.l.bf16.f32 v30  }
0xf3: {  	v36 =	vld [tilespmem:s21+$0xFFFFEC00];
	v2 =	vadd.f32 v4, v2;
	v3 =	vadd.f32 v35, v3  }
0xf4: {  	v5 =	vunpack.i.u.bf16.f32 v23;
	v37 =	vunpack.i.l.bf16.f32 v32  }
0xf5: {  	s30 =	rddreg [dreg:$0x5];
	v38 =	vld [tilespmem:s21+$0xFFFFEC80];
	v2 =	vadd.f32 v5, v2;
	v3 =	vadd.f32 v37, v3  }
0xf6: {  	s29 =	sadd.s32 s26, s30;
	v7 =	vunpack.i.u.bf16.f32 v26;
	v39 =	vunpack.i.l.bf16.f32 v34  }
0xf7: {  	s31 =	sadd.s32 s25, s29;
	v2 =	vadd.f32 v7, v2;
	v3 =	vadd.f32 v39, v3  }
0xf8: {  	v42 =	vld [tilespmem:s31+$0x0];
	v40 =	vunpack.i.u.bf16.f32 v28;
	v41 =	vunpack.i.l.bf16.f32 v36  }
0xf9: {  	v2 =	vadd.f32 v40, v2;
	v3 =	vadd.f32 v41, v3  }
0xfa: {  	v43 =	vunpack.i.u.bf16.f32 v30;
	v44 =	vunpack.i.l.bf16.f32 v38  }
0xfb: {  	v2 =	vadd.f32 v43, v2;
	v3 =	vadd.f32 v44, v3  }
0xfc: {  	v45 =	vunpack.i.u.bf16.f32 v32  }
0xfd: {  	v2 =	vadd.f32 v45, v2;
	v3 =	vadd.f32 v3, v42  }
0xfe: {  	v6 =	vunpack.i.u.bf16.f32 v34  }
0xff: {  	s29 =	sadd.s32 s28, s29;
	v2 =	vadd.f32 v6, v2;
	[tilespmem:s31+$0x0] =	vst v3  }
0x100: {  	v3 =	vunpack.i.u.bf16.f32 v36;
	v46 =	vld [tilespmem:s29+$0x0]  }
0x101: {  	v2 =	vadd.f32 v3, v2  }
0x102: {  	v3 =	vunpack.i.u.bf16.f32 v38  }
0x103: {  	v2 =	vadd.f32 v3, v2;
	_ =	sdelay $0x1  }
0x104: {  	v2 =	vadd.f32 v46, v2;
	_ =	sdelay $0x1  }
0x105: {  	[tilespmem:s29+$0x0] =	vst v2  }
0x106: {  	v2 =	vld [tilespmem:s21+$0xFFFFED00]  }
0x107: {  	v3 =	vld [tilespmem:s21+$0xFFFFED80];
	_ =	sdelay $0x1  }
0x108: {  	v47 =	vld [tilespmem:s21+$0xFFFFEE00];
	_ =	sdelay $0x1  }
0x109: {  	v48 =	vld [tilespmem:s21+$0xFFFFEE80]  }
0x10a: {  	v49 =	vunpack.i.l.bf16.f32 v2;
	v50 =	vunpack.i.l.bf16.f32 v3  }
0x10b: {  	v51 =	vld [tilespmem:s21+$0xFFFFEF00];
	v6 =	vadd.f32 v50, v49  }
0x10c: {  	v52 =	vunpack.i.l.bf16.f32 v47  }
0x10d: {  	v53 =	vld [tilespmem:s21+$0xFFFFEF80];
	v6 =	vadd.f32 v52, v6  }
0x10e: {  	v54 =	vunpack.i.l.bf16.f32 v48  }
0x10f: {  	v55 =	vld [tilespmem:s21+$0xFFFFF000];
	v6 =	vadd.f32 v54, v6  }
0x110: {  	v56 =	vunpack.i.l.bf16.f32 v51  }
0x111: {  	v57 =	vld [tilespmem:s21+$0xFFFFF080];
	v6 =	vadd.f32 v56, v6  }
0x112: {  	v2 =	vunpack.i.u.bf16.f32 v2;
	v3 =	vunpack.i.u.bf16.f32 v3;
	v58 =	vunpack.i.l.bf16.f32 v53  }
0x113: {  	v59 =	vld [tilespmem:s21+$0xFFFFF100];
	v2 =	vadd.f32 v3, v2;
	v3 =	vadd.f32 v58, v6  }
0x114: {  	v4 =	vunpack.i.u.bf16.f32 v47;
	v60 =	vunpack.i.l.bf16.f32 v55  }
0x115: {  	v61 =	vld [tilespmem:s21+$0xFFFFF180];
	v2 =	vadd.f32 v4, v2;
	v3 =	vadd.f32 v60, v3  }
0x116: {  	v5 =	vunpack.i.u.bf16.f32 v48;
	v62 =	vunpack.i.l.bf16.f32 v57  }
0x117: {  	s30 =	rddreg [dreg:$0x6];
	v63 =	vld [tilespmem:s21+$0xFFFFF200];
	v2 =	vadd.f32 v5, v2;
	v3 =	vadd.f32 v62, v3  }
0x118: {  	s29 =	sadd.s32 s26, s30;
	v7 =	vunpack.i.u.bf16.f32 v51;
	v12 =	vunpack.i.l.bf16.f32 v59  }
0x119: {  	s31 =	sadd.s32 s25, s29;
	v2 =	vadd.f32 v7, v2;
	v3 =	vadd.f32 v12, v3  }
0x11a: {  	v15 =	vld [tilespmem:s31+$0x0];
	v13 =	vunpack.i.u.bf16.f32 v53;
	v14 =	vunpack.i.l.bf16.f32 v61  }
0x11b: {  	v2 =	vadd.f32 v13, v2;
	v3 =	vadd.f32 v14, v3  }
0x11c: {  	v16 =	vunpack.i.u.bf16.f32 v55;
	v17 =	vunpack.i.l.bf16.f32 v63  }
0x11d: {  	v2 =	vadd.f32 v16, v2;
	v3 =	vadd.f32 v17, v3  }
0x11e: {  	v18 =	vunpack.i.u.bf16.f32 v57  }
0x11f: {  	v2 =	vadd.f32 v18, v2;
	v3 =	vadd.f32 v3, v15  }
0x120: {  	v6 =	vunpack.i.u.bf16.f32 v59  }
0x121: {  	s29 =	sadd.s32 s28, s29;
	v2 =	vadd.f32 v6, v2;
	[tilespmem:s31+$0x0] =	vst v3  }
0x122: {  	v3 =	vunpack.i.u.bf16.f32 v61;
	v19 =	vld [tilespmem:s29+$0x0]  }
0x123: {  	v2 =	vadd.f32 v3, v2  }
0x124: {  	v3 =	vunpack.i.u.bf16.f32 v63  }
0x125: {  	v2 =	vadd.f32 v3, v2;
	_ =	sdelay $0x1  }
0x126: {  	v2 =	vadd.f32 v19, v2;
	_ =	sdelay $0x1  }
0x127: {  	[tilespmem:s29+$0x0] =	vst v2  }
0x128: {  	v2 =	vld [tilespmem:s21+$0xFFFFF280]  }
0x129: {  	v3 =	vld [tilespmem:s21+$0xFFFFF300];
	_ =	sdelay $0x1  }
0x12a: {  	v20 =	vld [tilespmem:s21+$0xFFFFF380];
	_ =	sdelay $0x1  }
0x12b: {  	v21 =	vld [tilespmem:s21+$0xFFFFF400]  }
0x12c: {  	v22 =	vunpack.i.l.bf16.f32 v2;
	v23 =	vunpack.i.l.bf16.f32 v3  }
0x12d: {  	v24 =	vld [tilespmem:s21+$0xFFFFF480];
	v6 =	vadd.f32 v23, v22  }
0x12e: {  	v25 =	vunpack.i.l.bf16.f32 v20  }
0x12f: {  	v26 =	vld [tilespmem:s21+$0xFFFFF500];
	v6 =	vadd.f32 v25, v6  }
0x130: {  	v27 =	vunpack.i.l.bf16.f32 v21  }
0x131: {  	v28 =	vld [tilespmem:s21+$0xFFFFF580];
	v6 =	vadd.f32 v27, v6  }
0x132: {  	v29 =	vunpack.i.l.bf16.f32 v24  }
0x133: {  	v30 =	vld [tilespmem:s21+$0xFFFFF600];
	v6 =	vadd.f32 v29, v6  }
0x134: {  	v2 =	vunpack.i.u.bf16.f32 v2;
	v3 =	vunpack.i.u.bf16.f32 v3;
	v31 =	vunpack.i.l.bf16.f32 v26  }
0x135: {  	v32 =	vld [tilespmem:s21+$0xFFFFF680];
	v2 =	vadd.f32 v3, v2;
	v3 =	vadd.f32 v31, v6  }
0x136: {  	v4 =	vunpack.i.u.bf16.f32 v20;
	v33 =	vunpack.i.l.bf16.f32 v28  }
0x137: {  	v34 =	vld [tilespmem:s21+$0xFFFFF700];
	v2 =	vadd.f32 v4, v2;
	v3 =	vadd.f32 v33, v3  }
0x138: {  	v5 =	vunpack.i.u.bf16.f32 v21;
	v35 =	vunpack.i.l.bf16.f32 v30  }
0x139: {  	s30 =	rddreg [dreg:$0x7];
	v36 =	vld [tilespmem:s21+$0xFFFFF780];
	v2 =	vadd.f32 v5, v2;
	v3 =	vadd.f32 v35, v3  }
0x13a: {  	s29 =	sadd.s32 s26, s30;
	v7 =	vunpack.i.u.bf16.f32 v24;
	v37 =	vunpack.i.l.bf16.f32 v32  }
0x13b: {  	s31 =	sadd.s32 s25, s29;
	v2 =	vadd.f32 v7, v2;
	v3 =	vadd.f32 v37, v3  }
0x13c: {  	v40 =	vld [tilespmem:s31+$0x0];
	v38 =	vunpack.i.u.bf16.f32 v26;
	v39 =	vunpack.i.l.bf16.f32 v34  }
0x13d: {  	v2 =	vadd.f32 v38, v2;
	v3 =	vadd.f32 v39, v3  }
0x13e: {  	v41 =	vunpack.i.u.bf16.f32 v28;
	v42 =	vunpack.i.l.bf16.f32 v36  }
0x13f: {  	v2 =	vadd.f32 v41, v2;
	v3 =	vadd.f32 v42, v3  }
0x140: {  	v43 =	vunpack.i.u.bf16.f32 v30  }
0x141: {  	v2 =	vadd.f32 v43, v2;
	v3 =	vadd.f32 v3, v40  }
0x142: {  	v6 =	vunpack.i.u.bf16.f32 v32  }
0x143: {  	s29 =	sadd.s32 s28, s29;
	v2 =	vadd.f32 v6, v2;
	[tilespmem:s31+$0x0] =	vst v3  }
0x144: {  	v3 =	vunpack.i.u.bf16.f32 v34;
	v44 =	vld [tilespmem:s29+$0x0]  }
0x145: {  	v2 =	vadd.f32 v3, v2  }
0x146: {  	v3 =	vunpack.i.u.bf16.f32 v36  }
0x147: {  	v2 =	vadd.f32 v3, v2;
	_ =	sdelay $0x1  }
0x148: {  	v2 =	vadd.f32 v44, v2;
	_ =	sdelay $0x1  }
0x149: {  	[tilespmem:s29+$0x0] =	vst v2  }
0x14a: {  	v2 =	vld [tilespmem:s21+$0xFFFFF800]  }
0x14b: {  	v3 =	vld [tilespmem:s21+$0xFFFFF880];
	_ =	sdelay $0x1  }
0x14c: {  	v45 =	vld [tilespmem:s21+$0xFFFFF900];
	_ =	sdelay $0x1  }
0x14d: {  	v46 =	vld [tilespmem:s21+$0xFFFFF980]  }
0x14e: {  	v47 =	vunpack.i.l.bf16.f32 v2;
	v48 =	vunpack.i.l.bf16.f32 v3  }
0x14f: {  	v49 =	vld [tilespmem:s21+$0xFFFFFA00];
	v6 =	vadd.f32 v48, v47  }
0x150: {  	v50 =	vunpack.i.l.bf16.f32 v45  }
0x151: {  	v51 =	vld [tilespmem:s21+$0xFFFFFA80];
	v6 =	vadd.f32 v50, v6  }
0x152: {  	v52 =	vunpack.i.l.bf16.f32 v46  }
0x153: {  	v53 =	vld [tilespmem:s21+$0xFFFFFB00];
	v6 =	vadd.f32 v52, v6  }
0x154: {  	v54 =	vunpack.i.l.bf16.f32 v49  }
0x155: {  	v55 =	vld [tilespmem:s21+$0xFFFFFB80];
	v6 =	vadd.f32 v54, v6  }
0x156: {  	v2 =	vunpack.i.u.bf16.f32 v2;
	v3 =	vunpack.i.u.bf16.f32 v3;
	v56 =	vunpack.i.l.bf16.f32 v51  }
0x157: {  	v57 =	vld [tilespmem:s21+$0xFFFFFC00];
	v2 =	vadd.f32 v3, v2;
	v3 =	vadd.f32 v56, v6  }
0x158: {  	v4 =	vunpack.i.u.bf16.f32 v45;
	v58 =	vunpack.i.l.bf16.f32 v53  }
0x159: {  	v59 =	vld [tilespmem:s21+$0xFFFFFC80];
	v2 =	vadd.f32 v4, v2;
	v3 =	vadd.f32 v58, v3  }
0x15a: {  	v5 =	vunpack.i.u.bf16.f32 v46;
	v60 =	vunpack.i.l.bf16.f32 v55  }
0x15b: {  	s30 =	rddreg [dreg:$0x8];
	v61 =	vld [tilespmem:s21+$0xFFFFFD00];
	v2 =	vadd.f32 v5, v2;
	v3 =	vadd.f32 v60, v3  }
0x15c: {  	s29 =	sadd.s32 s26, s30;
	v7 =	vunpack.i.u.bf16.f32 v49;
	v62 =	vunpack.i.l.bf16.f32 v57  }
0x15d: {  	s31 =	sadd.s32 s25, s29;
	v2 =	vadd.f32 v7, v2;
	v3 =	vadd.f32 v62, v3  }
0x15e: {  	v13 =	vld [tilespmem:s31+$0x0];
	v63 =	vunpack.i.u.bf16.f32 v51;
	v12 =	vunpack.i.l.bf16.f32 v59  }
0x15f: {  	v2 =	vadd.f32 v63, v2;
	v3 =	vadd.f32 v12, v3  }
0x160: {  	v14 =	vunpack.i.u.bf16.f32 v53;
	v15 =	vunpack.i.l.bf16.f32 v61  }
0x161: {  	v2 =	vadd.f32 v14, v2;
	v3 =	vadd.f32 v15, v3  }
0x162: {  	v16 =	vunpack.i.u.bf16.f32 v55  }
0x163: {  	v2 =	vadd.f32 v16, v2;
	v3 =	vadd.f32 v3, v13  }
0x164: {  	v6 =	vunpack.i.u.bf16.f32 v57  }
0x165: {  	s29 =	sadd.s32 s28, s29;
	v2 =	vadd.f32 v6, v2;
	[tilespmem:s31+$0x0] =	vst v3  }
0x166: {  	v3 =	vunpack.i.u.bf16.f32 v59;
	v17 =	vld [tilespmem:s29+$0x0]  }
0x167: {  	v2 =	vadd.f32 v3, v2  }
0x168: {  	v3 =	vunpack.i.u.bf16.f32 v61  }
0x169: {  	v2 =	vadd.f32 v3, v2;
	_ =	sdelay $0x1  }
0x16a: {  	v2 =	vadd.f32 v17, v2;
	_ =	sdelay $0x1  }
0x16b: {  	[tilespmem:s29+$0x0] =	vst v2  }
0x16c: {  	v2 =	vld [tilespmem:s21+$0xFFFFFD80]  }
0x16d: {  	v3 =	vld [tilespmem:s21+$0xFFFFFE00];
	_ =	sdelay $0x1  }
0x16e: {  	v18 =	vld [tilespmem:s21+$0xFFFFFE80];
	_ =	sdelay $0x1  }
0x16f: {  	v19 =	vld [tilespmem:s21+$0xFFFFFF00]  }
0x170: {  	v20 =	vunpack.i.l.bf16.f32 v2;
	v21 =	vunpack.i.l.bf16.f32 v3  }
0x171: {  	v22 =	vld [tilespmem:s21+$0xFFFFFF80];
	v6 =	vadd.f32 v21, v20  }
0x172: {  	v23 =	vunpack.i.l.bf16.f32 v18  }
0x173: {  	v24 =	vld [tilespmem:s21+$0x0];
	v6 =	vadd.f32 v23, v6  }
0x174: {  	v25 =	vunpack.i.l.bf16.f32 v19  }
0x175: {  	v26 =	vld [tilespmem:s21+$0x80];
	v6 =	vadd.f32 v25, v6  }
0x176: {  	v27 =	vunpack.i.l.bf16.f32 v22  }
0x177: {  	v28 =	vld [tilespmem:s21+$0x100];
	v6 =	vadd.f32 v27, v6  }
0x178: {  	v2 =	vunpack.i.u.bf16.f32 v2;
	v3 =	vunpack.i.u.bf16.f32 v3;
	v29 =	vunpack.i.l.bf16.f32 v24  }
0x179: {  	v30 =	vld [tilespmem:s21+$0x180];
	v2 =	vadd.f32 v3, v2;
	v3 =	vadd.f32 v29, v6  }
0x17a: {  	v4 =	vunpack.i.u.bf16.f32 v18;
	v31 =	vunpack.i.l.bf16.f32 v26  }
0x17b: {  	v32 =	vld [tilespmem:s21+$0x200];
	v2 =	vadd.f32 v4, v2;
	v3 =	vadd.f32 v31, v3  }
0x17c: {  	v5 =	vunpack.i.u.bf16.f32 v19;
	v33 =	vunpack.i.l.bf16.f32 v28  }
0x17d: {  	s30 =	rddreg [dreg:$0x9];
	v34 =	vld [tilespmem:s21+$0x280];
	v2 =	vadd.f32 v5, v2;
	v3 =	vadd.f32 v33, v3  }
0x17e: {  	s29 =	sadd.s32 s26, s30;
	v7 =	vunpack.i.u.bf16.f32 v22;
	v35 =	vunpack.i.l.bf16.f32 v30  }
0x17f: {  	s31 =	sadd.s32 s25, s29;
	v2 =	vadd.f32 v7, v2;
	v3 =	vadd.f32 v35, v3  }
0x180: {  	v38 =	vld [tilespmem:s31+$0x0];
	v36 =	vunpack.i.u.bf16.f32 v24;
	v37 =	vunpack.i.l.bf16.f32 v32  }
0x181: {  	v2 =	vadd.f32 v36, v2;
	v3 =	vadd.f32 v37, v3  }
0x182: {  	v39 =	vunpack.i.u.bf16.f32 v26;
	v40 =	vunpack.i.l.bf16.f32 v34  }
0x183: {  	v2 =	vadd.f32 v39, v2;
	v3 =	vadd.f32 v40, v3  }
0x184: {  	v41 =	vunpack.i.u.bf16.f32 v28  }
0x185: {  	v2 =	vadd.f32 v41, v2;
	v3 =	vadd.f32 v3, v38  }
0x186: {  	v6 =	vunpack.i.u.bf16.f32 v30  }
0x187: {  	s29 =	sadd.s32 s28, s29;
	v2 =	vadd.f32 v6, v2;
	[tilespmem:s31+$0x0] =	vst v3  }
0x188: {  	v3 =	vunpack.i.u.bf16.f32 v32;
	v42 =	vld [tilespmem:s29+$0x0]  }
0x189: {  	v2 =	vadd.f32 v3, v2  }
0x18a: {  	v3 =	vunpack.i.u.bf16.f32 v34  }
0x18b: {  	v2 =	vadd.f32 v3, v2;
	_ =	sdelay $0x1  }
0x18c: {  	v2 =	vadd.f32 v42, v2;
	_ =	sdelay $0x1  }
0x18d: {  	[tilespmem:s29+$0x0] =	vst v2  }
0x18e: {  	v2 =	vld [tilespmem:s21+$0x300]  }
0x18f: {  	v3 =	vld [tilespmem:s21+$0x380];
	_ =	sdelay $0x1  }
0x190: {  	v43 =	vld [tilespmem:s21+$0x400];
	_ =	sdelay $0x1  }
0x191: {  	v44 =	vld [tilespmem:s21+$0x480]  }
0x192: {  	v45 =	vunpack.i.l.bf16.f32 v2;
	v46 =	vunpack.i.l.bf16.f32 v3  }
0x193: {  	v47 =	vld [tilespmem:s21+$0x500];
	v6 =	vadd.f32 v46, v45  }
0x194: {  	v48 =	vunpack.i.l.bf16.f32 v43  }
0x195: {  	v49 =	vld [tilespmem:s21+$0x580];
	v6 =	vadd.f32 v48, v6  }
0x196: {  	v50 =	vunpack.i.l.bf16.f32 v44  }
0x197: {  	v51 =	vld [tilespmem:s21+$0x600];
	v6 =	vadd.f32 v50, v6  }
0x198: {  	v52 =	vunpack.i.l.bf16.f32 v47  }
0x199: {  	v53 =	vld [tilespmem:s21+$0x680];
	v6 =	vadd.f32 v52, v6  }
0x19a: {  	v2 =	vunpack.i.u.bf16.f32 v2;
	v3 =	vunpack.i.u.bf16.f32 v3;
	v54 =	vunpack.i.l.bf16.f32 v49  }
0x19b: {  	v55 =	vld [tilespmem:s21+$0x700];
	v2 =	vadd.f32 v3, v2;
	v3 =	vadd.f32 v54, v6  }
0x19c: {  	v4 =	vunpack.i.u.bf16.f32 v43;
	v56 =	vunpack.i.l.bf16.f32 v51  }
0x19d: {  	v57 =	vld [tilespmem:s21+$0x780];
	v2 =	vadd.f32 v4, v2;
	v3 =	vadd.f32 v56, v3  }
0x19e: {  	v5 =	vunpack.i.u.bf16.f32 v44;
	v58 =	vunpack.i.l.bf16.f32 v53  }
0x19f: {  	s30 =	rddreg [dreg:$0xa];
	v59 =	vld [tilespmem:s21+$0x800];
	v2 =	vadd.f32 v5, v2;
	v3 =	vadd.f32 v58, v3  }
0x1a0: {  	s29 =	sadd.s32 s26, s30;
	v7 =	vunpack.i.u.bf16.f32 v47;
	v60 =	vunpack.i.l.bf16.f32 v55  }
0x1a1: {  	s31 =	sadd.s32 s25, s29;
	v2 =	vadd.f32 v7, v2;
	v3 =	vadd.f32 v60, v3  }
0x1a2: {  	v63 =	vld [tilespmem:s31+$0x0];
	v61 =	vunpack.i.u.bf16.f32 v49;
	v62 =	vunpack.i.l.bf16.f32 v57  }
0x1a3: {  	v2 =	vadd.f32 v61, v2;
	v3 =	vadd.f32 v62, v3  }
0x1a4: {  	v12 =	vunpack.i.u.bf16.f32 v51;
	v13 =	vunpack.i.l.bf16.f32 v59  }
0x1a5: {  	v2 =	vadd.f32 v12, v2;
	v3 =	vadd.f32 v13, v3  }
0x1a6: {  	v14 =	vunpack.i.u.bf16.f32 v53  }
0x1a7: {  	v2 =	vadd.f32 v14, v2;
	v3 =	vadd.f32 v3, v63  }
0x1a8: {  	v6 =	vunpack.i.u.bf16.f32 v55  }
0x1a9: {  	s29 =	sadd.s32 s28, s29;
	v2 =	vadd.f32 v6, v2;
	[tilespmem:s31+$0x0] =	vst v3  }
0x1aa: {  	v3 =	vunpack.i.u.bf16.f32 v57;
	v15 =	vld [tilespmem:s29+$0x0]  }
0x1ab: {  	v2 =	vadd.f32 v3, v2  }
0x1ac: {  	v3 =	vunpack.i.u.bf16.f32 v59  }
0x1ad: {  	v2 =	vadd.f32 v3, v2;
	_ =	sdelay $0x1  }
0x1ae: {  	v2 =	vadd.f32 v15, v2;
	_ =	sdelay $0x1  }
0x1af: {  	[tilespmem:s29+$0x0] =	vst v2  }
0x1b0: {  	v2 =	vld [tilespmem:s21+$0x880]  }
0x1b1: {  	v3 =	vld [tilespmem:s21+$0x900];
	_ =	sdelay $0x1  }
0x1b2: {  	v16 =	vld [tilespmem:s21+$0x980];
	_ =	sdelay $0x1  }
0x1b3: {  	v17 =	vld [tilespmem:s21+$0xA00]  }
0x1b4: {  	v18 =	vunpack.i.l.bf16.f32 v2;
	v19 =	vunpack.i.l.bf16.f32 v3  }
0x1b5: {  	v20 =	vld [tilespmem:s21+$0xA80];
	v6 =	vadd.f32 v19, v18  }
0x1b6: {  	v21 =	vunpack.i.l.bf16.f32 v16  }
0x1b7: {  	v22 =	vld [tilespmem:s21+$0xB00];
	v6 =	vadd.f32 v21, v6  }
0x1b8: {  	v23 =	vunpack.i.l.bf16.f32 v17  }
0x1b9: {  	v24 =	vld [tilespmem:s21+$0xB80];
	v6 =	vadd.f32 v23, v6  }
0x1ba: {  	v25 =	vunpack.i.l.bf16.f32 v20  }
0x1bb: {  	v26 =	vld [tilespmem:s21+$0xC00];
	v6 =	vadd.f32 v25, v6  }
0x1bc: {  	v2 =	vunpack.i.u.bf16.f32 v2;
	v3 =	vunpack.i.u.bf16.f32 v3;
	v27 =	vunpack.i.l.bf16.f32 v22  }
0x1bd: {  	v28 =	vld [tilespmem:s21+$0xC80];
	v2 =	vadd.f32 v3, v2;
	v3 =	vadd.f32 v27, v6  }
0x1be: {  	v4 =	vunpack.i.u.bf16.f32 v16;
	v29 =	vunpack.i.l.bf16.f32 v24  }
0x1bf: {  	v30 =	vld [tilespmem:s21+$0xD00];
	v2 =	vadd.f32 v4, v2;
	v3 =	vadd.f32 v29, v3  }
0x1c0: {  	v5 =	vunpack.i.u.bf16.f32 v17;
	v31 =	vunpack.i.l.bf16.f32 v26  }
0x1c1: {  	s30 =	rddreg [dreg:$0xb];
	v32 =	vld [tilespmem:s21+$0xD80];
	v2 =	vadd.f32 v5, v2;
	v3 =	vadd.f32 v31, v3  }
0x1c2: {  	s29 =	sadd.s32 s26, s30;
	v7 =	vunpack.i.u.bf16.f32 v20;
	v33 =	vunpack.i.l.bf16.f32 v28  }
0x1c3: {  	s31 =	sadd.s32 s25, s29;
	v2 =	vadd.f32 v7, v2;
	v3 =	vadd.f32 v33, v3  }
0x1c4: {  	v36 =	vld [tilespmem:s31+$0x0];
	v34 =	vunpack.i.u.bf16.f32 v22;
	v35 =	vunpack.i.l.bf16.f32 v30  }
0x1c5: {  	v2 =	vadd.f32 v34, v2;
	v3 =	vadd.f32 v35, v3  }
0x1c6: {  	v37 =	vunpack.i.u.bf16.f32 v24;
	v38 =	vunpack.i.l.bf16.f32 v32  }
0x1c7: {  	v2 =	vadd.f32 v37, v2;
	v3 =	vadd.f32 v38, v3  }
0x1c8: {  	v39 =	vunpack.i.u.bf16.f32 v26  }
0x1c9: {  	v2 =	vadd.f32 v39, v2;
	v3 =	vadd.f32 v3, v36  }
0x1ca: {  	v6 =	vunpack.i.u.bf16.f32 v28  }
0x1cb: {  	s29 =	sadd.s32 s28, s29;
	v2 =	vadd.f32 v6, v2;
	[tilespmem:s31+$0x0] =	vst v3  }
0x1cc: {  	v3 =	vunpack.i.u.bf16.f32 v30;
	v40 =	vld [tilespmem:s29+$0x0]  }
0x1cd: {  	v2 =	vadd.f32 v3, v2  }
0x1ce: {  	v3 =	vunpack.i.u.bf16.f32 v32  }
0x1cf: {  	v2 =	vadd.f32 v3, v2;
	_ =	sdelay $0x1  }
0x1d0: {  	v2 =	vadd.f32 v40, v2;
	_ =	sdelay $0x1  }
0x1d1: {  	[tilespmem:s29+$0x0] =	vst v2  }
0x1d2: {  	v2 =	vld [tilespmem:s21+$0xE00]  }
0x1d3: {  	v3 =	vld [tilespmem:s21+$0xE80];
	_ =	sdelay $0x1  }
0x1d4: {  	v41 =	vld [tilespmem:s21+$0xF00];
	_ =	sdelay $0x1  }
0x1d5: {  	v42 =	vld [tilespmem:s21+$0xF80]  }
0x1d6: {  	v43 =	vunpack.i.l.bf16.f32 v2;
	v44 =	vunpack.i.l.bf16.f32 v3  }
0x1d7: {  	v45 =	vld [tilespmem:s21+$0x1000];
	v6 =	vadd.f32 v44, v43  }
0x1d8: {  	v46 =	vunpack.i.l.bf16.f32 v41  }
0x1d9: {  	v47 =	vld [tilespmem:s21+$0x1080];
	v6 =	vadd.f32 v46, v6  }
0x1da: {  	v48 =	vunpack.i.l.bf16.f32 v42  }
0x1db: {  	v49 =	vld [tilespmem:s21+$0x1100];
	v6 =	vadd.f32 v48, v6  }
0x1dc: {  	v50 =	vunpack.i.l.bf16.f32 v45  }
0x1dd: {  	v51 =	vld [tilespmem:s21+$0x1180];
	v6 =	vadd.f32 v50, v6  }
0x1de: {  	v2 =	vunpack.i.u.bf16.f32 v2;
	v3 =	vunpack.i.u.bf16.f32 v3;
	v52 =	vunpack.i.l.bf16.f32 v47  }
0x1df: {  	v53 =	vld [tilespmem:s21+$0x1200];
	v2 =	vadd.f32 v3, v2;
	v3 =	vadd.f32 v52, v6  }
0x1e0: {  	v4 =	vunpack.i.u.bf16.f32 v41;
	v54 =	vunpack.i.l.bf16.f32 v49  }
0x1e1: {  	v55 =	vld [tilespmem:s21+$0x1280];
	v2 =	vadd.f32 v4, v2;
	v3 =	vadd.f32 v54, v3  }
0x1e2: {  	v5 =	vunpack.i.u.bf16.f32 v42;
	v56 =	vunpack.i.l.bf16.f32 v51  }
0x1e3: {  	s30 =	rddreg [dreg:$0xc];
	v57 =	vld [tilespmem:s21+$0x1300];
	v2 =	vadd.f32 v5, v2;
	v3 =	vadd.f32 v56, v3  }
0x1e4: {  	s29 =	sadd.s32 s26, s30;
	v7 =	vunpack.i.u.bf16.f32 v45;
	v58 =	vunpack.i.l.bf16.f32 v53  }
0x1e5: {  	s31 =	sadd.s32 s25, s29;
	v2 =	vadd.f32 v7, v2;
	v3 =	vadd.f32 v58, v3  }
0x1e6: {  	v61 =	vld [tilespmem:s31+$0x0];
	v59 =	vunpack.i.u.bf16.f32 v47;
	v60 =	vunpack.i.l.bf16.f32 v55  }
0x1e7: {  	v2 =	vadd.f32 v59, v2;
	v3 =	vadd.f32 v60, v3  }
0x1e8: {  	v62 =	vunpack.i.u.bf16.f32 v49;
	v63 =	vunpack.i.l.bf16.f32 v57  }
0x1e9: {  	v2 =	vadd.f32 v62, v2;
	v3 =	vadd.f32 v63, v3  }
0x1ea: {  	v12 =	vunpack.i.u.bf16.f32 v51  }
0x1eb: {  	v2 =	vadd.f32 v12, v2;
	v3 =	vadd.f32 v3, v61  }
0x1ec: {  	v6 =	vunpack.i.u.bf16.f32 v53  }
0x1ed: {  	s29 =	sadd.s32 s28, s29;
	v2 =	vadd.f32 v6, v2;
	[tilespmem:s31+$0x0] =	vst v3  }
0x1ee: {  	v3 =	vunpack.i.u.bf16.f32 v55;
	v13 =	vld [tilespmem:s29+$0x0]  }
0x1ef: {  	v2 =	vadd.f32 v3, v2  }
0x1f0: {  	v3 =	vunpack.i.u.bf16.f32 v57  }
0x1f1: {  	v2 =	vadd.f32 v3, v2;
	_ =	sdelay $0x1  }
0x1f2: {  	v2 =	vadd.f32 v13, v2;
	_ =	sdelay $0x1  }
0x1f3: {  	[tilespmem:s29+$0x0] =	vst v2  }
0x1f4: {  	v2 =	vld [tilespmem:s21+$0x1380]  }
0x1f5: {  	v3 =	vld [tilespmem:s21+$0x1400];
	_ =	sdelay $0x1  }
0x1f6: {  	v14 =	vld [tilespmem:s21+$0x1480];
	_ =	sdelay $0x1  }
0x1f7: {  	v15 =	vld [tilespmem:s21+$0x1500]  }
0x1f8: {  	v16 =	vunpack.i.l.bf16.f32 v2;
	v17 =	vunpack.i.l.bf16.f32 v3  }
0x1f9: {  	v18 =	vld [tilespmem:s21+$0x1580];
	v6 =	vadd.f32 v17, v16  }
0x1fa: {  	v19 =	vunpack.i.l.bf16.f32 v14  }
0x1fb: {  	v20 =	vld [tilespmem:s21+$0x1600];
	v6 =	vadd.f32 v19, v6  }
0x1fc: {  	v21 =	vunpack.i.l.bf16.f32 v15  }
0x1fd: {  	v22 =	vld [tilespmem:s21+$0x1680];
	v6 =	vadd.f32 v21, v6  }
0x1fe: {  	v23 =	vunpack.i.l.bf16.f32 v18  }
0x1ff: {  	v24 =	vld [tilespmem:s21+$0x1700];
	v6 =	vadd.f32 v23, v6  }
0x200: {  	v2 =	vunpack.i.u.bf16.f32 v2;
	v3 =	vunpack.i.u.bf16.f32 v3;
	v25 =	vunpack.i.l.bf16.f32 v20  }
0x201: {  	v26 =	vld [tilespmem:s21+$0x1780];
	v2 =	vadd.f32 v3, v2;
	v3 =	vadd.f32 v25, v6  }
0x202: {  	v4 =	vunpack.i.u.bf16.f32 v14;
	v27 =	vunpack.i.l.bf16.f32 v22  }
0x203: {  	v28 =	vld [tilespmem:s21+$0x1800];
	v2 =	vadd.f32 v4, v2;
	v3 =	vadd.f32 v27, v3  }
0x204: {  	v5 =	vunpack.i.u.bf16.f32 v15;
	v29 =	vunpack.i.l.bf16.f32 v24  }
0x205: {  	s30 =	rddreg [dreg:$0xd];
	v30 =	vld [tilespmem:s21+$0x1880];
	v2 =	vadd.f32 v5, v2;
	v3 =	vadd.f32 v29, v3  }
0x206: {  	s29 =	sadd.s32 s26, s30;
	v7 =	vunpack.i.u.bf16.f32 v18;
	v31 =	vunpack.i.l.bf16.f32 v26  }
0x207: {  	s31 =	sadd.s32 s25, s29;
	v2 =	vadd.f32 v7, v2;
	v3 =	vadd.f32 v31, v3  }
0x208: {  	v34 =	vld [tilespmem:s31+$0x0];
	v32 =	vunpack.i.u.bf16.f32 v20;
	v33 =	vunpack.i.l.bf16.f32 v28  }
0x209: {  	v2 =	vadd.f32 v32, v2;
	v3 =	vadd.f32 v33, v3  }
0x20a: {  	v35 =	vunpack.i.u.bf16.f32 v22;
	v36 =	vunpack.i.l.bf16.f32 v30  }
0x20b: {  	v2 =	vadd.f32 v35, v2;
	v3 =	vadd.f32 v36, v3  }
0x20c: {  	v37 =	vunpack.i.u.bf16.f32 v24  }
0x20d: {  	v2 =	vadd.f32 v37, v2;
	v3 =	vadd.f32 v3, v34  }
0x20e: {  	v6 =	vunpack.i.u.bf16.f32 v26  }
0x20f: {  	s29 =	sadd.s32 s28, s29;
	v2 =	vadd.f32 v6, v2;
	[tilespmem:s31+$0x0] =	vst v3  }
0x210: {  	v3 =	vunpack.i.u.bf16.f32 v28;
	v38 =	vld [tilespmem:s29+$0x0]  }
0x211: {  	v2 =	vadd.f32 v3, v2  }
0x212: {  	v3 =	vunpack.i.u.bf16.f32 v30  }
0x213: {  	v2 =	vadd.f32 v3, v2;
	_ =	sdelay $0x1  }
0x214: {  	v2 =	vadd.f32 v38, v2;
	_ =	sdelay $0x1  }
0x215: {  	[tilespmem:s29+$0x0] =	vst v2  }
0x216: {  	v2 =	vld [tilespmem:s21+$0x1900]  }
0x217: {  	v3 =	vld [tilespmem:s21+$0x1980];
	_ =	sdelay $0x1  }
0x218: {  	v39 =	vld [tilespmem:s21+$0x1A00];
	_ =	sdelay $0x1  }
0x219: {  	v40 =	vld [tilespmem:s21+$0x1A80]  }
0x21a: {  	v41 =	vunpack.i.l.bf16.f32 v2;
	v42 =	vunpack.i.l.bf16.f32 v3  }
0x21b: {  	v43 =	vld [tilespmem:s21+$0x1B00];
	v6 =	vadd.f32 v42, v41  }
0x21c: {  	v44 =	vunpack.i.l.bf16.f32 v39  }
0x21d: {  	v45 =	vld [tilespmem:s21+$0x1B80];
	v6 =	vadd.f32 v44, v6  }
0x21e: {  	v46 =	vunpack.i.l.bf16.f32 v40  }
0x21f: {  	v47 =	vld [tilespmem:s21+$0x1C00];
	v6 =	vadd.f32 v46, v6  }
0x220: {  	v48 =	vunpack.i.l.bf16.f32 v43  }
0x221: {  	v49 =	vld [tilespmem:s21+$0x1C80];
	v6 =	vadd.f32 v48, v6  }
0x222: {  	v2 =	vunpack.i.u.bf16.f32 v2;
	v3 =	vunpack.i.u.bf16.f32 v3;
	v50 =	vunpack.i.l.bf16.f32 v45  }
0x223: {  	v51 =	vld [tilespmem:s21+$0x1D00];
	v2 =	vadd.f32 v3, v2;
	v3 =	vadd.f32 v50, v6  }
0x224: {  	v4 =	vunpack.i.u.bf16.f32 v39;
	v52 =	vunpack.i.l.bf16.f32 v47  }
0x225: {  	v53 =	vld [tilespmem:s21+$0x1D80];
	v2 =	vadd.f32 v4, v2;
	v3 =	vadd.f32 v52, v3  }
0x226: {  	v5 =	vunpack.i.u.bf16.f32 v40;
	v54 =	vunpack.i.l.bf16.f32 v49  }
0x227: {  	s30 =	rddreg [dreg:$0xe];
	v55 =	vld [tilespmem:s21+$0x1E00];
	v2 =	vadd.f32 v5, v2;
	v3 =	vadd.f32 v54, v3  }
0x228: {  	s26 =	sadd.s32 s26, s30;
	v7 =	vunpack.i.u.bf16.f32 v43;
	v56 =	vunpack.i.l.bf16.f32 v51  }
0x229: {  	s25 =	sadd.s32 s25, s26;
	v2 =	vadd.f32 v7, v2;
	v3 =	vadd.f32 v56, v3  }
0x22a: {  	v59 =	vld [tilespmem:s25+$0x0];
	v57 =	vunpack.i.u.bf16.f32 v45;
	v58 =	vunpack.i.l.bf16.f32 v53  }
0x22b: {  	v2 =	vadd.f32 v57, v2;
	v3 =	vadd.f32 v58, v3  }
0x22c: {  	v60 =	vunpack.i.u.bf16.f32 v47;
	v61 =	vunpack.i.l.bf16.f32 v55  }
0x22d: {  	v2 =	vadd.f32 v60, v2;
	v3 =	vadd.f32 v61, v3  }
0x22e: {  	v62 =	vunpack.i.u.bf16.f32 v49  }
0x22f: {  	v2 =	vadd.f32 v62, v2;
	v3 =	vadd.f32 v3, v59  }
0x230: {  	v6 =	vunpack.i.u.bf16.f32 v51  }
0x231: {  	s31 =	sadd.s32 s28, s26;
	v2 =	vadd.f32 v6, v2;
	[tilespmem:s25+$0x0] =	vst v3  }
0x232: {  	v3 =	vunpack.i.u.bf16.f32 v53;
	v63 =	vld [tilespmem:s31+$0x0]  }
0x233: {  	v2 =	vadd.f32 v3, v2  }
0x234: {  	p3 =	seq.s32 s24, $0xE0;
	v3 =	vunpack.i.u.bf16.f32 v55  }
.Ltmp1:
0x235: {  	v2 =	vadd.f32 v3, v2;
	(pc) =	sbr.rel @!p3 .LBB2_8-.Ltmp1, $3  }
0x236: {  	_ = 	snop  }
0x237: {  	v2 =	vadd.f32 v63, v2;
	_ =	sdelay $0x1  }
0x238: {  	s23 =	sadd.s32 $0x100, s23;
	s24 =	sadd.s32 $0x20, s24;
	s21 =	sadd.s32 $0x10, s21;
	[tilespmem:s31+$0x0] =	vst v2  }
0x239: {  	p3 =	seq.s32 s22, $0x10  }
.Ltmp2:
0x23a: {  	_ = 	snop;
	(pc) =	sbr.rel @!p3 .LBB2_7-.Ltmp2, $2  }
0x23b: {  	_ =	sdelay $0x2  }
0x23c: {  	p2 =	por !p2, !p2  }
.Ltmp3:
0x23d: {  	(pc) =	sbr.rel @p1 .LBB2_5-.Ltmp3, $3  }
0x23e: {  	_ =	sdelay $0x1  }
0x23f: {  	[bflag:$0x0] =	sbarrier.arrive $0xFFFF  }
0x240: {  	s21 =	simm.s32 $0x1400;
	p2 =	por $0x0, $0x0  }
0x241: {  	s18 =	smul.u32 $0x1600, s18;
	_ =	sdelay $0x1  }
.Ltmp4:
0x242: {  	s18 =	sadd.s32 s7, s18;
	(pc) =	sbr.rel @p0 .LBB2_2-.Ltmp4, $4  }
0x243: {  	[hbm4b:s18+s3] =	stream.linear.scatter [tilespmem:s16], [sflag:$0x2], $0xB000, $0x38;
	[tilespmem:$0x1E100] =	vst v63  }
0x244: {  	_ =	swait.ge [sflag:s9], $0xB000  }
0x245: {  	[sflag:s9] =	ssyncset.done $0x0  }
0x246: {  	p1 =	por $0x0, $0x0;
	s18 =	simm.s32 $0x1;
	[sflag:s9] =	ssyncadd.s32 $0xFFFF5000  }
0x247: {  	s17 =	sadd.s32 $0x1, s17  }
0x248: {  	p0 =	sne.s32 s17, s8  }
.Ltmp5:
0x249: {  	_ = 	snop;
	(pc) =	sbr.rel @p0 .LBB2_1-.Ltmp5, $1  }
0x24a: {  	_ =	sdelay $0x3  }
0x24b: {  	_ =	sfence.sel $0x180000  }
0x24c: {  	[bflag:$0x0] =	sbarrier.arrive $0xFFFF  }
0x24d: {  	p0 =	sne.s32 s0, $0x0;
	_ =	strace $0x90000053  }
0x24e: {  	s0 =	sadd.s32 @!p0 $0x100000, s1;
	[bflag:$0x2] =	sbarrier.arrive $0xFFFF  }
0x24f: {  	[sflag:s0] =	ssyncadd.tile.s32 @!p0 $0x1;
	_ =	shalt  }
.Lfunc_end2:
_tile_overlayer_lowered:
.L_overlay_start_2:
0x250: {  	(tag) =	ssettag $0x2  }
0x251: {  	s0 =	rddreg [dreg:$0x0];
	s2 =	stileid.u32  }
0x252: {  	s1 =	rddreg [dreg:$0x1];
	p0 =	sne.s32 s2, $0x0  }
0x253: {  	s3 =	rddreg [dreg:$0x2];
	[bflag:$0x3] =	sbarrier.arrive $0xFFFF;
	s2 =	simm.s32 @!p0 $0x1C02  }
0x254: {  	[timem:s3], [sflag:s2] =	dma.local @!p0 [hbm:s0], s1  }
0x255: {  	s0 =	simm.s32 @!p0 $0x2  }
0x256: {  	_ =	swait.ge @!p0 [sflag:s0], s1  }
0x257: {  	s1 =	ssub.s32 @!p0 $0x0, s1;
	[sflag:s0] =	ssyncset.done @!p0 $0x0  }
0x258: {  	[sflag:s0] =	ssyncadd.s32 @!p0 s1  }
0x259: {  	[bflag:$0x3] =	sbarrier.arrive $0xFFFF  }
0x25a: {  	_ =	shalt  }

</sc_bundles>
